<compile_context>
chip_gen: v7x
topology: tpu7x:2x2x1
jax: 0.10.2.dev20260603
libtpu: 0.0.44.dev20260713+nightly
codegen_flags: <defaults>
</compile_context>

<pallas_src>
import jax
import jax.numpy as jnp
from jax import lax
from jax.experimental import pallas as pl
from jax.experimental.pallas import tpu as pltpu
from jax.experimental.pallas import tpu_sc as plsc

N = 320000
D = 128
S = 10000
S_PAD = 10240
DR = S_PAD // D

NC = 2
NS = 16
NW = NC * NS
L = 16

EPT = N // NW
CW = 80
NCH = EPT // CW
SPT = S_PAD // NS

K1_BLK = 20000
K1_GRID = N // K1_BLK

K3_BLK = 1000
K3_GRID = S // K3_BLK


def _k1_body(emb_ref, watt_ref, scores_ref, m_ref):
    i = pl.program_id(0)
    x = lax.dot_general(
        watt_ref[...], emb_ref[...],
        (((1,), (1,)), ((), ())),
        preferred_element_type=jnp.float32,
    )
    scores_ref[...] = x[None]
    bm = jnp.max(x)

    @pl.when(i == 0)
    def _():
        m_ref[...] = jnp.full((1, D), bm, jnp.float32)

    @pl.when(i > 0)
    def _():
        m_ref[...] = jnp.maximum(m_ref[...], bm)


def _k1(emb, W_att):
    return pl.pallas_call(
        _k1_body,
        grid=(K1_GRID,),
        in_specs=[
            pl.BlockSpec((K1_BLK, D), lambda i: (i, 0)),
            pl.BlockSpec((1, D), lambda i: (0, 0)),
        ],
        out_specs=[
            pl.BlockSpec((1, 1, K1_BLK), lambda i: (i, 0, 0)),
            pl.BlockSpec((1, D), lambda i: (0, 0)),
        ],
        out_shape=[
            jax.ShapeDtypeStruct((K1_GRID, 1, K1_BLK), jnp.float32),
            jax.ShapeDtypeStruct((1, D), jnp.float32),
        ],
    )(emb, W_att)


def _k2_body(emb, idx1, sco1, mrow, out_u, out_d,
             acc, acc_d,
             sb0, sb1, sb2, ix0, ix1, ix2, sc0, sc1, sc2,
             m_v, d_loc, zidx,
             sl0, sl1, sl2, ss0, ss1, ss2):
    sbs = (sb0, sb1, sb2)
    ixs = (ix0, ix1, ix2)
    scs = (sc0, sc1, sc2)
    sls = (sl0, sl1, sl2)
    sss = (ss0, ss1, ss2)

    cid = lax.axis_index("c")
    sid = lax.axis_index("s")
    g = cid * NS + sid
    base = g * EPT

    pltpu.sync_copy(mrow.at[0], m_v)
    m = m_v[pl.ds(0, L)][0]

    zrow = jnp.zeros((L,), jnp.float32)
    lane = lax.iota(jnp.int32, L)

    def _zero_sb(r, carry):
        for k in range(D // L):
            sb0[r, pl.ds(k * L, L)] = zrow
        return carry

    lax.fori_loop(0, CW, _zero_sb, 0)
    for j in range(SPT // CW):
        pltpu.sync_copy(sb0, acc.at[pl.ds(sid * SPT + j * CW, CW), :])

    @pl.when(sid == 0)
    def _():
        pltpu.sync_copy(sb0, acc_d)

    def _zero_d(r, carry):
        d_loc[pl.ds(r * L, L)] = zrow
        return carry

    lax.fori_loop(0, S_PAD // L, _zero_d, 0)

    def _mk_zidx(q, carry):
        zidx[pl.ds(q * L, L)] = q * L + lane
        return carry

    lax.fori_loop(0, DR // L, _mk_zidx, 0)

    plsc.subcore_barrier()

    def issue_loads(c, k):
        off = base + c * CW
        pltpu.async_copy(emb.at[pl.ds(off, CW), :], sbs[k], sls[k])
        pltpu.async_copy(idx1.at[pl.ds(off, CW)], ixs[k], sls[k])
        pltpu.async_copy(sco1.at[pl.ds(off, CW)], scs[k], sls[k])

    def wait_loads(c, k):
        off = base + c * CW
        pltpu.make_async_copy(emb.at[pl.ds(off, CW), :], sbs[k], sls[k]).wait()
        pltpu.make_async_copy(idx1.at[pl.ds(off, CW)], ixs[k], sls[k]).wait()
        pltpu.make_async_copy(sco1.at[pl.ds(off, CW)], scs[k], sls[k]).wait()

    def issue_scatter(k):
        pltpu.async_copy(sbs[k], acc.at[ixs[k]], sss[k], add=True)

    def wait_scatter(k):
        pltpu.make_async_copy(sbs[k], acc.at[ixs[k]], sss[k]).wait()

    def compute(k):
        sb_k, ix_k, sc_k = sbs[k], ixs[k], scs[k]

        def _grp(q, rcarry):
            ev = jnp.exp(sc_k[pl.ds(q * L, L)] - m)
            iv = ix_k[pl.ds(q * L, L)]
            plsc.addupdate_scatter(d_loc, [iv], ev)
            for j in range(L):
                r = q * L + j
                e_r = ev[j]
                for kk in range(D // L):
                    sb_k[r, pl.ds(kk * L, L)] = sb_k[r, pl.ds(kk * L, L)] * e_r
            return rcarry

        lax.fori_loop(0, CW // L, _grp, 0)

    issue_loads(0, 0)

    def _turn(c, k):
        @pl.when(jnp.logical_and(c >= 2, c < NCH + 2))
        def _():
            wait_scatter((k + 1) % 3)

        @pl.when(c + 1 < NCH)
        def _():
            issue_loads(c + 1, (k + 1) % 3)

        @pl.when(c < NCH)
        def _():
            wait_loads(c, k)
            compute(k)
            issue_scatter(k)

    NT = (NCH + 4 + 2) // 3

    def _turn3(t, carry):
        for k in range(3):
            _turn(3 * t + k, k)
        return carry

    lax.fori_loop(0, NT, _turn3, 0)

    def _pack_d(r, carry):
        for k in range(D // L):
            sb0[r, pl.ds(k * L, L)] = d_loc[pl.ds(r * D + k * L, L)]
        return carry

    lax.fori_loop(0, DR, _pack_d, 0)
    pltpu.sync_copy(sb0, acc_d.at[zidx], add=True)

    plsc.subcore_barrier()

    for j in range(SPT // CW):
        sl = pl.ds(sid * SPT + j * CW, CW)
        pltpu.sync_copy(acc.at[sl, :], out_u.at[cid, sl, :])

    @pl.when(sid == 0)
    def _():
        pltpu.sync_copy(acc_d, out_d.at[cid])


def _k2(emb, idx1, sco1, mrow):
    f = pl.kernel(
        _k2_body,
        out_type=[
            jax.ShapeDtypeStruct((NC, S_PAD, D), jnp.float32),
            jax.ShapeDtypeStruct((NC, DR, D), jnp.float32),
        ],
        mesh=plsc.VectorSubcoreMesh(core_axis_name="c", subcore_axis_name="s"),
        compiler_params=pltpu.CompilerParams(needs_layout_passes=False),
        scratch_types=[
            pltpu.VMEM_SHARED((S_PAD, D), jnp.float32),
            pltpu.VMEM_SHARED((DR, D), jnp.float32),
            pltpu.VMEM((CW, D), jnp.float32),
            pltpu.VMEM((CW, D), jnp.float32),
            pltpu.VMEM((CW, D), jnp.float32),
            pltpu.VMEM((CW,), jnp.int32),
            pltpu.VMEM((CW,), jnp.int32),
            pltpu.VMEM((CW,), jnp.int32),
            pltpu.VMEM((CW,), jnp.float32),
            pltpu.VMEM((CW,), jnp.float32),
            pltpu.VMEM((CW,), jnp.float32),
            pltpu.VMEM((D,), jnp.float32),
            pltpu.VMEM((S_PAD,), jnp.float32),
            pltpu.VMEM((DR,), jnp.int32),
            pltpu.SemaphoreType.DMA,
            pltpu.SemaphoreType.DMA,
            pltpu.SemaphoreType.DMA,
            pltpu.SemaphoreType.DMA,
            pltpu.SemaphoreType.DMA,
            pltpu.SemaphoreType.DMA,
        ],
    )
    return f(emb, idx1, sco1, mrow)


def _k3_body(u_ref, d_ref, w_ref, out_ref):
    u = u_ref[0] + u_ref[1]
    d = d_ref[0] + d_ref[1]
    r = jnp.where(d > 0.0, u / d, 0.0)
    out_ref[...] = lax.dot_general(
        r, w_ref[...], (((1,), (1,)), ((), ())),
        preferred_element_type=jnp.float32,
    )


def _k3(acc_u, acc_d, W_out):
    return pl.pallas_call(
        _k3_body,
        grid=(K3_GRID,),
        in_specs=[
            pl.BlockSpec((NC, K3_BLK, D), lambda i: (0, i, 0)),
            pl.BlockSpec((NC, K3_BLK, 1), lambda i: (0, i, 0)),
            pl.BlockSpec((D, D), lambda i: (0, 0)),
        ],
        out_specs=pl.BlockSpec((K3_BLK, D), lambda i: (i, 0)),
        out_shape=jax.ShapeDtypeStruct((S, D), jnp.float32),
    )(acc_u, acc_d, W_out)


def kernel(element_embeddings, element_to_sample_map, num_samples,
           W_att, W_out):
    idx1 = element_to_sample_map.astype(jnp.int32)
    scores, mrow = _k1(element_embeddings, W_att)
    acc_u, acc_d = _k2(element_embeddings, idx1, scores.reshape(N), mrow)
    d_col = acc_d.reshape(NC, S_PAD, 1)
    return _k3(acc_u, d_col, W_out)

# --- scband reference (transcript-rebuilt; emitter-appended) ---
"""Pipeline reference for scband-normalized-weights-var-sized-element-reduce-41575283426054 (READ-ONLY COPY).

The authoritative reference and input builder live on the scoring server;
editing this copy changes nothing except your own understanding.
"""

import jax, jax.numpy as jnp
import numpy as np

N = 320000
D_IN = 128
D_OUT = 128
NUM_SAMPLES = 10000


def setup_inputs(seed: int = 0) -> dict:
    key = jax.random.key(seed)
    k1, k2, k3, k4 = jax.random.split(key, 4)
    element_embeddings = jax.random.normal(k1, (N, D_IN), dtype=jnp.float32)
    element_to_sample_map = jnp.sort(jax.random.randint(k2, (N,), 0, NUM_SAMPLES, dtype=jnp.int64))
    # Learned params: nn.Linear(D_IN, 1, bias=False) and nn.Linear(D_IN, D_OUT, bias=False)
    W_att = jax.random.normal(k3, (1, D_IN), dtype=jnp.float32) / np.sqrt(D_IN)
    W_out = jax.random.normal(k4, (D_OUT, D_IN), dtype=jnp.float32) / np.sqrt(D_IN)
    return {
        "element_embeddings": element_embeddings,
        "element_to_sample_map": element_to_sample_map,
        "num_samples": NUM_SAMPLES,
        "W_att": W_att,
        "W_out": W_out,
    }


def _scatter_log_softmax(scores, index, num_segments):
    # per-segment log-softmax over a flat vector of scores
    seg_max = jax.ops.segment_max(scores, index, num_segments=num_segments)
    seg_max = jnp.where(jnp.isfinite(seg_max), seg_max, 0.0)
    shifted = scores - seg_max[index]
    seg_sum_exp = jax.ops.segment_sum(jnp.exp(shifted), index, num_segments=num_segments)
    log_norm = jnp.log(seg_sum_exp)
    return shifted - log_norm[index]


def reference(element_embeddings, element_to_sample_map, num_samples, W_att, W_out):
    index = element_to_sample_map + jnp.zeros((), dtype=element_to_sample_map.dtype) * num_samples
    # attention_scores = Linear(emb) -> [N]
    attention_scores = (element_embeddings @ W_att.T).squeeze(-1)
    # attention_probs = exp(scatter_log_softmax(scores, index=element_to_sample_map))
    log_probs = _scatter_log_softmax(attention_scores, index, NUM_SAMPLES)
    attention_probs = jnp.exp(log_probs)
    # weighted projected embeddings, scatter-summed per sample
    projected = element_embeddings @ W_out.T
    weighted = projected * attention_probs[:, None]
    out = jax.ops.segment_sum(weighted, index, num_segments=NUM_SAMPLES)
    return out

if __name__ == "__main__":
    import jax
    _d = setup_inputs()
    print(jax.jit(kernel)(*tuple(_d.values())))

</pallas_src>

<mosaic_0001>
#map = affine_map<(d0, d1) -> (0, 0)>
#map1 = affine_map<(d0, d1) -> (0)>
#map2 = affine_map<(d0, d1) -> (0, 0, 0)>
module attributes {stable_mosaic.version = 14 : i64} {
  func.func @_k2_body(%arg0: i32, %arg1: i32, %arg2: memref<320000x128xf32, #tpu.memory_space<hbm>>, %arg3: memref<320000xi32, #tpu.memory_space<hbm>>, %arg4: memref<320000xf32, #tpu.memory_space<hbm>>, %arg5: memref<1x128xf32, #tpu.memory_space<hbm>>, %arg6: memref<2x10240x128xf32, #tpu.memory_space<hbm>>, %arg7: memref<2x80x128xf32, #tpu.memory_space<hbm>>, %arg8: memref<10240x128xf32, #tpu.memory_space<vmem_shared>>, %arg9: memref<80x128xf32, #tpu.memory_space<vmem_shared>>, %arg10: memref<80x128xf32, #tpu.memory_space<vmem>>, %arg11: memref<80x128xf32, #tpu.memory_space<vmem>>, %arg12: memref<80x128xf32, #tpu.memory_space<vmem>>, %arg13: memref<80xi32, #tpu.memory_space<vmem>>, %arg14: memref<80xi32, #tpu.memory_space<vmem>>, %arg15: memref<80xi32, #tpu.memory_space<vmem>>, %arg16: memref<80xf32, #tpu.memory_space<vmem>>, %arg17: memref<80xf32, #tpu.memory_space<vmem>>, %arg18: memref<80xf32, #tpu.memory_space<vmem>>, %arg19: memref<128xf32, #tpu.memory_space<vmem>>, %arg20: memref<10240xf32, #tpu.memory_space<vmem>>, %arg21: memref<80xi32, #tpu.memory_space<vmem>>, %arg22: memref<!tpu.dma_semaphore, #tpu.memory_space<semaphore_mem>>, %arg23: memref<!tpu.dma_semaphore, #tpu.memory_space<semaphore_mem>>, %arg24: memref<!tpu.dma_semaphore, #tpu.memory_space<semaphore_mem>>, %arg25: memref<!tpu.dma_semaphore, #tpu.memory_space<semaphore_mem>>, %arg26: memref<!tpu.dma_semaphore, #tpu.memory_space<semaphore_mem>>, %arg27: memref<!tpu.dma_semaphore, #tpu.memory_space<semaphore_mem>>) attributes {dimension_semantics = [#tpu.dimension_semantics<core_parallel>, #tpu.dimension_semantics<subcore_parallel>], iteration_bounds = array<i64: 2, 16>, scalar_prefetch = 0 : i64, scratch_operands = 20 : i64, tpu.core_type = #tpu.core_type<sc_vector_subcore>, window_params = [{transform_indices = #map}, {transform_indices = #map1}, {transform_indices = #map1}, {transform_indices = #map}, {transform_indices = #map2}, {transform_indices = #map2}]} {
    %mul3A = arith.constant 16 : i32
    %mul3A_0 = arith.muli %arg0, %mul3A : i32
    %add3A = arith.addi %mul3A_0, %arg1 : i32
    %mul3A_1 = arith.constant 10000 : i32
    %mul3A_2 = arith.muli %add3A, %mul3A_1 : i32
    %run_scoped3A = arith.constant 0 : i32
    "tpu.region"() ({
      %run_scoped3A_115 = tpu.sem_alloc : memref<!tpu.dma_semaphore, #tpu.memory_space<semaphore_mem>>
      %dma_start3A_116 = arith.constant 0 : i32
      %dma_start3A_117 = tpu.memref_slice %arg5[%run_scoped3A, %dma_start3A_116] : memref<1x128xf32, #tpu.memory_space<hbm>> -> memref<1x128xf32, #tpu.memory_space<hbm>>
      %dma_start3A_118 = tpu.memref_squeeze %dma_start3A_117 : memref<1x128xf32, #tpu.memory_space<hbm>> -> memref<128xf32, #tpu.memory_space<hbm>>
      %dma_start3A_119 = arith.constant 0 : i32
      %dma_start3A_120 = tpu.memref_slice %arg5[%run_scoped3A, %dma_start3A_119] : memref<1x128xf32, #tpu.memory_space<hbm>> -> memref<1x128xf32, #tpu.memory_space<hbm>>
      %dma_start3A_121 = tpu.memref_squeeze %dma_start3A_120 : memref<1x128xf32, #tpu.memory_space<hbm>> -> memref<128xf32, #tpu.memory_space<hbm>>
      tpu.enqueue_dma source(%dma_start3A_121 : memref<128xf32, #tpu.memory_space<hbm>>) target(%arg19 : memref<128xf32, #tpu.memory_space<vmem>>) target_semaphore(%run_scoped3A_115 : memref<!tpu.dma_semaphore, #tpu.memory_space<semaphore_mem>>)
      %dma_wait3A = arith.constant 0 : i32
      %dma_wait3A_122 = tpu.memref_slice %arg5[%run_scoped3A, %dma_wait3A] : memref<1x128xf32, #tpu.memory_space<hbm>> -> memref<1x128xf32, #tpu.memory_space<hbm>>
      %dma_wait3A_123 = tpu.memref_squeeze %dma_wait3A_122 : memref<1x128xf32, #tpu.memory_space<hbm>> -> memref<128xf32, #tpu.memory_space<hbm>>
      %dma_wait3A_124 = arith.constant 0 : i32
      %dma_wait3A_125 = tpu.memref_slice %arg5[%run_scoped3A, %dma_wait3A_124] : memref<1x128xf32, #tpu.memory_space<hbm>> -> memref<1x128xf32, #tpu.memory_space<hbm>>
      %dma_wait3A_126 = tpu.memref_squeeze %dma_wait3A_125 : memref<1x128xf32, #tpu.memory_space<hbm>> -> memref<128xf32, #tpu.memory_space<hbm>>
      tpu.wait_dma2 semaphore(%run_scoped3A_115 : memref<!tpu.dma_semaphore, #tpu.memory_space<semaphore_mem>>) src(%dma_wait3A_126 : memref<128xf32, #tpu.memory_space<hbm>>) dst(%arg19 : memref<128xf32, #tpu.memory_space<vmem>>)
      tpu.yield
    }) : () -> ()
    %get3A = arith.constant 0 : index
    %get3A_3 = tpu.vector_load %arg19[%get3A] {strides = array<i32>} : memref<128xf32, #tpu.memory_space<vmem>>, vector<16xf32>,
    %slice3A = vector.extract_strided_slice %get3A_3 {offsets = [0], sizes = [1], strides = [1]} : vector<16xf32> to vector<1xf32>
    %squeeze3A = vector.extract %slice3A[0] : f32 from vector<1xf32>
    %broadcast_in_dim3A = arith.constant 0.000000e+00 : f32
    %broadcast_in_dim3A_4 = vector.broadcast %broadcast_in_dim3A : f32 to vector<16xf32>
    %iota3A = tpu.iota {dimensions = array<i32: 0>} : vector<16xi32>
    %scan3A = arith.constant 0 : i32
    %scan3A_5 = arith.constant 0 : i32
    %scan3A_6 = arith.constant 80 : i32
    %scan3A_7 = arith.addi %scan3A_5, %scan3A_6 : i32
    %scan3A_8 = arith.constant 1 : i32
    scf.for %scan3A_115 = %scan3A_5 to %scan3A_7 step %scan3A_8  : i32 {
      %swap3A = arith.index_cast %scan3A_115 : i32 to index
      %swap3A_116 = arith.constant 0 : index
      %swap3A_117 = tpu.vector_load %arg10[%swap3A, %swap3A_116] {strides = array<i32>} : memref<80x128xf32, #tpu.memory_space<vmem>>, vector<16xf32>,
      tpu.vector_store %arg10[%swap3A, %swap3A_116], %broadcast_in_dim3A_4 {strides = array<i32>} : memref<80x128xf32, #tpu.memory_space<vmem>>, vector<16xf32>,
      %swap3A_118 = arith.index_cast %scan3A_115 : i32 to index
      %swap3A_119 = arith.constant 16 : index
      %swap3A_120 = tpu.vector_load %arg10[%swap3A_118, %swap3A_119] {strides = array<i32>} : memref<80x128xf32, #tpu.memory_space<vmem>>, vector<16xf32>,
      tpu.vector_store %arg10[%swap3A_118, %swap3A_119], %broadcast_in_dim3A_4 {strides = array<i32>} : memref<80x128xf32, #tpu.memory_space<vmem>>, vector<16xf32>,
      %swap3A_121 = arith.index_cast %scan3A_115 : i32 to index
      %swap3A_122 = arith.constant 32 : index
      %swap3A_123 = tpu.vector_load %arg10[%swap3A_121, %swap3A_122] {strides = array<i32>} : memref<80x128xf32, #tpu.memory_space<vmem>>, vector<16xf32>,
      tpu.vector_store %arg10[%swap3A_121, %swap3A_122], %broadcast_in_dim3A_4 {strides = array<i32>} : memref<80x128xf32, #tpu.memory_space<vmem>>, vector<16xf32>,
      %swap3A_124 = arith.index_cast %scan3A_115 : i32 to index
      %swap3A_125 = arith.constant 48 : index
      %swap3A_126 = tpu.vector_load %arg10[%swap3A_124, %swap3A_125] {strides = array<i32>} : memref<80x128xf32, #tpu.memory_space<vmem>>, vector<16xf32>,
      tpu.vector_store %arg10[%swap3A_124, %swap3A_125], %broadcast_in_dim3A_4 {strides = array<i32>} : memref<80x128xf32, #tpu.memory_space<vmem>>, vector<16xf32>,
      %swap3A_127 = arith.index_cast %scan3A_115 : i32 to index
      %swap3A_128 = arith.constant 64 : index
      %swap3A_129 = tpu.vector_load %arg10[%swap3A_127, %swap3A_128] {strides = array<i32>} : memref<80x128xf32, #tpu.memory_space<vmem>>, vector<16xf32>,
      tpu.vector_store %arg10[%swap3A_127, %swap3A_128], %broadcast_in_dim3A_4 {strides = array<i32>} : memref<80x128xf32, #tpu.memory_space<vmem>>, vector<16xf32>,
      %swap3A_130 = arith.index_cast %scan3A_115 : i32 to index
      %swap3A_131 = arith.constant 80 : index
      %swap3A_132 = tpu.vector_load %arg10[%swap3A_130, %swap3A_131] {strides = array<i32>} : memref<80x128xf32, #tpu.memory_space<vmem>>, vector<16xf32>,
      tpu.vector_store %arg10[%swap3A_130, %swap3A_131], %broadcast_in_dim3A_4 {strides = array<i32>} : memref<80x128xf32, #tpu.memory_space<vmem>>, vector<16xf32>,
      %swap3A_133 = arith.index_cast %scan3A_115 : i32 to index
      %swap3A_134 = arith.constant 96 : index
      %swap3A_135 = tpu.vector_load %arg10[%swap3A_133, %swap3A_134] {strides = array<i32>} : memref<80x128xf32, #tpu.memory_space<vmem>>, vector<16xf32>,
      tpu.vector_store %arg10[%swap3A_133, %swap3A_134], %broadcast_in_dim3A_4 {strides = array<i32>} : memref<80x128xf32, #tpu.memory_space<vmem>>, vector<16xf32>,
      %swap3A_136 = arith.index_cast %scan3A_115 : i32 to index
      %swap3A_137 = arith.constant 112 : index
      %swap3A_138 = tpu.vector_load %arg10[%swap3A_136, %swap3A_137] {strides = array<i32>} : memref<80x128xf32, #tpu.memory_space<vmem>>, vector<16xf32>,
      tpu.vector_store %arg10[%swap3A_136, %swap3A_137], %broadcast_in_dim3A_4 {strides = array<i32>} : memref<80x128xf32, #tpu.memory_space<vmem>>, vector<16xf32>,
    }
    %scan3A_9 = arith.constant 80 : i32
    %mul3A_10 = arith.constant 640 : i32
    %mul3A_11 = arith.muli %arg1, %mul3A_10 : i32
    %add3A_12 = arith.constant 0 : i32
    %add3A_13 = arith.addi %mul3A_11, %add3A_12 : i32
    "tpu.region"() ({
      %run_scoped3A_115 = tpu.sem_alloc : memref<!tpu.dma_semaphore, #tpu.memory_space<semaphore_mem>>
      %dma_start3A_116 = arith.constant 0 : i32
      %dma_start3A_117 = tpu.memref_slice %arg8[%add3A_13, %dma_start3A_116] : memref<10240x128xf32, #tpu.memory_space<vmem_shared>> -> memref<80x128xf32, #tpu.memory_space<vmem_shared>>
      %dma_start3A_118 = arith.constant 0 : i32
      %dma_start3A_119 = tpu.memref_slice %arg8[%add3A_13, %dma_start3A_118] : memref<10240x128xf32, #tpu.memory_space<vmem_shared>> -> memref<80x128xf32, #tpu.memory_space<vmem_shared>>
      tpu.enqueue_dma source(%arg10 : memref<80x128xf32, #tpu.memory_space<vmem>>) target(%dma_start3A_119 : memref<80x128xf32, #tpu.memory_space<vmem_shared>>) target_semaphore(%run_scoped3A_115 : memref<!tpu.dma_semaphore, #tpu.memory_space<semaphore_mem>>)
      %dma_wait3A = arith.constant 0 : i32
      %dma_wait3A_120 = tpu.memref_slice %arg8[%add3A_13, %dma_wait3A] : memref<10240x128xf32, #tpu.memory_space<vmem_shared>> -> memref<80x128xf32, #tpu.memory_space<vmem_shared>>
      %dma_wait3A_121 = arith.constant 0 : i32
      %dma_wait3A_122 = tpu.memref_slice %arg8[%add3A_13, %dma_wait3A_121] : memref<10240x128xf32, #tpu.memory_space<vmem_shared>> -> memref<80x128xf32, #tpu.memory_space<vmem_shared>>
      tpu.wait_dma2 semaphore(%run_scoped3A_115 : memref<!tpu.dma_semaphore, #tpu.memory_space<semaphore_mem>>) src(%arg10 : memref<80x128xf32, #tpu.memory_space<vmem>>) dst(%dma_wait3A_122 : memref<80x128xf32, #tpu.memory_space<vmem_shared>>)
      tpu.yield
    }) : () -> ()
    %mul3A_14 = arith.constant 640 : i32
    %mul3A_15 = arith.muli %arg1, %mul3A_14 : i32
    %add3A_16 = arith.constant 80 : i32
    %add3A_17 = arith.addi %mul3A_15, %add3A_16 : i32
    "tpu.region"() ({
      %run_scoped3A_115 = tpu.sem_alloc : memref<!tpu.dma_semaphore, #tpu.memory_space<semaphore_mem>>
      %dma_start3A_116 = arith.constant 0 : i32
      %dma_start3A_117 = tpu.memref_slice %arg8[%add3A_17, %dma_start3A_116] : memref<10240x128xf32, #tpu.memory_space<vmem_shared>> -> memref<80x128xf32, #tpu.memory_space<vmem_shared>>
      %dma_start3A_118 = arith.constant 0 : i32
      %dma_start3A_119 = tpu.memref_slice %arg8[%add3A_17, %dma_start3A_118] : memref<10240x128xf32, #tpu.memory_space<vmem_shared>> -> memref<80x128xf32, #tpu.memory_space<vmem_shared>>
      tpu.enqueue_dma source(%arg10 : memref<80x128xf32, #tpu.memory_space<vmem>>) target(%dma_start3A_119 : memref<80x128xf32, #tpu.memory_space<vmem_shared>>) target_semaphore(%run_scoped3A_115 : memref<!tpu.dma_semaphore, #tpu.memory_space<semaphore_mem>>)
      %dma_wait3A = arith.constant 0 : i32
      %dma_wait3A_120 = tpu.memref_slice %arg8[%add3A_17, %dma_wait3A] : memref<10240x128xf32, #tpu.memory_space<vmem_shared>> -> memref<80x128xf32, #tpu.memory_space<vmem_shared>>
      %dma_wait3A_121 = arith.constant 0 : i32
      %dma_wait3A_122 = tpu.memref_slice %arg8[%add3A_17, %dma_wait3A_121] : memref<10240x128xf32, #tpu.memory_space<vmem_shared>> -> memref<80x128xf32, #tpu.memory_space<vmem_shared>>
      tpu.wait_dma2 semaphore(%run_scoped3A_115 : memref<!tpu.dma_semaphore, #tpu.memory_space<semaphore_mem>>) src(%arg10 : memref<80x128xf32, #tpu.memory_space<vmem>>) dst(%dma_wait3A_122 : memref<80x128xf32, #tpu.memory_space<vmem_shared>>)
      tpu.yield
    }) : () -> ()
    %mul3A_18 = arith.constant 640 : i32
    %mul3A_19 = arith.muli %arg1, %mul3A_18 : i32
    %add3A_20 = arith.constant 160 : i32
    %add3A_21 = arith.addi %mul3A_19, %add3A_20 : i32
    "tpu.region"() ({
      %run_scoped3A_115 = tpu.sem_alloc : memref<!tpu.dma_semaphore, #tpu.memory_space<semaphore_mem>>
      %dma_start3A_116 = arith.constant 0 : i32
      %dma_start3A_117 = tpu.memref_slice %arg8[%add3A_21, %dma_start3A_116] : memref<10240x128xf32, #tpu.memory_space<vmem_shared>> -> memref<80x128xf32, #tpu.memory_space<vmem_shared>>
      %dma_start3A_118 = arith.constant 0 : i32
      %dma_start3A_119 = tpu.memref_slice %arg8[%add3A_21, %dma_start3A_118] : memref<10240x128xf32, #tpu.memory_space<vmem_shared>> -> memref<80x128xf32, #tpu.memory_space<vmem_shared>>
      tpu.enqueue_dma source(%arg10 : memref<80x128xf32, #tpu.memory_space<vmem>>) target(%dma_start3A_119 : memref<80x128xf32, #tpu.memory_space<vmem_shared>>) target_semaphore(%run_scoped3A_115 : memref<!tpu.dma_semaphore, #tpu.memory_space<semaphore_mem>>)
      %dma_wait3A = arith.constant 0 : i32
      %dma_wait3A_120 = tpu.memref_slice %arg8[%add3A_21, %dma_wait3A] : memref<10240x128xf32, #tpu.memory_space<vmem_shared>> -> memref<80x128xf32, #tpu.memory_space<vmem_shared>>
      %dma_wait3A_121 = arith.constant 0 : i32
      %dma_wait3A_122 = tpu.memref_slice %arg8[%add3A_21, %dma_wait3A_121] : memref<10240x128xf32, #tpu.memory_space<vmem_shared>> -> memref<80x128xf32, #tpu.memory_space<vmem_shared>>
      tpu.wait_dma2 semaphore(%run_scoped3A_115 : memref<!tpu.dma_semaphore, #tpu.memory_space<semaphore_mem>>) src(%arg10 : memref<80x128xf32, #tpu.memory_space<vmem>>) dst(%dma_wait3A_122 : memref<80x128xf32, #tpu.memory_space<vmem_shared>>)
      tpu.yield
    }) : () -> ()
    %mul3A_22 = arith.constant 640 : i32
    %mul3A_23 = arith.muli %arg1, %mul3A_22 : i32
    %add3A_24 = arith.constant 240 : i32
    %add3A_25 = arith.addi %mul3A_23, %add3A_24 : i32
    "tpu.region"() ({
      %run_scoped3A_115 = tpu.sem_alloc : memref<!tpu.dma_semaphore, #tpu.memory_space<semaphore_mem>>
      %dma_start3A_116 = arith.constant 0 : i32
      %dma_start3A_117 = tpu.memref_slice %arg8[%add3A_25, %dma_start3A_116] : memref<10240x128xf32, #tpu.memory_space<vmem_shared>> -> memref<80x128xf32, #tpu.memory_space<vmem_shared>>
      %dma_start3A_118 = arith.constant 0 : i32
      %dma_start3A_119 = tpu.memref_slice %arg8[%add3A_25, %dma_start3A_118] : memref<10240x128xf32, #tpu.memory_space<vmem_shared>> -> memref<80x128xf32, #tpu.memory_space<vmem_shared>>
      tpu.enqueue_dma source(%arg10 : memref<80x128xf32, #tpu.memory_space<vmem>>) target(%dma_start3A_119 : memref<80x128xf32, #tpu.memory_space<vmem_shared>>) target_semaphore(%run_scoped3A_115 : memref<!tpu.dma_semaphore, #tpu.memory_space<semaphore_mem>>)
      %dma_wait3A = arith.constant 0 : i32
      %dma_wait3A_120 = tpu.memref_slice %arg8[%add3A_25, %dma_wait3A] : memref<10240x128xf32, #tpu.memory_space<vmem_shared>> -> memref<80x128xf32, #tpu.memory_space<vmem_shared>>
      %dma_wait3A_121 = arith.constant 0 : i32
      %dma_wait3A_122 = tpu.memref_slice %arg8[%add3A_25, %dma_wait3A_121] : memref<10240x128xf32, #tpu.memory_space<vmem_shared>> -> memref<80x128xf32, #tpu.memory_space<vmem_shared>>
      tpu.wait_dma2 semaphore(%run_scoped3A_115 : memref<!tpu.dma_semaphore, #tpu.memory_space<semaphore_mem>>) src(%arg10 : memref<80x128xf32, #tpu.memory_space<vmem>>) dst(%dma_wait3A_122 : memref<80x128xf32, #tpu.memory_space<vmem_shared>>)
      tpu.yield
    }) : () -> ()
    %mul3A_26 = arith.constant 640 : i32
    %mul3A_27 = arith.muli %arg1, %mul3A_26 : i32
    %add3A_28 = arith.constant 320 : i32
    %add3A_29 = arith.addi %mul3A_27, %add3A_28 : i32
    "tpu.region"() ({
      %run_scoped3A_115 = tpu.sem_alloc : memref<!tpu.dma_semaphore, #tpu.memory_space<semaphore_mem>>
      %dma_start3A_116 = arith.constant 0 : i32
      %dma_start3A_117 = tpu.memref_slice %arg8[%add3A_29, %dma_start3A_116] : memref<10240x128xf32, #tpu.memory_space<vmem_shared>> -> memref<80x128xf32, #tpu.memory_space<vmem_shared>>
      %dma_start3A_118 = arith.constant 0 : i32
      %dma_start3A_119 = tpu.memref_slice %arg8[%add3A_29, %dma_start3A_118] : memref<10240x128xf32, #tpu.memory_space<vmem_shared>> -> memref<80x128xf32, #tpu.memory_space<vmem_shared>>
      tpu.enqueue_dma source(%arg10 : memref<80x128xf32, #tpu.memory_space<vmem>>) target(%dma_start3A_119 : memref<80x128xf32, #tpu.memory_space<vmem_shared>>) target_semaphore(%run_scoped3A_115 : memref<!tpu.dma_semaphore, #tpu.memory_space<semaphore_mem>>)
      %dma_wait3A = arith.constant 0 : i32
      %dma_wait3A_120 = tpu.memref_slice %arg8[%add3A_29, %dma_wait3A] : memref<10240x128xf32, #tpu.memory_space<vmem_shared>> -> memref<80x128xf32, #tpu.memory_space<vmem_shared>>
      %dma_wait3A_121 = arith.constant 0 : i32
      %dma_wait3A_122 = tpu.memref_slice %arg8[%add3A_29, %dma_wait3A_121] : memref<10240x128xf32, #tpu.memory_space<vmem_shared>> -> memref<80x128xf32, #tpu.memory_space<vmem_shared>>
      tpu.wait_dma2 semaphore(%run_scoped3A_115 : memref<!tpu.dma_semaphore, #tpu.memory_space<semaphore_mem>>) src(%arg10 : memref<80x128xf32, #tpu.memory_space<vmem>>) dst(%dma_wait3A_122 : memref<80x128xf32, #tpu.memory_space<vmem_shared>>)
      tpu.yield
    }) : () -> ()
    %mul3A_30 = arith.constant 640 : i32
    %mul3A_31 = arith.muli %arg1, %mul3A_30 : i32
    %add3A_32 = arith.constant 400 : i32
    %add3A_33 = arith.addi %mul3A_31, %add3A_32 : i32
    "tpu.region"() ({
      %run_scoped3A_115 = tpu.sem_alloc : memref<!tpu.dma_semaphore, #tpu.memory_space<semaphore_mem>>
      %dma_start3A_116 = arith.constant 0 : i32
      %dma_start3A_117 = tpu.memref_slice %arg8[%add3A_33, %dma_start3A_116] : memref<10240x128xf32, #tpu.memory_space<vmem_shared>> -> memref<80x128xf32, #tpu.memory_space<vmem_shared>>
      %dma_start3A_118 = arith.constant 0 : i32
      %dma_start3A_119 = tpu.memref_slice %arg8[%add3A_33, %dma_start3A_118] : memref<10240x128xf32, #tpu.memory_space<vmem_shared>> -> memref<80x128xf32, #tpu.memory_space<vmem_shared>>
      tpu.enqueue_dma source(%arg10 : memref<80x128xf32, #tpu.memory_space<vmem>>) target(%dma_start3A_119 : memref<80x128xf32, #tpu.memory_space<vmem_shared>>) target_semaphore(%run_scoped3A_115 : memref<!tpu.dma_semaphore, #tpu.memory_space<semaphore_mem>>)
      %dma_wait3A = arith.constant 0 : i32
      %dma_wait3A_120 = tpu.memref_slice %arg8[%add3A_33, %dma_wait3A] : memref<10240x128xf32, #tpu.memory_space<vmem_shared>> -> memref<80x128xf32, #tpu.memory_space<vmem_shared>>
      %dma_wait3A_121 = arith.constant 0 : i32
      %dma_wait3A_122 = tpu.memref_slice %arg8[%add3A_33, %dma_wait3A_121] : memref<10240x128xf32, #tpu.memory_space<vmem_shared>> -> memref<80x128xf32, #tpu.memory_space<vmem_shared>>
      tpu.wait_dma2 semaphore(%run_scoped3A_115 : memref<!tpu.dma_semaphore, #tpu.memory_space<semaphore_mem>>) src(%arg10 : memref<80x128xf32, #tpu.memory_space<vmem>>) dst(%dma_wait3A_122 : memref<80x128xf32, #tpu.memory_space<vmem_shared>>)
      tpu.yield
    }) : () -> ()
    %mul3A_34 = arith.constant 640 : i32
    %mul3A_35 = arith.muli %arg1, %mul3A_34 : i32
    %add3A_36 = arith.constant 480 : i32
    %add3A_37 = arith.addi %mul3A_35, %add3A_36 : i32
    "tpu.region"() ({
      %run_scoped3A_115 = tpu.sem_alloc : memref<!tpu.dma_semaphore, #tpu.memory_space<semaphore_mem>>
      %dma_start3A_116 = arith.constant 0 : i32
      %dma_start3A_117 = tpu.memref_slice %arg8[%add3A_37, %dma_start3A_116] : memref<10240x128xf32, #tpu.memory_space<vmem_shared>> -> memref<80x128xf32, #tpu.memory_space<vmem_shared>>
      %dma_start3A_118 = arith.constant 0 : i32
      %dma_start3A_119 = tpu.memref_slice %arg8[%add3A_37, %dma_start3A_118] : memref<10240x128xf32, #tpu.memory_space<vmem_shared>> -> memref<80x128xf32, #tpu.memory_space<vmem_shared>>
      tpu.enqueue_dma source(%arg10 : memref<80x128xf32, #tpu.memory_space<vmem>>) target(%dma_start3A_119 : memref<80x128xf32, #tpu.memory_space<vmem_shared>>) target_semaphore(%run_scoped3A_115 : memref<!tpu.dma_semaphore, #tpu.memory_space<semaphore_mem>>)
      %dma_wait3A = arith.constant 0 : i32
      %dma_wait3A_120 = tpu.memref_slice %arg8[%add3A_37, %dma_wait3A] : memref<10240x128xf32, #tpu.memory_space<vmem_shared>> -> memref<80x128xf32, #tpu.memory_space<vmem_shared>>
      %dma_wait3A_121 = arith.constant 0 : i32
      %dma_wait3A_122 = tpu.memref_slice %arg8[%add3A_37, %dma_wait3A_121] : memref<10240x128xf32, #tpu.memory_space<vmem_shared>> -> memref<80x128xf32, #tpu.memory_space<vmem_shared>>
      tpu.wait_dma2 semaphore(%run_scoped3A_115 : memref<!tpu.dma_semaphore, #tpu.memory_space<semaphore_mem>>) src(%arg10 : memref<80x128xf32, #tpu.memory_space<vmem>>) dst(%dma_wait3A_122 : memref<80x128xf32, #tpu.memory_space<vmem_shared>>)
      tpu.yield
    }) : () -> ()
    %mul3A_38 = arith.constant 640 : i32
    %mul3A_39 = arith.muli %arg1, %mul3A_38 : i32
    %add3A_40 = arith.constant 560 : i32
    %add3A_41 = arith.addi %mul3A_39, %add3A_40 : i32
    "tpu.region"() ({
      %run_scoped3A_115 = tpu.sem_alloc : memref<!tpu.dma_semaphore, #tpu.memory_space<semaphore_mem>>
      %dma_start3A_116 = arith.constant 0 : i32
      %dma_start3A_117 = tpu.memref_slice %arg8[%add3A_41, %dma_start3A_116] : memref<10240x128xf32, #tpu.memory_space<vmem_shared>> -> memref<80x128xf32, #tpu.memory_space<vmem_shared>>
      %dma_start3A_118 = arith.constant 0 : i32
      %dma_start3A_119 = tpu.memref_slice %arg8[%add3A_41, %dma_start3A_118] : memref<10240x128xf32, #tpu.memory_space<vmem_shared>> -> memref<80x128xf32, #tpu.memory_space<vmem_shared>>
      tpu.enqueue_dma source(%arg10 : memref<80x128xf32, #tpu.memory_space<vmem>>) target(%dma_start3A_119 : memref<80x128xf32, #tpu.memory_space<vmem_shared>>) target_semaphore(%run_scoped3A_115 : memref<!tpu.dma_semaphore, #tpu.memory_space<semaphore_mem>>)
      %dma_wait3A = arith.constant 0 : i32
      %dma_wait3A_120 = tpu.memref_slice %arg8[%add3A_41, %dma_wait3A] : memref<10240x128xf32, #tpu.memory_space<vmem_shared>> -> memref<80x128xf32, #tpu.memory_space<vmem_shared>>
      %dma_wait3A_121 = arith.constant 0 : i32
      %dma_wait3A_122 = tpu.memref_slice %arg8[%add3A_41, %dma_wait3A_121] : memref<10240x128xf32, #tpu.memory_space<vmem_shared>> -> memref<80x128xf32, #tpu.memory_space<vmem_shared>>
      tpu.wait_dma2 semaphore(%run_scoped3A_115 : memref<!tpu.dma_semaphore, #tpu.memory_space<semaphore_mem>>) src(%arg10 : memref<80x128xf32, #tpu.memory_space<vmem>>) dst(%dma_wait3A_122 : memref<80x128xf32, #tpu.memory_space<vmem_shared>>)
      tpu.yield
    }) : () -> ()
    %eq3A = arith.constant 0 : i32
    %eq3A_42 = arith.cmpi eq, %arg1, %eq3A : i32
    %convert_element_type3A = arith.extui %eq3A_42 : i1 to i32
    %cond3A = arith.constant 0 : i32
    %cond3A_43 = arith.cmpi ne, %convert_element_type3A, %cond3A : i32
    scf.if %cond3A_43 {
      "tpu.region"() ({
        %run_scoped3A_115 = tpu.sem_alloc : memref<!tpu.dma_semaphore, #tpu.memory_space<semaphore_mem>>
        tpu.enqueue_dma source(%arg10 : memref<80x128xf32, #tpu.memory_space<vmem>>) target(%arg9 : memref<80x128xf32, #tpu.memory_space<vmem_shared>>) target_semaphore(%run_scoped3A_115 : memref<!tpu.dma_semaphore, #tpu.memory_space<semaphore_mem>>)
        tpu.wait_dma2 semaphore(%run_scoped3A_115 : memref<!tpu.dma_semaphore, #tpu.memory_space<semaphore_mem>>) src(%arg10 : memref<80x128xf32, #tpu.memory_space<vmem>>) dst(%arg9 : memref<80x128xf32, #tpu.memory_space<vmem_shared>>)
        tpu.yield
      }) : () -> ()
    } else {
    }
    %scan3A_44 = arith.constant 0 : i32
    %scan3A_45 = arith.constant 0 : i32
    %scan3A_46 = arith.constant 640 : i32
    %scan3A_47 = arith.addi %scan3A_45, %scan3A_46 : i32
    %scan3A_48 = arith.constant 1 : i32
    scf.for %scan3A_115 = %scan3A_45 to %scan3A_47 step %scan3A_48  : i32 {
      %mul3A_116 = arith.constant 16 : i32
      %mul3A_117 = arith.muli %scan3A_115, %mul3A_116 : i32
      %swap3A = arith.index_cast %mul3A_117 : i32 to index
      %swap3A_118 = tpu.vector_load %arg20[%swap3A] {strides = array<i32>} : memref<10240xf32, #tpu.memory_space<vmem>>, vector<16xf32>,
      tpu.vector_store %arg20[%swap3A], %broadcast_in_dim3A_4 {strides = array<i32>} : memref<10240xf32, #tpu.memory_space<vmem>>, vector<16xf32>,
    }
    %scan3A_49 = arith.constant 640 : i32
    %scan3A_50 = arith.constant 0 : i32
    %scan3A_51 = arith.constant 0 : i32
    %scan3A_52 = arith.constant 5 : i32
    %scan3A_53 = arith.addi %scan3A_51, %scan3A_52 : i32
    %scan3A_54 = arith.constant 1 : i32
    scf.for %scan3A_115 = %scan3A_51 to %scan3A_53 step %scan3A_54  : i32 {
      %mul3A_116 = arith.constant 16 : i32
      %mul3A_117 = arith.muli %scan3A_115, %mul3A_116 : i32
      %add3A_118 = vector.broadcast %mul3A_117 : i32 to vector<16xi32>
      %add3A_119 = arith.addi %add3A_118, %iota3A : vector<16xi32>
      %mul3A_120 = arith.constant 16 : i32
      %mul3A_121 = arith.muli %scan3A_115, %mul3A_120 : i32
      %swap3A = arith.index_cast %mul3A_121 : i32 to index
      %swap3A_122 = tpu.vector_load %arg21[%swap3A] {strides = array<i32>} : memref<80xi32, #tpu.memory_space<vmem>>, vector<16xi32>,
      tpu.vector_store %arg21[%swap3A], %add3A_119 {strides = array<i32>} : memref<80xi32, #tpu.memory_space<vmem>>, vector<16xi32>,
    }
    %scan3A_55 = arith.constant 5 : i32
    %barrier3A = arith.constant 0 : index
    tpu.barrier barrier_id(%barrier3A)
    %add3A_56 = arith.constant 0 : i32
    %add3A_57 = arith.addi %mul3A_2, %add3A_56 : i32
    %dma_start3A = arith.constant 0 : i32
    %dma_start3A_58 = tpu.memref_slice %arg2[%add3A_57, %dma_start3A] : memref<320000x128xf32, #tpu.memory_space<hbm>> -> memref<80x128xf32, #tpu.memory_space<hbm>>
    %dma_start3A_59 = arith.constant 0 : i32
    %dma_start3A_60 = tpu.memref_slice %arg2[%add3A_57, %dma_start3A_59] : memref<320000x128xf32, #tpu.memory_space<hbm>> -> memref<80x128xf32, #tpu.memory_space<hbm>>
    tpu.enqueue_dma source(%dma_start3A_60 : memref<80x128xf32, #tpu.memory_space<hbm>>) target(%arg10 : memref<80x128xf32, #tpu.memory_space<vmem>>) target_semaphore(%arg22 : memref<!tpu.dma_semaphore, #tpu.memory_space<semaphore_mem>>)
    %dma_start3A_61 = tpu.memref_slice %arg3[%add3A_57] : memref<320000xi32, #tpu.memory_space<hbm>> -> memref<80xi32, #tpu.memory_space<hbm>>
    %dma_start3A_62 = tpu.memref_slice %arg3[%add3A_57] : memref<320000xi32, #tpu.memory_space<hbm>> -> memref<80xi32, #tpu.memory_space<hbm>>
    tpu.enqueue_dma source(%dma_start3A_62 : memref<80xi32, #tpu.memory_space<hbm>>) target(%arg13 : memref<80xi32, #tpu.memory_space<vmem>>) target_semaphore(%arg22 : memref<!tpu.dma_semaphore, #tpu.memory_space<semaphore_mem>>)
    %dma_start3A_63 = tpu.memref_slice %arg4[%add3A_57] : memref<320000xf32, #tpu.memory_space<hbm>> -> memref<80xf32, #tpu.memory_space<hbm>>
    %dma_start3A_64 = tpu.memref_slice %arg4[%add3A_57] : memref<320000xf32, #tpu.memory_space<hbm>> -> memref<80xf32, #tpu.memory_space<hbm>>
    tpu.enqueue_dma source(%dma_start3A_64 : memref<80xf32, #tpu.memory_space<hbm>>) target(%arg16 : memref<80xf32, #tpu.memory_space<vmem>>) target_semaphore(%arg22 : memref<!tpu.dma_semaphore, #tpu.memory_space<semaphore_mem>>)
    %scan3A_65 = arith.constant 0 : i32
    %scan3A_66 = arith.constant 0 : i32
    %scan3A_67 = arith.constant 43 : i32
    %scan3A_68 = arith.addi %scan3A_66, %scan3A_67 : i32
    %scan3A_69 = arith.constant 1 : i32
    scf.for %scan3A_115 = %scan3A_66 to %scan3A_68 step %scan3A_69  : i32 {
      %mul3A_116 = arith.constant 3 : i32
      %mul3A_117 = arith.muli %mul3A_116, %scan3A_115 : i32
      %add3A_118 = arith.constant 0 : i32
      %add3A_119 = arith.addi %mul3A_117, %add3A_118 : i32
      %ge3A = arith.constant 2 : i32
      %ge3A_120 = arith.cmpi sge, %add3A_119, %ge3A : i32
      %lt3A = arith.constant 127 : i32
      %lt3A_121 = arith.cmpi slt, %add3A_119, %lt3A : i32
      %and3A = arith.andi %ge3A_120, %lt3A_121 : i1
      %convert_element_type3A_122 = arith.extui %and3A : i1 to i32
      %cond3A_123 = arith.constant 0 : i32
      %cond3A_124 = arith.cmpi ne, %convert_element_type3A_122, %cond3A_123 : i32
      scf.if %cond3A_124 {
        %dma_wait3A = arith.constant 0 : i32
        %dma_wait3A_185 = arith.constant 0 : i32
        %dma_wait3A_186 = tpu.memref_slice %arg8[%dma_wait3A, %dma_wait3A_185] : memref<10240x128xf32, #tpu.memory_space<vmem_shared>> -> memref<10240x128xf32, #tpu.memory_space<vmem_shared>>
        tpu.wait_indirect_dma semaphore(%arg26 : memref<!tpu.dma_semaphore, #tpu.memory_space<semaphore_mem>>) src(%arg11 : memref<80x128xf32, #tpu.memory_space<vmem>>) dst(%dma_wait3A_186 : memref<10240x128xf32, #tpu.memory_space<vmem_shared>>)
      } else {
      }
      %add3A_125 = arith.constant 1 : i32
      %add3A_126 = arith.addi %add3A_119, %add3A_125 : i32
      %lt3A_127 = arith.constant 125 : i32
      %lt3A_128 = arith.cmpi slt, %add3A_126, %lt3A_127 : i32
      %convert_element_type3A_129 = arith.extui %lt3A_128 : i1 to i32
      %cond3A_130 = arith.constant 0 : i32
      %cond3A_131 = arith.cmpi ne, %convert_element_type3A_129, %cond3A_130 : i32
      scf.if %cond3A_131 {
        %add3A_185 = arith.constant 1 : i32
        %add3A_186 = arith.addi %add3A_119, %add3A_185 : i32
        %mul3A_187 = arith.constant 80 : i32
        %mul3A_188 = arith.muli %add3A_186, %mul3A_187 : i32
        %add3A_189 = arith.addi %mul3A_2, %mul3A_188 : i32
        %dma_start3A_190 = arith.constant 0 : i32
        %dma_start3A_191 = tpu.memref_slice %arg2[%add3A_189, %dma_start3A_190] : memref<320000x128xf32, #tpu.memory_space<hbm>> -> memref<80x128xf32, #tpu.memory_space<hbm>>
        %dma_start3A_192 = arith.constant 0 : i32
        %dma_start3A_193 = tpu.memref_slice %arg2[%add3A_189, %dma_start3A_192] : memref<320000x128xf32, #tpu.memory_space<hbm>> -> memref<80x128xf32, #tpu.memory_space<hbm>>
        tpu.enqueue_dma source(%dma_start3A_193 : memref<80x128xf32, #tpu.memory_space<hbm>>) target(%arg11 : memref<80x128xf32, #tpu.memory_space<vmem>>) target_semaphore(%arg23 : memref<!tpu.dma_semaphore, #tpu.memory_space<semaphore_mem>>)
        %dma_start3A_194 = tpu.memref_slice %arg3[%add3A_189] : memref<320000xi32, #tpu.memory_space<hbm>> -> memref<80xi32, #tpu.memory_space<hbm>>
        %dma_start3A_195 = tpu.memref_slice %arg3[%add3A_189] : memref<320000xi32, #tpu.memory_space<hbm>> -> memref<80xi32, #tpu.memory_space<hbm>>
        tpu.enqueue_dma source(%dma_start3A_195 : memref<80xi32, #tpu.memory_space<hbm>>) target(%arg14 : memref<80xi32, #tpu.memory_space<vmem>>) target_semaphore(%arg23 : memref<!tpu.dma_semaphore, #tpu.memory_space<semaphore_mem>>)
        %dma_start3A_196 = tpu.memref_slice %arg4[%add3A_189] : memref<320000xf32, #tpu.memory_space<hbm>> -> memref<80xf32, #tpu.memory_space<hbm>>
        %dma_start3A_197 = tpu.memref_slice %arg4[%add3A_189] : memref<320000xf32, #tpu.memory_space<hbm>> -> memref<80xf32, #tpu.memory_space<hbm>>
        tpu.enqueue_dma source(%dma_start3A_197 : memref<80xf32, #tpu.memory_space<hbm>>) target(%arg17 : memref<80xf32, #tpu.memory_space<vmem>>) target_semaphore(%arg23 : memref<!tpu.dma_semaphore, #tpu.memory_space<semaphore_mem>>)
      } else {
      }
      %lt3A_132 = arith.constant 125 : i32
      %lt3A_133 = arith.cmpi slt, %add3A_119, %lt3A_132 : i32
      %convert_element_type3A_134 = arith.extui %lt3A_133 : i1 to i32
      %cond3A_135 = arith.constant 0 : i32
      %cond3A_136 = arith.cmpi ne, %convert_element_type3A_134, %cond3A_135 : i32
      scf.if %cond3A_136 {
        %mul3A_185 = arith.constant 80 : i32
        %mul3A_186 = arith.muli %add3A_119, %mul3A_185 : i32
        %add3A_187 = arith.addi %mul3A_2, %mul3A_186 : i32
        %dma_wait3A = arith.constant 0 : i32
        %dma_wait3A_188 = tpu.memref_slice %arg2[%add3A_187, %dma_wait3A] : memref<320000x128xf32, #tpu.memory_space<hbm>> -> memref<80x128xf32, #tpu.memory_space<hbm>>
        %dma_wait3A_189 = arith.constant 0 : i32
        %dma_wait3A_190 = tpu.memref_slice %arg2[%add3A_187, %dma_wait3A_189] : memref<320000x128xf32, #tpu.memory_space<hbm>> -> memref<80x128xf32, #tpu.memory_space<hbm>>
        tpu.wait_dma2 semaphore(%arg22 : memref<!tpu.dma_semaphore, #tpu.memory_space<semaphore_mem>>) src(%dma_wait3A_190 : memref<80x128xf32, #tpu.memory_space<hbm>>) dst(%arg10 : memref<80x128xf32, #tpu.memory_space<vmem>>)
        %dma_wait3A_191 = tpu.memref_slice %arg3[%add3A_187] : memref<320000xi32, #tpu.memory_space<hbm>> -> memref<80xi32, #tpu.memory_space<hbm>>
        %dma_wait3A_192 = tpu.memref_slice %arg3[%add3A_187] : memref<320000xi32, #tpu.memory_space<hbm>> -> memref<80xi32, #tpu.memory_space<hbm>>
        tpu.wait_dma2 semaphore(%arg22 : memref<!tpu.dma_semaphore, #tpu.memory_space<semaphore_mem>>) src(%dma_wait3A_192 : memref<80xi32, #tpu.memory_space<hbm>>) dst(%arg13 : memref<80xi32, #tpu.memory_space<vmem>>)
        %dma_wait3A_193 = tpu.memref_slice %arg4[%add3A_187] : memref<320000xf32, #tpu.memory_space<hbm>> -> memref<80xf32, #tpu.memory_space<hbm>>
        %dma_wait3A_194 = tpu.memref_slice %arg4[%add3A_187] : memref<320000xf32, #tpu.memory_space<hbm>> -> memref<80xf32, #tpu.memory_space<hbm>>
        tpu.wait_dma2 semaphore(%arg22 : memref<!tpu.dma_semaphore, #tpu.memory_space<semaphore_mem>>) src(%dma_wait3A_194 : memref<80xf32, #tpu.memory_space<hbm>>) dst(%arg16 : memref<80xf32, #tpu.memory_space<vmem>>)
        %scan3A_195 = arith.constant 0 : i32
        %scan3A_196 = arith.constant 0 : i32
        %scan3A_197 = arith.constant 5 : i32
        %scan3A_198 = arith.addi %scan3A_196, %scan3A_197 : i32
        %scan3A_199 = arith.constant 1 : i32
        scf.for %scan3A_204 = %scan3A_196 to %scan3A_198 step %scan3A_199  : i32 {
          %mul3A_205 = arith.constant 16 : i32
          %mul3A_206 = arith.muli %scan3A_204, %mul3A_205 : i32
          %get3A_207 = arith.index_cast %mul3A_206 : i32 to index
          %get3A_208 = tpu.vector_load %arg16[%get3A_207] {strides = array<i32>} : memref<80xf32, #tpu.memory_space<vmem>>, vector<16xf32>,
          %sub3A = vector.broadcast %squeeze3A : f32 to vector<16xf32>
          %sub3A_209 = arith.subf %get3A_208, %sub3A : vector<16xf32>
          %exp3A = math.exp %sub3A_209 : vector<16xf32>
          %mul3A_210 = arith.constant 16 : i32
          %mul3A_211 = arith.muli %scan3A_204, %mul3A_210 : i32
          %get3A_212 = arith.index_cast %mul3A_211 : i32 to index
          %get3A_213 = tpu.vector_load %arg13[%get3A_212] {strides = array<i32>} : memref<80xi32, #tpu.memory_space<vmem>>, vector<16xi32>,
          tpu.vector_store_idx %arg20[%get3A_213], %exp3A {add = true} : memref<10240xf32, #tpu.memory_space<vmem>>[vector<16xi32>], vector<16xf32>,
          %mul3A_214 = arith.constant 16 : i32
          %mul3A_215 = arith.muli %scan3A_204, %mul3A_214 : i32
          %add3A_216 = arith.constant 0 : i32
          %add3A_217 = arith.addi %mul3A_215, %add3A_216 : i32
          %slice3A_218 = vector.extract_strided_slice %exp3A {offsets = [0], sizes = [1], strides = [1]} : vector<16xf32> to vector<1xf32>
          %squeeze3A_219 = vector.extract %slice3A_218[0] : f32 from vector<1xf32>
          %get3A_220 = arith.index_cast %add3A_217 : i32 to index
          %get3A_221 = arith.constant 0 : index
          %get3A_222 = tpu.vector_load %arg10[%get3A_220, %get3A_221] {strides = array<i32>} : memref<80x128xf32, #tpu.memory_space<vmem>>, vector<16xf32>,
          %mul3A_223 = vector.broadcast %squeeze3A_219 : f32 to vector<16xf32>
          %mul3A_224 = arith.mulf %get3A_222, %mul3A_223 : vector<16xf32>
          %swap3A = arith.index_cast %add3A_217 : i32 to index
          %swap3A_225 = arith.constant 0 : index
          %swap3A_226 = tpu.vector_load %arg10[%swap3A, %swap3A_225] {strides = array<i32>} : memref<80x128xf32, #tpu.memory_space<vmem>>, vector<16xf32>,
          tpu.vector_store %arg10[%swap3A, %swap3A_225], %mul3A_224 {strides = array<i32>} : memref<80x128xf32, #tpu.memory_space<vmem>>, vector<16xf32>,
          %get3A_227 = arith.index_cast %add3A_217 : i32 to index
          %get3A_228 = arith.constant 16 : index
          %get3A_229 = tpu.vector_load %arg10[%get3A_227, %get3A_228] {strides = array<i32>} : memref<80x128xf32, #tpu.memory_space<vmem>>, vector<16xf32>,
          %mul3A_230 = vector.broadcast %squeeze3A_219 : f32 to vector<16xf32>
          %mul3A_231 = arith.mulf %get3A_229, %mul3A_230 : vector<16xf32>
          %swap3A_232 = arith.index_cast %add3A_217 : i32 to index
          %swap3A_233 = arith.constant 16 : index
          %swap3A_234 = tpu.vector_load %arg10[%swap3A_232, %swap3A_233] {strides = array<i32>} : memref<80x128xf32, #tpu.memory_space<vmem>>, vector<16xf32>,
          tpu.vector_store %arg10[%swap3A_232, %swap3A_233], %mul3A_231 {strides = array<i32>} : memref<80x128xf32, #tpu.memory_space<vmem>>, vector<16xf32>,
          %get3A_235 = arith.index_cast %add3A_217 : i32 to index
          %get3A_236 = arith.constant 32 : index
          %get3A_237 = tpu.vector_load %arg10[%get3A_235, %get3A_236] {strides = array<i32>} : memref<80x128xf32, #tpu.memory_space<vmem>>, vector<16xf32>,
          %mul3A_238 = vector.broadcast %squeeze3A_219 : f32 to vector<16xf32>
          %mul3A_239 = arith.mulf %get3A_237, %mul3A_238 : vector<16xf32>
          %swap3A_240 = arith.index_cast %add3A_217 : i32 to index
          %swap3A_241 = arith.constant 32 : index
          %swap3A_242 = tpu.vector_load %arg10[%swap3A_240, %swap3A_241] {strides = array<i32>} : memref<80x128xf32, #tpu.memory_space<vmem>>, vector<16xf32>,
          tpu.vector_store %arg10[%swap3A_240, %swap3A_241], %mul3A_239 {strides = array<i32>} : memref<80x128xf32, #tpu.memory_space<vmem>>, vector<16xf32>,
          %get3A_243 = arith.index_cast %add3A_217 : i32 to index
          %get3A_244 = arith.constant 48 : index
          %get3A_245 = tpu.vector_load %arg10[%get3A_243, %get3A_244] {strides = array<i32>} : memref<80x128xf32, #tpu.memory_space<vmem>>, vector<16xf32>,
          %mul3A_246 = vector.broadcast %squeeze3A_219 : f32 to vector<16xf32>
          %mul3A_247 = arith.mulf %get3A_245, %mul3A_246 : vector<16xf32>
          %swap3A_248 = arith.index_cast %add3A_217 : i32 to index
          %swap3A_249 = arith.constant 48 : index
          %swap3A_250 = tpu.vector_load %arg10[%swap3A_248, %swap3A_249] {strides = array<i32>} : memref<80x128xf32, #tpu.memory_space<vmem>>, vector<16xf32>,
          tpu.vector_store %arg10[%swap3A_248, %swap3A_249], %mul3A_247 {strides = array<i32>} : memref<80x128xf32, #tpu.memory_space<vmem>>, vector<16xf32>,
          %get3A_251 = arith.index_cast %add3A_217 : i32 to index
          %get3A_252 = arith.constant 64 : index
          %get3A_253 = tpu.vector_load %arg10[%get3A_251, %get3A_252] {strides = array<i32>} : memref<80x128xf32, #tpu.memory_space<vmem>>, vector<16xf32>,
          %mul3A_254 = vector.broadcast %squeeze3A_219 : f32 to vector<16xf32>
          %mul3A_255 = arith.mulf %get3A_253, %mul3A_254 : vector<16xf32>
          %swap3A_256 = arith.index_cast %add3A_217 : i32 to index
          %swap3A_257 = arith.constant 64 : index
          %swap3A_258 = tpu.vector_load %arg10[%swap3A_256, %swap3A_257] {strides = array<i32>} : memref<80x128xf32, #tpu.memory_space<vmem>>, vector<16xf32>,
          tpu.vector_store %arg10[%swap3A_256, %swap3A_257], %mul3A_255 {strides = array<i32>} : memref<80x128xf32, #tpu.memory_space<vmem>>, vector<16xf32>,
          %get3A_259 = arith.index_cast %add3A_217 : i32 to index
          %get3A_260 = arith.constant 80 : index
          %get3A_261 = tpu.vector_load %arg10[%get3A_259, %get3A_260] {strides = array<i32>} : memref<80x128xf32, #tpu.memory_space<vmem>>, vector<16xf32>,
          %mul3A_262 = vector.broadcast %squeeze3A_219 : f32 to vector<16xf32>
          %mul3A_263 = arith.mulf %get3A_261, %mul3A_262 : vector<16xf32>
          %swap3A_264 = arith.index_cast %add3A_217 : i32 to index
          %swap3A_265 = arith.constant 80 : index
          %swap3A_266 = tpu.vector_load %arg10[%swap3A_264, %swap3A_265] {strides = array<i32>} : memref<80x128xf32, #tpu.memory_space<vmem>>, vector<16xf32>,
          tpu.vector_store %arg10[%swap3A_264, %swap3A_265], %mul3A_263 {strides = array<i32>} : memref<80x128xf32, #tpu.memory_space<vmem>>, vector<16xf32>,
          %get3A_267 = arith.index_cast %add3A_217 : i32 to index
          %get3A_268 = arith.constant 96 : index
          %get3A_269 = tpu.vector_load %arg10[%get3A_267, %get3A_268] {strides = array<i32>} : memref<80x128xf32, #tpu.memory_space<vmem>>, vector<16xf32>,
          %mul3A_270 = vector.broadcast %squeeze3A_219 : f32 to vector<16xf32>
          %mul3A_271 = arith.mulf %get3A_269, %mul3A_270 : vector<16xf32>
          %swap3A_272 = arith.index_cast %add3A_217 : i32 to index
          %swap3A_273 = arith.constant 96 : index
          %swap3A_274 = tpu.vector_load %arg10[%swap3A_272, %swap3A_273] {strides = array<i32>} : memref<80x128xf32, #tpu.memory_space<vmem>>, vector<16xf32>,
          tpu.vector_store %arg10[%swap3A_272, %swap3A_273], %mul3A_271 {strides = array<i32>} : memref<80x128xf32, #tpu.memory_space<vmem>>, vector<16xf32>,
          %get3A_275 = arith.index_cast %add3A_217 : i32 to index
          %get3A_276 = arith.constant 112 : index
          %get3A_277 = tpu.vector_load %arg10[%get3A_275, %get3A_276] {strides = array<i32>} : memref<80x128xf32, #tpu.memory_space<vmem>>, vector<16xf32>,
          %mul3A_278 = vector.broadcast %squeeze3A_219 : f32 to vector<16xf32>
          %mul3A_279 = arith.mulf %get3A_277, %mul3A_278 : vector<16xf32>
          %swap3A_280 = arith.index_cast %add3A_217 : i32 to index
          %swap3A_281 = arith.constant 112 : index
          %swap3A_282 = tpu.vector_load %arg10[%swap3A_280, %swap3A_281] {strides = array<i32>} : memref<80x128xf32, #tpu.memory_space<vmem>>, vector<16xf32>,
          tpu.vector_store %arg10[%swap3A_280, %swap3A_281], %mul3A_279 {strides = array<i32>} : memref<80x128xf32, #tpu.memory_space<vmem>>, vector<16xf32>,
          %mul3A_283 = arith.constant 16 : i32
          %mul3A_284 = arith.muli %scan3A_204, %mul3A_283 : i32
          %add3A_285 = arith.constant 1 : i32
          %add3A_286 = arith.addi %mul3A_284, %add3A_285 : i32
          %slice3A_287 = vector.extract_strided_slice %exp3A {offsets = [1], sizes = [1], strides = [1]} : vector<16xf32> to vector<1xf32>
          %squeeze3A_288 = vector.extract %slice3A_287[0] : f32 from vector<1xf32>
          %get3A_289 = arith.index_cast %add3A_286 : i32 to index
          %get3A_290 = arith.constant 0 : index
          %get3A_291 = tpu.vector_load %arg10[%get3A_289, %get3A_290] {strides = array<i32>} : memref<80x128xf32, #tpu.memory_space<vmem>>, vector<16xf32>,
          %mul3A_292 = vector.broadcast %squeeze3A_288 : f32 to vector<16xf32>
          %mul3A_293 = arith.mulf %get3A_291, %mul3A_292 : vector<16xf32>
          %swap3A_294 = arith.index_cast %add3A_286 : i32 to index
          %swap3A_295 = arith.constant 0 : index
          %swap3A_296 = tpu.vector_load %arg10[%swap3A_294, %swap3A_295] {strides = array<i32>} : memref<80x128xf32, #tpu.memory_space<vmem>>, vector<16xf32>,
          tpu.vector_store %arg10[%swap3A_294, %swap3A_295], %mul3A_293 {strides = array<i32>} : memref<80x128xf32, #tpu.memory_space<vmem>>, vector<16xf32>,
          %get3A_297 = arith.index_cast %add3A_286 : i32 to index
          %get3A_298 = arith.constant 16 : index
          %get3A_299 = tpu.vector_load %arg10[%get3A_297, %get3A_298] {strides = array<i32>} : memref<80x128xf32, #tpu.memory_space<vmem>>, vector<16xf32>,
          %mul3A_300 = vector.broadcast %squeeze3A_288 : f32 to vector<16xf32>
          %mul3A_301 = arith.mulf %get3A_299, %mul3A_300 : vector<16xf32>
          %swap3A_302 = arith.index_cast %add3A_286 : i32 to index
          %swap3A_303 = arith.constant 16 : index
          %swap3A_304 = tpu.vector_load %arg10[%swap3A_302, %swap3A_303] {strides = array<i32>} : memref<80x128xf32, #tpu.memory_space<vmem>>, vector<16xf32>,
          tpu.vector_store %arg10[%swap3A_302, %swap3A_303], %mul3A_301 {strides = array<i32>} : memref<80x128xf32, #tpu.memory_space<vmem>>, vector<16xf32>,
          %get3A_305 = arith.index_cast %add3A_286 : i32 to index
          %get3A_306 = arith.constant 32 : index
          %get3A_307 = tpu.vector_load %arg10[%get3A_305, %get3A_306] {strides = array<i32>} : memref<80x128xf32, #tpu.memory_space<vmem>>, vector<16xf32>,
          %mul3A_308 = vector.broadcast %squeeze3A_288 : f32 to vector<16xf32>
          %mul3A_309 = arith.mulf %get3A_307, %mul3A_308 : vector<16xf32>
          %swap3A_310 = arith.index_cast %add3A_286 : i32 to index
          %swap3A_311 = arith.constant 32 : index
          %swap3A_312 = tpu.vector_load %arg10[%swap3A_310, %swap3A_311] {strides = array<i32>} : memref<80x128xf32, #tpu.memory_space<vmem>>, vector<16xf32>,
          tpu.vector_store %arg10[%swap3A_310, %swap3A_311], %mul3A_309 {strides = array<i32>} : memref<80x128xf32, #tpu.memory_space<vmem>>, vector<16xf32>,
          %get3A_313 = arith.index_cast %add3A_286 : i32 to index
          %get3A_314 = arith.constant 48 : index
          %get3A_315 = tpu.vector_load %arg10[%get3A_313, %get3A_314] {strides = array<i32>} : memref<80x128xf32, #tpu.memory_space<vmem>>, vector<16xf32>,
          %mul3A_316 = vector.broadcast %squeeze3A_288 : f32 to vector<16xf32>
          %mul3A_317 = arith.mulf %get3A_315, %mul3A_316 : vector<16xf32>
          %swap3A_318 = arith.index_cast %add3A_286 : i32 to index
          %swap3A_319 = arith.constant 48 : index
          %swap3A_320 = tpu.vector_load %arg10[%swap3A_318, %swap3A_319] {strides = array<i32>} : memref<80x128xf32, #tpu.memory_space<vmem>>, vector<16xf32>,
          tpu.vector_store %arg10[%swap3A_318, %swap3A_319], %mul3A_317 {strides = array<i32>} : memref<80x128xf32, #tpu.memory_space<vmem>>, vector<16xf32>,
          %get3A_321 = arith.index_cast %add3A_286 : i32 to index
          %get3A_322 = arith.constant 64 : index
          %get3A_323 = tpu.vector_load %arg10[%get3A_321, %get3A_322] {strides = array<i32>} : memref<80x128xf32, #tpu.memory_space<vmem>>, vector<16xf32>,
          %mul3A_324 = vector.broadcast %squeeze3A_288 : f32 to vector<16xf32>
          %mul3A_325 = arith.mulf %get3A_323, %mul3A_324 : vector<16xf32>
          %swap3A_326 = arith.index_cast %add3A_286 : i32 to index
          %swap3A_327 = arith.constant 64 : index
          %swap3A_328 = tpu.vector_load %arg10[%swap3A_326, %swap3A_327] {strides = array<i32>} : memref<80x128xf32, #tpu.memory_space<vmem>>, vector<16xf32>,
          tpu.vector_store %arg10[%swap3A_326, %swap3A_327], %mul3A_325 {strides = array<i32>} : memref<80x128xf32, #tpu.memory_space<vmem>>, vector<16xf32>,
          %get3A_329 = arith.index_cast %add3A_286 : i32 to index
          %get3A_330 = arith.constant 80 : index
          %get3A_331 = tpu.vector_load %arg10[%get3A_329, %get3A_330] {strides = array<i32>} : memref<80x128xf32, #tpu.memory_space<vmem>>, vector<16xf32>,
          %mul3A_332 = vector.broadcast %squeeze3A_288 : f32 to vector<16xf32>
          %mul3A_333 = arith.mulf %get3A_331, %mul3A_332 : vector<16xf32>
          %swap3A_334 = arith.index_cast %add3A_286 : i32 to index
          %swap3A_335 = arith.constant 80 : index
          %swap3A_336 = tpu.vector_load %arg10[%swap3A_334, %swap3A_335] {strides = array<i32>} : memref<80x128xf32, #tpu.memory_space<vmem>>, vector<16xf32>,
          tpu.vector_store %arg10[%swap3A_334, %swap3A_335], %mul3A_333 {strides = array<i32>} : memref<80x128xf32, #tpu.memory_space<vmem>>, vector<16xf32>,
          %get3A_337 = arith.index_cast %add3A_286 : i32 to index
          %get3A_338 = arith.constant 96 : index
          %get3A_339 = tpu.vector_load %arg10[%get3A_337, %get3A_338] {strides = array<i32>} : memref<80x128xf32, #tpu.memory_space<vmem>>, vector<16xf32>,
          %mul3A_340 = vector.broadcast %squeeze3A_288 : f32 to vector<16xf32>
          %mul3A_341 = arith.mulf %get3A_339, %mul3A_340 : vector<16xf32>
          %swap3A_342 = arith.index_cast %add3A_286 : i32 to index
          %swap3A_343 = arith.constant 96 : index
          %swap3A_344 = tpu.vector_load %arg10[%swap3A_342, %swap3A_343] {strides = array<i32>} : memref<80x128xf32, #tpu.memory_space<vmem>>, vector<16xf32>,
          tpu.vector_store %arg10[%swap3A_342, %swap3A_343], %mul3A_341 {strides = array<i32>} : memref<80x128xf32, #tpu.memory_space<vmem>>, vector<16xf32>,
          %get3A_345 = arith.index_cast %add3A_286 : i32 to index
          %get3A_346 = arith.constant 112 : index
          %get3A_347 = tpu.vector_load %arg10[%get3A_345, %get3A_346] {strides = array<i32>} : memref<80x128xf32, #tpu.memory_space<vmem>>, vector<16xf32>,
          %mul3A_348 = vector.broadcast %squeeze3A_288 : f32 to vector<16xf32>
          %mul3A_349 = arith.mulf %get3A_347, %mul3A_348 : vector<16xf32>
          %swap3A_350 = arith.index_cast %add3A_286 : i32 to index
          %swap3A_351 = arith.constant 112 : index
          %swap3A_352 = tpu.vector_load %arg10[%swap3A_350, %swap3A_351] {strides = array<i32>} : memref<80x128xf32, #tpu.memory_space<vmem>>, vector<16xf32>,
          tpu.vector_store %arg10[%swap3A_350, %swap3A_351], %mul3A_349 {strides = array<i32>} : memref<80x128xf32, #tpu.memory_space<vmem>>, vector<16xf32>,
          %mul3A_353 = arith.constant 16 : i32
          %mul3A_354 = arith.muli %scan3A_204, %mul3A_353 : i32
          %add3A_355 = arith.constant 2 : i32
          %add3A_356 = arith.addi %mul3A_354, %add3A_355 : i32
          %slice3A_357 = vector.extract_strided_slice %exp3A {offsets = [2], sizes = [1], strides = [1]} : vector<16xf32> to vector<1xf32>
          %squeeze3A_358 = vector.extract %slice3A_357[0] : f32 from vector<1xf32>
          %get3A_359 = arith.index_cast %add3A_356 : i32 to index
          %get3A_360 = arith.constant 0 : index
          %get3A_361 = tpu.vector_load %arg10[%get3A_359, %get3A_360] {strides = array<i32>} : memref<80x128xf32, #tpu.memory_space<vmem>>, vector<16xf32>,
          %mul3A_362 = vector.broadcast %squeeze3A_358 : f32 to vector<16xf32>
          %mul3A_363 = arith.mulf %get3A_361, %mul3A_362 : vector<16xf32>
          %swap3A_364 = arith.index_cast %add3A_356 : i32 to index
          %swap3A_365 = arith.constant 0 : index
          %swap3A_366 = tpu.vector_load %arg10[%swap3A_364, %swap3A_365] {strides = array<i32>} : memref<80x128xf32, #tpu.memory_space<vmem>>, vector<16xf32>,
          tpu.vector_store %arg10[%swap3A_364, %swap3A_365], %mul3A_363 {strides = array<i32>} : memref<80x128xf32, #tpu.memory_space<vmem>>, vector<16xf32>,
          %get3A_367 = arith.index_cast %add3A_356 : i32 to index
          %get3A_368 = arith.constant 16 : index
          %get3A_369 = tpu.vector_load %arg10[%get3A_367, %get3A_368] {strides = array<i32>} : memref<80x128xf32, #tpu.memory_space<vmem>>, vector<16xf32>,
          %mul3A_370 = vector.broadcast %squeeze3A_358 : f32 to vector<16xf32>
          %mul3A_371 = arith.mulf %get3A_369, %mul3A_370 : vector<16xf32>
          %swap3A_372 = arith.index_cast %add3A_356 : i32 to index
          %swap3A_373 = arith.constant 16 : index
          %swap3A_374 = tpu.vector_load %arg10[%swap3A_372, %swap3A_373] {strides = array<i32>} : memref<80x128xf32, #tpu.memory_space<vmem>>, vector<16xf32>,
          tpu.vector_store %arg10[%swap3A_372, %swap3A_373], %mul3A_371 {strides = array<i32>} : memref<80x128xf32, #tpu.memory_space<vmem>>, vector<16xf32>,
          %get3A_375 = arith.index_cast %add3A_356 : i32 to index
          %get3A_376 = arith.constant 32 : index
          %get3A_377 = tpu.vector_load %arg10[%get3A_375, %get3A_376] {strides = array<i32>} : memref<80x128xf32, #tpu.memory_space<vmem>>, vector<16xf32>,
          %mul3A_378 = vector.broadcast %squeeze3A_358 : f32 to vector<16xf32>
          %mul3A_379 = arith.mulf %get3A_377, %mul3A_378 : vector<16xf32>
          %swap3A_380 = arith.index_cast %add3A_356 : i32 to index
          %swap3A_381 = arith.constant 32 : index
          %swap3A_382 = tpu.vector_load %arg10[%swap3A_380, %swap3A_381] {strides = array<i32>} : memref<80x128xf32, #tpu.memory_space<vmem>>, vector<16xf32>,
          tpu.vector_store %arg10[%swap3A_380, %swap3A_381], %mul3A_379 {strides = array<i32>} : memref<80x128xf32, #tpu.memory_space<vmem>>, vector<16xf32>,
          %get3A_383 = arith.index_cast %add3A_356 : i32 to index
          %get3A_384 = arith.constant 48 : index
          %get3A_385 = tpu.vector_load %arg10[%get3A_383, %get3A_384] {strides = array<i32>} : memref<80x128xf32, #tpu.memory_space<vmem>>, vector<16xf32>,
          %mul3A_386 = vector.broadcast %squeeze3A_358 : f32 to vector<16xf32>
          %mul3A_387 = arith.mulf %get3A_385, %mul3A_386 : vector<16xf32>
          %swap3A_388 = arith.index_cast %add3A_356 : i32 to index
          %swap3A_389 = arith.constant 48 : index
          %swap3A_390 = tpu.vector_load %arg10[%swap3A_388, %swap3A_389] {strides = array<i32>} : memref<80x128xf32, #tpu.memory_space<vmem>>, vector<16xf32>,
          tpu.vector_store %arg10[%swap3A_388, %swap3A_389], %mul3A_387 {strides = array<i32>} : memref<80x128xf32, #tpu.memory_space<vmem>>, vector<16xf32>,
          %get3A_391 = arith.index_cast %add3A_356 : i32 to index
          %get3A_392 = arith.constant 64 : index
          %get3A_393 = tpu.vector_load %arg10[%get3A_391, %get3A_392] {strides = array<i32>} : memref<80x128xf32, #tpu.memory_space<vmem>>, vector<16xf32>,
          %mul3A_394 = vector.broadcast %squeeze3A_358 : f32 to vector<16xf32>
          %mul3A_395 = arith.mulf %get3A_393, %mul3A_394 : vector<16xf32>
          %swap3A_396 = arith.index_cast %add3A_356 : i32 to index
          %swap3A_397 = arith.constant 64 : index
          %swap3A_398 = tpu.vector_load %arg10[%swap3A_396, %swap3A_397] {strides = array<i32>} : memref<80x128xf32, #tpu.memory_space<vmem>>, vector<16xf32>,
          tpu.vector_store %arg10[%swap3A_396, %swap3A_397], %mul3A_395 {strides = array<i32>} : memref<80x128xf32, #tpu.memory_space<vmem>>, vector<16xf32>,
          %get3A_399 = arith.index_cast %add3A_356 : i32 to index
          %get3A_400 = arith.constant 80 : index
          %get3A_401 = tpu.vector_load %arg10[%get3A_399, %get3A_400] {strides = array<i32>} : memref<80x128xf32, #tpu.memory_space<vmem>>, vector<16xf32>,
          %mul3A_402 = vector.broadcast %squeeze3A_358 : f32 to vector<16xf32>
          %mul3A_403 = arith.mulf %get3A_401, %mul3A_402 : vector<16xf32>
          %swap3A_404 = arith.index_cast %add3A_356 : i32 to index
          %swap3A_405 = arith.constant 80 : index
          %swap3A_406 = tpu.vector_load %arg10[%swap3A_404, %swap3A_405] {strides = array<i32>} : memref<80x128xf32, #tpu.memory_space<vmem>>, vector<16xf32>,
          tpu.vector_store %arg10[%swap3A_404, %swap3A_405], %mul3A_403 {strides = array<i32>} : memref<80x128xf32, #tpu.memory_space<vmem>>, vector<16xf32>,
          %get3A_407 = arith.index_cast %add3A_356 : i32 to index
          %get3A_408 = arith.constant 96 : index
          %get3A_409 = tpu.vector_load %arg10[%get3A_407, %get3A_408] {strides = array<i32>} : memref<80x128xf32, #tpu.memory_space<vmem>>, vector<16xf32>,
          %mul3A_410 = vector.broadcast %squeeze3A_358 : f32 to vector<16xf32>
          %mul3A_411 = arith.mulf %get3A_409, %mul3A_410 : vector<16xf32>
          %swap3A_412 = arith.index_cast %add3A_356 : i32 to index
          %swap3A_413 = arith.constant 96 : index
          %swap3A_414 = tpu.vector_load %arg10[%swap3A_412, %swap3A_413] {strides = array<i32>} : memref<80x128xf32, #tpu.memory_space<vmem>>, vector<16xf32>,
          tpu.vector_store %arg10[%swap3A_412, %swap3A_413], %mul3A_411 {strides = array<i32>} : memref<80x128xf32, #tpu.memory_space<vmem>>, vector<16xf32>,
          %get3A_415 = arith.index_cast %add3A_356 : i32 to index
          %get3A_416 = arith.constant 112 : index
          %get3A_417 = tpu.vector_load %arg10[%get3A_415, %get3A_416] {strides = array<i32>} : memref<80x128xf32, #tpu.memory_space<vmem>>, vector<16xf32>,
          %mul3A_418 = vector.broadcast %squeeze3A_358 : f32 to vector<16xf32>
          %mul3A_419 = arith.mulf %get3A_417, %mul3A_418 : vector<16xf32>
          %swap3A_420 = arith.index_cast %add3A_356 : i32 to index
          %swap3A_421 = arith.constant 112 : index
          %swap3A_422 = tpu.vector_load %arg10[%swap3A_420, %swap3A_421] {strides = array<i32>} : memref<80x128xf32, #tpu.memory_space<vmem>>, vector<16xf32>,
          tpu.vector_store %arg10[%swap3A_420, %swap3A_421], %mul3A_419 {strides = array<i32>} : memref<80x128xf32, #tpu.memory_space<vmem>>, vector<16xf32>,
          %mul3A_423 = arith.constant 16 : i32
          %mul3A_424 = arith.muli %scan3A_204, %mul3A_423 : i32
          %add3A_425 = arith.constant 3 : i32
          %add3A_426 = arith.addi %mul3A_424, %add3A_425 : i32
          %slice3A_427 = vector.extract_strided_slice %exp3A {offsets = [3], sizes = [1], strides = [1]} : vector<16xf32> to vector<1xf32>
          %squeeze3A_428 = vector.extract %slice3A_427[0] : f32 from vector<1xf32>
          %get3A_429 = arith.index_cast %add3A_426 : i32 to index
          %get3A_430 = arith.constant 0 : index
          %get3A_431 = tpu.vector_load %arg10[%get3A_429, %get3A_430] {strides = array<i32>} : memref<80x128xf32, #tpu.memory_space<vmem>>, vector<16xf32>,
          %mul3A_432 = vector.broadcast %squeeze3A_428 : f32 to vector<16xf32>
          %mul3A_433 = arith.mulf %get3A_431, %mul3A_432 : vector<16xf32>
          %swap3A_434 = arith.index_cast %add3A_426 : i32 to index
          %swap3A_435 = arith.constant 0 : index
          %swap3A_436 = tpu.vector_load %arg10[%swap3A_434, %swap3A_435] {strides = array<i32>} : memref<80x128xf32, #tpu.memory_space<vmem>>, vector<16xf32>,
          tpu.vector_store %arg10[%swap3A_434, %swap3A_435], %mul3A_433 {strides = array<i32>} : memref<80x128xf32, #tpu.memory_space<vmem>>, vector<16xf32>,
          %get3A_437 = arith.index_cast %add3A_426 : i32 to index
          %get3A_438 = arith.constant 16 : index
          %get3A_439 = tpu.vector_load %arg10[%get3A_437, %get3A_438] {strides = array<i32>} : memref<80x128xf32, #tpu.memory_space<vmem>>, vector<16xf32>,
          %mul3A_440 = vector.broadcast %squeeze3A_428 : f32 to vector<16xf32>
          %mul3A_441 = arith.mulf %get3A_439, %mul3A_440 : vector<16xf32>
          %swap3A_442 = arith.index_cast %add3A_426 : i32 to index
          %swap3A_443 = arith.constant 16 : index
          %swap3A_444 = tpu.vector_load %arg10[%swap3A_442, %swap3A_443] {strides = array<i32>} : memref<80x128xf32, #tpu.memory_space<vmem>>, vector<16xf32>,
          tpu.vector_store %arg10[%swap3A_442, %swap3A_443], %mul3A_441 {strides = array<i32>} : memref<80x128xf32, #tpu.memory_space<vmem>>, vector<16xf32>,
          %get3A_445 = arith.index_cast %add3A_426 : i32 to index
          %get3A_446 = arith.constant 32 : index
          %get3A_447 = tpu.vector_load %arg10[%get3A_445, %get3A_446] {strides = array<i32>} : memref<80x128xf32, #tpu.memory_space<vmem>>, vector<16xf32>,
          %mul3A_448 = vector.broadcast %squeeze3A_428 : f32 to vector<16xf32>
          %mul3A_449 = arith.mulf %get3A_447, %mul3A_448 : vector<16xf32>
          %swap3A_450 = arith.index_cast %add3A_426 : i32 to index
          %swap3A_451 = arith.constant 32 : index
          %swap3A_452 = tpu.vector_load %arg10[%swap3A_450, %swap3A_451] {strides = array<i32>} : memref<80x128xf32, #tpu.memory_space<vmem>>, vector<16xf32>,
          tpu.vector_store %arg10[%swap3A_450, %swap3A_451], %mul3A_449 {strides = array<i32>} : memref<80x128xf32, #tpu.memory_space<vmem>>, vector<16xf32>,
          %get3A_453 = arith.index_cast %add3A_426 : i32 to index
          %get3A_454 = arith.constant 48 : index
          %get3A_455 = tpu.vector_load %arg10[%get3A_453, %get3A_454] {strides = array<i32>} : memref<80x128xf32, #tpu.memory_space<vmem>>, vector<16xf32>,
          %mul3A_456 = vector.broadcast %squeeze3A_428 : f32 to vector<16xf32>
          %mul3A_457 = arith.mulf %get3A_455, %mul3A_456 : vector<16xf32>
          %swap3A_458 = arith.index_cast %add3A_426 : i32 to index
          %swap3A_459 = arith.constant 48 : index
          %swap3A_460 = tpu.vector_load %arg10[%swap3A_458, %swap3A_459] {strides = array<i32>} : memref<80x128xf32, #tpu.memory_space<vmem>>, vector<16xf32>,
          tpu.vector_store %arg10[%swap3A_458, %swap3A_459], %mul3A_457 {strides = array<i32>} : memref<80x128xf32, #tpu.memory_space<vmem>>, vector<16xf32>,
          %get3A_461 = arith.index_cast %add3A_426 : i32 to index
          %get3A_462 = arith.constant 64 : index
          %get3A_463 = tpu.vector_load %arg10[%get3A_461, %get3A_462] {strides = array<i32>} : memref<80x128xf32, #tpu.memory_space<vmem>>, vector<16xf32>,
          %mul3A_464 = vector.broadcast %squeeze3A_428 : f32 to vector<16xf32>
          %mul3A_465 = arith.mulf %get3A_463, %mul3A_464 : vector<16xf32>
          %swap3A_466 = arith.index_cast %add3A_426 : i32 to index
          %swap3A_467 = arith.constant 64 : index
          %swap3A_468 = tpu.vector_load %arg10[%swap3A_466, %swap3A_467] {strides = array<i32>} : memref<80x128xf32, #tpu.memory_space<vmem>>, vector<16xf32>,
          tpu.vector_store %arg10[%swap3A_466, %swap3A_467], %mul3A_465 {strides = array<i32>} : memref<80x128xf32, #tpu.memory_space<vmem>>, vector<16xf32>,
          %get3A_469 = arith.index_cast %add3A_426 : i32 to index
          %get3A_470 = arith.constant 80 : index
          %get3A_471 = tpu.vector_load %arg10[%get3A_469, %get3A_470] {strides = array<i32>} : memref<80x128xf32, #tpu.memory_space<vmem>>, vector<16xf32>,
          %mul3A_472 = vector.broadcast %squeeze3A_428 : f32 to vector<16xf32>
          %mul3A_473 = arith.mulf %get3A_471, %mul3A_472 : vector<16xf32>
          %swap3A_474 = arith.index_cast %add3A_426 : i32 to index
          %swap3A_475 = arith.constant 80 : index
          %swap3A_476 = tpu.vector_load %arg10[%swap3A_474, %swap3A_475] {strides = array<i32>} : memref<80x128xf32, #tpu.memory_space<vmem>>, vector<16xf32>,
          tpu.vector_store %arg10[%swap3A_474, %swap3A_475], %mul3A_473 {strides = array<i32>} : memref<80x128xf32, #tpu.memory_space<vmem>>, vector<16xf32>,
          %get3A_477 = arith.index_cast %add3A_426 : i32 to index
          %get3A_478 = arith.constant 96 : index
          %get3A_479 = tpu.vector_load %arg10[%get3A_477, %get3A_478] {strides = array<i32>} : memref<80x128xf32, #tpu.memory_space<vmem>>, vector<16xf32>,
          %mul3A_480 = vector.broadcast %squeeze3A_428 : f32 to vector<16xf32>
          %mul3A_481 = arith.mulf %get3A_479, %mul3A_480 : vector<16xf32>
          %swap3A_482 = arith.index_cast %add3A_426 : i32 to index
          %swap3A_483 = arith.constant 96 : index
          %swap3A_484 = tpu.vector_load %arg10[%swap3A_482, %swap3A_483] {strides = array<i32>} : memref<80x128xf32, #tpu.memory_space<vmem>>, vector<16xf32>,
          tpu.vector_store %arg10[%swap3A_482, %swap3A_483], %mul3A_481 {strides = array<i32>} : memref<80x128xf32, #tpu.memory_space<vmem>>, vector<16xf32>,
          %get3A_485 = arith.index_cast %add3A_426 : i32 to index
          %get3A_486 = arith.constant 112 : index
          %get3A_487 = tpu.vector_load %arg10[%get3A_485, %get3A_486] {strides = array<i32>} : memref<80x128xf32, #tpu.memory_space<vmem>>, vector<16xf32>,
          %mul3A_488 = vector.broadcast %squeeze3A_428 : f32 to vector<16xf32>
          %mul3A_489 = arith.mulf %get3A_487, %mul3A_488 : vector<16xf32>
          %swap3A_490 = arith.index_cast %add3A_426 : i32 to index
          %swap3A_491 = arith.constant 112 : index
          %swap3A_492 = tpu.vector_load %arg10[%swap3A_490, %swap3A_491] {strides = array<i32>} : memref<80x128xf32, #tpu.memory_space<vmem>>, vector<16xf32>,
          tpu.vector_store %arg10[%swap3A_490, %swap3A_491], %mul3A_489 {strides = array<i32>} : memref<80x128xf32, #tpu.memory_space<vmem>>, vector<16xf32>,
          %mul3A_493 = arith.constant 16 : i32
          %mul3A_494 = arith.muli %scan3A_204, %mul3A_493 : i32
          %add3A_495 = arith.constant 4 : i32
          %add3A_496 = arith.addi %mul3A_494, %add3A_495 : i32
          %slice3A_497 = vector.extract_strided_slice %exp3A {offsets = [4], sizes = [1], strides = [1]} : vector<16xf32> to vector<1xf32>
          %squeeze3A_498 = vector.extract %slice3A_497[0] : f32 from vector<1xf32>
          %get3A_499 = arith.index_cast %add3A_496 : i32 to index
          %get3A_500 = arith.constant 0 : index
          %get3A_501 = tpu.vector_load %arg10[%get3A_499, %get3A_500] {strides = array<i32>} : memref<80x128xf32, #tpu.memory_space<vmem>>, vector<16xf32>,
          %mul3A_502 = vector.broadcast %squeeze3A_498 : f32 to vector<16xf32>
          %mul3A_503 = arith.mulf %get3A_501, %mul3A_502 : vector<16xf32>
          %swap3A_504 = arith.index_cast %add3A_496 : i32 to index
          %swap3A_505 = arith.constant 0 : index
          %swap3A_506 = tpu.vector_load %arg10[%swap3A_504, %swap3A_505] {strides = array<i32>} : memref<80x128xf32, #tpu.memory_space<vmem>>, vector<16xf32>,
          tpu.vector_store %arg10[%swap3A_504, %swap3A_505], %mul3A_503 {strides = array<i32>} : memref<80x128xf32, #tpu.memory_space<vmem>>, vector<16xf32>,
          %get3A_507 = arith.index_cast %add3A_496 : i32 to index
          %get3A_508 = arith.constant 16 : index
          %get3A_509 = tpu.vector_load %arg10[%get3A_507, %get3A_508] {strides = array<i32>} : memref<80x128xf32, #tpu.memory_space<vmem>>, vector<16xf32>,
          %mul3A_510 = vector.broadcast %squeeze3A_498 : f32 to vector<16xf32>
          %mul3A_511 = arith.mulf %get3A_509, %mul3A_510 : vector<16xf32>
          %swap3A_512 = arith.index_cast %add3A_496 : i32 to index
          %swap3A_513 = arith.constant 16 : index
          %swap3A_514 = tpu.vector_load %arg10[%swap3A_512, %swap3A_513] {strides = array<i32>} : memref<80x128xf32, #tpu.memory_space<vmem>>, vector<16xf32>,
          tpu.vector_store %arg10[%swap3A_512, %swap3A_513], %mul3A_511 {strides = array<i32>} : memref<80x128xf32, #tpu.memory_space<vmem>>, vector<16xf32>,
          %get3A_515 = arith.index_cast %add3A_496 : i32 to index
          %get3A_516 = arith.constant 32 : index
          %get3A_517 = tpu.vector_load %arg10[%get3A_515, %get3A_516] {strides = array<i32>} : memref<80x128xf32, #tpu.memory_space<vmem>>, vector<16xf32>,
          %mul3A_518 = vector.broadcast %squeeze3A_498 : f32 to vector<16xf32>
          %mul3A_519 = arith.mulf %get3A_517, %mul3A_518 : vector<16xf32>
          %swap3A_520 = arith.index_cast %add3A_496 : i32 to index
          %swap3A_521 = arith.constant 32 : index
          %swap3A_522 = tpu.vector_load %arg10[%swap3A_520, %swap3A_521] {strides = array<i32>} : memref<80x128xf32, #tpu.memory_space<vmem>>, vector<16xf32>,
          tpu.vector_store %arg10[%swap3A_520, %swap3A_521], %mul3A_519 {strides = array<i32>} : memref<80x128xf32, #tpu.memory_space<vmem>>, vector<16xf32>,
          %get3A_523 = arith.index_cast %add3A_496 : i32 to index
          %get3A_524 = arith.constant 48 : index
          %get3A_525 = tpu.vector_load %arg10[%get3A_523, %get3A_524] {strides = array<i32>} : memref<80x128xf32, #tpu.memory_space<vmem>>, vector<16xf32>,
          %mul3A_526 = vector.broadcast %squeeze3A_498 : f32 to vector<16xf32>
          %mul3A_527 = arith.mulf %get3A_525, %mul3A_526 : vector<16xf32>
          %swap3A_528 = arith.index_cast %add3A_496 : i32 to index
          %swap3A_529 = arith.constant 48 : index
          %swap3A_530 = tpu.vector_load %arg10[%swap3A_528, %swap3A_529] {strides = array<i32>} : memref<80x128xf32, #tpu.memory_space<vmem>>, vector<16xf32>,
          tpu.vector_store %arg10[%swap3A_528, %swap3A_529], %mul3A_527 {strides = array<i32>} : memref<80x128xf32, #tpu.memory_space<vmem>>, vector<16xf32>,
          %get3A_531 = arith.index_cast %add3A_496 : i32 to index
          %get3A_532 = arith.constant 64 : index
          %get3A_533 = tpu.vector_load %arg10[%get3A_531, %get3A_532] {strides = array<i32>} : memref<80x128xf32, #tpu.memory_space<vmem>>, vector<16xf32>,
          %mul3A_534 = vector.broadcast %squeeze3A_498 : f32 to vector<16xf32>
          %mul3A_535 = arith.mulf %get3A_533, %mul3A_534 : vector<16xf32>
          %swap3A_536 = arith.index_cast %add3A_496 : i32 to index
          %swap3A_537 = arith.constant 64 : index
          %swap3A_538 = tpu.vector_load %arg10[%swap3A_536, %swap3A_537] {strides = array<i32>} : memref<80x128xf32, #tpu.memory_space<vmem>>, vector<16xf32>,
          tpu.vector_store %arg10[%swap3A_536, %swap3A_537], %mul3A_535 {strides = array<i32>} : memref<80x128xf32, #tpu.memory_space<vmem>>, vector<16xf32>,
          %get3A_539 = arith.index_cast %add3A_496 : i32 to index
          %get3A_540 = arith.constant 80 : index
          %get3A_541 = tpu.vector_load %arg10[%get3A_539, %get3A_540] {strides = array<i32>} : memref<80x128xf32, #tpu.memory_space<vmem>>, vector<16xf32>,
          %mul3A_542 = vector.broadcast %squeeze3A_498 : f32 to vector<16xf32>
          %mul3A_543 = arith.mulf %get3A_541, %mul3A_542 : vector<16xf32>
          %swap3A_544 = arith.index_cast %add3A_496 : i32 to index
          %swap3A_545 = arith.constant 80 : index
          %swap3A_546 = tpu.vector_load %arg10[%swap3A_544, %swap3A_545] {strides = array<i32>} : memref<80x128xf32, #tpu.memory_space<vmem>>, vector<16xf32>,
          tpu.vector_store %arg10[%swap3A_544, %swap3A_545], %mul3A_543 {strides = array<i32>} : memref<80x128xf32, #tpu.memory_space<vmem>>, vector<16xf32>,
          %get3A_547 = arith.index_cast %add3A_496 : i32 to index
          %get3A_548 = arith.constant 96 : index
          %get3A_549 = tpu.vector_load %arg10[%get3A_547, %get3A_548] {strides = array<i32>} : memref<80x128xf32, #tpu.memory_space<vmem>>, vector<16xf32>,
          %mul3A_550 = vector.broadcast %squeeze3A_498 : f32 to vector<16xf32>
          %mul3A_551 = arith.mulf %get3A_549, %mul3A_550 : vector<16xf32>
          %swap3A_552 = arith.index_cast %add3A_496 : i32 to index
          %swap3A_553 = arith.constant 96 : index
          %swap3A_554 = tpu.vector_load %arg10[%swap3A_552, %swap3A_553] {strides = array<i32>} : memref<80x128xf32, #tpu.memory_space<vmem>>, vector<16xf32>,
          tpu.vector_store %arg10[%swap3A_552, %swap3A_553], %mul3A_551 {strides = array<i32>} : memref<80x128xf32, #tpu.memory_space<vmem>>, vector<16xf32>,
          %get3A_555 = arith.index_cast %add3A_496 : i32 to index
          %get3A_556 = arith.constant 112 : index
          %get3A_557 = tpu.vector_load %arg10[%get3A_555, %get3A_556] {strides = array<i32>} : memref<80x128xf32, #tpu.memory_space<vmem>>, vector<16xf32>,
          %mul3A_558 = vector.broadcast %squeeze3A_498 : f32 to vector<16xf32>
          %mul3A_559 = arith.mulf %get3A_557, %mul3A_558 : vector<16xf32>
          %swap3A_560 = arith.index_cast %add3A_496 : i32 to index
          %swap3A_561 = arith.constant 112 : index
          %swap3A_562 = tpu.vector_load %arg10[%swap3A_560, %swap3A_561] {strides = array<i32>} : memref<80x128xf32, #tpu.memory_space<vmem>>, vector<16xf32>,
          tpu.vector_store %arg10[%swap3A_560, %swap3A_561], %mul3A_559 {strides = array<i32>} : memref<80x128xf32, #tpu.memory_space<vmem>>, vector<16xf32>,
          %mul3A_563 = arith.constant 16 : i32
          %mul3A_564 = arith.muli %scan3A_204, %mul3A_563 : i32
          %add3A_565 = arith.constant 5 : i32
          %add3A_566 = arith.addi %mul3A_564, %add3A_565 : i32
          %slice3A_567 = vector.extract_strided_slice %exp3A {offsets = [5], sizes = [1], strides = [1]} : vector<16xf32> to vector<1xf32>
          %squeeze3A_568 = vector.extract %slice3A_567[0] : f32 from vector<1xf32>
          %get3A_569 = arith.index_cast %add3A_566 : i32 to index
          %get3A_570 = arith.constant 0 : index
          %get3A_571 = tpu.vector_load %arg10[%get3A_569, %get3A_570] {strides = array<i32>} : memref<80x128xf32, #tpu.memory_space<vmem>>, vector<16xf32>,
          %mul3A_572 = vector.broadcast %squeeze3A_568 : f32 to vector<16xf32>
          %mul3A_573 = arith.mulf %get3A_571, %mul3A_572 : vector<16xf32>
          %swap3A_574 = arith.index_cast %add3A_566 : i32 to index
          %swap3A_575 = arith.constant 0 : index
          %swap3A_576 = tpu.vector_load %arg10[%swap3A_574, %swap3A_575] {strides = array<i32>} : memref<80x128xf32, #tpu.memory_space<vmem>>, vector<16xf32>,
          tpu.vector_store %arg10[%swap3A_574, %swap3A_575], %mul3A_573 {strides = array<i32>} : memref<80x128xf32, #tpu.memory_space<vmem>>, vector<16xf32>,
          %get3A_577 = arith.index_cast %add3A_566 : i32 to index
          %get3A_578 = arith.constant 16 : index
          %get3A_579 = tpu.vector_load %arg10[%get3A_577, %get3A_578] {strides = array<i32>} : memref<80x128xf32, #tpu.memory_space<vmem>>, vector<16xf32>,
          %mul3A_580 = vector.broadcast %squeeze3A_568 : f32 to vector<16xf32>
          %mul3A_581 = arith.mulf %get3A_579, %mul3A_580 : vector<16xf32>
          %swap3A_582 = arith.index_cast %add3A_566 : i32 to index
          %swap3A_583 = arith.constant 16 : index
          %swap3A_584 = tpu.vector_load %arg10[%swap3A_582, %swap3A_583] {strides = array<i32>} : memref<80x128xf32, #tpu.memory_space<vmem>>, vector<16xf32>,
          tpu.vector_store %arg10[%swap3A_582, %swap3A_583], %mul3A_581 {strides = array<i32>} : memref<80x128xf32, #tpu.memory_space<vmem>>, vector<16xf32>,
          %get3A_585 = arith.index_cast %add3A_566 : i32 to index
          %get3A_586 = arith.constant 32 : index
          %get3A_587 = tpu.vector_load %arg10[%get3A_585, %get3A_586] {strides = array<i32>} : memref<80x128xf32, #tpu.memory_space<vmem>>, vector<16xf32>,
          %mul3A_588 = vector.broadcast %squeeze3A_568 : f32 to vector<16xf32>
          %mul3A_589 = arith.mulf %get3A_587, %mul3A_588 : vector<16xf32>
          %swap3A_590 = arith.index_cast %add3A_566 : i32 to index
          %swap3A_591 = arith.constant 32 : index
          %swap3A_592 = tpu.vector_load %arg10[%swap3A_590, %swap3A_591] {strides = array<i32>} : memref<80x128xf32, #tpu.memory_space<vmem>>, vector<16xf32>,
          tpu.vector_store %arg10[%swap3A_590, %swap3A_591], %mul3A_589 {strides = array<i32>} : memref<80x128xf32, #tpu.memory_space<vmem>>, vector<16xf32>,
          %get3A_593 = arith.index_cast %add3A_566 : i32 to index
          %get3A_594 = arith.constant 48 : index
          %get3A_595 = tpu.vector_load %arg10[%get3A_593, %get3A_594] {strides = array<i32>} : memref<80x128xf32, #tpu.memory_space<vmem>>, vector<16xf32>,
          %mul3A_596 = vector.broadcast %squeeze3A_568 : f32 to vector<16xf32>
          %mul3A_597 = arith.mulf %get3A_595, %mul3A_596 : vector<16xf32>
          %swap3A_598 = arith.index_cast %add3A_566 : i32 to index
          %swap3A_599 = arith.constant 48 : index
          %swap3A_600 = tpu.vector_load %arg10[%swap3A_598, %swap3A_599] {strides = array<i32>} : memref<80x128xf32, #tpu.memory_space<vmem>>, vector<16xf32>,
          tpu.vector_store %arg10[%swap3A_598, %swap3A_599], %mul3A_597 {strides = array<i32>} : memref<80x128xf32, #tpu.memory_space<vmem>>, vector<16xf32>,
          %get3A_601 = arith.index_cast %add3A_566 : i32 to index
          %get3A_602 = arith.constant 64 : index
          %get3A_603 = tpu.vector_load %arg10[%get3A_601, %get3A_602] {strides = array<i32>} : memref<80x128xf32, #tpu.memory_space<vmem>>, vector<16xf32>,
          %mul3A_604 = vector.broadcast %squeeze3A_568 : f32 to vector<16xf32>
          %mul3A_605 = arith.mulf %get3A_603, %mul3A_604 : vector<16xf32>
          %swap3A_606 = arith.index_cast %add3A_566 : i32 to index
          %swap3A_607 = arith.constant 64 : index
          %swap3A_608 = tpu.vector_load %arg10[%swap3A_606, %swap3A_607] {strides = array<i32>} : memref<80x128xf32, #tpu.memory_space<vmem>>, vector<16xf32>,
          tpu.vector_store %arg10[%swap3A_606, %swap3A_607], %mul3A_605 {strides = array<i32>} : memref<80x128xf32, #tpu.memory_space<vmem>>, vector<16xf32>,
          %get3A_609 = arith.index_cast %add3A_566 : i32 to index
          %get3A_610 = arith.constant 80 : index
          %get3A_611 = tpu.vector_load %arg10[%get3A_609, %get3A_610] {strides = array<i32>} : memref<80x128xf32, #tpu.memory_space<vmem>>, vector<16xf32>,
          %mul3A_612 = vector.broadcast %squeeze3A_568 : f32 to vector<16xf32>
          %mul3A_613 = arith.mulf %get3A_611, %mul3A_612 : vector<16xf32>
          %swap3A_614 = arith.index_cast %add3A_566 : i32 to index
          %swap3A_615 = arith.constant 80 : index
          %swap3A_616 = tpu.vector_load %arg10[%swap3A_614, %swap3A_615] {strides = array<i32>} : memref<80x128xf32, #tpu.memory_space<vmem>>, vector<16xf32>,
          tpu.vector_store %arg10[%swap3A_614, %swap3A_615], %mul3A_613 {strides = array<i32>} : memref<80x128xf32, #tpu.memory_space<vmem>>, vector<16xf32>,
          %get3A_617 = arith.index_cast %add3A_566 : i32 to index
          %get3A_618 = arith.constant 96 : index
          %get3A_619 = tpu.vector_load %arg10[%get3A_617, %get3A_618] {strides = array<i32>} : memref<80x128xf32, #tpu.memory_space<vmem>>, vector<16xf32>,
          %mul3A_620 = vector.broadcast %squeeze3A_568 : f32 to vector<16xf32>
          %mul3A_621 = arith.mulf %get3A_619, %mul3A_620 : vector<16xf32>
          %swap3A_622 = arith.index_cast %add3A_566 : i32 to index
          %swap3A_623 = arith.constant 96 : index
          %swap3A_624 = tpu.vector_load %arg10[%swap3A_622, %swap3A_623] {strides = array<i32>} : memref<80x128xf32, #tpu.memory_space<vmem>>, vector<16xf32>,
          tpu.vector_store %arg10[%swap3A_622, %swap3A_623], %mul3A_621 {strides = array<i32>} : memref<80x128xf32, #tpu.memory_space<vmem>>, vector<16xf32>,
          %get3A_625 = arith.index_cast %add3A_566 : i32 to index
          %get3A_626 = arith.constant 112 : index
          %get3A_627 = tpu.vector_load %arg10[%get3A_625, %get3A_626] {strides = array<i32>} : memref<80x128xf32, #tpu.memory_space<vmem>>, vector<16xf32>,
          %mul3A_628 = vector.broadcast %squeeze3A_568 : f32 to vector<16xf32>
          %mul3A_629 = arith.mulf %get3A_627, %mul3A_628 : vector<16xf32>
          %swap3A_630 = arith.index_cast %add3A_566 : i32 to index
          %swap3A_631 = arith.constant 112 : index
          %swap3A_632 = tpu.vector_load %arg10[%swap3A_630, %swap3A_631] {strides = array<i32>} : memref<80x128xf32, #tpu.memory_space<vmem>>, vector<16xf32>,
          tpu.vector_store %arg10[%swap3A_630, %swap3A_631], %mul3A_629 {strides = array<i32>} : memref<80x128xf32, #tpu.memory_space<vmem>>, vector<16xf32>,
          %mul3A_633 = arith.constant 16 : i32
          %mul3A_634 = arith.muli %scan3A_204, %mul3A_633 : i32
          %add3A_635 = arith.constant 6 : i32
          %add3A_636 = arith.addi %mul3A_634, %add3A_635 : i32
          %slice3A_637 = vector.extract_strided_slice %exp3A {offsets = [6], sizes = [1], strides = [1]} : vector<16xf32> to vector<1xf32>
          %squeeze3A_638 = vector.extract %slice3A_637[0] : f32 from vector<1xf32>
          %get3A_639 = arith.index_cast %add3A_636 : i32 to index
          %get3A_640 = arith.constant 0 : index
          %get3A_641 = tpu.vector_load %arg10[%get3A_639, %get3A_640] {strides = array<i32>} : memref<80x128xf32, #tpu.memory_space<vmem>>, vector<16xf32>,
          %mul3A_642 = vector.broadcast %squeeze3A_638 : f32 to vector<16xf32>
          %mul3A_643 = arith.mulf %get3A_641, %mul3A_642 : vector<16xf32>
          %swap3A_644 = arith.index_cast %add3A_636 : i32 to index
          %swap3A_645 = arith.constant 0 : index
          %swap3A_646 = tpu.vector_load %arg10[%swap3A_644, %swap3A_645] {strides = array<i32>} : memref<80x128xf32, #tpu.memory_space<vmem>>, vector<16xf32>,
          tpu.vector_store %arg10[%swap3A_644, %swap3A_645], %mul3A_643 {strides = array<i32>} : memref<80x128xf32, #tpu.memory_space<vmem>>, vector<16xf32>,
          %get3A_647 = arith.index_cast %add3A_636 : i32 to index
          %get3A_648 = arith.constant 16 : index
          %get3A_649 = tpu.vector_load %arg10[%get3A_647, %get3A_648] {strides = array<i32>} : memref<80x128xf32, #tpu.memory_space<vmem>>, vector<16xf32>,
          %mul3A_650 = vector.broadcast %squeeze3A_638 : f32 to vector<16xf32>
          %mul3A_651 = arith.mulf %get3A_649, %mul3A_650 : vector<16xf32>
          %swap3A_652 = arith.index_cast %add3A_636 : i32 to index
          %swap3A_653 = arith.constant 16 : index
          %swap3A_654 = tpu.vector_load %arg10[%swap3A_652, %swap3A_653] {strides = array<i32>} : memref<80x128xf32, #tpu.memory_space<vmem>>, vector<16xf32>,
          tpu.vector_store %arg10[%swap3A_652, %swap3A_653], %mul3A_651 {strides = array<i32>} : memref<80x128xf32, #tpu.memory_space<vmem>>, vector<16xf32>,
          %get3A_655 = arith.index_cast %add3A_636 : i32 to index
          %get3A_656 = arith.constant 32 : index
          %get3A_657 = tpu.vector_load %arg10[%get3A_655, %get3A_656] {strides = array<i32>} : memref<80x128xf32, #tpu.memory_space<vmem>>, vector<16xf32>,
          %mul3A_658 = vector.broadcast %squeeze3A_638 : f32 to vector<16xf32>
          %mul3A_659 = arith.mulf %get3A_657, %mul3A_658 : vector<16xf32>
          %swap3A_660 = arith.index_cast %add3A_636 : i32 to index
          %swap3A_661 = arith.constant 32 : index
          %swap3A_662 = tpu.vector_load %arg10[%swap3A_660, %swap3A_661] {strides = array<i32>} : memref<80x128xf32, #tpu.memory_space<vmem>>, vector<16xf32>,
          tpu.vector_store %arg10[%swap3A_660, %swap3A_661], %mul3A_659 {strides = array<i32>} : memref<80x128xf32, #tpu.memory_space<vmem>>, vector<16xf32>,
          %get3A_663 = arith.index_cast %add3A_636 : i32 to index
          %get3A_664 = arith.constant 48 : index
          %get3A_665 = tpu.vector_load %arg10[%get3A_663, %get3A_664] {strides = array<i32>} : memref<80x128xf32, #tpu.memory_space<vmem>>, vector<16xf32>,
          %mul3A_666 = vector.broadcast %squeeze3A_638 : f32 to vector<16xf32>
          %mul3A_667 = arith.mulf %get3A_665, %mul3A_666 : vector<16xf32>
          %swap3A_668 = arith.index_cast %add3A_636 : i32 to index
          %swap3A_669 = arith.constant 48 : index
          %swap3A_670 = tpu.vector_load %arg10[%swap3A_668, %swap3A_669] {strides = array<i32>} : memref<80x128xf32, #tpu.memory_space<vmem>>, vector<16xf32>,
          tpu.vector_store %arg10[%swap3A_668, %swap3A_669], %mul3A_667 {strides = array<i32>} : memref<80x128xf32, #tpu.memory_space<vmem>>, vector<16xf32>,
          %get3A_671 = arith.index_cast %add3A_636 : i32 to index
          %get3A_672 = arith.constant 64 : index
          %get3A_673 = tpu.vector_load %arg10[%get3A_671, %get3A_672] {strides = array<i32>} : memref<80x128xf32, #tpu.memory_space<vmem>>, vector<16xf32>,
          %mul3A_674 = vector.broadcast %squeeze3A_638 : f32 to vector<16xf32>
          %mul3A_675 = arith.mulf %get3A_673, %mul3A_674 : vector<16xf32>
          %swap3A_676 = arith.index_cast %add3A_636 : i32 to index
          %swap3A_677 = arith.constant 64 : index
          %swap3A_678 = tpu.vector_load %arg10[%swap3A_676, %swap3A_677] {strides = array<i32>} : memref<80x128xf32, #tpu.memory_space<vmem>>, vector<16xf32>,
          tpu.vector_store %arg10[%swap3A_676, %swap3A_677], %mul3A_675 {strides = array<i32>} : memref<80x128xf32, #tpu.memory_space<vmem>>, vector<16xf32>,
          %get3A_679 = arith.index_cast %add3A_636 : i32 to index
          %get3A_680 = arith.constant 80 : index
          %get3A_681 = tpu.vector_load %arg10[%get3A_679, %get3A_680] {strides = array<i32>} : memref<80x128xf32, #tpu.memory_space<vmem>>, vector<16xf32>,
          %mul3A_682 = vector.broadcast %squeeze3A_638 : f32 to vector<16xf32>
          %mul3A_683 = arith.mulf %get3A_681, %mul3A_682 : vector<16xf32>
          %swap3A_684 = arith.index_cast %add3A_636 : i32 to index
          %swap3A_685 = arith.constant 80 : index
          %swap3A_686 = tpu.vector_load %arg10[%swap3A_684, %swap3A_685] {strides = array<i32>} : memref<80x128xf32, #tpu.memory_space<vmem>>, vector<16xf32>,
          tpu.vector_store %arg10[%swap3A_684, %swap3A_685], %mul3A_683 {strides = array<i32>} : memref<80x128xf32, #tpu.memory_space<vmem>>, vector<16xf32>,
          %get3A_687 = arith.index_cast %add3A_636 : i32 to index
          %get3A_688 = arith.constant 96 : index
          %get3A_689 = tpu.vector_load %arg10[%get3A_687, %get3A_688] {strides = array<i32>} : memref<80x128xf32, #tpu.memory_space<vmem>>, vector<16xf32>,
          %mul3A_690 = vector.broadcast %squeeze3A_638 : f32 to vector<16xf32>
          %mul3A_691 = arith.mulf %get3A_689, %mul3A_690 : vector<16xf32>
          %swap3A_692 = arith.index_cast %add3A_636 : i32 to index
          %swap3A_693 = arith.constant 96 : index
          %swap3A_694 = tpu.vector_load %arg10[%swap3A_692, %swap3A_693] {strides = array<i32>} : memref<80x128xf32, #tpu.memory_space<vmem>>, vector<16xf32>,
          tpu.vector_store %arg10[%swap3A_692, %swap3A_693], %mul3A_691 {strides = array<i32>} : memref<80x128xf32, #tpu.memory_space<vmem>>, vector<16xf32>,
          %get3A_695 = arith.index_cast %add3A_636 : i32 to index
          %get3A_696 = arith.constant 112 : index
          %get3A_697 = tpu.vector_load %arg10[%get3A_695, %get3A_696] {strides = array<i32>} : memref<80x128xf32, #tpu.memory_space<vmem>>, vector<16xf32>,
          %mul3A_698 = vector.broadcast %squeeze3A_638 : f32 to vector<16xf32>
          %mul3A_699 = arith.mulf %get3A_697, %mul3A_698 : vector<16xf32>
          %swap3A_700 = arith.index_cast %add3A_636 : i32 to index
          %swap3A_701 = arith.constant 112 : index
          %swap3A_702 = tpu.vector_load %arg10[%swap3A_700, %swap3A_701] {strides = array<i32>} : memref<80x128xf32, #tpu.memory_space<vmem>>, vector<16xf32>,
          tpu.vector_store %arg10[%swap3A_700, %swap3A_701], %mul3A_699 {strides = array<i32>} : memref<80x128xf32, #tpu.memory_space<vmem>>, vector<16xf32>,
          %mul3A_703 = arith.constant 16 : i32
          %mul3A_704 = arith.muli %scan3A_204, %mul3A_703 : i32
          %add3A_705 = arith.constant 7 : i32
          %add3A_706 = arith.addi %mul3A_704, %add3A_705 : i32
          %slice3A_707 = vector.extract_strided_slice %exp3A {offsets = [7], sizes = [1], strides = [1]} : vector<16xf32> to vector<1xf32>
          %squeeze3A_708 = vector.extract %slice3A_707[0] : f32 from vector<1xf32>
          %get3A_709 = arith.index_cast %add3A_706 : i32 to index
          %get3A_710 = arith.constant 0 : index
          %get3A_711 = tpu.vector_load %arg10[%get3A_709, %get3A_710] {strides = array<i32>} : memref<80x128xf32, #tpu.memory_space<vmem>>, vector<16xf32>,
          %mul3A_712 = vector.broadcast %squeeze3A_708 : f32 to vector<16xf32>
          %mul3A_713 = arith.mulf %get3A_711, %mul3A_712 : vector<16xf32>
          %swap3A_714 = arith.index_cast %add3A_706 : i32 to index
          %swap3A_715 = arith.constant 0 : index
          %swap3A_716 = tpu.vector_load %arg10[%swap3A_714, %swap3A_715] {strides = array<i32>} : memref<80x128xf32, #tpu.memory_space<vmem>>, vector<16xf32>,
          tpu.vector_store %arg10[%swap3A_714, %swap3A_715], %mul3A_713 {strides = array<i32>} : memref<80x128xf32, #tpu.memory_space<vmem>>, vector<16xf32>,
          %get3A_717 = arith.index_cast %add3A_706 : i32 to index
          %get3A_718 = arith.constant 16 : index
          %get3A_719 = tpu.vector_load %arg10[%get3A_717, %get3A_718] {strides = array<i32>} : memref<80x128xf32, #tpu.memory_space<vmem>>, vector<16xf32>,
          %mul3A_720 = vector.broadcast %squeeze3A_708 : f32 to vector<16xf32>
          %mul3A_721 = arith.mulf %get3A_719, %mul3A_720 : vector<16xf32>
          %swap3A_722 = arith.index_cast %add3A_706 : i32 to index
          %swap3A_723 = arith.constant 16 : index
          %swap3A_724 = tpu.vector_load %arg10[%swap3A_722, %swap3A_723] {strides = array<i32>} : memref<80x128xf32, #tpu.memory_space<vmem>>, vector<16xf32>,
          tpu.vector_store %arg10[%swap3A_722, %swap3A_723], %mul3A_721 {strides = array<i32>} : memref<80x128xf32, #tpu.memory_space<vmem>>, vector<16xf32>,
          %get3A_725 = arith.index_cast %add3A_706 : i32 to index
          %get3A_726 = arith.constant 32 : index
          %get3A_727 = tpu.vector_load %arg10[%get3A_725, %get3A_726] {strides = array<i32>} : memref<80x128xf32, #tpu.memory_space<vmem>>, vector<16xf32>,
          %mul3A_728 = vector.broadcast %squeeze3A_708 : f32 to vector<16xf32>
          %mul3A_729 = arith.mulf %get3A_727, %mul3A_728 : vector<16xf32>
          %swap3A_730 = arith.index_cast %add3A_706 : i32 to index
          %swap3A_731 = arith.constant 32 : index
          %swap3A_732 = tpu.vector_load %arg10[%swap3A_730, %swap3A_731] {strides = array<i32>} : memref<80x128xf32, #tpu.memory_space<vmem>>, vector<16xf32>,
          tpu.vector_store %arg10[%swap3A_730, %swap3A_731], %mul3A_729 {strides = array<i32>} : memref<80x128xf32, #tpu.memory_space<vmem>>, vector<16xf32>,
          %get3A_733 = arith.index_cast %add3A_706 : i32 to index
          %get3A_734 = arith.constant 48 : index
          %get3A_735 = tpu.vector_load %arg10[%get3A_733, %get3A_734] {strides = array<i32>} : memref<80x128xf32, #tpu.memory_space<vmem>>, vector<16xf32>,
          %mul3A_736 = vector.broadcast %squeeze3A_708 : f32 to vector<16xf32>
          %mul3A_737 = arith.mulf %get3A_735, %mul3A_736 : vector<16xf32>
          %swap3A_738 = arith.index_cast %add3A_706 : i32 to index
          %swap3A_739 = arith.constant 48 : index
          %swap3A_740 = tpu.vector_load %arg10[%swap3A_738, %swap3A_739] {strides = array<i32>} : memref<80x128xf32, #tpu.memory_space<vmem>>, vector<16xf32>,
          tpu.vector_store %arg10[%swap3A_738, %swap3A_739], %mul3A_737 {strides = array<i32>} : memref<80x128xf32, #tpu.memory_space<vmem>>, vector<16xf32>,
          %get3A_741 = arith.index_cast %add3A_706 : i32 to index
          %get3A_742 = arith.constant 64 : index
          %get3A_743 = tpu.vector_load %arg10[%get3A_741, %get3A_742] {strides = array<i32>} : memref<80x128xf32, #tpu.memory_space<vmem>>, vector<16xf32>,
          %mul3A_744 = vector.broadcast %squeeze3A_708 : f32 to vector<16xf32>
          %mul3A_745 = arith.mulf %get3A_743, %mul3A_744 : vector<16xf32>
          %swap3A_746 = arith.index_cast %add3A_706 : i32 to index
          %swap3A_747 = arith.constant 64 : index
          %swap3A_748 = tpu.vector_load %arg10[%swap3A_746, %swap3A_747] {strides = array<i32>} : memref<80x128xf32, #tpu.memory_space<vmem>>, vector<16xf32>,
          tpu.vector_store %arg10[%swap3A_746, %swap3A_747], %mul3A_745 {strides = array<i32>} : memref<80x128xf32, #tpu.memory_space<vmem>>, vector<16xf32>,
          %get3A_749 = arith.index_cast %add3A_706 : i32 to index
          %get3A_750 = arith.constant 80 : index
          %get3A_751 = tpu.vector_load %arg10[%get3A_749, %get3A_750] {strides = array<i32>} : memref<80x128xf32, #tpu.memory_space<vmem>>, vector<16xf32>,
          %mul3A_752 = vector.broadcast %squeeze3A_708 : f32 to vector<16xf32>
          %mul3A_753 = arith.mulf %get3A_751, %mul3A_752 : vector<16xf32>
          %swap3A_754 = arith.index_cast %add3A_706 : i32 to index
          %swap3A_755 = arith.constant 80 : index
          %swap3A_756 = tpu.vector_load %arg10[%swap3A_754, %swap3A_755] {strides = array<i32>} : memref<80x128xf32, #tpu.memory_space<vmem>>, vector<16xf32>,
          tpu.vector_store %arg10[%swap3A_754, %swap3A_755], %mul3A_753 {strides = array<i32>} : memref<80x128xf32, #tpu.memory_space<vmem>>, vector<16xf32>,
          %get3A_757 = arith.index_cast %add3A_706 : i32 to index
          %get3A_758 = arith.constant 96 : index
          %get3A_759 = tpu.vector_load %arg10[%get3A_757, %get3A_758] {strides = array<i32>} : memref<80x128xf32, #tpu.memory_space<vmem>>, vector<16xf32>,
          %mul3A_760 = vector.broadcast %squeeze3A_708 : f32 to vector<16xf32>
          %mul3A_761 = arith.mulf %get3A_759, %mul3A_760 : vector<16xf32>
          %swap3A_762 = arith.index_cast %add3A_706 : i32 to index
          %swap3A_763 = arith.constant 96 : index
          %swap3A_764 = tpu.vector_load %arg10[%swap3A_762, %swap3A_763] {strides = array<i32>} : memref<80x128xf32, #tpu.memory_space<vmem>>, vector<16xf32>,
          tpu.vector_store %arg10[%swap3A_762, %swap3A_763], %mul3A_761 {strides = array<i32>} : memref<80x128xf32, #tpu.memory_space<vmem>>, vector<16xf32>,
          %get3A_765 = arith.index_cast %add3A_706 : i32 to index
          %get3A_766 = arith.constant 112 : index
          %get3A_767 = tpu.vector_load %arg10[%get3A_765, %get3A_766] {strides = array<i32>} : memref<80x128xf32, #tpu.memory_space<vmem>>, vector<16xf32>,
          %mul3A_768 = vector.broadcast %squeeze3A_708 : f32 to vector<16xf32>
          %mul3A_769 = arith.mulf %get3A_767, %mul3A_768 : vector<16xf32>
          %swap3A_770 = arith.index_cast %add3A_706 : i32 to index
          %swap3A_771 = arith.constant 112 : index
          %swap3A_772 = tpu.vector_load %arg10[%swap3A_770, %swap3A_771] {strides = array<i32>} : memref<80x128xf32, #tpu.memory_space<vmem>>, vector<16xf32>,
          tpu.vector_store %arg10[%swap3A_770, %swap3A_771], %mul3A_769 {strides = array<i32>} : memref<80x128xf32, #tpu.memory_space<vmem>>, vector<16xf32>,
          %mul3A_773 = arith.constant 16 : i32
          %mul3A_774 = arith.muli %scan3A_204, %mul3A_773 : i32
          %add3A_775 = arith.constant 8 : i32
          %add3A_776 = arith.addi %mul3A_774, %add3A_775 : i32
          %slice3A_777 = vector.extract_strided_slice %exp3A {offsets = [8], sizes = [1], strides = [1]} : vector<16xf32> to vector<1xf32>
          %squeeze3A_778 = vector.extract %slice3A_777[0] : f32 from vector<1xf32>
          %get3A_779 = arith.index_cast %add3A_776 : i32 to index
          %get3A_780 = arith.constant 0 : index
          %get3A_781 = tpu.vector_load %arg10[%get3A_779, %get3A_780] {strides = array<i32>} : memref<80x128xf32, #tpu.memory_space<vmem>>, vector<16xf32>,
          %mul3A_782 = vector.broadcast %squeeze3A_778 : f32 to vector<16xf32>
          %mul3A_783 = arith.mulf %get3A_781, %mul3A_782 : vector<16xf32>
          %swap3A_784 = arith.index_cast %add3A_776 : i32 to index
          %swap3A_785 = arith.constant 0 : index
          %swap3A_786 = tpu.vector_load %arg10[%swap3A_784, %swap3A_785] {strides = array<i32>} : memref<80x128xf32, #tpu.memory_space<vmem>>, vector<16xf32>,
          tpu.vector_store %arg10[%swap3A_784, %swap3A_785], %mul3A_783 {strides = array<i32>} : memref<80x128xf32, #tpu.memory_space<vmem>>, vector<16xf32>,
          %get3A_787 = arith.index_cast %add3A_776 : i32 to index
          %get3A_788 = arith.constant 16 : index
          %get3A_789 = tpu.vector_load %arg10[%get3A_787, %get3A_788] {strides = array<i32>} : memref<80x128xf32, #tpu.memory_space<vmem>>, vector<16xf32>,
          %mul3A_790 = vector.broadcast %squeeze3A_778 : f32 to vector<16xf32>
          %mul3A_791 = arith.mulf %get3A_789, %mul3A_790 : vector<16xf32>
          %swap3A_792 = arith.index_cast %add3A_776 : i32 to index
          %swap3A_793 = arith.constant 16 : index
          %swap3A_794 = tpu.vector_load %arg10[%swap3A_792, %swap3A_793] {strides = array<i32>} : memref<80x128xf32, #tpu.memory_space<vmem>>, vector<16xf32>,
          tpu.vector_store %arg10[%swap3A_792, %swap3A_793], %mul3A_791 {strides = array<i32>} : memref<80x128xf32, #tpu.memory_space<vmem>>, vector<16xf32>,
          %get3A_795 = arith.index_cast %add3A_776 : i32 to index
          %get3A_796 = arith.constant 32 : index
          %get3A_797 = tpu.vector_load %arg10[%get3A_795, %get3A_796] {strides = array<i32>} : memref<80x128xf32, #tpu.memory_space<vmem>>, vector<16xf32>,
          %mul3A_798 = vector.broadcast %squeeze3A_778 : f32 to vector<16xf32>
          %mul3A_799 = arith.mulf %get3A_797, %mul3A_798 : vector<16xf32>
          %swap3A_800 = arith.index_cast %add3A_776 : i32 to index
          %swap3A_801 = arith.constant 32 : index
          %swap3A_802 = tpu.vector_load %arg10[%swap3A_800, %swap3A_801] {strides = array<i32>} : memref<80x128xf32, #tpu.memory_space<vmem>>, vector<16xf32>,
          tpu.vector_store %arg10[%swap3A_800, %swap3A_801], %mul3A_799 {strides = array<i32>} : memref<80x128xf32, #tpu.memory_space<vmem>>, vector<16xf32>,
          %get3A_803 = arith.index_cast %add3A_776 : i32 to index
          %get3A_804 = arith.constant 48 : index
          %get3A_805 = tpu.vector_load %arg10[%get3A_803, %get3A_804] {strides = array<i32>} : memref<80x128xf32, #tpu.memory_space<vmem>>, vector<16xf32>,
          %mul3A_806 = vector.broadcast %squeeze3A_778 : f32 to vector<16xf32>
          %mul3A_807 = arith.mulf %get3A_805, %mul3A_806 : vector<16xf32>
          %swap3A_808 = arith.index_cast %add3A_776 : i32 to index
          %swap3A_809 = arith.constant 48 : index
          %swap3A_810 = tpu.vector_load %arg10[%swap3A_808, %swap3A_809] {strides = array<i32>} : memref<80x128xf32, #tpu.memory_space<vmem>>, vector<16xf32>,
          tpu.vector_store %arg10[%swap3A_808, %swap3A_809], %mul3A_807 {strides = array<i32>} : memref<80x128xf32, #tpu.memory_space<vmem>>, vector<16xf32>,
          %get3A_811 = arith.index_cast %add3A_776 : i32 to index
          %get3A_812 = arith.constant 64 : index
          %get3A_813 = tpu.vector_load %arg10[%get3A_811, %get3A_812] {strides = array<i32>} : memref<80x128xf32, #tpu.memory_space<vmem>>, vector<16xf32>,
          %mul3A_814 = vector.broadcast %squeeze3A_778 : f32 to vector<16xf32>
          %mul3A_815 = arith.mulf %get3A_813, %mul3A_814 : vector<16xf32>
          %swap3A_816 = arith.index_cast %add3A_776 : i32 to index
          %swap3A_817 = arith.constant 64 : index
          %swap3A_818 = tpu.vector_load %arg10[%swap3A_816, %swap3A_817] {strides = array<i32>} : memref<80x128xf32, #tpu.memory_space<vmem>>, vector<16xf32>,
          tpu.vector_store %arg10[%swap3A_816, %swap3A_817], %mul3A_815 {strides = array<i32>} : memref<80x128xf32, #tpu.memory_space<vmem>>, vector<16xf32>,
          %get3A_819 = arith.index_cast %add3A_776 : i32 to index
          %get3A_820 = arith.constant 80 : index
          %get3A_821 = tpu.vector_load %arg10[%get3A_819, %get3A_820] {strides = array<i32>} : memref<80x128xf32, #tpu.memory_space<vmem>>, vector<16xf32>,
          %mul3A_822 = vector.broadcast %squeeze3A_778 : f32 to vector<16xf32>
          %mul3A_823 = arith.mulf %get3A_821, %mul3A_822 : vector<16xf32>
          %swap3A_824 = arith.index_cast %add3A_776 : i32 to index
          %swap3A_825 = arith.constant 80 : index
          %swap3A_826 = tpu.vector_load %arg10[%swap3A_824, %swap3A_825] {strides = array<i32>} : memref<80x128xf32, #tpu.memory_space<vmem>>, vector<16xf32>,
          tpu.vector_store %arg10[%swap3A_824, %swap3A_825], %mul3A_823 {strides = array<i32>} : memref<80x128xf32, #tpu.memory_space<vmem>>, vector<16xf32>,
          %get3A_827 = arith.index_cast %add3A_776 : i32 to index
          %get3A_828 = arith.constant 96 : index
          %get3A_829 = tpu.vector_load %arg10[%get3A_827, %get3A_828] {strides = array<i32>} : memref<80x128xf32, #tpu.memory_space<vmem>>, vector<16xf32>,
          %mul3A_830 = vector.broadcast %squeeze3A_778 : f32 to vector<16xf32>
          %mul3A_831 = arith.mulf %get3A_829, %mul3A_830 : vector<16xf32>
          %swap3A_832 = arith.index_cast %add3A_776 : i32 to index
          %swap3A_833 = arith.constant 96 : index
          %swap3A_834 = tpu.vector_load %arg10[%swap3A_832, %swap3A_833] {strides = array<i32>} : memref<80x128xf32, #tpu.memory_space<vmem>>, vector<16xf32>,
          tpu.vector_store %arg10[%swap3A_832, %swap3A_833], %mul3A_831 {strides = array<i32>} : memref<80x128xf32, #tpu.memory_space<vmem>>, vector<16xf32>,
          %get3A_835 = arith.index_cast %add3A_776 : i32 to index
          %get3A_836 = arith.constant 112 : index
          %get3A_837 = tpu.vector_load %arg10[%get3A_835, %get3A_836] {strides = array<i32>} : memref<80x128xf32, #tpu.memory_space<vmem>>, vector<16xf32>,
          %mul3A_838 = vector.broadcast %squeeze3A_778 : f32 to vector<16xf32>
          %mul3A_839 = arith.mulf %get3A_837, %mul3A_838 : vector<16xf32>
          %swap3A_840 = arith.index_cast %add3A_776 : i32 to index
          %swap3A_841 = arith.constant 112 : index
          %swap3A_842 = tpu.vector_load %arg10[%swap3A_840, %swap3A_841] {strides = array<i32>} : memref<80x128xf32, #tpu.memory_space<vmem>>, vector<16xf32>,
          tpu.vector_store %arg10[%swap3A_840, %swap3A_841], %mul3A_839 {strides = array<i32>} : memref<80x128xf32, #tpu.memory_space<vmem>>, vector<16xf32>,
          %mul3A_843 = arith.constant 16 : i32
          %mul3A_844 = arith.muli %scan3A_204, %mul3A_843 : i32
          %add3A_845 = arith.constant 9 : i32
          %add3A_846 = arith.addi %mul3A_844, %add3A_845 : i32
          %slice3A_847 = vector.extract_strided_slice %exp3A {offsets = [9], sizes = [1], strides = [1]} : vector<16xf32> to vector<1xf32>
          %squeeze3A_848 = vector.extract %slice3A_847[0] : f32 from vector<1xf32>
          %get3A_849 = arith.index_cast %add3A_846 : i32 to index
          %get3A_850 = arith.constant 0 : index
          %get3A_851 = tpu.vector_load %arg10[%get3A_849, %get3A_850] {strides = array<i32>} : memref<80x128xf32, #tpu.memory_space<vmem>>, vector<16xf32>,
          %mul3A_852 = vector.broadcast %squeeze3A_848 : f32 to vector<16xf32>
          %mul3A_853 = arith.mulf %get3A_851, %mul3A_852 : vector<16xf32>
          %swap3A_854 = arith.index_cast %add3A_846 : i32 to index
          %swap3A_855 = arith.constant 0 : index
          %swap3A_856 = tpu.vector_load %arg10[%swap3A_854, %swap3A_855] {strides = array<i32>} : memref<80x128xf32, #tpu.memory_space<vmem>>, vector<16xf32>,
          tpu.vector_store %arg10[%swap3A_854, %swap3A_855], %mul3A_853 {strides = array<i32>} : memref<80x128xf32, #tpu.memory_space<vmem>>, vector<16xf32>,
          %get3A_857 = arith.index_cast %add3A_846 : i32 to index
          %get3A_858 = arith.constant 16 : index
          %get3A_859 = tpu.vector_load %arg10[%get3A_857, %get3A_858] {strides = array<i32>} : memref<80x128xf32, #tpu.memory_space<vmem>>, vector<16xf32>,
          %mul3A_860 = vector.broadcast %squeeze3A_848 : f32 to vector<16xf32>
          %mul3A_861 = arith.mulf %get3A_859, %mul3A_860 : vector<16xf32>
          %swap3A_862 = arith.index_cast %add3A_846 : i32 to index
          %swap3A_863 = arith.constant 16 : index
          %swap3A_864 = tpu.vector_load %arg10[%swap3A_862, %swap3A_863] {strides = array<i32>} : memref<80x128xf32, #tpu.memory_space<vmem>>, vector<16xf32>,
          tpu.vector_store %arg10[%swap3A_862, %swap3A_863], %mul3A_861 {strides = array<i32>} : memref<80x128xf32, #tpu.memory_space<vmem>>, vector<16xf32>,
          %get3A_865 = arith.index_cast %add3A_846 : i32 to index
          %get3A_866 = arith.constant 32 : index
          %get3A_867 = tpu.vector_load %arg10[%get3A_865, %get3A_866] {strides = array<i32>} : memref<80x128xf32, #tpu.memory_space<vmem>>, vector<16xf32>,
          %mul3A_868 = vector.broadcast %squeeze3A_848 : f32 to vector<16xf32>
          %mul3A_869 = arith.mulf %get3A_867, %mul3A_868 : vector<16xf32>
          %swap3A_870 = arith.index_cast %add3A_846 : i32 to index
          %swap3A_871 = arith.constant 32 : index
          %swap3A_872 = tpu.vector_load %arg10[%swap3A_870, %swap3A_871] {strides = array<i32>} : memref<80x128xf32, #tpu.memory_space<vmem>>, vector<16xf32>,
          tpu.vector_store %arg10[%swap3A_870, %swap3A_871], %mul3A_869 {strides = array<i32>} : memref<80x128xf32, #tpu.memory_space<vmem>>, vector<16xf32>,
          %get3A_873 = arith.index_cast %add3A_846 : i32 to index
          %get3A_874 = arith.constant 48 : index
          %get3A_875 = tpu.vector_load %arg10[%get3A_873, %get3A_874] {strides = array<i32>} : memref<80x128xf32, #tpu.memory_space<vmem>>, vector<16xf32>,
          %mul3A_876 = vector.broadcast %squeeze3A_848 : f32 to vector<16xf32>
          %mul3A_877 = arith.mulf %get3A_875, %mul3A_876 : vector<16xf32>
          %swap3A_878 = arith.index_cast %add3A_846 : i32 to index
          %swap3A_879 = arith.constant 48 : index
          %swap3A_880 = tpu.vector_load %arg10[%swap3A_878, %swap3A_879] {strides = array<i32>} : memref<80x128xf32, #tpu.memory_space<vmem>>, vector<16xf32>,
          tpu.vector_store %arg10[%swap3A_878, %swap3A_879], %mul3A_877 {strides = array<i32>} : memref<80x128xf32, #tpu.memory_space<vmem>>, vector<16xf32>,
          %get3A_881 = arith.index_cast %add3A_846 : i32 to index
          %get3A_882 = arith.constant 64 : index
          %get3A_883 = tpu.vector_load %arg10[%get3A_881, %get3A_882] {strides = array<i32>} : memref<80x128xf32, #tpu.memory_space<vmem>>, vector<16xf32>,
          %mul3A_884 = vector.broadcast %squeeze3A_848 : f32 to vector<16xf32>
          %mul3A_885 = arith.mulf %get3A_883, %mul3A_884 : vector<16xf32>
          %swap3A_886 = arith.index_cast %add3A_846 : i32 to index
          %swap3A_887 = arith.constant 64 : index
          %swap3A_888 = tpu.vector_load %arg10[%swap3A_886, %swap3A_887] {strides = array<i32>} : memref<80x128xf32, #tpu.memory_space<vmem>>, vector<16xf32>,
          tpu.vector_store %arg10[%swap3A_886, %swap3A_887], %mul3A_885 {strides = array<i32>} : memref<80x128xf32, #tpu.memory_space<vmem>>, vector<16xf32>,
          %get3A_889 = arith.index_cast %add3A_846 : i32 to index
          %get3A_890 = arith.constant 80 : index
          %get3A_891 = tpu.vector_load %arg10[%get3A_889, %get3A_890] {strides = array<i32>} : memref<80x128xf32, #tpu.memory_space<vmem>>, vector<16xf32>,
          %mul3A_892 = vector.broadcast %squeeze3A_848 : f32 to vector<16xf32>
          %mul3A_893 = arith.mulf %get3A_891, %mul3A_892 : vector<16xf32>
          %swap3A_894 = arith.index_cast %add3A_846 : i32 to index
          %swap3A_895 = arith.constant 80 : index
          %swap3A_896 = tpu.vector_load %arg10[%swap3A_894, %swap3A_895] {strides = array<i32>} : memref<80x128xf32, #tpu.memory_space<vmem>>, vector<16xf32>,
          tpu.vector_store %arg10[%swap3A_894, %swap3A_895], %mul3A_893 {strides = array<i32>} : memref<80x128xf32, #tpu.memory_space<vmem>>, vector<16xf32>,
          %get3A_897 = arith.index_cast %add3A_846 : i32 to index
          %get3A_898 = arith.constant 96 : index
          %get3A_899 = tpu.vector_load %arg10[%get3A_897, %get3A_898] {strides = array<i32>} : memref<80x128xf32, #tpu.memory_space<vmem>>, vector<16xf32>,
          %mul3A_900 = vector.broadcast %squeeze3A_848 : f32 to vector<16xf32>
          %mul3A_901 = arith.mulf %get3A_899, %mul3A_900 : vector<16xf32>
          %swap3A_902 = arith.index_cast %add3A_846 : i32 to index
          %swap3A_903 = arith.constant 96 : index
          %swap3A_904 = tpu.vector_load %arg10[%swap3A_902, %swap3A_903] {strides = array<i32>} : memref<80x128xf32, #tpu.memory_space<vmem>>, vector<16xf32>,
          tpu.vector_store %arg10[%swap3A_902, %swap3A_903], %mul3A_901 {strides = array<i32>} : memref<80x128xf32, #tpu.memory_space<vmem>>, vector<16xf32>,
          %get3A_905 = arith.index_cast %add3A_846 : i32 to index
          %get3A_906 = arith.constant 112 : index
          %get3A_907 = tpu.vector_load %arg10[%get3A_905, %get3A_906] {strides = array<i32>} : memref<80x128xf32, #tpu.memory_space<vmem>>, vector<16xf32>,
          %mul3A_908 = vector.broadcast %squeeze3A_848 : f32 to vector<16xf32>
          %mul3A_909 = arith.mulf %get3A_907, %mul3A_908 : vector<16xf32>
          %swap3A_910 = arith.index_cast %add3A_846 : i32 to index
          %swap3A_911 = arith.constant 112 : index
          %swap3A_912 = tpu.vector_load %arg10[%swap3A_910, %swap3A_911] {strides = array<i32>} : memref<80x128xf32, #tpu.memory_space<vmem>>, vector<16xf32>,
          tpu.vector_store %arg10[%swap3A_910, %swap3A_911], %mul3A_909 {strides = array<i32>} : memref<80x128xf32, #tpu.memory_space<vmem>>, vector<16xf32>,
          %mul3A_913 = arith.constant 16 : i32
          %mul3A_914 = arith.muli %scan3A_204, %mul3A_913 : i32
          %add3A_915 = arith.constant 10 : i32
          %add3A_916 = arith.addi %mul3A_914, %add3A_915 : i32
          %slice3A_917 = vector.extract_strided_slice %exp3A {offsets = [10], sizes = [1], strides = [1]} : vector<16xf32> to vector<1xf32>
          %squeeze3A_918 = vector.extract %slice3A_917[0] : f32 from vector<1xf32>
          %get3A_919 = arith.index_cast %add3A_916 : i32 to index
          %get3A_920 = arith.constant 0 : index
          %get3A_921 = tpu.vector_load %arg10[%get3A_919, %get3A_920] {strides = array<i32>} : memref<80x128xf32, #tpu.memory_space<vmem>>, vector<16xf32>,
          %mul3A_922 = vector.broadcast %squeeze3A_918 : f32 to vector<16xf32>
          %mul3A_923 = arith.mulf %get3A_921, %mul3A_922 : vector<16xf32>
          %swap3A_924 = arith.index_cast %add3A_916 : i32 to index
          %swap3A_925 = arith.constant 0 : index
          %swap3A_926 = tpu.vector_load %arg10[%swap3A_924, %swap3A_925] {strides = array<i32>} : memref<80x128xf32, #tpu.memory_space<vmem>>, vector<16xf32>,
          tpu.vector_store %arg10[%swap3A_924, %swap3A_925], %mul3A_923 {strides = array<i32>} : memref<80x128xf32, #tpu.memory_space<vmem>>, vector<16xf32>,
          %get3A_927 = arith.index_cast %add3A_916 : i32 to index
          %get3A_928 = arith.constant 16 : index
          %get3A_929 = tpu.vector_load %arg10[%get3A_927, %get3A_928] {strides = array<i32>} : memref<80x128xf32, #tpu.memory_space<vmem>>, vector<16xf32>,
          %mul3A_930 = vector.broadcast %squeeze3A_918 : f32 to vector<16xf32>
          %mul3A_931 = arith.mulf %get3A_929, %mul3A_930 : vector<16xf32>
          %swap3A_932 = arith.index_cast %add3A_916 : i32 to index
          %swap3A_933 = arith.constant 16 : index
          %swap3A_934 = tpu.vector_load %arg10[%swap3A_932, %swap3A_933] {strides = array<i32>} : memref<80x128xf32, #tpu.memory_space<vmem>>, vector<16xf32>,
          tpu.vector_store %arg10[%swap3A_932, %swap3A_933], %mul3A_931 {strides = array<i32>} : memref<80x128xf32, #tpu.memory_space<vmem>>, vector<16xf32>,
          %get3A_935 = arith.index_cast %add3A_916 : i32 to index
          %get3A_936 = arith.constant 32 : index
          %get3A_937 = tpu.vector_load %arg10[%get3A_935, %get3A_936] {strides = array<i32>} : memref<80x128xf32, #tpu.memory_space<vmem>>, vector<16xf32>,
          %mul3A_938 = vector.broadcast %squeeze3A_918 : f32 to vector<16xf32>
          %mul3A_939 = arith.mulf %get3A_937, %mul3A_938 : vector<16xf32>
          %swap3A_940 = arith.index_cast %add3A_916 : i32 to index
          %swap3A_941 = arith.constant 32 : index
          %swap3A_942 = tpu.vector_load %arg10[%swap3A_940, %swap3A_941] {strides = array<i32>} : memref<80x128xf32, #tpu.memory_space<vmem>>, vector<16xf32>,
          tpu.vector_store %arg10[%swap3A_940, %swap3A_941], %mul3A_939 {strides = array<i32>} : memref<80x128xf32, #tpu.memory_space<vmem>>, vector<16xf32>,
          %get3A_943 = arith.index_cast %add3A_916 : i32 to index
          %get3A_944 = arith.constant 48 : index
          %get3A_945 = tpu.vector_load %arg10[%get3A_943, %get3A_944] {strides = array<i32>} : memref<80x128xf32, #tpu.memory_space<vmem>>, vector<16xf32>,
          %mul3A_946 = vector.broadcast %squeeze3A_918 : f32 to vector<16xf32>
          %mul3A_947 = arith.mulf %get3A_945, %mul3A_946 : vector<16xf32>
          %swap3A_948 = arith.index_cast %add3A_916 : i32 to index
          %swap3A_949 = arith.constant 48 : index
          %swap3A_950 = tpu.vector_load %arg10[%swap3A_948, %swap3A_949] {strides = array<i32>} : memref<80x128xf32, #tpu.memory_space<vmem>>, vector<16xf32>,
          tpu.vector_store %arg10[%swap3A_948, %swap3A_949], %mul3A_947 {strides = array<i32>} : memref<80x128xf32, #tpu.memory_space<vmem>>, vector<16xf32>,
          %get3A_951 = arith.index_cast %add3A_916 : i32 to index
          %get3A_952 = arith.constant 64 : index
          %get3A_953 = tpu.vector_load %arg10[%get3A_951, %get3A_952] {strides = array<i32>} : memref<80x128xf32, #tpu.memory_space<vmem>>, vector<16xf32>,
          %mul3A_954 = vector.broadcast %squeeze3A_918 : f32 to vector<16xf32>
          %mul3A_955 = arith.mulf %get3A_953, %mul3A_954 : vector<16xf32>
          %swap3A_956 = arith.index_cast %add3A_916 : i32 to index
          %swap3A_957 = arith.constant 64 : index
          %swap3A_958 = tpu.vector_load %arg10[%swap3A_956, %swap3A_957] {strides = array<i32>} : memref<80x128xf32, #tpu.memory_space<vmem>>, vector<16xf32>,
          tpu.vector_store %arg10[%swap3A_956, %swap3A_957], %mul3A_955 {strides = array<i32>} : memref<80x128xf32, #tpu.memory_space<vmem>>, vector<16xf32>,
          %get3A_959 = arith.index_cast %add3A_916 : i32 to index
          %get3A_960 = arith.constant 80 : index
          %get3A_961 = tpu.vector_load %arg10[%get3A_959, %get3A_960] {strides = array<i32>} : memref<80x128xf32, #tpu.memory_space<vmem>>, vector<16xf32>,
          %mul3A_962 = vector.broadcast %squeeze3A_918 : f32 to vector<16xf32>
          %mul3A_963 = arith.mulf %get3A_961, %mul3A_962 : vector<16xf32>
          %swap3A_964 = arith.index_cast %add3A_916 : i32 to index
          %swap3A_965 = arith.constant 80 : index
          %swap3A_966 = tpu.vector_load %arg10[%swap3A_964, %swap3A_965] {strides = array<i32>} : memref<80x128xf32, #tpu.memory_space<vmem>>, vector<16xf32>,
          tpu.vector_store %arg10[%swap3A_964, %swap3A_965], %mul3A_963 {strides = array<i32>} : memref<80x128xf32, #tpu.memory_space<vmem>>, vector<16xf32>,
          %get3A_967 = arith.index_cast %add3A_916 : i32 to index
          %get3A_968 = arith.constant 96 : index
          %get3A_969 = tpu.vector_load %arg10[%get3A_967, %get3A_968] {strides = array<i32>} : memref<80x128xf32, #tpu.memory_space<vmem>>, vector<16xf32>,
          %mul3A_970 = vector.broadcast %squeeze3A_918 : f32 to vector<16xf32>
          %mul3A_971 = arith.mulf %get3A_969, %mul3A_970 : vector<16xf32>
          %swap3A_972 = arith.index_cast %add3A_916 : i32 to index
          %swap3A_973 = arith.constant 96 : index
          %swap3A_974 = tpu.vector_load %arg10[%swap3A_972, %swap3A_973] {strides = array<i32>} : memref<80x128xf32, #tpu.memory_space<vmem>>, vector<16xf32>,
          tpu.vector_store %arg10[%swap3A_972, %swap3A_973], %mul3A_971 {strides = array<i32>} : memref<80x128xf32, #tpu.memory_space<vmem>>, vector<16xf32>,
          %get3A_975 = arith.index_cast %add3A_916 : i32 to index
          %get3A_976 = arith.constant 112 : index
          %get3A_977 = tpu.vector_load %arg10[%get3A_975, %get3A_976] {strides = array<i32>} : memref<80x128xf32, #tpu.memory_space<vmem>>, vector<16xf32>,
          %mul3A_978 = vector.broadcast %squeeze3A_918 : f32 to vector<16xf32>
          %mul3A_979 = arith.mulf %get3A_977, %mul3A_978 : vector<16xf32>
          %swap3A_980 = arith.index_cast %add3A_916 : i32 to index
          %swap3A_981 = arith.constant 112 : index
          %swap3A_982 = tpu.vector_load %arg10[%swap3A_980, %swap3A_981] {strides = array<i32>} : memref<80x128xf32, #tpu.memory_space<vmem>>, vector<16xf32>,
          tpu.vector_store %arg10[%swap3A_980, %swap3A_981], %mul3A_979 {strides = array<i32>} : memref<80x128xf32, #tpu.memory_space<vmem>>, vector<16xf32>,
          %mul3A_983 = arith.constant 16 : i32
          %mul3A_984 = arith.muli %scan3A_204, %mul3A_983 : i32
          %add3A_985 = arith.constant 11 : i32
          %add3A_986 = arith.addi %mul3A_984, %add3A_985 : i32
          %slice3A_987 = vector.extract_strided_slice %exp3A {offsets = [11], sizes = [1], strides = [1]} : vector<16xf32> to vector<1xf32>
          %squeeze3A_988 = vector.extract %slice3A_987[0] : f32 from vector<1xf32>
          %get3A_989 = arith.index_cast %add3A_986 : i32 to index
          %get3A_990 = arith.constant 0 : index
          %get3A_991 = tpu.vector_load %arg10[%get3A_989, %get3A_990] {strides = array<i32>} : memref<80x128xf32, #tpu.memory_space<vmem>>, vector<16xf32>,
          %mul3A_992 = vector.broadcast %squeeze3A_988 : f32 to vector<16xf32>
          %mul3A_993 = arith.mulf %get3A_991, %mul3A_992 : vector<16xf32>
          %swap3A_994 = arith.index_cast %add3A_986 : i32 to index
          %swap3A_995 = arith.constant 0 : index
          %swap3A_996 = tpu.vector_load %arg10[%swap3A_994, %swap3A_995] {strides = array<i32>} : memref<80x128xf32, #tpu.memory_space<vmem>>, vector<16xf32>,
          tpu.vector_store %arg10[%swap3A_994, %swap3A_995], %mul3A_993 {strides = array<i32>} : memref<80x128xf32, #tpu.memory_space<vmem>>, vector<16xf32>,
          %get3A_997 = arith.index_cast %add3A_986 : i32 to index
          %get3A_998 = arith.constant 16 : index
          %get3A_999 = tpu.vector_load %arg10[%get3A_997, %get3A_998] {strides = array<i32>} : memref<80x128xf32, #tpu.memory_space<vmem>>, vector<16xf32>,
          %mul3A_1000 = vector.broadcast %squeeze3A_988 : f32 to vector<16xf32>
          %mul3A_1001 = arith.mulf %get3A_999, %mul3A_1000 : vector<16xf32>
          %swap3A_1002 = arith.index_cast %add3A_986 : i32 to index
          %swap3A_1003 = arith.constant 16 : index
          %swap3A_1004 = tpu.vector_load %arg10[%swap3A_1002, %swap3A_1003] {strides = array<i32>} : memref<80x128xf32, #tpu.memory_space<vmem>>, vector<16xf32>,
          tpu.vector_store %arg10[%swap3A_1002, %swap3A_1003], %mul3A_1001 {strides = array<i32>} : memref<80x128xf32, #tpu.memory_space<vmem>>, vector<16xf32>,
          %get3A_1005 = arith.index_cast %add3A_986 : i32 to index
          %get3A_1006 = arith.constant 32 : index
          %get3A_1007 = tpu.vector_load %arg10[%get3A_1005, %get3A_1006] {strides = array<i32>} : memref<80x128xf32, #tpu.memory_space<vmem>>, vector<16xf32>,
          %mul3A_1008 = vector.broadcast %squeeze3A_988 : f32 to vector<16xf32>
          %mul3A_1009 = arith.mulf %get3A_1007, %mul3A_1008 : vector<16xf32>
          %swap3A_1010 = arith.index_cast %add3A_986 : i32 to index
          %swap3A_1011 = arith.constant 32 : index
          %swap3A_1012 = tpu.vector_load %arg10[%swap3A_1010, %swap3A_1011] {strides = array<i32>} : memref<80x128xf32, #tpu.memory_space<vmem>>, vector<16xf32>,
          tpu.vector_store %arg10[%swap3A_1010, %swap3A_1011], %mul3A_1009 {strides = array<i32>} : memref<80x128xf32, #tpu.memory_space<vmem>>, vector<16xf32>,
          %get3A_1013 = arith.index_cast %add3A_986 : i32 to index
          %get3A_1014 = arith.constant 48 : index
          %get3A_1015 = tpu.vector_load %arg10[%get3A_1013, %get3A_1014] {strides = array<i32>} : memref<80x128xf32, #tpu.memory_space<vmem>>, vector<16xf32>,
          %mul3A_1016 = vector.broadcast %squeeze3A_988 : f32 to vector<16xf32>
          %mul3A_1017 = arith.mulf %get3A_1015, %mul3A_1016 : vector<16xf32>
          %swap3A_1018 = arith.index_cast %add3A_986 : i32 to index
          %swap3A_1019 = arith.constant 48 : index
          %swap3A_1020 = tpu.vector_load %arg10[%swap3A_1018, %swap3A_1019] {strides = array<i32>} : memref<80x128xf32, #tpu.memory_space<vmem>>, vector<16xf32>,
          tpu.vector_store %arg10[%swap3A_1018, %swap3A_1019], %mul3A_1017 {strides = array<i32>} : memref<80x128xf32, #tpu.memory_space<vmem>>, vector<16xf32>,
          %get3A_1021 = arith.index_cast %add3A_986 : i32 to index
          %get3A_1022 = arith.constant 64 : index
          %get3A_1023 = tpu.vector_load %arg10[%get3A_1021, %get3A_1022] {strides = array<i32>} : memref<80x128xf32, #tpu.memory_space<vmem>>, vector<16xf32>,
          %mul3A_1024 = vector.broadcast %squeeze3A_988 : f32 to vector<16xf32>
          %mul3A_1025 = arith.mulf %get3A_1023, %mul3A_1024 : vector<16xf32>
          %swap3A_1026 = arith.index_cast %add3A_986 : i32 to index
          %swap3A_1027 = arith.constant 64 : index
          %swap3A_1028 = tpu.vector_load %arg10[%swap3A_1026, %swap3A_1027] {strides = array<i32>} : memref<80x128xf32, #tpu.memory_space<vmem>>, vector<16xf32>,
          tpu.vector_store %arg10[%swap3A_1026, %swap3A_1027], %mul3A_1025 {strides = array<i32>} : memref<80x128xf32, #tpu.memory_space<vmem>>, vector<16xf32>,
          %get3A_1029 = arith.index_cast %add3A_986 : i32 to index
          %get3A_1030 = arith.constant 80 : index
          %get3A_1031 = tpu.vector_load %arg10[%get3A_1029, %get3A_1030] {strides = array<i32>} : memref<80x128xf32, #tpu.memory_space<vmem>>, vector<16xf32>,
          %mul3A_1032 = vector.broadcast %squeeze3A_988 : f32 to vector<16xf32>
          %mul3A_1033 = arith.mulf %get3A_1031, %mul3A_1032 : vector<16xf32>
          %swap3A_1034 = arith.index_cast %add3A_986 : i32 to index
          %swap3A_1035 = arith.constant 80 : index
          %swap3A_1036 = tpu.vector_load %arg10[%swap3A_1034, %swap3A_1035] {strides = array<i32>} : memref<80x128xf32, #tpu.memory_space<vmem>>, vector<16xf32>,
          tpu.vector_store %arg10[%swap3A_1034, %swap3A_1035], %mul3A_1033 {strides = array<i32>} : memref<80x128xf32, #tpu.memory_space<vmem>>, vector<16xf32>,
          %get3A_1037 = arith.index_cast %add3A_986 : i32 to index
          %get3A_1038 = arith.constant 96 : index
          %get3A_1039 = tpu.vector_load %arg10[%get3A_1037, %get3A_1038] {strides = array<i32>} : memref<80x128xf32, #tpu.memory_space<vmem>>, vector<16xf32>,
          %mul3A_1040 = vector.broadcast %squeeze3A_988 : f32 to vector<16xf32>
          %mul3A_1041 = arith.mulf %get3A_1039, %mul3A_1040 : vector<16xf32>
          %swap3A_1042 = arith.index_cast %add3A_986 : i32 to index
          %swap3A_1043 = arith.constant 96 : index
          %swap3A_1044 = tpu.vector_load %arg10[%swap3A_1042, %swap3A_1043] {strides = array<i32>} : memref<80x128xf32, #tpu.memory_space<vmem>>, vector<16xf32>,
          tpu.vector_store %arg10[%swap3A_1042, %swap3A_1043], %mul3A_1041 {strides = array<i32>} : memref<80x128xf32, #tpu.memory_space<vmem>>, vector<16xf32>,
          %get3A_1045 = arith.index_cast %add3A_986 : i32 to index
          %get3A_1046 = arith.constant 112 : index
          %get3A_1047 = tpu.vector_load %arg10[%get3A_1045, %get3A_1046] {strides = array<i32>} : memref<80x128xf32, #tpu.memory_space<vmem>>, vector<16xf32>,
          %mul3A_1048 = vector.broadcast %squeeze3A_988 : f32 to vector<16xf32>
          %mul3A_1049 = arith.mulf %get3A_1047, %mul3A_1048 : vector<16xf32>
          %swap3A_1050 = arith.index_cast %add3A_986 : i32 to index
          %swap3A_1051 = arith.constant 112 : index
          %swap3A_1052 = tpu.vector_load %arg10[%swap3A_1050, %swap3A_1051] {strides = array<i32>} : memref<80x128xf32, #tpu.memory_space<vmem>>, vector<16xf32>,
          tpu.vector_store %arg10[%swap3A_1050, %swap3A_1051], %mul3A_1049 {strides = array<i32>} : memref<80x128xf32, #tpu.memory_space<vmem>>, vector<16xf32>,
          %mul3A_1053 = arith.constant 16 : i32
          %mul3A_1054 = arith.muli %scan3A_204, %mul3A_1053 : i32
          %add3A_1055 = arith.constant 12 : i32
          %add3A_1056 = arith.addi %mul3A_1054, %add3A_1055 : i32
          %slice3A_1057 = vector.extract_strided_slice %exp3A {offsets = [12], sizes = [1], strides = [1]} : vector<16xf32> to vector<1xf32>
          %squeeze3A_1058 = vector.extract %slice3A_1057[0] : f32 from vector<1xf32>
          %get3A_1059 = arith.index_cast %add3A_1056 : i32 to index
          %get3A_1060 = arith.constant 0 : index
          %get3A_1061 = tpu.vector_load %arg10[%get3A_1059, %get3A_1060] {strides = array<i32>} : memref<80x128xf32, #tpu.memory_space<vmem>>, vector<16xf32>,
          %mul3A_1062 = vector.broadcast %squeeze3A_1058 : f32 to vector<16xf32>
          %mul3A_1063 = arith.mulf %get3A_1061, %mul3A_1062 : vector<16xf32>
          %swap3A_1064 = arith.index_cast %add3A_1056 : i32 to index
          %swap3A_1065 = arith.constant 0 : index
          %swap3A_1066 = tpu.vector_load %arg10[%swap3A_1064, %swap3A_1065] {strides = array<i32>} : memref<80x128xf32, #tpu.memory_space<vmem>>, vector<16xf32>,
          tpu.vector_store %arg10[%swap3A_1064, %swap3A_1065], %mul3A_1063 {strides = array<i32>} : memref<80x128xf32, #tpu.memory_space<vmem>>, vector<16xf32>,
          %get3A_1067 = arith.index_cast %add3A_1056 : i32 to index
          %get3A_1068 = arith.constant 16 : index
          %get3A_1069 = tpu.vector_load %arg10[%get3A_1067, %get3A_1068] {strides = array<i32>} : memref<80x128xf32, #tpu.memory_space<vmem>>, vector<16xf32>,
          %mul3A_1070 = vector.broadcast %squeeze3A_1058 : f32 to vector<16xf32>
          %mul3A_1071 = arith.mulf %get3A_1069, %mul3A_1070 : vector<16xf32>
          %swap3A_1072 = arith.index_cast %add3A_1056 : i32 to index
          %swap3A_1073 = arith.constant 16 : index
          %swap3A_1074 = tpu.vector_load %arg10[%swap3A_1072, %swap3A_1073] {strides = array<i32>} : memref<80x128xf32, #tpu.memory_space<vmem>>, vector<16xf32>,
          tpu.vector_store %arg10[%swap3A_1072, %swap3A_1073], %mul3A_1071 {strides = array<i32>} : memref<80x128xf32, #tpu.memory_space<vmem>>, vector<16xf32>,
          %get3A_1075 = arith.index_cast %add3A_1056 : i32 to index
          %get3A_1076 = arith.constant 32 : index
          %get3A_1077 = tpu.vector_load %arg10[%get3A_1075, %get3A_1076] {strides = array<i32>} : memref<80x128xf32, #tpu.memory_space<vmem>>, vector<16xf32>,
          %mul3A_1078 = vector.broadcast %squeeze3A_1058 : f32 to vector<16xf32>
          %mul3A_1079 = arith.mulf %get3A_1077, %mul3A_1078 : vector<16xf32>
          %swap3A_1080 = arith.index_cast %add3A_1056 : i32 to index
          %swap3A_1081 = arith.constant 32 : index
          %swap3A_1082 = tpu.vector_load %arg10[%swap3A_1080, %swap3A_1081] {strides = array<i32>} : memref<80x128xf32, #tpu.memory_space<vmem>>, vector<16xf32>,
          tpu.vector_store %arg10[%swap3A_1080, %swap3A_1081], %mul3A_1079 {strides = array<i32>} : memref<80x128xf32, #tpu.memory_space<vmem>>, vector<16xf32>,
          %get3A_1083 = arith.index_cast %add3A_1056 : i32 to index
          %get3A_1084 = arith.constant 48 : index
          %get3A_1085 = tpu.vector_load %arg10[%get3A_1083, %get3A_1084] {strides = array<i32>} : memref<80x128xf32, #tpu.memory_space<vmem>>, vector<16xf32>,
          %mul3A_1086 = vector.broadcast %squeeze3A_1058 : f32 to vector<16xf32>
          %mul3A_1087 = arith.mulf %get3A_1085, %mul3A_1086 : vector<16xf32>
          %swap3A_1088 = arith.index_cast %add3A_1056 : i32 to index
          %swap3A_1089 = arith.constant 48 : index
          %swap3A_1090 = tpu.vector_load %arg10[%swap3A_1088, %swap3A_1089] {strides = array<i32>} : memref<80x128xf32, #tpu.memory_space<vmem>>, vector<16xf32>,
          tpu.vector_store %arg10[%swap3A_1088, %swap3A_1089], %mul3A_1087 {strides = array<i32>} : memref<80x128xf32, #tpu.memory_space<vmem>>, vector<16xf32>,
          %get3A_1091 = arith.index_cast %add3A_1056 : i32 to index
          %get3A_1092 = arith.constant 64 : index
          %get3A_1093 = tpu.vector_load %arg10[%get3A_1091, %get3A_1092] {strides = array<i32>} : memref<80x128xf32, #tpu.memory_space<vmem>>, vector<16xf32>,
          %mul3A_1094 = vector.broadcast %squeeze3A_1058 : f32 to vector<16xf32>
          %mul3A_1095 = arith.mulf %get3A_1093, %mul3A_1094 : vector<16xf32>
          %swap3A_1096 = arith.index_cast %add3A_1056 : i32 to index
          %swap3A_1097 = arith.constant 64 : index
          %swap3A_1098 = tpu.vector_load %arg10[%swap3A_1096, %swap3A_1097] {strides = array<i32>} : memref<80x128xf32, #tpu.memory_space<vmem>>, vector<16xf32>,
          tpu.vector_store %arg10[%swap3A_1096, %swap3A_1097], %mul3A_1095 {strides = array<i32>} : memref<80x128xf32, #tpu.memory_space<vmem>>, vector<16xf32>,
          %get3A_1099 = arith.index_cast %add3A_1056 : i32 to index
          %get3A_1100 = arith.constant 80 : index
          %get3A_1101 = tpu.vector_load %arg10[%get3A_1099, %get3A_1100] {strides = array<i32>} : memref<80x128xf32, #tpu.memory_space<vmem>>, vector<16xf32>,
          %mul3A_1102 = vector.broadcast %squeeze3A_1058 : f32 to vector<16xf32>
          %mul3A_1103 = arith.mulf %get3A_1101, %mul3A_1102 : vector<16xf32>
          %swap3A_1104 = arith.index_cast %add3A_1056 : i32 to index
          %swap3A_1105 = arith.constant 80 : index
          %swap3A_1106 = tpu.vector_load %arg10[%swap3A_1104, %swap3A_1105] {strides = array<i32>} : memref<80x128xf32, #tpu.memory_space<vmem>>, vector<16xf32>,
          tpu.vector_store %arg10[%swap3A_1104, %swap3A_1105], %mul3A_1103 {strides = array<i32>} : memref<80x128xf32, #tpu.memory_space<vmem>>, vector<16xf32>,
          %get3A_1107 = arith.index_cast %add3A_1056 : i32 to index
          %get3A_1108 = arith.constant 96 : index
          %get3A_1109 = tpu.vector_load %arg10[%get3A_1107, %get3A_1108] {strides = array<i32>} : memref<80x128xf32, #tpu.memory_space<vmem>>, vector<16xf32>,
          %mul3A_1110 = vector.broadcast %squeeze3A_1058 : f32 to vector<16xf32>
          %mul3A_1111 = arith.mulf %get3A_1109, %mul3A_1110 : vector<16xf32>
          %swap3A_1112 = arith.index_cast %add3A_1056 : i32 to index
          %swap3A_1113 = arith.constant 96 : index
          %swap3A_1114 = tpu.vector_load %arg10[%swap3A_1112, %swap3A_1113] {strides = array<i32>} : memref<80x128xf32, #tpu.memory_space<vmem>>, vector<16xf32>,
          tpu.vector_store %arg10[%swap3A_1112, %swap3A_1113], %mul3A_1111 {strides = array<i32>} : memref<80x128xf32, #tpu.memory_space<vmem>>, vector<16xf32>,
          %get3A_1115 = arith.index_cast %add3A_1056 : i32 to index
          %get3A_1116 = arith.constant 112 : index
          %get3A_1117 = tpu.vector_load %arg10[%get3A_1115, %get3A_1116] {strides = array<i32>} : memref<80x128xf32, #tpu.memory_space<vmem>>, vector<16xf32>,
          %mul3A_1118 = vector.broadcast %squeeze3A_1058 : f32 to vector<16xf32>
          %mul3A_1119 = arith.mulf %get3A_1117, %mul3A_1118 : vector<16xf32>
          %swap3A_1120 = arith.index_cast %add3A_1056 : i32 to index
          %swap3A_1121 = arith.constant 112 : index
          %swap3A_1122 = tpu.vector_load %arg10[%swap3A_1120, %swap3A_1121] {strides = array<i32>} : memref<80x128xf32, #tpu.memory_space<vmem>>, vector<16xf32>,
          tpu.vector_store %arg10[%swap3A_1120, %swap3A_1121], %mul3A_1119 {strides = array<i32>} : memref<80x128xf32, #tpu.memory_space<vmem>>, vector<16xf32>,
          %mul3A_1123 = arith.constant 16 : i32
          %mul3A_1124 = arith.muli %scan3A_204, %mul3A_1123 : i32
          %add3A_1125 = arith.constant 13 : i32
          %add3A_1126 = arith.addi %mul3A_1124, %add3A_1125 : i32
          %slice3A_1127 = vector.extract_strided_slice %exp3A {offsets = [13], sizes = [1], strides = [1]} : vector<16xf32> to vector<1xf32>
          %squeeze3A_1128 = vector.extract %slice3A_1127[0] : f32 from vector<1xf32>
          %get3A_1129 = arith.index_cast %add3A_1126 : i32 to index
          %get3A_1130 = arith.constant 0 : index
          %get3A_1131 = tpu.vector_load %arg10[%get3A_1129, %get3A_1130] {strides = array<i32>} : memref<80x128xf32, #tpu.memory_space<vmem>>, vector<16xf32>,
          %mul3A_1132 = vector.broadcast %squeeze3A_1128 : f32 to vector<16xf32>
          %mul3A_1133 = arith.mulf %get3A_1131, %mul3A_1132 : vector<16xf32>
          %swap3A_1134 = arith.index_cast %add3A_1126 : i32 to index
          %swap3A_1135 = arith.constant 0 : index
          %swap3A_1136 = tpu.vector_load %arg10[%swap3A_1134, %swap3A_1135] {strides = array<i32>} : memref<80x128xf32, #tpu.memory_space<vmem>>, vector<16xf32>,
          tpu.vector_store %arg10[%swap3A_1134, %swap3A_1135], %mul3A_1133 {strides = array<i32>} : memref<80x128xf32, #tpu.memory_space<vmem>>, vector<16xf32>,
          %get3A_1137 = arith.index_cast %add3A_1126 : i32 to index
          %get3A_1138 = arith.constant 16 : index
          %get3A_1139 = tpu.vector_load %arg10[%get3A_1137, %get3A_1138] {strides = array<i32>} : memref<80x128xf32, #tpu.memory_space<vmem>>, vector<16xf32>,
          %mul3A_1140 = vector.broadcast %squeeze3A_1128 : f32 to vector<16xf32>
          %mul3A_1141 = arith.mulf %get3A_1139, %mul3A_1140 : vector<16xf32>
          %swap3A_1142 = arith.index_cast %add3A_1126 : i32 to index
          %swap3A_1143 = arith.constant 16 : index
          %swap3A_1144 = tpu.vector_load %arg10[%swap3A_1142, %swap3A_1143] {strides = array<i32>} : memref<80x128xf32, #tpu.memory_space<vmem>>, vector<16xf32>,
          tpu.vector_store %arg10[%swap3A_1142, %swap3A_1143], %mul3A_1141 {strides = array<i32>} : memref<80x128xf32, #tpu.memory_space<vmem>>, vector<16xf32>,
          %get3A_1145 = arith.index_cast %add3A_1126 : i32 to index
          %get3A_1146 = arith.constant 32 : index
          %get3A_1147 = tpu.vector_load %arg10[%get3A_1145, %get3A_1146] {strides = array<i32>} : memref<80x128xf32, #tpu.memory_space<vmem>>, vector<16xf32>,
          %mul3A_1148 = vector.broadcast %squeeze3A_1128 : f32 to vector<16xf32>
          %mul3A_1149 = arith.mulf %get3A_1147, %mul3A_1148 : vector<16xf32>
          %swap3A_1150 = arith.index_cast %add3A_1126 : i32 to index
          %swap3A_1151 = arith.constant 32 : index
          %swap3A_1152 = tpu.vector_load %arg10[%swap3A_1150, %swap3A_1151] {strides = array<i32>} : memref<80x128xf32, #tpu.memory_space<vmem>>, vector<16xf32>,
          tpu.vector_store %arg10[%swap3A_1150, %swap3A_1151], %mul3A_1149 {strides = array<i32>} : memref<80x128xf32, #tpu.memory_space<vmem>>, vector<16xf32>,
          %get3A_1153 = arith.index_cast %add3A_1126 : i32 to index
          %get3A_1154 = arith.constant 48 : index
          %get3A_1155 = tpu.vector_load %arg10[%get3A_1153, %get3A_1154] {strides = array<i32>} : memref<80x128xf32, #tpu.memory_space<vmem>>, vector<16xf32>,
          %mul3A_1156 = vector.broadcast %squeeze3A_1128 : f32 to vector<16xf32>
          %mul3A_1157 = arith.mulf %get3A_1155, %mul3A_1156 : vector<16xf32>
          %swap3A_1158 = arith.index_cast %add3A_1126 : i32 to index
          %swap3A_1159 = arith.constant 48 : index
          %swap3A_1160 = tpu.vector_load %arg10[%swap3A_1158, %swap3A_1159] {strides = array<i32>} : memref<80x128xf32, #tpu.memory_space<vmem>>, vector<16xf32>,
          tpu.vector_store %arg10[%swap3A_1158, %swap3A_1159], %mul3A_1157 {strides = array<i32>} : memref<80x128xf32, #tpu.memory_space<vmem>>, vector<16xf32>,
          %get3A_1161 = arith.index_cast %add3A_1126 : i32 to index
          %get3A_1162 = arith.constant 64 : index
          %get3A_1163 = tpu.vector_load %arg10[%get3A_1161, %get3A_1162] {strides = array<i32>} : memref<80x128xf32, #tpu.memory_space<vmem>>, vector<16xf32>,
          %mul3A_1164 = vector.broadcast %squeeze3A_1128 : f32 to vector<16xf32>
          %mul3A_1165 = arith.mulf %get3A_1163, %mul3A_1164 : vector<16xf32>
          %swap3A_1166 = arith.index_cast %add3A_1126 : i32 to index
          %swap3A_1167 = arith.constant 64 : index
          %swap3A_1168 = tpu.vector_load %arg10[%swap3A_1166, %swap3A_1167] {strides = array<i32>} : memref<80x128xf32, #tpu.memory_space<vmem>>, vector<16xf32>,
          tpu.vector_store %arg10[%swap3A_1166, %swap3A_1167], %mul3A_1165 {strides = array<i32>} : memref<80x128xf32, #tpu.memory_space<vmem>>, vector<16xf32>,
          %get3A_1169 = arith.index_cast %add3A_1126 : i32 to index
          %get3A_1170 = arith.constant 80 : index
          %get3A_1171 = tpu.vector_load %arg10[%get3A_1169, %get3A_1170] {strides = array<i32>} : memref<80x128xf32, #tpu.memory_space<vmem>>, vector<16xf32>,
          %mul3A_1172 = vector.broadcast %squeeze3A_1128 : f32 to vector<16xf32>
          %mul3A_1173 = arith.mulf %get3A_1171, %mul3A_1172 : vector<16xf32>
          %swap3A_1174 = arith.index_cast %add3A_1126 : i32 to index
          %swap3A_1175 = arith.constant 80 : index
          %swap3A_1176 = tpu.vector_load %arg10[%swap3A_1174, %swap3A_1175] {strides = array<i32>} : memref<80x128xf32, #tpu.memory_space<vmem>>, vector<16xf32>,
          tpu.vector_store %arg10[%swap3A_1174, %swap3A_1175], %mul3A_1173 {strides = array<i32>} : memref<80x128xf32, #tpu.memory_space<vmem>>, vector<16xf32>,
          %get3A_1177 = arith.index_cast %add3A_1126 : i32 to index
          %get3A_1178 = arith.constant 96 : index
          %get3A_1179 = tpu.vector_load %arg10[%get3A_1177, %get3A_1178] {strides = array<i32>} : memref<80x128xf32, #tpu.memory_space<vmem>>, vector<16xf32>,
          %mul3A_1180 = vector.broadcast %squeeze3A_1128 : f32 to vector<16xf32>
          %mul3A_1181 = arith.mulf %get3A_1179, %mul3A_1180 : vector<16xf32>
          %swap3A_1182 = arith.index_cast %add3A_1126 : i32 to index
          %swap3A_1183 = arith.constant 96 : index
          %swap3A_1184 = tpu.vector_load %arg10[%swap3A_1182, %swap3A_1183] {strides = array<i32>} : memref<80x128xf32, #tpu.memory_space<vmem>>, vector<16xf32>,
          tpu.vector_store %arg10[%swap3A_1182, %swap3A_1183], %mul3A_1181 {strides = array<i32>} : memref<80x128xf32, #tpu.memory_space<vmem>>, vector<16xf32>,
          %get3A_1185 = arith.index_cast %add3A_1126 : i32 to index
          %get3A_1186 = arith.constant 112 : index
          %get3A_1187 = tpu.vector_load %arg10[%get3A_1185, %get3A_1186] {strides = array<i32>} : memref<80x128xf32, #tpu.memory_space<vmem>>, vector<16xf32>,
          %mul3A_1188 = vector.broadcast %squeeze3A_1128 : f32 to vector<16xf32>
          %mul3A_1189 = arith.mulf %get3A_1187, %mul3A_1188 : vector<16xf32>
          %swap3A_1190 = arith.index_cast %add3A_1126 : i32 to index
          %swap3A_1191 = arith.constant 112 : index
          %swap3A_1192 = tpu.vector_load %arg10[%swap3A_1190, %swap3A_1191] {strides = array<i32>} : memref<80x128xf32, #tpu.memory_space<vmem>>, vector<16xf32>,
          tpu.vector_store %arg10[%swap3A_1190, %swap3A_1191], %mul3A_1189 {strides = array<i32>} : memref<80x128xf32, #tpu.memory_space<vmem>>, vector<16xf32>,
          %mul3A_1193 = arith.constant 16 : i32
          %mul3A_1194 = arith.muli %scan3A_204, %mul3A_1193 : i32
          %add3A_1195 = arith.constant 14 : i32
          %add3A_1196 = arith.addi %mul3A_1194, %add3A_1195 : i32
          %slice3A_1197 = vector.extract_strided_slice %exp3A {offsets = [14], sizes = [1], strides = [1]} : vector<16xf32> to vector<1xf32>
          %squeeze3A_1198 = vector.extract %slice3A_1197[0] : f32 from vector<1xf32>
          %get3A_1199 = arith.index_cast %add3A_1196 : i32 to index
          %get3A_1200 = arith.constant 0 : index
          %get3A_1201 = tpu.vector_load %arg10[%get3A_1199, %get3A_1200] {strides = array<i32>} : memref<80x128xf32, #tpu.memory_space<vmem>>, vector<16xf32>,
          %mul3A_1202 = vector.broadcast %squeeze3A_1198 : f32 to vector<16xf32>
          %mul3A_1203 = arith.mulf %get3A_1201, %mul3A_1202 : vector<16xf32>
          %swap3A_1204 = arith.index_cast %add3A_1196 : i32 to index
          %swap3A_1205 = arith.constant 0 : index
          %swap3A_1206 = tpu.vector_load %arg10[%swap3A_1204, %swap3A_1205] {strides = array<i32>} : memref<80x128xf32, #tpu.memory_space<vmem>>, vector<16xf32>,
          tpu.vector_store %arg10[%swap3A_1204, %swap3A_1205], %mul3A_1203 {strides = array<i32>} : memref<80x128xf32, #tpu.memory_space<vmem>>, vector<16xf32>,
          %get3A_1207 = arith.index_cast %add3A_1196 : i32 to index
          %get3A_1208 = arith.constant 16 : index
          %get3A_1209 = tpu.vector_load %arg10[%get3A_1207, %get3A_1208] {strides = array<i32>} : memref<80x128xf32, #tpu.memory_space<vmem>>, vector<16xf32>,
          %mul3A_1210 = vector.broadcast %squeeze3A_1198 : f32 to vector<16xf32>
          %mul3A_1211 = arith.mulf %get3A_1209, %mul3A_1210 : vector<16xf32>
          %swap3A_1212 = arith.index_cast %add3A_1196 : i32 to index
          %swap3A_1213 = arith.constant 16 : index
          %swap3A_1214 = tpu.vector_load %arg10[%swap3A_1212, %swap3A_1213] {strides = array<i32>} : memref<80x128xf32, #tpu.memory_space<vmem>>, vector<16xf32>,
          tpu.vector_store %arg10[%swap3A_1212, %swap3A_1213], %mul3A_1211 {strides = array<i32>} : memref<80x128xf32, #tpu.memory_space<vmem>>, vector<16xf32>,
          %get3A_1215 = arith.index_cast %add3A_1196 : i32 to index
          %get3A_1216 = arith.constant 32 : index
          %get3A_1217 = tpu.vector_load %arg10[%get3A_1215, %get3A_1216] {strides = array<i32>} : memref<80x128xf32, #tpu.memory_space<vmem>>, vector<16xf32>,
          %mul3A_1218 = vector.broadcast %squeeze3A_1198 : f32 to vector<16xf32>
          %mul3A_1219 = arith.mulf %get3A_1217, %mul3A_1218 : vector<16xf32>
          %swap3A_1220 = arith.index_cast %add3A_1196 : i32 to index
          %swap3A_1221 = arith.constant 32 : index
          %swap3A_1222 = tpu.vector_load %arg10[%swap3A_1220, %swap3A_1221] {strides = array<i32>} : memref<80x128xf32, #tpu.memory_space<vmem>>, vector<16xf32>,
          tpu.vector_store %arg10[%swap3A_1220, %swap3A_1221], %mul3A_1219 {strides = array<i32>} : memref<80x128xf32, #tpu.memory_space<vmem>>, vector<16xf32>,
          %get3A_1223 = arith.index_cast %add3A_1196 : i32 to index
          %get3A_1224 = arith.constant 48 : index
          %get3A_1225 = tpu.vector_load %arg10[%get3A_1223, %get3A_1224] {strides = array<i32>} : memref<80x128xf32, #tpu.memory_space<vmem>>, vector<16xf32>,
          %mul3A_1226 = vector.broadcast %squeeze3A_1198 : f32 to vector<16xf32>
          %mul3A_1227 = arith.mulf %get3A_1225, %mul3A_1226 : vector<16xf32>
          %swap3A_1228 = arith.index_cast %add3A_1196 : i32 to index
          %swap3A_1229 = arith.constant 48 : index
          %swap3A_1230 = tpu.vector_load %arg10[%swap3A_1228, %swap3A_1229] {strides = array<i32>} : memref<80x128xf32, #tpu.memory_space<vmem>>, vector<16xf32>,
          tpu.vector_store %arg10[%swap3A_1228, %swap3A_1229], %mul3A_1227 {strides = array<i32>} : memref<80x128xf32, #tpu.memory_space<vmem>>, vector<16xf32>,
          %get3A_1231 = arith.index_cast %add3A_1196 : i32 to index
          %get3A_1232 = arith.constant 64 : index
          %get3A_1233 = tpu.vector_load %arg10[%get3A_1231, %get3A_1232] {strides = array<i32>} : memref<80x128xf32, #tpu.memory_space<vmem>>, vector<16xf32>,
          %mul3A_1234 = vector.broadcast %squeeze3A_1198 : f32 to vector<16xf32>
          %mul3A_1235 = arith.mulf %get3A_1233, %mul3A_1234 : vector<16xf32>
          %swap3A_1236 = arith.index_cast %add3A_1196 : i32 to index
          %swap3A_1237 = arith.constant 64 : index
          %swap3A_1238 = tpu.vector_load %arg10[%swap3A_1236, %swap3A_1237] {strides = array<i32>} : memref<80x128xf32, #tpu.memory_space<vmem>>, vector<16xf32>,
          tpu.vector_store %arg10[%swap3A_1236, %swap3A_1237], %mul3A_1235 {strides = array<i32>} : memref<80x128xf32, #tpu.memory_space<vmem>>, vector<16xf32>,
          %get3A_1239 = arith.index_cast %add3A_1196 : i32 to index
          %get3A_1240 = arith.constant 80 : index
          %get3A_1241 = tpu.vector_load %arg10[%get3A_1239, %get3A_1240] {strides = array<i32>} : memref<80x128xf32, #tpu.memory_space<vmem>>, vector<16xf32>,
          %mul3A_1242 = vector.broadcast %squeeze3A_1198 : f32 to vector<16xf32>
          %mul3A_1243 = arith.mulf %get3A_1241, %mul3A_1242 : vector<16xf32>
          %swap3A_1244 = arith.index_cast %add3A_1196 : i32 to index
          %swap3A_1245 = arith.constant 80 : index
          %swap3A_1246 = tpu.vector_load %arg10[%swap3A_1244, %swap3A_1245] {strides = array<i32>} : memref<80x128xf32, #tpu.memory_space<vmem>>, vector<16xf32>,
          tpu.vector_store %arg10[%swap3A_1244, %swap3A_1245], %mul3A_1243 {strides = array<i32>} : memref<80x128xf32, #tpu.memory_space<vmem>>, vector<16xf32>,
          %get3A_1247 = arith.index_cast %add3A_1196 : i32 to index
          %get3A_1248 = arith.constant 96 : index
          %get3A_1249 = tpu.vector_load %arg10[%get3A_1247, %get3A_1248] {strides = array<i32>} : memref<80x128xf32, #tpu.memory_space<vmem>>, vector<16xf32>,
          %mul3A_1250 = vector.broadcast %squeeze3A_1198 : f32 to vector<16xf32>
          %mul3A_1251 = arith.mulf %get3A_1249, %mul3A_1250 : vector<16xf32>
          %swap3A_1252 = arith.index_cast %add3A_1196 : i32 to index
          %swap3A_1253 = arith.constant 96 : index
          %swap3A_1254 = tpu.vector_load %arg10[%swap3A_1252, %swap3A_1253] {strides = array<i32>} : memref<80x128xf32, #tpu.memory_space<vmem>>, vector<16xf32>,
          tpu.vector_store %arg10[%swap3A_1252, %swap3A_1253], %mul3A_1251 {strides = array<i32>} : memref<80x128xf32, #tpu.memory_space<vmem>>, vector<16xf32>,
          %get3A_1255 = arith.index_cast %add3A_1196 : i32 to index
          %get3A_1256 = arith.constant 112 : index
          %get3A_1257 = tpu.vector_load %arg10[%get3A_1255, %get3A_1256] {strides = array<i32>} : memref<80x128xf32, #tpu.memory_space<vmem>>, vector<16xf32>,
          %mul3A_1258 = vector.broadcast %squeeze3A_1198 : f32 to vector<16xf32>
          %mul3A_1259 = arith.mulf %get3A_1257, %mul3A_1258 : vector<16xf32>
          %swap3A_1260 = arith.index_cast %add3A_1196 : i32 to index
          %swap3A_1261 = arith.constant 112 : index
          %swap3A_1262 = tpu.vector_load %arg10[%swap3A_1260, %swap3A_1261] {strides = array<i32>} : memref<80x128xf32, #tpu.memory_space<vmem>>, vector<16xf32>,
          tpu.vector_store %arg10[%swap3A_1260, %swap3A_1261], %mul3A_1259 {strides = array<i32>} : memref<80x128xf32, #tpu.memory_space<vmem>>, vector<16xf32>,
          %mul3A_1263 = arith.constant 16 : i32
          %mul3A_1264 = arith.muli %scan3A_204, %mul3A_1263 : i32
          %add3A_1265 = arith.constant 15 : i32
          %add3A_1266 = arith.addi %mul3A_1264, %add3A_1265 : i32
          %slice3A_1267 = vector.extract_strided_slice %exp3A {offsets = [15], sizes = [1], strides = [1]} : vector<16xf32> to vector<1xf32>
          %squeeze3A_1268 = vector.extract %slice3A_1267[0] : f32 from vector<1xf32>
          %get3A_1269 = arith.index_cast %add3A_1266 : i32 to index
          %get3A_1270 = arith.constant 0 : index
          %get3A_1271 = tpu.vector_load %arg10[%get3A_1269, %get3A_1270] {strides = array<i32>} : memref<80x128xf32, #tpu.memory_space<vmem>>, vector<16xf32>,
          %mul3A_1272 = vector.broadcast %squeeze3A_1268 : f32 to vector<16xf32>
          %mul3A_1273 = arith.mulf %get3A_1271, %mul3A_1272 : vector<16xf32>
          %swap3A_1274 = arith.index_cast %add3A_1266 : i32 to index
          %swap3A_1275 = arith.constant 0 : index
          %swap3A_1276 = tpu.vector_load %arg10[%swap3A_1274, %swap3A_1275] {strides = array<i32>} : memref<80x128xf32, #tpu.memory_space<vmem>>, vector<16xf32>,
          tpu.vector_store %arg10[%swap3A_1274, %swap3A_1275], %mul3A_1273 {strides = array<i32>} : memref<80x128xf32, #tpu.memory_space<vmem>>, vector<16xf32>,
          %get3A_1277 = arith.index_cast %add3A_1266 : i32 to index
          %get3A_1278 = arith.constant 16 : index
          %get3A_1279 = tpu.vector_load %arg10[%get3A_1277, %get3A_1278] {strides = array<i32>} : memref<80x128xf32, #tpu.memory_space<vmem>>, vector<16xf32>,
          %mul3A_1280 = vector.broadcast %squeeze3A_1268 : f32 to vector<16xf32>
          %mul3A_1281 = arith.mulf %get3A_1279, %mul3A_1280 : vector<16xf32>
          %swap3A_1282 = arith.index_cast %add3A_1266 : i32 to index
          %swap3A_1283 = arith.constant 16 : index
          %swap3A_1284 = tpu.vector_load %arg10[%swap3A_1282, %swap3A_1283] {strides = array<i32>} : memref<80x128xf32, #tpu.memory_space<vmem>>, vector<16xf32>,
          tpu.vector_store %arg10[%swap3A_1282, %swap3A_1283], %mul3A_1281 {strides = array<i32>} : memref<80x128xf32, #tpu.memory_space<vmem>>, vector<16xf32>,
          %get3A_1285 = arith.index_cast %add3A_1266 : i32 to index
          %get3A_1286 = arith.constant 32 : index
          %get3A_1287 = tpu.vector_load %arg10[%get3A_1285, %get3A_1286] {strides = array<i32>} : memref<80x128xf32, #tpu.memory_space<vmem>>, vector<16xf32>,
          %mul3A_1288 = vector.broadcast %squeeze3A_1268 : f32 to vector<16xf32>
          %mul3A_1289 = arith.mulf %get3A_1287, %mul3A_1288 : vector<16xf32>
          %swap3A_1290 = arith.index_cast %add3A_1266 : i32 to index
          %swap3A_1291 = arith.constant 32 : index
          %swap3A_1292 = tpu.vector_load %arg10[%swap3A_1290, %swap3A_1291] {strides = array<i32>} : memref<80x128xf32, #tpu.memory_space<vmem>>, vector<16xf32>,
          tpu.vector_store %arg10[%swap3A_1290, %swap3A_1291], %mul3A_1289 {strides = array<i32>} : memref<80x128xf32, #tpu.memory_space<vmem>>, vector<16xf32>,
          %get3A_1293 = arith.index_cast %add3A_1266 : i32 to index
          %get3A_1294 = arith.constant 48 : index
          %get3A_1295 = tpu.vector_load %arg10[%get3A_1293, %get3A_1294] {strides = array<i32>} : memref<80x128xf32, #tpu.memory_space<vmem>>, vector<16xf32>,
          %mul3A_1296 = vector.broadcast %squeeze3A_1268 : f32 to vector<16xf32>
          %mul3A_1297 = arith.mulf %get3A_1295, %mul3A_1296 : vector<16xf32>
          %swap3A_1298 = arith.index_cast %add3A_1266 : i32 to index
          %swap3A_1299 = arith.constant 48 : index
          %swap3A_1300 = tpu.vector_load %arg10[%swap3A_1298, %swap3A_1299] {strides = array<i32>} : memref<80x128xf32, #tpu.memory_space<vmem>>, vector<16xf32>,
          tpu.vector_store %arg10[%swap3A_1298, %swap3A_1299], %mul3A_1297 {strides = array<i32>} : memref<80x128xf32, #tpu.memory_space<vmem>>, vector<16xf32>,
          %get3A_1301 = arith.index_cast %add3A_1266 : i32 to index
          %get3A_1302 = arith.constant 64 : index
          %get3A_1303 = tpu.vector_load %arg10[%get3A_1301, %get3A_1302] {strides = array<i32>} : memref<80x128xf32, #tpu.memory_space<vmem>>, vector<16xf32>,
          %mul3A_1304 = vector.broadcast %squeeze3A_1268 : f32 to vector<16xf32>
          %mul3A_1305 = arith.mulf %get3A_1303, %mul3A_1304 : vector<16xf32>
          %swap3A_1306 = arith.index_cast %add3A_1266 : i32 to index
          %swap3A_1307 = arith.constant 64 : index
          %swap3A_1308 = tpu.vector_load %arg10[%swap3A_1306, %swap3A_1307] {strides = array<i32>} : memref<80x128xf32, #tpu.memory_space<vmem>>, vector<16xf32>,
          tpu.vector_store %arg10[%swap3A_1306, %swap3A_1307], %mul3A_1305 {strides = array<i32>} : memref<80x128xf32, #tpu.memory_space<vmem>>, vector<16xf32>,
          %get3A_1309 = arith.index_cast %add3A_1266 : i32 to index
          %get3A_1310 = arith.constant 80 : index
          %get3A_1311 = tpu.vector_load %arg10[%get3A_1309, %get3A_1310] {strides = array<i32>} : memref<80x128xf32, #tpu.memory_space<vmem>>, vector<16xf32>,
          %mul3A_1312 = vector.broadcast %squeeze3A_1268 : f32 to vector<16xf32>
          %mul3A_1313 = arith.mulf %get3A_1311, %mul3A_1312 : vector<16xf32>
          %swap3A_1314 = arith.index_cast %add3A_1266 : i32 to index
          %swap3A_1315 = arith.constant 80 : index
          %swap3A_1316 = tpu.vector_load %arg10[%swap3A_1314, %swap3A_1315] {strides = array<i32>} : memref<80x128xf32, #tpu.memory_space<vmem>>, vector<16xf32>,
          tpu.vector_store %arg10[%swap3A_1314, %swap3A_1315], %mul3A_1313 {strides = array<i32>} : memref<80x128xf32, #tpu.memory_space<vmem>>, vector<16xf32>,
          %get3A_1317 = arith.index_cast %add3A_1266 : i32 to index
          %get3A_1318 = arith.constant 96 : index
          %get3A_1319 = tpu.vector_load %arg10[%get3A_1317, %get3A_1318] {strides = array<i32>} : memref<80x128xf32, #tpu.memory_space<vmem>>, vector<16xf32>,
          %mul3A_1320 = vector.broadcast %squeeze3A_1268 : f32 to vector<16xf32>
          %mul3A_1321 = arith.mulf %get3A_1319, %mul3A_1320 : vector<16xf32>
          %swap3A_1322 = arith.index_cast %add3A_1266 : i32 to index
          %swap3A_1323 = arith.constant 96 : index
          %swap3A_1324 = tpu.vector_load %arg10[%swap3A_1322, %swap3A_1323] {strides = array<i32>} : memref<80x128xf32, #tpu.memory_space<vmem>>, vector<16xf32>,
          tpu.vector_store %arg10[%swap3A_1322, %swap3A_1323], %mul3A_1321 {strides = array<i32>} : memref<80x128xf32, #tpu.memory_space<vmem>>, vector<16xf32>,
          %get3A_1325 = arith.index_cast %add3A_1266 : i32 to index
          %get3A_1326 = arith.constant 112 : index
          %get3A_1327 = tpu.vector_load %arg10[%get3A_1325, %get3A_1326] {strides = array<i32>} : memref<80x128xf32, #tpu.memory_space<vmem>>, vector<16xf32>,
          %mul3A_1328 = vector.broadcast %squeeze3A_1268 : f32 to vector<16xf32>
          %mul3A_1329 = arith.mulf %get3A_1327, %mul3A_1328 : vector<16xf32>
          %swap3A_1330 = arith.index_cast %add3A_1266 : i32 to index
          %swap3A_1331 = arith.constant 112 : index
          %swap3A_1332 = tpu.vector_load %arg10[%swap3A_1330, %swap3A_1331] {strides = array<i32>} : memref<80x128xf32, #tpu.memory_space<vmem>>, vector<16xf32>,
          tpu.vector_store %arg10[%swap3A_1330, %swap3A_1331], %mul3A_1329 {strides = array<i32>} : memref<80x128xf32, #tpu.memory_space<vmem>>, vector<16xf32>,
        }
        %scan3A_200 = arith.constant 5 : i32
        %dma_start3A_201 = arith.constant 0 : i32
        %dma_start3A_202 = arith.constant 0 : i32
        %dma_start3A_203 = tpu.memref_slice %arg8[%dma_start3A_201, %dma_start3A_202] : memref<10240x128xf32, #tpu.memory_space<vmem_shared>> -> memref<10240x128xf32, #tpu.memory_space<vmem_shared>>
        tpu.enqueue_indirect_dma source(%arg10 : memref<80x128xf32, #tpu.memory_space<vmem>>) target(%dma_start3A_203 : memref<10240x128xf32, #tpu.memory_space<vmem_shared>>) offsets(%arg13 : memref<80xi32, #tpu.memory_space<vmem>>) semaphore(%arg25 : memref<!tpu.dma_semaphore, #tpu.memory_space<semaphore_mem>>) {add = true}
      } else {
      }
      %mul3A_137 = arith.constant 3 : i32
      %mul3A_138 = arith.muli %mul3A_137, %scan3A_115 : i32
      %add3A_139 = arith.constant 1 : i32
      %add3A_140 = arith.addi %mul3A_138, %add3A_139 : i32
      %ge3A_141 = arith.constant 2 : i32
      %ge3A_142 = arith.cmpi sge, %add3A_140, %ge3A_141 : i32
      %lt3A_143 = arith.constant 127 : i32
      %lt3A_144 = arith.cmpi slt, %add3A_140, %lt3A_143 : i32
      %and3A_145 = arith.andi %ge3A_142, %lt3A_144 : i1
      %convert_element_type3A_146 = arith.extui %and3A_145 : i1 to i32
      %cond3A_147 = arith.constant 0 : i32
      %cond3A_148 = arith.cmpi ne, %convert_element_type3A_146, %cond3A_147 : i32
      scf.if %cond3A_148 {
        %dma_wait3A = arith.constant 0 : i32
        %dma_wait3A_185 = arith.constant 0 : i32
        %dma_wait3A_186 = tpu.memref_slice %arg8[%dma_wait3A, %dma_wait3A_185] : memref<10240x128xf32, #tpu.memory_space<vmem_shared>> -> memref<10240x128xf32, #tpu.memory_space<vmem_shared>>
        tpu.wait_indirect_dma semaphore(%arg27 : memref<!tpu.dma_semaphore, #tpu.memory_space<semaphore_mem>>) src(%arg12 : memref<80x128xf32, #tpu.memory_space<vmem>>) dst(%dma_wait3A_186 : memref<10240x128xf32, #tpu.memory_space<vmem_shared>>)
      } else {
      }
      %add3A_149 = arith.constant 1 : i32
      %add3A_150 = arith.addi %add3A_140, %add3A_149 : i32
      %lt3A_151 = arith.constant 125 : i32
      %lt3A_152 = arith.cmpi slt, %add3A_150, %lt3A_151 : i32
      %convert_element_type3A_153 = arith.extui %lt3A_152 : i1 to i32
      %cond3A_154 = arith.constant 0 : i32
      %cond3A_155 = arith.cmpi ne, %convert_element_type3A_153, %cond3A_154 : i32
      scf.if %cond3A_155 {
        %add3A_185 = arith.constant 1 : i32
        %add3A_186 = arith.addi %add3A_140, %add3A_185 : i32
        %mul3A_187 = arith.constant 80 : i32
        %mul3A_188 = arith.muli %add3A_186, %mul3A_187 : i32
        %add3A_189 = arith.addi %mul3A_2, %mul3A_188 : i32
        %dma_start3A_190 = arith.constant 0 : i32
        %dma_start3A_191 = tpu.memref_slice %arg2[%add3A_189, %dma_start3A_190] : memref<320000x128xf32, #tpu.memory_space<hbm>> -> memref<80x128xf32, #tpu.memory_space<hbm>>
        %dma_start3A_192 = arith.constant 0 : i32
        %dma_start3A_193 = tpu.memref_slice %arg2[%add3A_189, %dma_start3A_192] : memref<320000x128xf32, #tpu.memory_space<hbm>> -> memref<80x128xf32, #tpu.memory_space<hbm>>
        tpu.enqueue_dma source(%dma_start3A_193 : memref<80x128xf32, #tpu.memory_space<hbm>>) target(%arg12 : memref<80x128xf32, #tpu.memory_space<vmem>>) target_semaphore(%arg24 : memref<!tpu.dma_semaphore, #tpu.memory_space<semaphore_mem>>)
        %dma_start3A_194 = tpu.memref_slice %arg3[%add3A_189] : memref<320000xi32, #tpu.memory_space<hbm>> -> memref<80xi32, #tpu.memory_space<hbm>>
        %dma_start3A_195 = tpu.memref_slice %arg3[%add3A_189] : memref<320000xi32, #tpu.memory_space<hbm>> -> memref<80xi32, #tpu.memory_space<hbm>>
        tpu.enqueue_dma source(%dma_start3A_195 : memref<80xi32, #tpu.memory_space<hbm>>) target(%arg15 : memref<80xi32, #tpu.memory_space<vmem>>) target_semaphore(%arg24 : memref<!tpu.dma_semaphore, #tpu.memory_space<semaphore_mem>>)
        %dma_start3A_196 = tpu.memref_slice %arg4[%add3A_189] : memref<320000xf32, #tpu.memory_space<hbm>> -> memref<80xf32, #tpu.memory_space<hbm>>
        %dma_start3A_197 = tpu.memref_slice %arg4[%add3A_189] : memref<320000xf32, #tpu.memory_space<hbm>> -> memref<80xf32, #tpu.memory_space<hbm>>
        tpu.enqueue_dma source(%dma_start3A_197 : memref<80xf32, #tpu.memory_space<hbm>>) target(%arg18 : memref<80xf32, #tpu.memory_space<vmem>>) target_semaphore(%arg24 : memref<!tpu.dma_semaphore, #tpu.memory_space<semaphore_mem>>)
      } else {
      }
      %lt3A_156 = arith.constant 125 : i32
      %lt3A_157 = arith.cmpi slt, %add3A_140, %lt3A_156 : i32
      %convert_element_type3A_158 = arith.extui %lt3A_157 : i1 to i32
      %cond3A_159 = arith.constant 0 : i32
      %cond3A_160 = arith.cmpi ne, %convert_element_type3A_158, %cond3A_159 : i32
      scf.if %cond3A_160 {
        %mul3A_185 = arith.constant 80 : i32
        %mul3A_186 = arith.muli %add3A_140, %mul3A_185 : i32
        %add3A_187 = arith.addi %mul3A_2, %mul3A_186 : i32
        %dma_wait3A = arith.constant 0 : i32
        %dma_wait3A_188 = tpu.memref_slice %arg2[%add3A_187, %dma_wait3A] : memref<320000x128xf32, #tpu.memory_space<hbm>> -> memref<80x128xf32, #tpu.memory_space<hbm>>
        %dma_wait3A_189 = arith.constant 0 : i32
        %dma_wait3A_190 = tpu.memref_slice %arg2[%add3A_187, %dma_wait3A_189] : memref<320000x128xf32, #tpu.memory_space<hbm>> -> memref<80x128xf32, #tpu.memory_space<hbm>>
        tpu.wait_dma2 semaphore(%arg23 : memref<!tpu.dma_semaphore, #tpu.memory_space<semaphore_mem>>) src(%dma_wait3A_190 : memref<80x128xf32, #tpu.memory_space<hbm>>) dst(%arg11 : memref<80x128xf32, #tpu.memory_space<vmem>>)
        %dma_wait3A_191 = tpu.memref_slice %arg3[%add3A_187] : memref<320000xi32, #tpu.memory_space<hbm>> -> memref<80xi32, #tpu.memory_space<hbm>>
        %dma_wait3A_192 = tpu.memref_slice %arg3[%add3A_187] : memref<320000xi32, #tpu.memory_space<hbm>> -> memref<80xi32, #tpu.memory_space<hbm>>
        tpu.wait_dma2 semaphore(%arg23 : memref<!tpu.dma_semaphore, #tpu.memory_space<semaphore_mem>>) src(%dma_wait3A_192 : memref<80xi32, #tpu.memory_space<hbm>>) dst(%arg14 : memref<80xi32, #tpu.memory_space<vmem>>)
        %dma_wait3A_193 = tpu.memref_slice %arg4[%add3A_187] : memref<320000xf32, #tpu.memory_space<hbm>> -> memref<80xf32, #tpu.memory_space<hbm>>
        %dma_wait3A_194 = tpu.memref_slice %arg4[%add3A_187] : memref<320000xf32, #tpu.memory_space<hbm>> -> memref<80xf32, #tpu.memory_space<hbm>>
        tpu.wait_dma2 semaphore(%arg23 : memref<!tpu.dma_semaphore, #tpu.memory_space<semaphore_mem>>) src(%dma_wait3A_194 : memref<80xf32, #tpu.memory_space<hbm>>) dst(%arg17 : memref<80xf32, #tpu.memory_space<vmem>>)
        %scan3A_195 = arith.constant 0 : i32
        %scan3A_196 = arith.constant 0 : i32
        %scan3A_197 = arith.constant 5 : i32
        %scan3A_198 = arith.addi %scan3A_196, %scan3A_197 : i32
        %scan3A_199 = arith.constant 1 : i32
        scf.for %scan3A_204 = %scan3A_196 to %scan3A_198 step %scan3A_199  : i32 {
          %mul3A_205 = arith.constant 16 : i32
          %mul3A_206 = arith.muli %scan3A_204, %mul3A_205 : i32
          %get3A_207 = arith.index_cast %mul3A_206 : i32 to index
          %get3A_208 = tpu.vector_load %arg17[%get3A_207] {strides = array<i32>} : memref<80xf32, #tpu.memory_space<vmem>>, vector<16xf32>,
          %sub3A = vector.broadcast %squeeze3A : f32 to vector<16xf32>
          %sub3A_209 = arith.subf %get3A_208, %sub3A : vector<16xf32>
          %exp3A = math.exp %sub3A_209 : vector<16xf32>
          %mul3A_210 = arith.constant 16 : i32
          %mul3A_211 = arith.muli %scan3A_204, %mul3A_210 : i32
          %get3A_212 = arith.index_cast %mul3A_211 : i32 to index
          %get3A_213 = tpu.vector_load %arg14[%get3A_212] {strides = array<i32>} : memref<80xi32, #tpu.memory_space<vmem>>, vector<16xi32>,
          tpu.vector_store_idx %arg20[%get3A_213], %exp3A {add = true} : memref<10240xf32, #tpu.memory_space<vmem>>[vector<16xi32>], vector<16xf32>,
          %mul3A_214 = arith.constant 16 : i32
          %mul3A_215 = arith.muli %scan3A_204, %mul3A_214 : i32
          %add3A_216 = arith.constant 0 : i32
          %add3A_217 = arith.addi %mul3A_215, %add3A_216 : i32
          %slice3A_218 = vector.extract_strided_slice %exp3A {offsets = [0], sizes = [1], strides = [1]} : vector<16xf32> to vector<1xf32>
          %squeeze3A_219 = vector.extract %slice3A_218[0] : f32 from vector<1xf32>
          %get3A_220 = arith.index_cast %add3A_217 : i32 to index
          %get3A_221 = arith.constant 0 : index
          %get3A_222 = tpu.vector_load %arg11[%get3A_220, %get3A_221] {strides = array<i32>} : memref<80x128xf32, #tpu.memory_space<vmem>>, vector<16xf32>,
          %mul3A_223 = vector.broadcast %squeeze3A_219 : f32 to vector<16xf32>
          %mul3A_224 = arith.mulf %get3A_222, %mul3A_223 : vector<16xf32>
          %swap3A = arith.index_cast %add3A_217 : i32 to index
          %swap3A_225 = arith.constant 0 : index
          %swap3A_226 = tpu.vector_load %arg11[%swap3A, %swap3A_225] {strides = array<i32>} : memref<80x128xf32, #tpu.memory_space<vmem>>, vector<16xf32>,
          tpu.vector_store %arg11[%swap3A, %swap3A_225], %mul3A_224 {strides = array<i32>} : memref<80x128xf32, #tpu.memory_space<vmem>>, vector<16xf32>,
          %get3A_227 = arith.index_cast %add3A_217 : i32 to index
          %get3A_228 = arith.constant 16 : index
          %get3A_229 = tpu.vector_load %arg11[%get3A_227, %get3A_228] {strides = array<i32>} : memref<80x128xf32, #tpu.memory_space<vmem>>, vector<16xf32>,
          %mul3A_230 = vector.broadcast %squeeze3A_219 : f32 to vector<16xf32>
          %mul3A_231 = arith.mulf %get3A_229, %mul3A_230 : vector<16xf32>
          %swap3A_232 = arith.index_cast %add3A_217 : i32 to index
          %swap3A_233 = arith.constant 16 : index
          %swap3A_234 = tpu.vector_load %arg11[%swap3A_232, %swap3A_233] {strides = array<i32>} : memref<80x128xf32, #tpu.memory_space<vmem>>, vector<16xf32>,
          tpu.vector_store %arg11[%swap3A_232, %swap3A_233], %mul3A_231 {strides = array<i32>} : memref<80x128xf32, #tpu.memory_space<vmem>>, vector<16xf32>,
          %get3A_235 = arith.index_cast %add3A_217 : i32 to index
          %get3A_236 = arith.constant 32 : index
          %get3A_237 = tpu.vector_load %arg11[%get3A_235, %get3A_236] {strides = array<i32>} : memref<80x128xf32, #tpu.memory_space<vmem>>, vector<16xf32>,
          %mul3A_238 = vector.broadcast %squeeze3A_219 : f32 to vector<16xf32>
          %mul3A_239 = arith.mulf %get3A_237, %mul3A_238 : vector<16xf32>
          %swap3A_240 = arith.index_cast %add3A_217 : i32 to index
          %swap3A_241 = arith.constant 32 : index
          %swap3A_242 = tpu.vector_load %arg11[%swap3A_240, %swap3A_241] {strides = array<i32>} : memref<80x128xf32, #tpu.memory_space<vmem>>, vector<16xf32>,
          tpu.vector_store %arg11[%swap3A_240, %swap3A_241], %mul3A_239 {strides = array<i32>} : memref<80x128xf32, #tpu.memory_space<vmem>>, vector<16xf32>,
          %get3A_243 = arith.index_cast %add3A_217 : i32 to index
          %get3A_244 = arith.constant 48 : index
          %get3A_245 = tpu.vector_load %arg11[%get3A_243, %get3A_244] {strides = array<i32>} : memref<80x128xf32, #tpu.memory_space<vmem>>, vector<16xf32>,
          %mul3A_246 = vector.broadcast %squeeze3A_219 : f32 to vector<16xf32>
          %mul3A_247 = arith.mulf %get3A_245, %mul3A_246 : vector<16xf32>
          %swap3A_248 = arith.index_cast %add3A_217 : i32 to index
          %swap3A_249 = arith.constant 48 : index
          %swap3A_250 = tpu.vector_load %arg11[%swap3A_248, %swap3A_249] {strides = array<i32>} : memref<80x128xf32, #tpu.memory_space<vmem>>, vector<16xf32>,
          tpu.vector_store %arg11[%swap3A_248, %swap3A_249], %mul3A_247 {strides = array<i32>} : memref<80x128xf32, #tpu.memory_space<vmem>>, vector<16xf32>,
          %get3A_251 = arith.index_cast %add3A_217 : i32 to index
          %get3A_252 = arith.constant 64 : index
          %get3A_253 = tpu.vector_load %arg11[%get3A_251, %get3A_252] {strides = array<i32>} : memref<80x128xf32, #tpu.memory_space<vmem>>, vector<16xf32>,
          %mul3A_254 = vector.broadcast %squeeze3A_219 : f32 to vector<16xf32>
          %mul3A_255 = arith.mulf %get3A_253, %mul3A_254 : vector<16xf32>
          %swap3A_256 = arith.index_cast %add3A_217 : i32 to index
          %swap3A_257 = arith.constant 64 : index
          %swap3A_258 = tpu.vector_load %arg11[%swap3A_256, %swap3A_257] {strides = array<i32>} : memref<80x128xf32, #tpu.memory_space<vmem>>, vector<16xf32>,
          tpu.vector_store %arg11[%swap3A_256, %swap3A_257], %mul3A_255 {strides = array<i32>} : memref<80x128xf32, #tpu.memory_space<vmem>>, vector<16xf32>,
          %get3A_259 = arith.index_cast %add3A_217 : i32 to index
          %get3A_260 = arith.constant 80 : index
          %get3A_261 = tpu.vector_load %arg11[%get3A_259, %get3A_260] {strides = array<i32>} : memref<80x128xf32, #tpu.memory_space<vmem>>, vector<16xf32>,
          %mul3A_262 = vector.broadcast %squeeze3A_219 : f32 to vector<16xf32>
          %mul3A_263 = arith.mulf %get3A_261, %mul3A_262 : vector<16xf32>
          %swap3A_264 = arith.index_cast %add3A_217 : i32 to index
          %swap3A_265 = arith.constant 80 : index
          %swap3A_266 = tpu.vector_load %arg11[%swap3A_264, %swap3A_265] {strides = array<i32>} : memref<80x128xf32, #tpu.memory_space<vmem>>, vector<16xf32>,
          tpu.vector_store %arg11[%swap3A_264, %swap3A_265], %mul3A_263 {strides = array<i32>} : memref<80x128xf32, #tpu.memory_space<vmem>>, vector<16xf32>,
          %get3A_267 = arith.index_cast %add3A_217 : i32 to index
          %get3A_268 = arith.constant 96 : index
          %get3A_269 = tpu.vector_load %arg11[%get3A_267, %get3A_268] {strides = array<i32>} : memref<80x128xf32, #tpu.memory_space<vmem>>, vector<16xf32>,
          %mul3A_270 = vector.broadcast %squeeze3A_219 : f32 to vector<16xf32>
          %mul3A_271 = arith.mulf %get3A_269, %mul3A_270 : vector<16xf32>
          %swap3A_272 = arith.index_cast %add3A_217 : i32 to index
          %swap3A_273 = arith.constant 96 : index
          %swap3A_274 = tpu.vector_load %arg11[%swap3A_272, %swap3A_273] {strides = array<i32>} : memref<80x128xf32, #tpu.memory_space<vmem>>, vector<16xf32>,
          tpu.vector_store %arg11[%swap3A_272, %swap3A_273], %mul3A_271 {strides = array<i32>} : memref<80x128xf32, #tpu.memory_space<vmem>>, vector<16xf32>,
          %get3A_275 = arith.index_cast %add3A_217 : i32 to index
          %get3A_276 = arith.constant 112 : index
          %get3A_277 = tpu.vector_load %arg11[%get3A_275, %get3A_276] {strides = array<i32>} : memref<80x128xf32, #tpu.memory_space<vmem>>, vector<16xf32>,
          %mul3A_278 = vector.broadcast %squeeze3A_219 : f32 to vector<16xf32>
          %mul3A_279 = arith.mulf %get3A_277, %mul3A_278 : vector<16xf32>
          %swap3A_280 = arith.index_cast %add3A_217 : i32 to index
          %swap3A_281 = arith.constant 112 : index
          %swap3A_282 = tpu.vector_load %arg11[%swap3A_280, %swap3A_281] {strides = array<i32>} : memref<80x128xf32, #tpu.memory_space<vmem>>, vector<16xf32>,
          tpu.vector_store %arg11[%swap3A_280, %swap3A_281], %mul3A_279 {strides = array<i32>} : memref<80x128xf32, #tpu.memory_space<vmem>>, vector<16xf32>,
          %mul3A_283 = arith.constant 16 : i32
          %mul3A_284 = arith.muli %scan3A_204, %mul3A_283 : i32
          %add3A_285 = arith.constant 1 : i32
          %add3A_286 = arith.addi %mul3A_284, %add3A_285 : i32
          %slice3A_287 = vector.extract_strided_slice %exp3A {offsets = [1], sizes = [1], strides = [1]} : vector<16xf32> to vector<1xf32>
          %squeeze3A_288 = vector.extract %slice3A_287[0] : f32 from vector<1xf32>
          %get3A_289 = arith.index_cast %add3A_286 : i32 to index
          %get3A_290 = arith.constant 0 : index
          %get3A_291 = tpu.vector_load %arg11[%get3A_289, %get3A_290] {strides = array<i32>} : memref<80x128xf32, #tpu.memory_space<vmem>>, vector<16xf32>,
          %mul3A_292 = vector.broadcast %squeeze3A_288 : f32 to vector<16xf32>
          %mul3A_293 = arith.mulf %get3A_291, %mul3A_292 : vector<16xf32>
          %swap3A_294 = arith.index_cast %add3A_286 : i32 to index
          %swap3A_295 = arith.constant 0 : index
          %swap3A_296 = tpu.vector_load %arg11[%swap3A_294, %swap3A_295] {strides = array<i32>} : memref<80x128xf32, #tpu.memory_space<vmem>>, vector<16xf32>,
          tpu.vector_store %arg11[%swap3A_294, %swap3A_295], %mul3A_293 {strides = array<i32>} : memref<80x128xf32, #tpu.memory_space<vmem>>, vector<16xf32>,
          %get3A_297 = arith.index_cast %add3A_286 : i32 to index
          %get3A_298 = arith.constant 16 : index
          %get3A_299 = tpu.vector_load %arg11[%get3A_297, %get3A_298] {strides = array<i32>} : memref<80x128xf32, #tpu.memory_space<vmem>>, vector<16xf32>,
          %mul3A_300 = vector.broadcast %squeeze3A_288 : f32 to vector<16xf32>
          %mul3A_301 = arith.mulf %get3A_299, %mul3A_300 : vector<16xf32>
          %swap3A_302 = arith.index_cast %add3A_286 : i32 to index
          %swap3A_303 = arith.constant 16 : index
          %swap3A_304 = tpu.vector_load %arg11[%swap3A_302, %swap3A_303] {strides = array<i32>} : memref<80x128xf32, #tpu.memory_space<vmem>>, vector<16xf32>,
          tpu.vector_store %arg11[%swap3A_302, %swap3A_303], %mul3A_301 {strides = array<i32>} : memref<80x128xf32, #tpu.memory_space<vmem>>, vector<16xf32>,
          %get3A_305 = arith.index_cast %add3A_286 : i32 to index
          %get3A_306 = arith.constant 32 : index
          %get3A_307 = tpu.vector_load %arg11[%get3A_305, %get3A_306] {strides = array<i32>} : memref<80x128xf32, #tpu.memory_space<vmem>>, vector<16xf32>,
          %mul3A_308 = vector.broadcast %squeeze3A_288 : f32 to vector<16xf32>
          %mul3A_309 = arith.mulf %get3A_307, %mul3A_308 : vector<16xf32>
          %swap3A_310 = arith.index_cast %add3A_286 : i32 to index
          %swap3A_311 = arith.constant 32 : index
          %swap3A_312 = tpu.vector_load %arg11[%swap3A_310, %swap3A_311] {strides = array<i32>} : memref<80x128xf32, #tpu.memory_space<vmem>>, vector<16xf32>,
          tpu.vector_store %arg11[%swap3A_310, %swap3A_311], %mul3A_309 {strides = array<i32>} : memref<80x128xf32, #tpu.memory_space<vmem>>, vector<16xf32>,
          %get3A_313 = arith.index_cast %add3A_286 : i32 to index
          %get3A_314 = arith.constant 48 : index
          %get3A_315 = tpu.vector_load %arg11[%get3A_313, %get3A_314] {strides = array<i32>} : memref<80x128xf32, #tpu.memory_space<vmem>>, vector<16xf32>,
          %mul3A_316 = vector.broadcast %squeeze3A_288 : f32 to vector<16xf32>
          %mul3A_317 = arith.mulf %get3A_315, %mul3A_316 : vector<16xf32>
          %swap3A_318 = arith.index_cast %add3A_286 : i32 to index
          %swap3A_319 = arith.constant 48 : index
          %swap3A_320 = tpu.vector_load %arg11[%swap3A_318, %swap3A_319] {strides = array<i32>} : memref<80x128xf32, #tpu.memory_space<vmem>>, vector<16xf32>,
          tpu.vector_store %arg11[%swap3A_318, %swap3A_319], %mul3A_317 {strides = array<i32>} : memref<80x128xf32, #tpu.memory_space<vmem>>, vector<16xf32>,
          %get3A_321 = arith.index_cast %add3A_286 : i32 to index
          %get3A_322 = arith.constant 64 : index
          %get3A_323 = tpu.vector_load %arg11[%get3A_321, %get3A_322] {strides = array<i32>} : memref<80x128xf32, #tpu.memory_space<vmem>>, vector<16xf32>,
          %mul3A_324 = vector.broadcast %squeeze3A_288 : f32 to vector<16xf32>
          %mul3A_325 = arith.mulf %get3A_323, %mul3A_324 : vector<16xf32>
          %swap3A_326 = arith.index_cast %add3A_286 : i32 to index
          %swap3A_327 = arith.constant 64 : index
          %swap3A_328 = tpu.vector_load %arg11[%swap3A_326, %swap3A_327] {strides = array<i32>} : memref<80x128xf32, #tpu.memory_space<vmem>>, vector<16xf32>,
          tpu.vector_store %arg11[%swap3A_326, %swap3A_327], %mul3A_325 {strides = array<i32>} : memref<80x128xf32, #tpu.memory_space<vmem>>, vector<16xf32>,
          %get3A_329 = arith.index_cast %add3A_286 : i32 to index
          %get3A_330 = arith.constant 80 : index
          %get3A_331 = tpu.vector_load %arg11[%get3A_329, %get3A_330] {strides = array<i32>} : memref<80x128xf32, #tpu.memory_space<vmem>>, vector<16xf32>,
          %mul3A_332 = vector.broadcast %squeeze3A_288 : f32 to vector<16xf32>
          %mul3A_333 = arith.mulf %get3A_331, %mul3A_332 : vector<16xf32>
          %swap3A_334 = arith.index_cast %add3A_286 : i32 to index
          %swap3A_335 = arith.constant 80 : index
          %swap3A_336 = tpu.vector_load %arg11[%swap3A_334, %swap3A_335] {strides = array<i32>} : memref<80x128xf32, #tpu.memory_space<vmem>>, vector<16xf32>,
          tpu.vector_store %arg11[%swap3A_334, %swap3A_335], %mul3A_333 {strides = array<i32>} : memref<80x128xf32, #tpu.memory_space<vmem>>, vector<16xf32>,
          %get3A_337 = arith.index_cast %add3A_286 : i32 to index
          %get3A_338 = arith.constant 96 : index
          %get3A_339 = tpu.vector_load %arg11[%get3A_337, %get3A_338] {strides = array<i32>} : memref<80x128xf32, #tpu.memory_space<vmem>>, vector<16xf32>,
          %mul3A_340 = vector.broadcast %squeeze3A_288 : f32 to vector<16xf32>
          %mul3A_341 = arith.mulf %get3A_339, %mul3A_340 : vector<16xf32>
          %swap3A_342 = arith.index_cast %add3A_286 : i32 to index
          %swap3A_343 = arith.constant 96 : index
          %swap3A_344 = tpu.vector_load %arg11[%swap3A_342, %swap3A_343] {strides = array<i32>} : memref<80x128xf32, #tpu.memory_space<vmem>>, vector<16xf32>,
          tpu.vector_store %arg11[%swap3A_342, %swap3A_343], %mul3A_341 {strides = array<i32>} : memref<80x128xf32, #tpu.memory_space<vmem>>, vector<16xf32>,
          %get3A_345 = arith.index_cast %add3A_286 : i32 to index
          %get3A_346 = arith.constant 112 : index
          %get3A_347 = tpu.vector_load %arg11[%get3A_345, %get3A_346] {strides = array<i32>} : memref<80x128xf32, #tpu.memory_space<vmem>>, vector<16xf32>,
          %mul3A_348 = vector.broadcast %squeeze3A_288 : f32 to vector<16xf32>
          %mul3A_349 = arith.mulf %get3A_347, %mul3A_348 : vector<16xf32>
          %swap3A_350 = arith.index_cast %add3A_286 : i32 to index
          %swap3A_351 = arith.constant 112 : index
          %swap3A_352 = tpu.vector_load %arg11[%swap3A_350, %swap3A_351] {strides = array<i32>} : memref<80x128xf32, #tpu.memory_space<vmem>>, vector<16xf32>,
          tpu.vector_store %arg11[%swap3A_350, %swap3A_351], %mul3A_349 {strides = array<i32>} : memref<80x128xf32, #tpu.memory_space<vmem>>, vector<16xf32>,
          %mul3A_353 = arith.constant 16 : i32
          %mul3A_354 = arith.muli %scan3A_204, %mul3A_353 : i32
          %add3A_355 = arith.constant 2 : i32
          %add3A_356 = arith.addi %mul3A_354, %add3A_355 : i32
          %slice3A_357 = vector.extract_strided_slice %exp3A {offsets = [2], sizes = [1], strides = [1]} : vector<16xf32> to vector<1xf32>
          %squeeze3A_358 = vector.extract %slice3A_357[0] : f32 from vector<1xf32>
          %get3A_359 = arith.index_cast %add3A_356 : i32 to index
          %get3A_360 = arith.constant 0 : index
          %get3A_361 = tpu.vector_load %arg11[%get3A_359, %get3A_360] {strides = array<i32>} : memref<80x128xf32, #tpu.memory_space<vmem>>, vector<16xf32>,
          %mul3A_362 = vector.broadcast %squeeze3A_358 : f32 to vector<16xf32>
          %mul3A_363 = arith.mulf %get3A_361, %mul3A_362 : vector<16xf32>
          %swap3A_364 = arith.index_cast %add3A_356 : i32 to index
          %swap3A_365 = arith.constant 0 : index
          %swap3A_366 = tpu.vector_load %arg11[%swap3A_364, %swap3A_365] {strides = array<i32>} : memref<80x128xf32, #tpu.memory_space<vmem>>, vector<16xf32>,
          tpu.vector_store %arg11[%swap3A_364, %swap3A_365], %mul3A_363 {strides = array<i32>} : memref<80x128xf32, #tpu.memory_space<vmem>>, vector<16xf32>,
          %get3A_367 = arith.index_cast %add3A_356 : i32 to index
          %get3A_368 = arith.constant 16 : index
          %get3A_369 = tpu.vector_load %arg11[%get3A_367, %get3A_368] {strides = array<i32>} : memref<80x128xf32, #tpu.memory_space<vmem>>, vector<16xf32>,
          %mul3A_370 = vector.broadcast %squeeze3A_358 : f32 to vector<16xf32>
          %mul3A_371 = arith.mulf %get3A_369, %mul3A_370 : vector<16xf32>
          %swap3A_372 = arith.index_cast %add3A_356 : i32 to index
          %swap3A_373 = arith.constant 16 : index
          %swap3A_374 = tpu.vector_load %arg11[%swap3A_372, %swap3A_373] {strides = array<i32>} : memref<80x128xf32, #tpu.memory_space<vmem>>, vector<16xf32>,
          tpu.vector_store %arg11[%swap3A_372, %swap3A_373], %mul3A_371 {strides = array<i32>} : memref<80x128xf32, #tpu.memory_space<vmem>>, vector<16xf32>,
          %get3A_375 = arith.index_cast %add3A_356 : i32 to index
          %get3A_376 = arith.constant 32 : index
          %get3A_377 = tpu.vector_load %arg11[%get3A_375, %get3A_376] {strides = array<i32>} : memref<80x128xf32, #tpu.memory_space<vmem>>, vector<16xf32>,
          %mul3A_378 = vector.broadcast %squeeze3A_358 : f32 to vector<16xf32>
          %mul3A_379 = arith.mulf %get3A_377, %mul3A_378 : vector<16xf32>
          %swap3A_380 = arith.index_cast %add3A_356 : i32 to index
          %swap3A_381 = arith.constant 32 : index
          %swap3A_382 = tpu.vector_load %arg11[%swap3A_380, %swap3A_381] {strides = array<i32>} : memref<80x128xf32, #tpu.memory_space<vmem>>, vector<16xf32>,
          tpu.vector_store %arg11[%swap3A_380, %swap3A_381], %mul3A_379 {strides = array<i32>} : memref<80x128xf32, #tpu.memory_space<vmem>>, vector<16xf32>,
          %get3A_383 = arith.index_cast %add3A_356 : i32 to index
          %get3A_384 = arith.constant 48 : index
          %get3A_385 = tpu.vector_load %arg11[%get3A_383, %get3A_384] {strides = array<i32>} : memref<80x128xf32, #tpu.memory_space<vmem>>, vector<16xf32>,
          %mul3A_386 = vector.broadcast %squeeze3A_358 : f32 to vector<16xf32>
          %mul3A_387 = arith.mulf %get3A_385, %mul3A_386 : vector<16xf32>
          %swap3A_388 = arith.index_cast %add3A_356 : i32 to index
          %swap3A_389 = arith.constant 48 : index
          %swap3A_390 = tpu.vector_load %arg11[%swap3A_388, %swap3A_389] {strides = array<i32>} : memref<80x128xf32, #tpu.memory_space<vmem>>, vector<16xf32>,
          tpu.vector_store %arg11[%swap3A_388, %swap3A_389], %mul3A_387 {strides = array<i32>} : memref<80x128xf32, #tpu.memory_space<vmem>>, vector<16xf32>,
          %get3A_391 = arith.index_cast %add3A_356 : i32 to index
          %get3A_392 = arith.constant 64 : index
          %get3A_393 = tpu.vector_load %arg11[%get3A_391, %get3A_392] {strides = array<i32>} : memref<80x128xf32, #tpu.memory_space<vmem>>, vector<16xf32>,
          %mul3A_394 = vector.broadcast %squeeze3A_358 : f32 to vector<16xf32>
          %mul3A_395 = arith.mulf %get3A_393, %mul3A_394 : vector<16xf32>
          %swap3A_396 = arith.index_cast %add3A_356 : i32 to index
          %swap3A_397 = arith.constant 64 : index
          %swap3A_398 = tpu.vector_load %arg11[%swap3A_396, %swap3A_397] {strides = array<i32>} : memref<80x128xf32, #tpu.memory_space<vmem>>, vector<16xf32>,
          tpu.vector_store %arg11[%swap3A_396, %swap3A_397], %mul3A_395 {strides = array<i32>} : memref<80x128xf32, #tpu.memory_space<vmem>>, vector<16xf32>,
          %get3A_399 = arith.index_cast %add3A_356 : i32 to index
          %get3A_400 = arith.constant 80 : index
          %get3A_401 = tpu.vector_load %arg11[%get3A_399, %get3A_400] {strides = array<i32>} : memref<80x128xf32, #tpu.memory_space<vmem>>, vector<16xf32>,
          %mul3A_402 = vector.broadcast %squeeze3A_358 : f32 to vector<16xf32>
          %mul3A_403 = arith.mulf %get3A_401, %mul3A_402 : vector<16xf32>
          %swap3A_404 = arith.index_cast %add3A_356 : i32 to index
          %swap3A_405 = arith.constant 80 : index
          %swap3A_406 = tpu.vector_load %arg11[%swap3A_404, %swap3A_405] {strides = array<i32>} : memref<80x128xf32, #tpu.memory_space<vmem>>, vector<16xf32>,
          tpu.vector_store %arg11[%swap3A_404, %swap3A_405], %mul3A_403 {strides = array<i32>} : memref<80x128xf32, #tpu.memory_space<vmem>>, vector<16xf32>,
          %get3A_407 = arith.index_cast %add3A_356 : i32 to index
          %get3A_408 = arith.constant 96 : index
          %get3A_409 = tpu.vector_load %arg11[%get3A_407, %get3A_408] {strides = array<i32>} : memref<80x128xf32, #tpu.memory_space<vmem>>, vector<16xf32>,
          %mul3A_410 = vector.broadcast %squeeze3A_358 : f32 to vector<16xf32>
          %mul3A_411 = arith.mulf %get3A_409, %mul3A_410 : vector<16xf32>
          %swap3A_412 = arith.index_cast %add3A_356 : i32 to index
          %swap3A_413 = arith.constant 96 : index
          %swap3A_414 = tpu.vector_load %arg11[%swap3A_412, %swap3A_413] {strides = array<i32>} : memref<80x128xf32, #tpu.memory_space<vmem>>, vector<16xf32>,
          tpu.vector_store %arg11[%swap3A_412, %swap3A_413], %mul3A_411 {strides = array<i32>} : memref<80x128xf32, #tpu.memory_space<vmem>>, vector<16xf32>,
          %get3A_415 = arith.index_cast %add3A_356 : i32 to index
          %get3A_416 = arith.constant 112 : index
          %get3A_417 = tpu.vector_load %arg11[%get3A_415, %get3A_416] {strides = array<i32>} : memref<80x128xf32, #tpu.memory_space<vmem>>, vector<16xf32>,
          %mul3A_418 = vector.broadcast %squeeze3A_358 : f32 to vector<16xf32>
          %mul3A_419 = arith.mulf %get3A_417, %mul3A_418 : vector<16xf32>
          %swap3A_420 = arith.index_cast %add3A_356 : i32 to index
          %swap3A_421 = arith.constant 112 : index
          %swap3A_422 = tpu.vector_load %arg11[%swap3A_420, %swap3A_421] {strides = array<i32>} : memref<80x128xf32, #tpu.memory_space<vmem>>, vector<16xf32>,
          tpu.vector_store %arg11[%swap3A_420, %swap3A_421], %mul3A_419 {strides = array<i32>} : memref<80x128xf32, #tpu.memory_space<vmem>>, vector<16xf32>,
          %mul3A_423 = arith.constant 16 : i32
          %mul3A_424 = arith.muli %scan3A_204, %mul3A_423 : i32
          %add3A_425 = arith.constant 3 : i32
          %add3A_426 = arith.addi %mul3A_424, %add3A_425 : i32
          %slice3A_427 = vector.extract_strided_slice %exp3A {offsets = [3], sizes = [1], strides = [1]} : vector<16xf32> to vector<1xf32>
          %squeeze3A_428 = vector.extract %slice3A_427[0] : f32 from vector<1xf32>
          %get3A_429 = arith.index_cast %add3A_426 : i32 to index
          %get3A_430 = arith.constant 0 : index
          %get3A_431 = tpu.vector_load %arg11[%get3A_429, %get3A_430] {strides = array<i32>} : memref<80x128xf32, #tpu.memory_space<vmem>>, vector<16xf32>,
          %mul3A_432 = vector.broadcast %squeeze3A_428 : f32 to vector<16xf32>
          %mul3A_433 = arith.mulf %get3A_431, %mul3A_432 : vector<16xf32>
          %swap3A_434 = arith.index_cast %add3A_426 : i32 to index
          %swap3A_435 = arith.constant 0 : index
          %swap3A_436 = tpu.vector_load %arg11[%swap3A_434, %swap3A_435] {strides = array<i32>} : memref<80x128xf32, #tpu.memory_space<vmem>>, vector<16xf32>,
          tpu.vector_store %arg11[%swap3A_434, %swap3A_435], %mul3A_433 {strides = array<i32>} : memref<80x128xf32, #tpu.memory_space<vmem>>, vector<16xf32>,
          %get3A_437 = arith.index_cast %add3A_426 : i32 to index
          %get3A_438 = arith.constant 16 : index
          %get3A_439 = tpu.vector_load %arg11[%get3A_437, %get3A_438] {strides = array<i32>} : memref<80x128xf32, #tpu.memory_space<vmem>>, vector<16xf32>,
          %mul3A_440 = vector.broadcast %squeeze3A_428 : f32 to vector<16xf32>
          %mul3A_441 = arith.mulf %get3A_439, %mul3A_440 : vector<16xf32>
          %swap3A_442 = arith.index_cast %add3A_426 : i32 to index
          %swap3A_443 = arith.constant 16 : index
          %swap3A_444 = tpu.vector_load %arg11[%swap3A_442, %swap3A_443] {strides = array<i32>} : memref<80x128xf32, #tpu.memory_space<vmem>>, vector<16xf32>,
          tpu.vector_store %arg11[%swap3A_442, %swap3A_443], %mul3A_441 {strides = array<i32>} : memref<80x128xf32, #tpu.memory_space<vmem>>, vector<16xf32>,
          %get3A_445 = arith.index_cast %add3A_426 : i32 to index
          %get3A_446 = arith.constant 32 : index
          %get3A_447 = tpu.vector_load %arg11[%get3A_445, %get3A_446] {strides = array<i32>} : memref<80x128xf32, #tpu.memory_space<vmem>>, vector<16xf32>,
          %mul3A_448 = vector.broadcast %squeeze3A_428 : f32 to vector<16xf32>
          %mul3A_449 = arith.mulf %get3A_447, %mul3A_448 : vector<16xf32>
          %swap3A_450 = arith.index_cast %add3A_426 : i32 to index
          %swap3A_451 = arith.constant 32 : index
          %swap3A_452 = tpu.vector_load %arg11[%swap3A_450, %swap3A_451] {strides = array<i32>} : memref<80x128xf32, #tpu.memory_space<vmem>>, vector<16xf32>,
          tpu.vector_store %arg11[%swap3A_450, %swap3A_451], %mul3A_449 {strides = array<i32>} : memref<80x128xf32, #tpu.memory_space<vmem>>, vector<16xf32>,
          %get3A_453 = arith.index_cast %add3A_426 : i32 to index
          %get3A_454 = arith.constant 48 : index
          %get3A_455 = tpu.vector_load %arg11[%get3A_453, %get3A_454] {strides = array<i32>} : memref<80x128xf32, #tpu.memory_space<vmem>>, vector<16xf32>,
          %mul3A_456 = vector.broadcast %squeeze3A_428 : f32 to vector<16xf32>
          %mul3A_457 = arith.mulf %get3A_455, %mul3A_456 : vector<16xf32>
          %swap3A_458 = arith.index_cast %add3A_426 : i32 to index
          %swap3A_459 = arith.constant 48 : index
          %swap3A_460 = tpu.vector_load %arg11[%swap3A_458, %swap3A_459] {strides = array<i32>} : memref<80x128xf32, #tpu.memory_space<vmem>>, vector<16xf32>,
          tpu.vector_store %arg11[%swap3A_458, %swap3A_459], %mul3A_457 {strides = array<i32>} : memref<80x128xf32, #tpu.memory_space<vmem>>, vector<16xf32>,
          %get3A_461 = arith.index_cast %add3A_426 : i32 to index
          %get3A_462 = arith.constant 64 : index
          %get3A_463 = tpu.vector_load %arg11[%get3A_461, %get3A_462] {strides = array<i32>} : memref<80x128xf32, #tpu.memory_space<vmem>>, vector<16xf32>,
          %mul3A_464 = vector.broadcast %squeeze3A_428 : f32 to vector<16xf32>
          %mul3A_465 = arith.mulf %get3A_463, %mul3A_464 : vector<16xf32>
          %swap3A_466 = arith.index_cast %add3A_426 : i32 to index
          %swap3A_467 = arith.constant 64 : index
          %swap3A_468 = tpu.vector_load %arg11[%swap3A_466, %swap3A_467] {strides = array<i32>} : memref<80x128xf32, #tpu.memory_space<vmem>>, vector<16xf32>,
          tpu.vector_store %arg11[%swap3A_466, %swap3A_467], %mul3A_465 {strides = array<i32>} : memref<80x128xf32, #tpu.memory_space<vmem>>, vector<16xf32>,
          %get3A_469 = arith.index_cast %add3A_426 : i32 to index
          %get3A_470 = arith.constant 80 : index
          %get3A_471 = tpu.vector_load %arg11[%get3A_469, %get3A_470] {strides = array<i32>} : memref<80x128xf32, #tpu.memory_space<vmem>>, vector<16xf32>,
          %mul3A_472 = vector.broadcast %squeeze3A_428 : f32 to vector<16xf32>
          %mul3A_473 = arith.mulf %get3A_471, %mul3A_472 : vector<16xf32>
          %swap3A_474 = arith.index_cast %add3A_426 : i32 to index
          %swap3A_475 = arith.constant 80 : index
          %swap3A_476 = tpu.vector_load %arg11[%swap3A_474, %swap3A_475] {strides = array<i32>} : memref<80x128xf32, #tpu.memory_space<vmem>>, vector<16xf32>,
          tpu.vector_store %arg11[%swap3A_474, %swap3A_475], %mul3A_473 {strides = array<i32>} : memref<80x128xf32, #tpu.memory_space<vmem>>, vector<16xf32>,
          %get3A_477 = arith.index_cast %add3A_426 : i32 to index
          %get3A_478 = arith.constant 96 : index
          %get3A_479 = tpu.vector_load %arg11[%get3A_477, %get3A_478] {strides = array<i32>} : memref<80x128xf32, #tpu.memory_space<vmem>>, vector<16xf32>,
          %mul3A_480 = vector.broadcast %squeeze3A_428 : f32 to vector<16xf32>
          %mul3A_481 = arith.mulf %get3A_479, %mul3A_480 : vector<16xf32>
          %swap3A_482 = arith.index_cast %add3A_426 : i32 to index
          %swap3A_483 = arith.constant 96 : index
          %swap3A_484 = tpu.vector_load %arg11[%swap3A_482, %swap3A_483] {strides = array<i32>} : memref<80x128xf32, #tpu.memory_space<vmem>>, vector<16xf32>,
          tpu.vector_store %arg11[%swap3A_482, %swap3A_483], %mul3A_481 {strides = array<i32>} : memref<80x128xf32, #tpu.memory_space<vmem>>, vector<16xf32>,
          %get3A_485 = arith.index_cast %add3A_426 : i32 to index
          %get3A_486 = arith.constant 112 : index
          %get3A_487 = tpu.vector_load %arg11[%get3A_485, %get3A_486] {strides = array<i32>} : memref<80x128xf32, #tpu.memory_space<vmem>>, vector<16xf32>,
          %mul3A_488 = vector.broadcast %squeeze3A_428 : f32 to vector<16xf32>
          %mul3A_489 = arith.mulf %get3A_487, %mul3A_488 : vector<16xf32>
          %swap3A_490 = arith.index_cast %add3A_426 : i32 to index
          %swap3A_491 = arith.constant 112 : index
          %swap3A_492 = tpu.vector_load %arg11[%swap3A_490, %swap3A_491] {strides = array<i32>} : memref<80x128xf32, #tpu.memory_space<vmem>>, vector<16xf32>,
          tpu.vector_store %arg11[%swap3A_490, %swap3A_491], %mul3A_489 {strides = array<i32>} : memref<80x128xf32, #tpu.memory_space<vmem>>, vector<16xf32>,
          %mul3A_493 = arith.constant 16 : i32
          %mul3A_494 = arith.muli %scan3A_204, %mul3A_493 : i32
          %add3A_495 = arith.constant 4 : i32
          %add3A_496 = arith.addi %mul3A_494, %add3A_495 : i32
          %slice3A_497 = vector.extract_strided_slice %exp3A {offsets = [4], sizes = [1], strides = [1]} : vector<16xf32> to vector<1xf32>
          %squeeze3A_498 = vector.extract %slice3A_497[0] : f32 from vector<1xf32>
          %get3A_499 = arith.index_cast %add3A_496 : i32 to index
          %get3A_500 = arith.constant 0 : index
          %get3A_501 = tpu.vector_load %arg11[%get3A_499, %get3A_500] {strides = array<i32>} : memref<80x128xf32, #tpu.memory_space<vmem>>, vector<16xf32>,
          %mul3A_502 = vector.broadcast %squeeze3A_498 : f32 to vector<16xf32>
          %mul3A_503 = arith.mulf %get3A_501, %mul3A_502 : vector<16xf32>
          %swap3A_504 = arith.index_cast %add3A_496 : i32 to index
          %swap3A_505 = arith.constant 0 : index
          %swap3A_506 = tpu.vector_load %arg11[%swap3A_504, %swap3A_505] {strides = array<i32>} : memref<80x128xf32, #tpu.memory_space<vmem>>, vector<16xf32>,
          tpu.vector_store %arg11[%swap3A_504, %swap3A_505], %mul3A_503 {strides = array<i32>} : memref<80x128xf32, #tpu.memory_space<vmem>>, vector<16xf32>,
          %get3A_507 = arith.index_cast %add3A_496 : i32 to index
          %get3A_508 = arith.constant 16 : index
          %get3A_509 = tpu.vector_load %arg11[%get3A_507, %get3A_508] {strides = array<i32>} : memref<80x128xf32, #tpu.memory_space<vmem>>, vector<16xf32>,
          %mul3A_510 = vector.broadcast %squeeze3A_498 : f32 to vector<16xf32>
          %mul3A_511 = arith.mulf %get3A_509, %mul3A_510 : vector<16xf32>
          %swap3A_512 = arith.index_cast %add3A_496 : i32 to index
          %swap3A_513 = arith.constant 16 : index
          %swap3A_514 = tpu.vector_load %arg11[%swap3A_512, %swap3A_513] {strides = array<i32>} : memref<80x128xf32, #tpu.memory_space<vmem>>, vector<16xf32>,
          tpu.vector_store %arg11[%swap3A_512, %swap3A_513], %mul3A_511 {strides = array<i32>} : memref<80x128xf32, #tpu.memory_space<vmem>>, vector<16xf32>,
          %get3A_515 = arith.index_cast %add3A_496 : i32 to index
          %get3A_516 = arith.constant 32 : index
          %get3A_517 = tpu.vector_load %arg11[%get3A_515, %get3A_516] {strides = array<i32>} : memref<80x128xf32, #tpu.memory_space<vmem>>, vector<16xf32>,
          %mul3A_518 = vector.broadcast %squeeze3A_498 : f32 to vector<16xf32>
          %mul3A_519 = arith.mulf %get3A_517, %mul3A_518 : vector<16xf32>
          %swap3A_520 = arith.index_cast %add3A_496 : i32 to index
          %swap3A_521 = arith.constant 32 : index
          %swap3A_522 = tpu.vector_load %arg11[%swap3A_520, %swap3A_521] {strides = array<i32>} : memref<80x128xf32, #tpu.memory_space<vmem>>, vector<16xf32>,
          tpu.vector_store %arg11[%swap3A_520, %swap3A_521], %mul3A_519 {strides = array<i32>} : memref<80x128xf32, #tpu.memory_space<vmem>>, vector<16xf32>,
          %get3A_523 = arith.index_cast %add3A_496 : i32 to index
          %get3A_524 = arith.constant 48 : index
          %get3A_525 = tpu.vector_load %arg11[%get3A_523, %get3A_524] {strides = array<i32>} : memref<80x128xf32, #tpu.memory_space<vmem>>, vector<16xf32>,
          %mul3A_526 = vector.broadcast %squeeze3A_498 : f32 to vector<16xf32>
          %mul3A_527 = arith.mulf %get3A_525, %mul3A_526 : vector<16xf32>
          %swap3A_528 = arith.index_cast %add3A_496 : i32 to index
          %swap3A_529 = arith.constant 48 : index
          %swap3A_530 = tpu.vector_load %arg11[%swap3A_528, %swap3A_529] {strides = array<i32>} : memref<80x128xf32, #tpu.memory_space<vmem>>, vector<16xf32>,
          tpu.vector_store %arg11[%swap3A_528, %swap3A_529], %mul3A_527 {strides = array<i32>} : memref<80x128xf32, #tpu.memory_space<vmem>>, vector<16xf32>,
          %get3A_531 = arith.index_cast %add3A_496 : i32 to index
          %get3A_532 = arith.constant 64 : index
          %get3A_533 = tpu.vector_load %arg11[%get3A_531, %get3A_532] {strides = array<i32>} : memref<80x128xf32, #tpu.memory_space<vmem>>, vector<16xf32>,
          %mul3A_534 = vector.broadcast %squeeze3A_498 : f32 to vector<16xf32>
          %mul3A_535 = arith.mulf %get3A_533, %mul3A_534 : vector<16xf32>
          %swap3A_536 = arith.index_cast %add3A_496 : i32 to index
          %swap3A_537 = arith.constant 64 : index
          %swap3A_538 = tpu.vector_load %arg11[%swap3A_536, %swap3A_537] {strides = array<i32>} : memref<80x128xf32, #tpu.memory_space<vmem>>, vector<16xf32>,
          tpu.vector_store %arg11[%swap3A_536, %swap3A_537], %mul3A_535 {strides = array<i32>} : memref<80x128xf32, #tpu.memory_space<vmem>>, vector<16xf32>,
          %get3A_539 = arith.index_cast %add3A_496 : i32 to index
          %get3A_540 = arith.constant 80 : index
          %get3A_541 = tpu.vector_load %arg11[%get3A_539, %get3A_540] {strides = array<i32>} : memref<80x128xf32, #tpu.memory_space<vmem>>, vector<16xf32>,
          %mul3A_542 = vector.broadcast %squeeze3A_498 : f32 to vector<16xf32>
          %mul3A_543 = arith.mulf %get3A_541, %mul3A_542 : vector<16xf32>
          %swap3A_544 = arith.index_cast %add3A_496 : i32 to index
          %swap3A_545 = arith.constant 80 : index
          %swap3A_546 = tpu.vector_load %arg11[%swap3A_544, %swap3A_545] {strides = array<i32>} : memref<80x128xf32, #tpu.memory_space<vmem>>, vector<16xf32>,
          tpu.vector_store %arg11[%swap3A_544, %swap3A_545], %mul3A_543 {strides = array<i32>} : memref<80x128xf32, #tpu.memory_space<vmem>>, vector<16xf32>,
          %get3A_547 = arith.index_cast %add3A_496 : i32 to index
          %get3A_548 = arith.constant 96 : index
          %get3A_549 = tpu.vector_load %arg11[%get3A_547, %get3A_548] {strides = array<i32>} : memref<80x128xf32, #tpu.memory_space<vmem>>, vector<16xf32>,
          %mul3A_550 = vector.broadcast %squeeze3A_498 : f32 to vector<16xf32>
          %mul3A_551 = arith.mulf %get3A_549, %mul3A_550 : vector<16xf32>
          %swap3A_552 = arith.index_cast %add3A_496 : i32 to index
          %swap3A_553 = arith.constant 96 : index
          %swap3A_554 = tpu.vector_load %arg11[%swap3A_552, %swap3A_553] {strides = array<i32>} : memref<80x128xf32, #tpu.memory_space<vmem>>, vector<16xf32>,
          tpu.vector_store %arg11[%swap3A_552, %swap3A_553], %mul3A_551 {strides = array<i32>} : memref<80x128xf32, #tpu.memory_space<vmem>>, vector<16xf32>,
          %get3A_555 = arith.index_cast %add3A_496 : i32 to index
          %get3A_556 = arith.constant 112 : index
          %get3A_557 = tpu.vector_load %arg11[%get3A_555, %get3A_556] {strides = array<i32>} : memref<80x128xf32, #tpu.memory_space<vmem>>, vector<16xf32>,
          %mul3A_558 = vector.broadcast %squeeze3A_498 : f32 to vector<16xf32>
          %mul3A_559 = arith.mulf %get3A_557, %mul3A_558 : vector<16xf32>
          %swap3A_560 = arith.index_cast %add3A_496 : i32 to index
          %swap3A_561 = arith.constant 112 : index
          %swap3A_562 = tpu.vector_load %arg11[%swap3A_560, %swap3A_561] {strides = array<i32>} : memref<80x128xf32, #tpu.memory_space<vmem>>, vector<16xf32>,
          tpu.vector_store %arg11[%swap3A_560, %swap3A_561], %mul3A_559 {strides = array<i32>} : memref<80x128xf32, #tpu.memory_space<vmem>>, vector<16xf32>,
          %mul3A_563 = arith.constant 16 : i32
          %mul3A_564 = arith.muli %scan3A_204, %mul3A_563 : i32
          %add3A_565 = arith.constant 5 : i32
          %add3A_566 = arith.addi %mul3A_564, %add3A_565 : i32
          %slice3A_567 = vector.extract_strided_slice %exp3A {offsets = [5], sizes = [1], strides = [1]} : vector<16xf32> to vector<1xf32>
          %squeeze3A_568 = vector.extract %slice3A_567[0] : f32 from vector<1xf32>
          %get3A_569 = arith.index_cast %add3A_566 : i32 to index
          %get3A_570 = arith.constant 0 : index
          %get3A_571 = tpu.vector_load %arg11[%get3A_569, %get3A_570] {strides = array<i32>} : memref<80x128xf32, #tpu.memory_space<vmem>>, vector<16xf32>,
          %mul3A_572 = vector.broadcast %squeeze3A_568 : f32 to vector<16xf32>
          %mul3A_573 = arith.mulf %get3A_571, %mul3A_572 : vector<16xf32>
          %swap3A_574 = arith.index_cast %add3A_566 : i32 to index
          %swap3A_575 = arith.constant 0 : index
          %swap3A_576 = tpu.vector_load %arg11[%swap3A_574, %swap3A_575] {strides = array<i32>} : memref<80x128xf32, #tpu.memory_space<vmem>>, vector<16xf32>,
          tpu.vector_store %arg11[%swap3A_574, %swap3A_575], %mul3A_573 {strides = array<i32>} : memref<80x128xf32, #tpu.memory_space<vmem>>, vector<16xf32>,
          %get3A_577 = arith.index_cast %add3A_566 : i32 to index
          %get3A_578 = arith.constant 16 : index
          %get3A_579 = tpu.vector_load %arg11[%get3A_577, %get3A_578] {strides = array<i32>} : memref<80x128xf32, #tpu.memory_space<vmem>>, vector<16xf32>,
          %mul3A_580 = vector.broadcast %squeeze3A_568 : f32 to vector<16xf32>
          %mul3A_581 = arith.mulf %get3A_579, %mul3A_580 : vector<16xf32>
          %swap3A_582 = arith.index_cast %add3A_566 : i32 to index
          %swap3A_583 = arith.constant 16 : index
          %swap3A_584 = tpu.vector_load %arg11[%swap3A_582, %swap3A_583] {strides = array<i32>} : memref<80x128xf32, #tpu.memory_space<vmem>>, vector<16xf32>,
          tpu.vector_store %arg11[%swap3A_582, %swap3A_583], %mul3A_581 {strides = array<i32>} : memref<80x128xf32, #tpu.memory_space<vmem>>, vector<16xf32>,
          %get3A_585 = arith.index_cast %add3A_566 : i32 to index
          %get3A_586 = arith.constant 32 : index
          %get3A_587 = tpu.vector_load %arg11[%get3A_585, %get3A_586] {strides = array<i32>} : memref<80x128xf32, #tpu.memory_space<vmem>>, vector<16xf32>,
          %mul3A_588 = vector.broadcast %squeeze3A_568 : f32 to vector<16xf32>
          %mul3A_589 = arith.mulf %get3A_587, %mul3A_588 : vector<16xf32>
          %swap3A_590 = arith.index_cast %add3A_566 : i32 to index
          %swap3A_591 = arith.constant 32 : index
          %swap3A_592 = tpu.vector_load %arg11[%swap3A_590, %swap3A_591] {strides = array<i32>} : memref<80x128xf32, #tpu.memory_space<vmem>>, vector<16xf32>,
          tpu.vector_store %arg11[%swap3A_590, %swap3A_591], %mul3A_589 {strides = array<i32>} : memref<80x128xf32, #tpu.memory_space<vmem>>, vector<16xf32>,
          %get3A_593 = arith.index_cast %add3A_566 : i32 to index
          %get3A_594 = arith.constant 48 : index
          %get3A_595 = tpu.vector_load %arg11[%get3A_593, %get3A_594] {strides = array<i32>} : memref<80x128xf32, #tpu.memory_space<vmem>>, vector<16xf32>,
          %mul3A_596 = vector.broadcast %squeeze3A_568 : f32 to vector<16xf32>
          %mul3A_597 = arith.mulf %get3A_595, %mul3A_596 : vector<16xf32>
          %swap3A_598 = arith.index_cast %add3A_566 : i32 to index
          %swap3A_599 = arith.constant 48 : index
          %swap3A_600 = tpu.vector_load %arg11[%swap3A_598, %swap3A_599] {strides = array<i32>} : memref<80x128xf32, #tpu.memory_space<vmem>>, vector<16xf32>,
          tpu.vector_store %arg11[%swap3A_598, %swap3A_599], %mul3A_597 {strides = array<i32>} : memref<80x128xf32, #tpu.memory_space<vmem>>, vector<16xf32>,
          %get3A_601 = arith.index_cast %add3A_566 : i32 to index
          %get3A_602 = arith.constant 64 : index
          %get3A_603 = tpu.vector_load %arg11[%get3A_601, %get3A_602] {strides = array<i32>} : memref<80x128xf32, #tpu.memory_space<vmem>>, vector<16xf32>,
          %mul3A_604 = vector.broadcast %squeeze3A_568 : f32 to vector<16xf32>
          %mul3A_605 = arith.mulf %get3A_603, %mul3A_604 : vector<16xf32>
          %swap3A_606 = arith.index_cast %add3A_566 : i32 to index
          %swap3A_607 = arith.constant 64 : index
          %swap3A_608 = tpu.vector_load %arg11[%swap3A_606, %swap3A_607] {strides = array<i32>} : memref<80x128xf32, #tpu.memory_space<vmem>>, vector<16xf32>,
          tpu.vector_store %arg11[%swap3A_606, %swap3A_607], %mul3A_605 {strides = array<i32>} : memref<80x128xf32, #tpu.memory_space<vmem>>, vector<16xf32>,
          %get3A_609 = arith.index_cast %add3A_566 : i32 to index
          %get3A_610 = arith.constant 80 : index
          %get3A_611 = tpu.vector_load %arg11[%get3A_609, %get3A_610] {strides = array<i32>} : memref<80x128xf32, #tpu.memory_space<vmem>>, vector<16xf32>,
          %mul3A_612 = vector.broadcast %squeeze3A_568 : f32 to vector<16xf32>
          %mul3A_613 = arith.mulf %get3A_611, %mul3A_612 : vector<16xf32>
          %swap3A_614 = arith.index_cast %add3A_566 : i32 to index
          %swap3A_615 = arith.constant 80 : index
          %swap3A_616 = tpu.vector_load %arg11[%swap3A_614, %swap3A_615] {strides = array<i32>} : memref<80x128xf32, #tpu.memory_space<vmem>>, vector<16xf32>,
          tpu.vector_store %arg11[%swap3A_614, %swap3A_615], %mul3A_613 {strides = array<i32>} : memref<80x128xf32, #tpu.memory_space<vmem>>, vector<16xf32>,
          %get3A_617 = arith.index_cast %add3A_566 : i32 to index
          %get3A_618 = arith.constant 96 : index
          %get3A_619 = tpu.vector_load %arg11[%get3A_617, %get3A_618] {strides = array<i32>} : memref<80x128xf32, #tpu.memory_space<vmem>>, vector<16xf32>,
          %mul3A_620 = vector.broadcast %squeeze3A_568 : f32 to vector<16xf32>
          %mul3A_621 = arith.mulf %get3A_619, %mul3A_620 : vector<16xf32>
          %swap3A_622 = arith.index_cast %add3A_566 : i32 to index
          %swap3A_623 = arith.constant 96 : index
          %swap3A_624 = tpu.vector_load %arg11[%swap3A_622, %swap3A_623] {strides = array<i32>} : memref<80x128xf32, #tpu.memory_space<vmem>>, vector<16xf32>,
          tpu.vector_store %arg11[%swap3A_622, %swap3A_623], %mul3A_621 {strides = array<i32>} : memref<80x128xf32, #tpu.memory_space<vmem>>, vector<16xf32>,
          %get3A_625 = arith.index_cast %add3A_566 : i32 to index
          %get3A_626 = arith.constant 112 : index
          %get3A_627 = tpu.vector_load %arg11[%get3A_625, %get3A_626] {strides = array<i32>} : memref<80x128xf32, #tpu.memory_space<vmem>>, vector<16xf32>,
          %mul3A_628 = vector.broadcast %squeeze3A_568 : f32 to vector<16xf32>
          %mul3A_629 = arith.mulf %get3A_627, %mul3A_628 : vector<16xf32>
          %swap3A_630 = arith.index_cast %add3A_566 : i32 to index
          %swap3A_631 = arith.constant 112 : index
          %swap3A_632 = tpu.vector_load %arg11[%swap3A_630, %swap3A_631] {strides = array<i32>} : memref<80x128xf32, #tpu.memory_space<vmem>>, vector<16xf32>,
          tpu.vector_store %arg11[%swap3A_630, %swap3A_631], %mul3A_629 {strides = array<i32>} : memref<80x128xf32, #tpu.memory_space<vmem>>, vector<16xf32>,
          %mul3A_633 = arith.constant 16 : i32
          %mul3A_634 = arith.muli %scan3A_204, %mul3A_633 : i32
          %add3A_635 = arith.constant 6 : i32
          %add3A_636 = arith.addi %mul3A_634, %add3A_635 : i32
          %slice3A_637 = vector.extract_strided_slice %exp3A {offsets = [6], sizes = [1], strides = [1]} : vector<16xf32> to vector<1xf32>
          %squeeze3A_638 = vector.extract %slice3A_637[0] : f32 from vector<1xf32>
          %get3A_639 = arith.index_cast %add3A_636 : i32 to index
          %get3A_640 = arith.constant 0 : index
          %get3A_641 = tpu.vector_load %arg11[%get3A_639, %get3A_640] {strides = array<i32>} : memref<80x128xf32, #tpu.memory_space<vmem>>, vector<16xf32>,
          %mul3A_642 = vector.broadcast %squeeze3A_638 : f32 to vector<16xf32>
          %mul3A_643 = arith.mulf %get3A_641, %mul3A_642 : vector<16xf32>
          %swap3A_644 = arith.index_cast %add3A_636 : i32 to index
          %swap3A_645 = arith.constant 0 : index
          %swap3A_646 = tpu.vector_load %arg11[%swap3A_644, %swap3A_645] {strides = array<i32>} : memref<80x128xf32, #tpu.memory_space<vmem>>, vector<16xf32>,
          tpu.vector_store %arg11[%swap3A_644, %swap3A_645], %mul3A_643 {strides = array<i32>} : memref<80x128xf32, #tpu.memory_space<vmem>>, vector<16xf32>,
          %get3A_647 = arith.index_cast %add3A_636 : i32 to index
          %get3A_648 = arith.constant 16 : index
          %get3A_649 = tpu.vector_load %arg11[%get3A_647, %get3A_648] {strides = array<i32>} : memref<80x128xf32, #tpu.memory_space<vmem>>, vector<16xf32>,
          %mul3A_650 = vector.broadcast %squeeze3A_638 : f32 to vector<16xf32>
          %mul3A_651 = arith.mulf %get3A_649, %mul3A_650 : vector<16xf32>
          %swap3A_652 = arith.index_cast %add3A_636 : i32 to index
          %swap3A_653 = arith.constant 16 : index
          %swap3A_654 = tpu.vector_load %arg11[%swap3A_652, %swap3A_653] {strides = array<i32>} : memref<80x128xf32, #tpu.memory_space<vmem>>, vector<16xf32>,
          tpu.vector_store %arg11[%swap3A_652, %swap3A_653], %mul3A_651 {strides = array<i32>} : memref<80x128xf32, #tpu.memory_space<vmem>>, vector<16xf32>,
          %get3A_655 = arith.index_cast %add3A_636 : i32 to index
          %get3A_656 = arith.constant 32 : index
          %get3A_657 = tpu.vector_load %arg11[%get3A_655, %get3A_656] {strides = array<i32>} : memref<80x128xf32, #tpu.memory_space<vmem>>, vector<16xf32>,
          %mul3A_658 = vector.broadcast %squeeze3A_638 : f32 to vector<16xf32>
          %mul3A_659 = arith.mulf %get3A_657, %mul3A_658 : vector<16xf32>
          %swap3A_660 = arith.index_cast %add3A_636 : i32 to index
          %swap3A_661 = arith.constant 32 : index
          %swap3A_662 = tpu.vector_load %arg11[%swap3A_660, %swap3A_661] {strides = array<i32>} : memref<80x128xf32, #tpu.memory_space<vmem>>, vector<16xf32>,
          tpu.vector_store %arg11[%swap3A_660, %swap3A_661], %mul3A_659 {strides = array<i32>} : memref<80x128xf32, #tpu.memory_space<vmem>>, vector<16xf32>,
          %get3A_663 = arith.index_cast %add3A_636 : i32 to index
          %get3A_664 = arith.constant 48 : index
          %get3A_665 = tpu.vector_load %arg11[%get3A_663, %get3A_664] {strides = array<i32>} : memref<80x128xf32, #tpu.memory_space<vmem>>, vector<16xf32>,
          %mul3A_666 = vector.broadcast %squeeze3A_638 : f32 to vector<16xf32>
          %mul3A_667 = arith.mulf %get3A_665, %mul3A_666 : vector<16xf32>
          %swap3A_668 = arith.index_cast %add3A_636 : i32 to index
          %swap3A_669 = arith.constant 48 : index
          %swap3A_670 = tpu.vector_load %arg11[%swap3A_668, %swap3A_669] {strides = array<i32>} : memref<80x128xf32, #tpu.memory_space<vmem>>, vector<16xf32>,
          tpu.vector_store %arg11[%swap3A_668, %swap3A_669], %mul3A_667 {strides = array<i32>} : memref<80x128xf32, #tpu.memory_space<vmem>>, vector<16xf32>,
          %get3A_671 = arith.index_cast %add3A_636 : i32 to index
          %get3A_672 = arith.constant 64 : index
          %get3A_673 = tpu.vector_load %arg11[%get3A_671, %get3A_672] {strides = array<i32>} : memref<80x128xf32, #tpu.memory_space<vmem>>, vector<16xf32>,
          %mul3A_674 = vector.broadcast %squeeze3A_638 : f32 to vector<16xf32>
          %mul3A_675 = arith.mulf %get3A_673, %mul3A_674 : vector<16xf32>
          %swap3A_676 = arith.index_cast %add3A_636 : i32 to index
          %swap3A_677 = arith.constant 64 : index
          %swap3A_678 = tpu.vector_load %arg11[%swap3A_676, %swap3A_677] {strides = array<i32>} : memref<80x128xf32, #tpu.memory_space<vmem>>, vector<16xf32>,
          tpu.vector_store %arg11[%swap3A_676, %swap3A_677], %mul3A_675 {strides = array<i32>} : memref<80x128xf32, #tpu.memory_space<vmem>>, vector<16xf32>,
          %get3A_679 = arith.index_cast %add3A_636 : i32 to index
          %get3A_680 = arith.constant 80 : index
          %get3A_681 = tpu.vector_load %arg11[%get3A_679, %get3A_680] {strides = array<i32>} : memref<80x128xf32, #tpu.memory_space<vmem>>, vector<16xf32>,
          %mul3A_682 = vector.broadcast %squeeze3A_638 : f32 to vector<16xf32>
          %mul3A_683 = arith.mulf %get3A_681, %mul3A_682 : vector<16xf32>
          %swap3A_684 = arith.index_cast %add3A_636 : i32 to index
          %swap3A_685 = arith.constant 80 : index
          %swap3A_686 = tpu.vector_load %arg11[%swap3A_684, %swap3A_685] {strides = array<i32>} : memref<80x128xf32, #tpu.memory_space<vmem>>, vector<16xf32>,
          tpu.vector_store %arg11[%swap3A_684, %swap3A_685], %mul3A_683 {strides = array<i32>} : memref<80x128xf32, #tpu.memory_space<vmem>>, vector<16xf32>,
          %get3A_687 = arith.index_cast %add3A_636 : i32 to index
          %get3A_688 = arith.constant 96 : index
          %get3A_689 = tpu.vector_load %arg11[%get3A_687, %get3A_688] {strides = array<i32>} : memref<80x128xf32, #tpu.memory_space<vmem>>, vector<16xf32>,
          %mul3A_690 = vector.broadcast %squeeze3A_638 : f32 to vector<16xf32>
          %mul3A_691 = arith.mulf %get3A_689, %mul3A_690 : vector<16xf32>
          %swap3A_692 = arith.index_cast %add3A_636 : i32 to index
          %swap3A_693 = arith.constant 96 : index
          %swap3A_694 = tpu.vector_load %arg11[%swap3A_692, %swap3A_693] {strides = array<i32>} : memref<80x128xf32, #tpu.memory_space<vmem>>, vector<16xf32>,
          tpu.vector_store %arg11[%swap3A_692, %swap3A_693], %mul3A_691 {strides = array<i32>} : memref<80x128xf32, #tpu.memory_space<vmem>>, vector<16xf32>,
          %get3A_695 = arith.index_cast %add3A_636 : i32 to index
          %get3A_696 = arith.constant 112 : index
          %get3A_697 = tpu.vector_load %arg11[%get3A_695, %get3A_696] {strides = array<i32>} : memref<80x128xf32, #tpu.memory_space<vmem>>, vector<16xf32>,
          %mul3A_698 = vector.broadcast %squeeze3A_638 : f32 to vector<16xf32>
          %mul3A_699 = arith.mulf %get3A_697, %mul3A_698 : vector<16xf32>
          %swap3A_700 = arith.index_cast %add3A_636 : i32 to index
          %swap3A_701 = arith.constant 112 : index
          %swap3A_702 = tpu.vector_load %arg11[%swap3A_700, %swap3A_701] {strides = array<i32>} : memref<80x128xf32, #tpu.memory_space<vmem>>, vector<16xf32>,
          tpu.vector_store %arg11[%swap3A_700, %swap3A_701], %mul3A_699 {strides = array<i32>} : memref<80x128xf32, #tpu.memory_space<vmem>>, vector<16xf32>,
          %mul3A_703 = arith.constant 16 : i32
          %mul3A_704 = arith.muli %scan3A_204, %mul3A_703 : i32
          %add3A_705 = arith.constant 7 : i32
          %add3A_706 = arith.addi %mul3A_704, %add3A_705 : i32
          %slice3A_707 = vector.extract_strided_slice %exp3A {offsets = [7], sizes = [1], strides = [1]} : vector<16xf32> to vector<1xf32>
          %squeeze3A_708 = vector.extract %slice3A_707[0] : f32 from vector<1xf32>
          %get3A_709 = arith.index_cast %add3A_706 : i32 to index
          %get3A_710 = arith.constant 0 : index
          %get3A_711 = tpu.vector_load %arg11[%get3A_709, %get3A_710] {strides = array<i32>} : memref<80x128xf32, #tpu.memory_space<vmem>>, vector<16xf32>,
          %mul3A_712 = vector.broadcast %squeeze3A_708 : f32 to vector<16xf32>
          %mul3A_713 = arith.mulf %get3A_711, %mul3A_712 : vector<16xf32>
          %swap3A_714 = arith.index_cast %add3A_706 : i32 to index
          %swap3A_715 = arith.constant 0 : index
          %swap3A_716 = tpu.vector_load %arg11[%swap3A_714, %swap3A_715] {strides = array<i32>} : memref<80x128xf32, #tpu.memory_space<vmem>>, vector<16xf32>,
          tpu.vector_store %arg11[%swap3A_714, %swap3A_715], %mul3A_713 {strides = array<i32>} : memref<80x128xf32, #tpu.memory_space<vmem>>, vector<16xf32>,
          %get3A_717 = arith.index_cast %add3A_706 : i32 to index
          %get3A_718 = arith.constant 16 : index
          %get3A_719 = tpu.vector_load %arg11[%get3A_717, %get3A_718] {strides = array<i32>} : memref<80x128xf32, #tpu.memory_space<vmem>>, vector<16xf32>,
          %mul3A_720 = vector.broadcast %squeeze3A_708 : f32 to vector<16xf32>
          %mul3A_721 = arith.mulf %get3A_719, %mul3A_720 : vector<16xf32>
          %swap3A_722 = arith.index_cast %add3A_706 : i32 to index
          %swap3A_723 = arith.constant 16 : index
          %swap3A_724 = tpu.vector_load %arg11[%swap3A_722, %swap3A_723] {strides = array<i32>} : memref<80x128xf32, #tpu.memory_space<vmem>>, vector<16xf32>,
          tpu.vector_store %arg11[%swap3A_722, %swap3A_723], %mul3A_721 {strides = array<i32>} : memref<80x128xf32, #tpu.memory_space<vmem>>, vector<16xf32>,
          %get3A_725 = arith.index_cast %add3A_706 : i32 to index
          %get3A_726 = arith.constant 32 : index
          %get3A_727 = tpu.vector_load %arg11[%get3A_725, %get3A_726] {strides = array<i32>} : memref<80x128xf32, #tpu.memory_space<vmem>>, vector<16xf32>,
          %mul3A_728 = vector.broadcast %squeeze3A_708 : f32 to vector<16xf32>
          %mul3A_729 = arith.mulf %get3A_727, %mul3A_728 : vector<16xf32>
          %swap3A_730 = arith.index_cast %add3A_706 : i32 to index
          %swap3A_731 = arith.constant 32 : index
          %swap3A_732 = tpu.vector_load %arg11[%swap3A_730, %swap3A_731] {strides = array<i32>} : memref<80x128xf32, #tpu.memory_space<vmem>>, vector<16xf32>,
          tpu.vector_store %arg11[%swap3A_730, %swap3A_731], %mul3A_729 {strides = array<i32>} : memref<80x128xf32, #tpu.memory_space<vmem>>, vector<16xf32>,
          %get3A_733 = arith.index_cast %add3A_706 : i32 to index
          %get3A_734 = arith.constant 48 : index
          %get3A_735 = tpu.vector_load %arg11[%get3A_733, %get3A_734] {strides = array<i32>} : memref<80x128xf32, #tpu.memory_space<vmem>>, vector<16xf32>,
          %mul3A_736 = vector.broadcast %squeeze3A_708 : f32 to vector<16xf32>
          %mul3A_737 = arith.mulf %get3A_735, %mul3A_736 : vector<16xf32>
          %swap3A_738 = arith.index_cast %add3A_706 : i32 to index
          %swap3A_739 = arith.constant 48 : index
          %swap3A_740 = tpu.vector_load %arg11[%swap3A_738, %swap3A_739] {strides = array<i32>} : memref<80x128xf32, #tpu.memory_space<vmem>>, vector<16xf32>,
          tpu.vector_store %arg11[%swap3A_738, %swap3A_739], %mul3A_737 {strides = array<i32>} : memref<80x128xf32, #tpu.memory_space<vmem>>, vector<16xf32>,
          %get3A_741 = arith.index_cast %add3A_706 : i32 to index
          %get3A_742 = arith.constant 64 : index
          %get3A_743 = tpu.vector_load %arg11[%get3A_741, %get3A_742] {strides = array<i32>} : memref<80x128xf32, #tpu.memory_space<vmem>>, vector<16xf32>,
          %mul3A_744 = vector.broadcast %squeeze3A_708 : f32 to vector<16xf32>
          %mul3A_745 = arith.mulf %get3A_743, %mul3A_744 : vector<16xf32>
          %swap3A_746 = arith.index_cast %add3A_706 : i32 to index
          %swap3A_747 = arith.constant 64 : index
          %swap3A_748 = tpu.vector_load %arg11[%swap3A_746, %swap3A_747] {strides = array<i32>} : memref<80x128xf32, #tpu.memory_space<vmem>>, vector<16xf32>,
          tpu.vector_store %arg11[%swap3A_746, %swap3A_747], %mul3A_745 {strides = array<i32>} : memref<80x128xf32, #tpu.memory_space<vmem>>, vector<16xf32>,
          %get3A_749 = arith.index_cast %add3A_706 : i32 to index
          %get3A_750 = arith.constant 80 : index
          %get3A_751 = tpu.vector_load %arg11[%get3A_749, %get3A_750] {strides = array<i32>} : memref<80x128xf32, #tpu.memory_space<vmem>>, vector<16xf32>,
          %mul3A_752 = vector.broadcast %squeeze3A_708 : f32 to vector<16xf32>
          %mul3A_753 = arith.mulf %get3A_751, %mul3A_752 : vector<16xf32>
          %swap3A_754 = arith.index_cast %add3A_706 : i32 to index
          %swap3A_755 = arith.constant 80 : index
          %swap3A_756 = tpu.vector_load %arg11[%swap3A_754, %swap3A_755] {strides = array<i32>} : memref<80x128xf32, #tpu.memory_space<vmem>>, vector<16xf32>,
          tpu.vector_store %arg11[%swap3A_754, %swap3A_755], %mul3A_753 {strides = array<i32>} : memref<80x128xf32, #tpu.memory_space<vmem>>, vector<16xf32>,
          %get3A_757 = arith.index_cast %add3A_706 : i32 to index
          %get3A_758 = arith.constant 96 : index
          %get3A_759 = tpu.vector_load %arg11[%get3A_757, %get3A_758] {strides = array<i32>} : memref<80x128xf32, #tpu.memory_space<vmem>>, vector<16xf32>,
          %mul3A_760 = vector.broadcast %squeeze3A_708 : f32 to vector<16xf32>
          %mul3A_761 = arith.mulf %get3A_759, %mul3A_760 : vector<16xf32>
          %swap3A_762 = arith.index_cast %add3A_706 : i32 to index
          %swap3A_763 = arith.constant 96 : index
          %swap3A_764 = tpu.vector_load %arg11[%swap3A_762, %swap3A_763] {strides = array<i32>} : memref<80x128xf32, #tpu.memory_space<vmem>>, vector<16xf32>,
          tpu.vector_store %arg11[%swap3A_762, %swap3A_763], %mul3A_761 {strides = array<i32>} : memref<80x128xf32, #tpu.memory_space<vmem>>, vector<16xf32>,
          %get3A_765 = arith.index_cast %add3A_706 : i32 to index
          %get3A_766 = arith.constant 112 : index
          %get3A_767 = tpu.vector_load %arg11[%get3A_765, %get3A_766] {strides = array<i32>} : memref<80x128xf32, #tpu.memory_space<vmem>>, vector<16xf32>,
          %mul3A_768 = vector.broadcast %squeeze3A_708 : f32 to vector<16xf32>
          %mul3A_769 = arith.mulf %get3A_767, %mul3A_768 : vector<16xf32>
          %swap3A_770 = arith.index_cast %add3A_706 : i32 to index
          %swap3A_771 = arith.constant 112 : index
          %swap3A_772 = tpu.vector_load %arg11[%swap3A_770, %swap3A_771] {strides = array<i32>} : memref<80x128xf32, #tpu.memory_space<vmem>>, vector<16xf32>,
          tpu.vector_store %arg11[%swap3A_770, %swap3A_771], %mul3A_769 {strides = array<i32>} : memref<80x128xf32, #tpu.memory_space<vmem>>, vector<16xf32>,
          %mul3A_773 = arith.constant 16 : i32
          %mul3A_774 = arith.muli %scan3A_204, %mul3A_773 : i32
          %add3A_775 = arith.constant 8 : i32
          %add3A_776 = arith.addi %mul3A_774, %add3A_775 : i32
          %slice3A_777 = vector.extract_strided_slice %exp3A {offsets = [8], sizes = [1], strides = [1]} : vector<16xf32> to vector<1xf32>
          %squeeze3A_778 = vector.extract %slice3A_777[0] : f32 from vector<1xf32>
          %get3A_779 = arith.index_cast %add3A_776 : i32 to index
          %get3A_780 = arith.constant 0 : index
          %get3A_781 = tpu.vector_load %arg11[%get3A_779, %get3A_780] {strides = array<i32>} : memref<80x128xf32, #tpu.memory_space<vmem>>, vector<16xf32>,
          %mul3A_782 = vector.broadcast %squeeze3A_778 : f32 to vector<16xf32>
          %mul3A_783 = arith.mulf %get3A_781, %mul3A_782 : vector<16xf32>
          %swap3A_784 = arith.index_cast %add3A_776 : i32 to index
          %swap3A_785 = arith.constant 0 : index
          %swap3A_786 = tpu.vector_load %arg11[%swap3A_784, %swap3A_785] {strides = array<i32>} : memref<80x128xf32, #tpu.memory_space<vmem>>, vector<16xf32>,
          tpu.vector_store %arg11[%swap3A_784, %swap3A_785], %mul3A_783 {strides = array<i32>} : memref<80x128xf32, #tpu.memory_space<vmem>>, vector<16xf32>,
          %get3A_787 = arith.index_cast %add3A_776 : i32 to index
          %get3A_788 = arith.constant 16 : index
          %get3A_789 = tpu.vector_load %arg11[%get3A_787, %get3A_788] {strides = array<i32>} : memref<80x128xf32, #tpu.memory_space<vmem>>, vector<16xf32>,
          %mul3A_790 = vector.broadcast %squeeze3A_778 : f32 to vector<16xf32>
          %mul3A_791 = arith.mulf %get3A_789, %mul3A_790 : vector<16xf32>
          %swap3A_792 = arith.index_cast %add3A_776 : i32 to index
          %swap3A_793 = arith.constant 16 : index
          %swap3A_794 = tpu.vector_load %arg11[%swap3A_792, %swap3A_793] {strides = array<i32>} : memref<80x128xf32, #tpu.memory_space<vmem>>, vector<16xf32>,
          tpu.vector_store %arg11[%swap3A_792, %swap3A_793], %mul3A_791 {strides = array<i32>} : memref<80x128xf32, #tpu.memory_space<vmem>>, vector<16xf32>,
          %get3A_795 = arith.index_cast %add3A_776 : i32 to index
          %get3A_796 = arith.constant 32 : index
          %get3A_797 = tpu.vector_load %arg11[%get3A_795, %get3A_796] {strides = array<i32>} : memref<80x128xf32, #tpu.memory_space<vmem>>, vector<16xf32>,
          %mul3A_798 = vector.broadcast %squeeze3A_778 : f32 to vector<16xf32>
          %mul3A_799 = arith.mulf %get3A_797, %mul3A_798 : vector<16xf32>
          %swap3A_800 = arith.index_cast %add3A_776 : i32 to index
          %swap3A_801 = arith.constant 32 : index
          %swap3A_802 = tpu.vector_load %arg11[%swap3A_800, %swap3A_801] {strides = array<i32>} : memref<80x128xf32, #tpu.memory_space<vmem>>, vector<16xf32>,
          tpu.vector_store %arg11[%swap3A_800, %swap3A_801], %mul3A_799 {strides = array<i32>} : memref<80x128xf32, #tpu.memory_space<vmem>>, vector<16xf32>,
          %get3A_803 = arith.index_cast %add3A_776 : i32 to index
          %get3A_804 = arith.constant 48 : index
          %get3A_805 = tpu.vector_load %arg11[%get3A_803, %get3A_804] {strides = array<i32>} : memref<80x128xf32, #tpu.memory_space<vmem>>, vector<16xf32>,
          %mul3A_806 = vector.broadcast %squeeze3A_778 : f32 to vector<16xf32>
          %mul3A_807 = arith.mulf %get3A_805, %mul3A_806 : vector<16xf32>
          %swap3A_808 = arith.index_cast %add3A_776 : i32 to index
          %swap3A_809 = arith.constant 48 : index
          %swap3A_810 = tpu.vector_load %arg11[%swap3A_808, %swap3A_809] {strides = array<i32>} : memref<80x128xf32, #tpu.memory_space<vmem>>, vector<16xf32>,
          tpu.vector_store %arg11[%swap3A_808, %swap3A_809], %mul3A_807 {strides = array<i32>} : memref<80x128xf32, #tpu.memory_space<vmem>>, vector<16xf32>,
          %get3A_811 = arith.index_cast %add3A_776 : i32 to index
          %get3A_812 = arith.constant 64 : index
          %get3A_813 = tpu.vector_load %arg11[%get3A_811, %get3A_812] {strides = array<i32>} : memref<80x128xf32, #tpu.memory_space<vmem>>, vector<16xf32>,
          %mul3A_814 = vector.broadcast %squeeze3A_778 : f32 to vector<16xf32>
          %mul3A_815 = arith.mulf %get3A_813, %mul3A_814 : vector<16xf32>
          %swap3A_816 = arith.index_cast %add3A_776 : i32 to index
          %swap3A_817 = arith.constant 64 : index
          %swap3A_818 = tpu.vector_load %arg11[%swap3A_816, %swap3A_817] {strides = array<i32>} : memref<80x128xf32, #tpu.memory_space<vmem>>, vector<16xf32>,
          tpu.vector_store %arg11[%swap3A_816, %swap3A_817], %mul3A_815 {strides = array<i32>} : memref<80x128xf32, #tpu.memory_space<vmem>>, vector<16xf32>,
          %get3A_819 = arith.index_cast %add3A_776 : i32 to index
          %get3A_820 = arith.constant 80 : index
          %get3A_821 = tpu.vector_load %arg11[%get3A_819, %get3A_820] {strides = array<i32>} : memref<80x128xf32, #tpu.memory_space<vmem>>, vector<16xf32>,
          %mul3A_822 = vector.broadcast %squeeze3A_778 : f32 to vector<16xf32>
          %mul3A_823 = arith.mulf %get3A_821, %mul3A_822 : vector<16xf32>
          %swap3A_824 = arith.index_cast %add3A_776 : i32 to index
          %swap3A_825 = arith.constant 80 : index
          %swap3A_826 = tpu.vector_load %arg11[%swap3A_824, %swap3A_825] {strides = array<i32>} : memref<80x128xf32, #tpu.memory_space<vmem>>, vector<16xf32>,
          tpu.vector_store %arg11[%swap3A_824, %swap3A_825], %mul3A_823 {strides = array<i32>} : memref<80x128xf32, #tpu.memory_space<vmem>>, vector<16xf32>,
          %get3A_827 = arith.index_cast %add3A_776 : i32 to index
          %get3A_828 = arith.constant 96 : index
          %get3A_829 = tpu.vector_load %arg11[%get3A_827, %get3A_828] {strides = array<i32>} : memref<80x128xf32, #tpu.memory_space<vmem>>, vector<16xf32>,
          %mul3A_830 = vector.broadcast %squeeze3A_778 : f32 to vector<16xf32>
          %mul3A_831 = arith.mulf %get3A_829, %mul3A_830 : vector<16xf32>
          %swap3A_832 = arith.index_cast %add3A_776 : i32 to index
          %swap3A_833 = arith.constant 96 : index
          %swap3A_834 = tpu.vector_load %arg11[%swap3A_832, %swap3A_833] {strides = array<i32>} : memref<80x128xf32, #tpu.memory_space<vmem>>, vector<16xf32>,
          tpu.vector_store %arg11[%swap3A_832, %swap3A_833], %mul3A_831 {strides = array<i32>} : memref<80x128xf32, #tpu.memory_space<vmem>>, vector<16xf32>,
          %get3A_835 = arith.index_cast %add3A_776 : i32 to index
          %get3A_836 = arith.constant 112 : index
          %get3A_837 = tpu.vector_load %arg11[%get3A_835, %get3A_836] {strides = array<i32>} : memref<80x128xf32, #tpu.memory_space<vmem>>, vector<16xf32>,
          %mul3A_838 = vector.broadcast %squeeze3A_778 : f32 to vector<16xf32>
          %mul3A_839 = arith.mulf %get3A_837, %mul3A_838 : vector<16xf32>
          %swap3A_840 = arith.index_cast %add3A_776 : i32 to index
          %swap3A_841 = arith.constant 112 : index
          %swap3A_842 = tpu.vector_load %arg11[%swap3A_840, %swap3A_841] {strides = array<i32>} : memref<80x128xf32, #tpu.memory_space<vmem>>, vector<16xf32>,
          tpu.vector_store %arg11[%swap3A_840, %swap3A_841], %mul3A_839 {strides = array<i32>} : memref<80x128xf32, #tpu.memory_space<vmem>>, vector<16xf32>,
          %mul3A_843 = arith.constant 16 : i32
          %mul3A_844 = arith.muli %scan3A_204, %mul3A_843 : i32
          %add3A_845 = arith.constant 9 : i32
          %add3A_846 = arith.addi %mul3A_844, %add3A_845 : i32
          %slice3A_847 = vector.extract_strided_slice %exp3A {offsets = [9], sizes = [1], strides = [1]} : vector<16xf32> to vector<1xf32>
          %squeeze3A_848 = vector.extract %slice3A_847[0] : f32 from vector<1xf32>
          %get3A_849 = arith.index_cast %add3A_846 : i32 to index
          %get3A_850 = arith.constant 0 : index
          %get3A_851 = tpu.vector_load %arg11[%get3A_849, %get3A_850] {strides = array<i32>} : memref<80x128xf32, #tpu.memory_space<vmem>>, vector<16xf32>,
          %mul3A_852 = vector.broadcast %squeeze3A_848 : f32 to vector<16xf32>
          %mul3A_853 = arith.mulf %get3A_851, %mul3A_852 : vector<16xf32>
          %swap3A_854 = arith.index_cast %add3A_846 : i32 to index
          %swap3A_855 = arith.constant 0 : index
          %swap3A_856 = tpu.vector_load %arg11[%swap3A_854, %swap3A_855] {strides = array<i32>} : memref<80x128xf32, #tpu.memory_space<vmem>>, vector<16xf32>,
          tpu.vector_store %arg11[%swap3A_854, %swap3A_855], %mul3A_853 {strides = array<i32>} : memref<80x128xf32, #tpu.memory_space<vmem>>, vector<16xf32>,
          %get3A_857 = arith.index_cast %add3A_846 : i32 to index
          %get3A_858 = arith.constant 16 : index
          %get3A_859 = tpu.vector_load %arg11[%get3A_857, %get3A_858] {strides = array<i32>} : memref<80x128xf32, #tpu.memory_space<vmem>>, vector<16xf32>,
          %mul3A_860 = vector.broadcast %squeeze3A_848 : f32 to vector<16xf32>
          %mul3A_861 = arith.mulf %get3A_859, %mul3A_860 : vector<16xf32>
          %swap3A_862 = arith.index_cast %add3A_846 : i32 to index
          %swap3A_863 = arith.constant 16 : index
          %swap3A_864 = tpu.vector_load %arg11[%swap3A_862, %swap3A_863] {strides = array<i32>} : memref<80x128xf32, #tpu.memory_space<vmem>>, vector<16xf32>,
          tpu.vector_store %arg11[%swap3A_862, %swap3A_863], %mul3A_861 {strides = array<i32>} : memref<80x128xf32, #tpu.memory_space<vmem>>, vector<16xf32>,
          %get3A_865 = arith.index_cast %add3A_846 : i32 to index
          %get3A_866 = arith.constant 32 : index
          %get3A_867 = tpu.vector_load %arg11[%get3A_865, %get3A_866] {strides = array<i32>} : memref<80x128xf32, #tpu.memory_space<vmem>>, vector<16xf32>,
          %mul3A_868 = vector.broadcast %squeeze3A_848 : f32 to vector<16xf32>
          %mul3A_869 = arith.mulf %get3A_867, %mul3A_868 : vector<16xf32>
          %swap3A_870 = arith.index_cast %add3A_846 : i32 to index
          %swap3A_871 = arith.constant 32 : index
          %swap3A_872 = tpu.vector_load %arg11[%swap3A_870, %swap3A_871] {strides = array<i32>} : memref<80x128xf32, #tpu.memory_space<vmem>>, vector<16xf32>,
          tpu.vector_store %arg11[%swap3A_870, %swap3A_871], %mul3A_869 {strides = array<i32>} : memref<80x128xf32, #tpu.memory_space<vmem>>, vector<16xf32>,
          %get3A_873 = arith.index_cast %add3A_846 : i32 to index
          %get3A_874 = arith.constant 48 : index
          %get3A_875 = tpu.vector_load %arg11[%get3A_873, %get3A_874] {strides = array<i32>} : memref<80x128xf32, #tpu.memory_space<vmem>>, vector<16xf32>,
          %mul3A_876 = vector.broadcast %squeeze3A_848 : f32 to vector<16xf32>
          %mul3A_877 = arith.mulf %get3A_875, %mul3A_876 : vector<16xf32>
          %swap3A_878 = arith.index_cast %add3A_846 : i32 to index
          %swap3A_879 = arith.constant 48 : index
          %swap3A_880 = tpu.vector_load %arg11[%swap3A_878, %swap3A_879] {strides = array<i32>} : memref<80x128xf32, #tpu.memory_space<vmem>>, vector<16xf32>,
          tpu.vector_store %arg11[%swap3A_878, %swap3A_879], %mul3A_877 {strides = array<i32>} : memref<80x128xf32, #tpu.memory_space<vmem>>, vector<16xf32>,
          %get3A_881 = arith.index_cast %add3A_846 : i32 to index
          %get3A_882 = arith.constant 64 : index
          %get3A_883 = tpu.vector_load %arg11[%get3A_881, %get3A_882] {strides = array<i32>} : memref<80x128xf32, #tpu.memory_space<vmem>>, vector<16xf32>,
          %mul3A_884 = vector.broadcast %squeeze3A_848 : f32 to vector<16xf32>
          %mul3A_885 = arith.mulf %get3A_883, %mul3A_884 : vector<16xf32>
          %swap3A_886 = arith.index_cast %add3A_846 : i32 to index
          %swap3A_887 = arith.constant 64 : index
          %swap3A_888 = tpu.vector_load %arg11[%swap3A_886, %swap3A_887] {strides = array<i32>} : memref<80x128xf32, #tpu.memory_space<vmem>>, vector<16xf32>,
          tpu.vector_store %arg11[%swap3A_886, %swap3A_887], %mul3A_885 {strides = array<i32>} : memref<80x128xf32, #tpu.memory_space<vmem>>, vector<16xf32>,
          %get3A_889 = arith.index_cast %add3A_846 : i32 to index
          %get3A_890 = arith.constant 80 : index
          %get3A_891 = tpu.vector_load %arg11[%get3A_889, %get3A_890] {strides = array<i32>} : memref<80x128xf32, #tpu.memory_space<vmem>>, vector<16xf32>,
          %mul3A_892 = vector.broadcast %squeeze3A_848 : f32 to vector<16xf32>
          %mul3A_893 = arith.mulf %get3A_891, %mul3A_892 : vector<16xf32>
          %swap3A_894 = arith.index_cast %add3A_846 : i32 to index
          %swap3A_895 = arith.constant 80 : index
          %swap3A_896 = tpu.vector_load %arg11[%swap3A_894, %swap3A_895] {strides = array<i32>} : memref<80x128xf32, #tpu.memory_space<vmem>>, vector<16xf32>,
          tpu.vector_store %arg11[%swap3A_894, %swap3A_895], %mul3A_893 {strides = array<i32>} : memref<80x128xf32, #tpu.memory_space<vmem>>, vector<16xf32>,
          %get3A_897 = arith.index_cast %add3A_846 : i32 to index
          %get3A_898 = arith.constant 96 : index
          %get3A_899 = tpu.vector_load %arg11[%get3A_897, %get3A_898] {strides = array<i32>} : memref<80x128xf32, #tpu.memory_space<vmem>>, vector<16xf32>,
          %mul3A_900 = vector.broadcast %squeeze3A_848 : f32 to vector<16xf32>
          %mul3A_901 = arith.mulf %get3A_899, %mul3A_900 : vector<16xf32>
          %swap3A_902 = arith.index_cast %add3A_846 : i32 to index
          %swap3A_903 = arith.constant 96 : index
          %swap3A_904 = tpu.vector_load %arg11[%swap3A_902, %swap3A_903] {strides = array<i32>} : memref<80x128xf32, #tpu.memory_space<vmem>>, vector<16xf32>,
          tpu.vector_store %arg11[%swap3A_902, %swap3A_903], %mul3A_901 {strides = array<i32>} : memref<80x128xf32, #tpu.memory_space<vmem>>, vector<16xf32>,
          %get3A_905 = arith.index_cast %add3A_846 : i32 to index
          %get3A_906 = arith.constant 112 : index
          %get3A_907 = tpu.vector_load %arg11[%get3A_905, %get3A_906] {strides = array<i32>} : memref<80x128xf32, #tpu.memory_space<vmem>>, vector<16xf32>,
          %mul3A_908 = vector.broadcast %squeeze3A_848 : f32 to vector<16xf32>
          %mul3A_909 = arith.mulf %get3A_907, %mul3A_908 : vector<16xf32>
          %swap3A_910 = arith.index_cast %add3A_846 : i32 to index
          %swap3A_911 = arith.constant 112 : index
          %swap3A_912 = tpu.vector_load %arg11[%swap3A_910, %swap3A_911] {strides = array<i32>} : memref<80x128xf32, #tpu.memory_space<vmem>>, vector<16xf32>,
          tpu.vector_store %arg11[%swap3A_910, %swap3A_911], %mul3A_909 {strides = array<i32>} : memref<80x128xf32, #tpu.memory_space<vmem>>, vector<16xf32>,
          %mul3A_913 = arith.constant 16 : i32
          %mul3A_914 = arith.muli %scan3A_204, %mul3A_913 : i32
          %add3A_915 = arith.constant 10 : i32
          %add3A_916 = arith.addi %mul3A_914, %add3A_915 : i32
          %slice3A_917 = vector.extract_strided_slice %exp3A {offsets = [10], sizes = [1], strides = [1]} : vector<16xf32> to vector<1xf32>
          %squeeze3A_918 = vector.extract %slice3A_917[0] : f32 from vector<1xf32>
          %get3A_919 = arith.index_cast %add3A_916 : i32 to index
          %get3A_920 = arith.constant 0 : index
          %get3A_921 = tpu.vector_load %arg11[%get3A_919, %get3A_920] {strides = array<i32>} : memref<80x128xf32, #tpu.memory_space<vmem>>, vector<16xf32>,
          %mul3A_922 = vector.broadcast %squeeze3A_918 : f32 to vector<16xf32>
          %mul3A_923 = arith.mulf %get3A_921, %mul3A_922 : vector<16xf32>
          %swap3A_924 = arith.index_cast %add3A_916 : i32 to index
          %swap3A_925 = arith.constant 0 : index
          %swap3A_926 = tpu.vector_load %arg11[%swap3A_924, %swap3A_925] {strides = array<i32>} : memref<80x128xf32, #tpu.memory_space<vmem>>, vector<16xf32>,
          tpu.vector_store %arg11[%swap3A_924, %swap3A_925], %mul3A_923 {strides = array<i32>} : memref<80x128xf32, #tpu.memory_space<vmem>>, vector<16xf32>,
          %get3A_927 = arith.index_cast %add3A_916 : i32 to index
          %get3A_928 = arith.constant 16 : index
          %get3A_929 = tpu.vector_load %arg11[%get3A_927, %get3A_928] {strides = array<i32>} : memref<80x128xf32, #tpu.memory_space<vmem>>, vector<16xf32>,
          %mul3A_930 = vector.broadcast %squeeze3A_918 : f32 to vector<16xf32>
          %mul3A_931 = arith.mulf %get3A_929, %mul3A_930 : vector<16xf32>
          %swap3A_932 = arith.index_cast %add3A_916 : i32 to index
          %swap3A_933 = arith.constant 16 : index
          %swap3A_934 = tpu.vector_load %arg11[%swap3A_932, %swap3A_933] {strides = array<i32>} : memref<80x128xf32, #tpu.memory_space<vmem>>, vector<16xf32>,
          tpu.vector_store %arg11[%swap3A_932, %swap3A_933], %mul3A_931 {strides = array<i32>} : memref<80x128xf32, #tpu.memory_space<vmem>>, vector<16xf32>,
          %get3A_935 = arith.index_cast %add3A_916 : i32 to index
          %get3A_936 = arith.constant 32 : index
          %get3A_937 = tpu.vector_load %arg11[%get3A_935, %get3A_936] {strides = array<i32>} : memref<80x128xf32, #tpu.memory_space<vmem>>, vector<16xf32>,
          %mul3A_938 = vector.broadcast %squeeze3A_918 : f32 to vector<16xf32>
          %mul3A_939 = arith.mulf %get3A_937, %mul3A_938 : vector<16xf32>
          %swap3A_940 = arith.index_cast %add3A_916 : i32 to index
          %swap3A_941 = arith.constant 32 : index
          %swap3A_942 = tpu.vector_load %arg11[%swap3A_940, %swap3A_941] {strides = array<i32>} : memref<80x128xf32, #tpu.memory_space<vmem>>, vector<16xf32>,
          tpu.vector_store %arg11[%swap3A_940, %swap3A_941], %mul3A_939 {strides = array<i32>} : memref<80x128xf32, #tpu.memory_space<vmem>>, vector<16xf32>,
          %get3A_943 = arith.index_cast %add3A_916 : i32 to index
          %get3A_944 = arith.constant 48 : index
          %get3A_945 = tpu.vector_load %arg11[%get3A_943, %get3A_944] {strides = array<i32>} : memref<80x128xf32, #tpu.memory_space<vmem>>, vector<16xf32>,
          %mul3A_946 = vector.broadcast %squeeze3A_918 : f32 to vector<16xf32>
          %mul3A_947 = arith.mulf %get3A_945, %mul3A_946 : vector<16xf32>
          %swap3A_948 = arith.index_cast %add3A_916 : i32 to index
          %swap3A_949 = arith.constant 48 : index
          %swap3A_950 = tpu.vector_load %arg11[%swap3A_948, %swap3A_949] {strides = array<i32>} : memref<80x128xf32, #tpu.memory_space<vmem>>, vector<16xf32>,
          tpu.vector_store %arg11[%swap3A_948, %swap3A_949], %mul3A_947 {strides = array<i32>} : memref<80x128xf32, #tpu.memory_space<vmem>>, vector<16xf32>,
          %get3A_951 = arith.index_cast %add3A_916 : i32 to index
          %get3A_952 = arith.constant 64 : index
          %get3A_953 = tpu.vector_load %arg11[%get3A_951, %get3A_952] {strides = array<i32>} : memref<80x128xf32, #tpu.memory_space<vmem>>, vector<16xf32>,
          %mul3A_954 = vector.broadcast %squeeze3A_918 : f32 to vector<16xf32>
          %mul3A_955 = arith.mulf %get3A_953, %mul3A_954 : vector<16xf32>
          %swap3A_956 = arith.index_cast %add3A_916 : i32 to index
          %swap3A_957 = arith.constant 64 : index
          %swap3A_958 = tpu.vector_load %arg11[%swap3A_956, %swap3A_957] {strides = array<i32>} : memref<80x128xf32, #tpu.memory_space<vmem>>, vector<16xf32>,
          tpu.vector_store %arg11[%swap3A_956, %swap3A_957], %mul3A_955 {strides = array<i32>} : memref<80x128xf32, #tpu.memory_space<vmem>>, vector<16xf32>,
          %get3A_959 = arith.index_cast %add3A_916 : i32 to index
          %get3A_960 = arith.constant 80 : index
          %get3A_961 = tpu.vector_load %arg11[%get3A_959, %get3A_960] {strides = array<i32>} : memref<80x128xf32, #tpu.memory_space<vmem>>, vector<16xf32>,
          %mul3A_962 = vector.broadcast %squeeze3A_918 : f32 to vector<16xf32>
          %mul3A_963 = arith.mulf %get3A_961, %mul3A_962 : vector<16xf32>
          %swap3A_964 = arith.index_cast %add3A_916 : i32 to index
          %swap3A_965 = arith.constant 80 : index
          %swap3A_966 = tpu.vector_load %arg11[%swap3A_964, %swap3A_965] {strides = array<i32>} : memref<80x128xf32, #tpu.memory_space<vmem>>, vector<16xf32>,
          tpu.vector_store %arg11[%swap3A_964, %swap3A_965], %mul3A_963 {strides = array<i32>} : memref<80x128xf32, #tpu.memory_space<vmem>>, vector<16xf32>,
          %get3A_967 = arith.index_cast %add3A_916 : i32 to index
          %get3A_968 = arith.constant 96 : index
          %get3A_969 = tpu.vector_load %arg11[%get3A_967, %get3A_968] {strides = array<i32>} : memref<80x128xf32, #tpu.memory_space<vmem>>, vector<16xf32>,
          %mul3A_970 = vector.broadcast %squeeze3A_918 : f32 to vector<16xf32>
          %mul3A_971 = arith.mulf %get3A_969, %mul3A_970 : vector<16xf32>
          %swap3A_972 = arith.index_cast %add3A_916 : i32 to index
          %swap3A_973 = arith.constant 96 : index
          %swap3A_974 = tpu.vector_load %arg11[%swap3A_972, %swap3A_973] {strides = array<i32>} : memref<80x128xf32, #tpu.memory_space<vmem>>, vector<16xf32>,
          tpu.vector_store %arg11[%swap3A_972, %swap3A_973], %mul3A_971 {strides = array<i32>} : memref<80x128xf32, #tpu.memory_space<vmem>>, vector<16xf32>,
          %get3A_975 = arith.index_cast %add3A_916 : i32 to index
          %get3A_976 = arith.constant 112 : index
          %get3A_977 = tpu.vector_load %arg11[%get3A_975, %get3A_976] {strides = array<i32>} : memref<80x128xf32, #tpu.memory_space<vmem>>, vector<16xf32>,
          %mul3A_978 = vector.broadcast %squeeze3A_918 : f32 to vector<16xf32>
          %mul3A_979 = arith.mulf %get3A_977, %mul3A_978 : vector<16xf32>
          %swap3A_980 = arith.index_cast %add3A_916 : i32 to index
          %swap3A_981 = arith.constant 112 : index
          %swap3A_982 = tpu.vector_load %arg11[%swap3A_980, %swap3A_981] {strides = array<i32>} : memref<80x128xf32, #tpu.memory_space<vmem>>, vector<16xf32>,
          tpu.vector_store %arg11[%swap3A_980, %swap3A_981], %mul3A_979 {strides = array<i32>} : memref<80x128xf32, #tpu.memory_space<vmem>>, vector<16xf32>,
          %mul3A_983 = arith.constant 16 : i32
          %mul3A_984 = arith.muli %scan3A_204, %mul3A_983 : i32
          %add3A_985 = arith.constant 11 : i32
          %add3A_986 = arith.addi %mul3A_984, %add3A_985 : i32
          %slice3A_987 = vector.extract_strided_slice %exp3A {offsets = [11], sizes = [1], strides = [1]} : vector<16xf32> to vector<1xf32>
          %squeeze3A_988 = vector.extract %slice3A_987[0] : f32 from vector<1xf32>
          %get3A_989 = arith.index_cast %add3A_986 : i32 to index
          %get3A_990 = arith.constant 0 : index
          %get3A_991 = tpu.vector_load %arg11[%get3A_989, %get3A_990] {strides = array<i32>} : memref<80x128xf32, #tpu.memory_space<vmem>>, vector<16xf32>,
          %mul3A_992 = vector.broadcast %squeeze3A_988 : f32 to vector<16xf32>
          %mul3A_993 = arith.mulf %get3A_991, %mul3A_992 : vector<16xf32>
          %swap3A_994 = arith.index_cast %add3A_986 : i32 to index
          %swap3A_995 = arith.constant 0 : index
          %swap3A_996 = tpu.vector_load %arg11[%swap3A_994, %swap3A_995] {strides = array<i32>} : memref<80x128xf32, #tpu.memory_space<vmem>>, vector<16xf32>,
          tpu.vector_store %arg11[%swap3A_994, %swap3A_995], %mul3A_993 {strides = array<i32>} : memref<80x128xf32, #tpu.memory_space<vmem>>, vector<16xf32>,
          %get3A_997 = arith.index_cast %add3A_986 : i32 to index
          %get3A_998 = arith.constant 16 : index
          %get3A_999 = tpu.vector_load %arg11[%get3A_997, %get3A_998] {strides = array<i32>} : memref<80x128xf32, #tpu.memory_space<vmem>>, vector<16xf32>,
          %mul3A_1000 = vector.broadcast %squeeze3A_988 : f32 to vector<16xf32>
          %mul3A_1001 = arith.mulf %get3A_999, %mul3A_1000 : vector<16xf32>
          %swap3A_1002 = arith.index_cast %add3A_986 : i32 to index
          %swap3A_1003 = arith.constant 16 : index
          %swap3A_1004 = tpu.vector_load %arg11[%swap3A_1002, %swap3A_1003] {strides = array<i32>} : memref<80x128xf32, #tpu.memory_space<vmem>>, vector<16xf32>,
          tpu.vector_store %arg11[%swap3A_1002, %swap3A_1003], %mul3A_1001 {strides = array<i32>} : memref<80x128xf32, #tpu.memory_space<vmem>>, vector<16xf32>,
          %get3A_1005 = arith.index_cast %add3A_986 : i32 to index
          %get3A_1006 = arith.constant 32 : index
          %get3A_1007 = tpu.vector_load %arg11[%get3A_1005, %get3A_1006] {strides = array<i32>} : memref<80x128xf32, #tpu.memory_space<vmem>>, vector<16xf32>,
          %mul3A_1008 = vector.broadcast %squeeze3A_988 : f32 to vector<16xf32>
          %mul3A_1009 = arith.mulf %get3A_1007, %mul3A_1008 : vector<16xf32>
          %swap3A_1010 = arith.index_cast %add3A_986 : i32 to index
          %swap3A_1011 = arith.constant 32 : index
          %swap3A_1012 = tpu.vector_load %arg11[%swap3A_1010, %swap3A_1011] {strides = array<i32>} : memref<80x128xf32, #tpu.memory_space<vmem>>, vector<16xf32>,
          tpu.vector_store %arg11[%swap3A_1010, %swap3A_1011], %mul3A_1009 {strides = array<i32>} : memref<80x128xf32, #tpu.memory_space<vmem>>, vector<16xf32>,
          %get3A_1013 = arith.index_cast %add3A_986 : i32 to index
          %get3A_1014 = arith.constant 48 : index
          %get3A_1015 = tpu.vector_load %arg11[%get3A_1013, %get3A_1014] {strides = array<i32>} : memref<80x128xf32, #tpu.memory_space<vmem>>, vector<16xf32>,
          %mul3A_1016 = vector.broadcast %squeeze3A_988 : f32 to vector<16xf32>
          %mul3A_1017 = arith.mulf %get3A_1015, %mul3A_1016 : vector<16xf32>
          %swap3A_1018 = arith.index_cast %add3A_986 : i32 to index
          %swap3A_1019 = arith.constant 48 : index
          %swap3A_1020 = tpu.vector_load %arg11[%swap3A_1018, %swap3A_1019] {strides = array<i32>} : memref<80x128xf32, #tpu.memory_space<vmem>>, vector<16xf32>,
          tpu.vector_store %arg11[%swap3A_1018, %swap3A_1019], %mul3A_1017 {strides = array<i32>} : memref<80x128xf32, #tpu.memory_space<vmem>>, vector<16xf32>,
          %get3A_1021 = arith.index_cast %add3A_986 : i32 to index
          %get3A_1022 = arith.constant 64 : index
          %get3A_1023 = tpu.vector_load %arg11[%get3A_1021, %get3A_1022] {strides = array<i32>} : memref<80x128xf32, #tpu.memory_space<vmem>>, vector<16xf32>,
          %mul3A_1024 = vector.broadcast %squeeze3A_988 : f32 to vector<16xf32>
          %mul3A_1025 = arith.mulf %get3A_1023, %mul3A_1024 : vector<16xf32>
          %swap3A_1026 = arith.index_cast %add3A_986 : i32 to index
          %swap3A_1027 = arith.constant 64 : index
          %swap3A_1028 = tpu.vector_load %arg11[%swap3A_1026, %swap3A_1027] {strides = array<i32>} : memref<80x128xf32, #tpu.memory_space<vmem>>, vector<16xf32>,
          tpu.vector_store %arg11[%swap3A_1026, %swap3A_1027], %mul3A_1025 {strides = array<i32>} : memref<80x128xf32, #tpu.memory_space<vmem>>, vector<16xf32>,
          %get3A_1029 = arith.index_cast %add3A_986 : i32 to index
          %get3A_1030 = arith.constant 80 : index
          %get3A_1031 = tpu.vector_load %arg11[%get3A_1029, %get3A_1030] {strides = array<i32>} : memref<80x128xf32, #tpu.memory_space<vmem>>, vector<16xf32>,
          %mul3A_1032 = vector.broadcast %squeeze3A_988 : f32 to vector<16xf32>
          %mul3A_1033 = arith.mulf %get3A_1031, %mul3A_1032 : vector<16xf32>
          %swap3A_1034 = arith.index_cast %add3A_986 : i32 to index
          %swap3A_1035 = arith.constant 80 : index
          %swap3A_1036 = tpu.vector_load %arg11[%swap3A_1034, %swap3A_1035] {strides = array<i32>} : memref<80x128xf32, #tpu.memory_space<vmem>>, vector<16xf32>,
          tpu.vector_store %arg11[%swap3A_1034, %swap3A_1035], %mul3A_1033 {strides = array<i32>} : memref<80x128xf32, #tpu.memory_space<vmem>>, vector<16xf32>,
          %get3A_1037 = arith.index_cast %add3A_986 : i32 to index
          %get3A_1038 = arith.constant 96 : index
          %get3A_1039 = tpu.vector_load %arg11[%get3A_1037, %get3A_1038] {strides = array<i32>} : memref<80x128xf32, #tpu.memory_space<vmem>>, vector<16xf32>,
          %mul3A_1040 = vector.broadcast %squeeze3A_988 : f32 to vector<16xf32>
          %mul3A_1041 = arith.mulf %get3A_1039, %mul3A_1040 : vector<16xf32>
          %swap3A_1042 = arith.index_cast %add3A_986 : i32 to index
          %swap3A_1043 = arith.constant 96 : index
          %swap3A_1044 = tpu.vector_load %arg11[%swap3A_1042, %swap3A_1043] {strides = array<i32>} : memref<80x128xf32, #tpu.memory_space<vmem>>, vector<16xf32>,
          tpu.vector_store %arg11[%swap3A_1042, %swap3A_1043], %mul3A_1041 {strides = array<i32>} : memref<80x128xf32, #tpu.memory_space<vmem>>, vector<16xf32>,
          %get3A_1045 = arith.index_cast %add3A_986 : i32 to index
          %get3A_1046 = arith.constant 112 : index
          %get3A_1047 = tpu.vector_load %arg11[%get3A_1045, %get3A_1046] {strides = array<i32>} : memref<80x128xf32, #tpu.memory_space<vmem>>, vector<16xf32>,
          %mul3A_1048 = vector.broadcast %squeeze3A_988 : f32 to vector<16xf32>
          %mul3A_1049 = arith.mulf %get3A_1047, %mul3A_1048 : vector<16xf32>
          %swap3A_1050 = arith.index_cast %add3A_986 : i32 to index
          %swap3A_1051 = arith.constant 112 : index
          %swap3A_1052 = tpu.vector_load %arg11[%swap3A_1050, %swap3A_1051] {strides = array<i32>} : memref<80x128xf32, #tpu.memory_space<vmem>>, vector<16xf32>,
          tpu.vector_store %arg11[%swap3A_1050, %swap3A_1051], %mul3A_1049 {strides = array<i32>} : memref<80x128xf32, #tpu.memory_space<vmem>>, vector<16xf32>,
          %mul3A_1053 = arith.constant 16 : i32
          %mul3A_1054 = arith.muli %scan3A_204, %mul3A_1053 : i32
          %add3A_1055 = arith.constant 12 : i32
          %add3A_1056 = arith.addi %mul3A_1054, %add3A_1055 : i32
          %slice3A_1057 = vector.extract_strided_slice %exp3A {offsets = [12], sizes = [1], strides = [1]} : vector<16xf32> to vector<1xf32>
          %squeeze3A_1058 = vector.extract %slice3A_1057[0] : f32 from vector<1xf32>
          %get3A_1059 = arith.index_cast %add3A_1056 : i32 to index
          %get3A_1060 = arith.constant 0 : index
          %get3A_1061 = tpu.vector_load %arg11[%get3A_1059, %get3A_1060] {strides = array<i32>} : memref<80x128xf32, #tpu.memory_space<vmem>>, vector<16xf32>,
          %mul3A_1062 = vector.broadcast %squeeze3A_1058 : f32 to vector<16xf32>
          %mul3A_1063 = arith.mulf %get3A_1061, %mul3A_1062 : vector<16xf32>
          %swap3A_1064 = arith.index_cast %add3A_1056 : i32 to index
          %swap3A_1065 = arith.constant 0 : index
          %swap3A_1066 = tpu.vector_load %arg11[%swap3A_1064, %swap3A_1065] {strides = array<i32>} : memref<80x128xf32, #tpu.memory_space<vmem>>, vector<16xf32>,
          tpu.vector_store %arg11[%swap3A_1064, %swap3A_1065], %mul3A_1063 {strides = array<i32>} : memref<80x128xf32, #tpu.memory_space<vmem>>, vector<16xf32>,
          %get3A_1067 = arith.index_cast %add3A_1056 : i32 to index
          %get3A_1068 = arith.constant 16 : index
          %get3A_1069 = tpu.vector_load %arg11[%get3A_1067, %get3A_1068] {strides = array<i32>} : memref<80x128xf32, #tpu.memory_space<vmem>>, vector<16xf32>,
          %mul3A_1070 = vector.broadcast %squeeze3A_1058 : f32 to vector<16xf32>
          %mul3A_1071 = arith.mulf %get3A_1069, %mul3A_1070 : vector<16xf32>
          %swap3A_1072 = arith.index_cast %add3A_1056 : i32 to index
          %swap3A_1073 = arith.constant 16 : index
          %swap3A_1074 = tpu.vector_load %arg11[%swap3A_1072, %swap3A_1073] {strides = array<i32>} : memref<80x128xf32, #tpu.memory_space<vmem>>, vector<16xf32>,
          tpu.vector_store %arg11[%swap3A_1072, %swap3A_1073], %mul3A_1071 {strides = array<i32>} : memref<80x128xf32, #tpu.memory_space<vmem>>, vector<16xf32>,
          %get3A_1075 = arith.index_cast %add3A_1056 : i32 to index
          %get3A_1076 = arith.constant 32 : index
          %get3A_1077 = tpu.vector_load %arg11[%get3A_1075, %get3A_1076] {strides = array<i32>} : memref<80x128xf32, #tpu.memory_space<vmem>>, vector<16xf32>,
          %mul3A_1078 = vector.broadcast %squeeze3A_1058 : f32 to vector<16xf32>
          %mul3A_1079 = arith.mulf %get3A_1077, %mul3A_1078 : vector<16xf32>
          %swap3A_1080 = arith.index_cast %add3A_1056 : i32 to index
          %swap3A_1081 = arith.constant 32 : index
          %swap3A_1082 = tpu.vector_load %arg11[%swap3A_1080, %swap3A_1081] {strides = array<i32>} : memref<80x128xf32, #tpu.memory_space<vmem>>, vector<16xf32>,
          tpu.vector_store %arg11[%swap3A_1080, %swap3A_1081], %mul3A_1079 {strides = array<i32>} : memref<80x128xf32, #tpu.memory_space<vmem>>, vector<16xf32>,
          %get3A_1083 = arith.index_cast %add3A_1056 : i32 to index
          %get3A_1084 = arith.constant 48 : index
          %get3A_1085 = tpu.vector_load %arg11[%get3A_1083, %get3A_1084] {strides = array<i32>} : memref<80x128xf32, #tpu.memory_space<vmem>>, vector<16xf32>,
          %mul3A_1086 = vector.broadcast %squeeze3A_1058 : f32 to vector<16xf32>
          %mul3A_1087 = arith.mulf %get3A_1085, %mul3A_1086 : vector<16xf32>
          %swap3A_1088 = arith.index_cast %add3A_1056 : i32 to index
          %swap3A_1089 = arith.constant 48 : index
          %swap3A_1090 = tpu.vector_load %arg11[%swap3A_1088, %swap3A_1089] {strides = array<i32>} : memref<80x128xf32, #tpu.memory_space<vmem>>, vector<16xf32>,
          tpu.vector_store %arg11[%swap3A_1088, %swap3A_1089], %mul3A_1087 {strides = array<i32>} : memref<80x128xf32, #tpu.memory_space<vmem>>, vector<16xf32>,
          %get3A_1091 = arith.index_cast %add3A_1056 : i32 to index
          %get3A_1092 = arith.constant 64 : index
          %get3A_1093 = tpu.vector_load %arg11[%get3A_1091, %get3A_1092] {strides = array<i32>} : memref<80x128xf32, #tpu.memory_space<vmem>>, vector<16xf32>,
          %mul3A_1094 = vector.broadcast %squeeze3A_1058 : f32 to vector<16xf32>
          %mul3A_1095 = arith.mulf %get3A_1093, %mul3A_1094 : vector<16xf32>
          %swap3A_1096 = arith.index_cast %add3A_1056 : i32 to index
          %swap3A_1097 = arith.constant 64 : index
          %swap3A_1098 = tpu.vector_load %arg11[%swap3A_1096, %swap3A_1097] {strides = array<i32>} : memref<80x128xf32, #tpu.memory_space<vmem>>, vector<16xf32>,
          tpu.vector_store %arg11[%swap3A_1096, %swap3A_1097], %mul3A_1095 {strides = array<i32>} : memref<80x128xf32, #tpu.memory_space<vmem>>, vector<16xf32>,
          %get3A_1099 = arith.index_cast %add3A_1056 : i32 to index
          %get3A_1100 = arith.constant 80 : index
          %get3A_1101 = tpu.vector_load %arg11[%get3A_1099, %get3A_1100] {strides = array<i32>} : memref<80x128xf32, #tpu.memory_space<vmem>>, vector<16xf32>,
          %mul3A_1102 = vector.broadcast %squeeze3A_1058 : f32 to vector<16xf32>
          %mul3A_1103 = arith.mulf %get3A_1101, %mul3A_1102 : vector<16xf32>
          %swap3A_1104 = arith.index_cast %add3A_1056 : i32 to index
          %swap3A_1105 = arith.constant 80 : index
          %swap3A_1106 = tpu.vector_load %arg11[%swap3A_1104, %swap3A_1105] {strides = array<i32>} : memref<80x128xf32, #tpu.memory_space<vmem>>, vector<16xf32>,
          tpu.vector_store %arg11[%swap3A_1104, %swap3A_1105], %mul3A_1103 {strides = array<i32>} : memref<80x128xf32, #tpu.memory_space<vmem>>, vector<16xf32>,
          %get3A_1107 = arith.index_cast %add3A_1056 : i32 to index
          %get3A_1108 = arith.constant 96 : index
          %get3A_1109 = tpu.vector_load %arg11[%get3A_1107, %get3A_1108] {strides = array<i32>} : memref<80x128xf32, #tpu.memory_space<vmem>>, vector<16xf32>,
          %mul3A_1110 = vector.broadcast %squeeze3A_1058 : f32 to vector<16xf32>
          %mul3A_1111 = arith.mulf %get3A_1109, %mul3A_1110 : vector<16xf32>
          %swap3A_1112 = arith.index_cast %add3A_1056 : i32 to index
          %swap3A_1113 = arith.constant 96 : index
          %swap3A_1114 = tpu.vector_load %arg11[%swap3A_1112, %swap3A_1113] {strides = array<i32>} : memref<80x128xf32, #tpu.memory_space<vmem>>, vector<16xf32>,
          tpu.vector_store %arg11[%swap3A_1112, %swap3A_1113], %mul3A_1111 {strides = array<i32>} : memref<80x128xf32, #tpu.memory_space<vmem>>, vector<16xf32>,
          %get3A_1115 = arith.index_cast %add3A_1056 : i32 to index
          %get3A_1116 = arith.constant 112 : index
          %get3A_1117 = tpu.vector_load %arg11[%get3A_1115, %get3A_1116] {strides = array<i32>} : memref<80x128xf32, #tpu.memory_space<vmem>>, vector<16xf32>,
          %mul3A_1118 = vector.broadcast %squeeze3A_1058 : f32 to vector<16xf32>
          %mul3A_1119 = arith.mulf %get3A_1117, %mul3A_1118 : vector<16xf32>
          %swap3A_1120 = arith.index_cast %add3A_1056 : i32 to index
          %swap3A_1121 = arith.constant 112 : index
          %swap3A_1122 = tpu.vector_load %arg11[%swap3A_1120, %swap3A_1121] {strides = array<i32>} : memref<80x128xf32, #tpu.memory_space<vmem>>, vector<16xf32>,
          tpu.vector_store %arg11[%swap3A_1120, %swap3A_1121], %mul3A_1119 {strides = array<i32>} : memref<80x128xf32, #tpu.memory_space<vmem>>, vector<16xf32>,
          %mul3A_1123 = arith.constant 16 : i32
          %mul3A_1124 = arith.muli %scan3A_204, %mul3A_1123 : i32
          %add3A_1125 = arith.constant 13 : i32
          %add3A_1126 = arith.addi %mul3A_1124, %add3A_1125 : i32
          %slice3A_1127 = vector.extract_strided_slice %exp3A {offsets = [13], sizes = [1], strides = [1]} : vector<16xf32> to vector<1xf32>
          %squeeze3A_1128 = vector.extract %slice3A_1127[0] : f32 from vector<1xf32>
          %get3A_1129 = arith.index_cast %add3A_1126 : i32 to index
          %get3A_1130 = arith.constant 0 : index
          %get3A_1131 = tpu.vector_load %arg11[%get3A_1129, %get3A_1130] {strides = array<i32>} : memref<80x128xf32, #tpu.memory_space<vmem>>, vector<16xf32>,
          %mul3A_1132 = vector.broadcast %squeeze3A_1128 : f32 to vector<16xf32>
          %mul3A_1133 = arith.mulf %get3A_1131, %mul3A_1132 : vector<16xf32>
          %swap3A_1134 = arith.index_cast %add3A_1126 : i32 to index
          %swap3A_1135 = arith.constant 0 : index
          %swap3A_1136 = tpu.vector_load %arg11[%swap3A_1134, %swap3A_1135] {strides = array<i32>} : memref<80x128xf32, #tpu.memory_space<vmem>>, vector<16xf32>,
          tpu.vector_store %arg11[%swap3A_1134, %swap3A_1135], %mul3A_1133 {strides = array<i32>} : memref<80x128xf32, #tpu.memory_space<vmem>>, vector<16xf32>,
          %get3A_1137 = arith.index_cast %add3A_1126 : i32 to index
          %get3A_1138 = arith.constant 16 : index
          %get3A_1139 = tpu.vector_load %arg11[%get3A_1137, %get3A_1138] {strides = array<i32>} : memref<80x128xf32, #tpu.memory_space<vmem>>, vector<16xf32>,
          %mul3A_1140 = vector.broadcast %squeeze3A_1128 : f32 to vector<16xf32>
          %mul3A_1141 = arith.mulf %get3A_1139, %mul3A_1140 : vector<16xf32>
          %swap3A_1142 = arith.index_cast %add3A_1126 : i32 to index
          %swap3A_1143 = arith.constant 16 : index
          %swap3A_1144 = tpu.vector_load %arg11[%swap3A_1142, %swap3A_1143] {strides = array<i32>} : memref<80x128xf32, #tpu.memory_space<vmem>>, vector<16xf32>,
          tpu.vector_store %arg11[%swap3A_1142, %swap3A_1143], %mul3A_1141 {strides = array<i32>} : memref<80x128xf32, #tpu.memory_space<vmem>>, vector<16xf32>,
          %get3A_1145 = arith.index_cast %add3A_1126 : i32 to index
          %get3A_1146 = arith.constant 32 : index
          %get3A_1147 = tpu.vector_load %arg11[%get3A_1145, %get3A_1146] {strides = array<i32>} : memref<80x128xf32, #tpu.memory_space<vmem>>, vector<16xf32>,
          %mul3A_1148 = vector.broadcast %squeeze3A_1128 : f32 to vector<16xf32>
          %mul3A_1149 = arith.mulf %get3A_1147, %mul3A_1148 : vector<16xf32>
          %swap3A_1150 = arith.index_cast %add3A_1126 : i32 to index
          %swap3A_1151 = arith.constant 32 : index
          %swap3A_1152 = tpu.vector_load %arg11[%swap3A_1150, %swap3A_1151] {strides = array<i32>} : memref<80x128xf32, #tpu.memory_space<vmem>>, vector<16xf32>,
          tpu.vector_store %arg11[%swap3A_1150, %swap3A_1151], %mul3A_1149 {strides = array<i32>} : memref<80x128xf32, #tpu.memory_space<vmem>>, vector<16xf32>,
          %get3A_1153 = arith.index_cast %add3A_1126 : i32 to index
          %get3A_1154 = arith.constant 48 : index
          %get3A_1155 = tpu.vector_load %arg11[%get3A_1153, %get3A_1154] {strides = array<i32>} : memref<80x128xf32, #tpu.memory_space<vmem>>, vector<16xf32>,
          %mul3A_1156 = vector.broadcast %squeeze3A_1128 : f32 to vector<16xf32>
          %mul3A_1157 = arith.mulf %get3A_1155, %mul3A_1156 : vector<16xf32>
          %swap3A_1158 = arith.index_cast %add3A_1126 : i32 to index
          %swap3A_1159 = arith.constant 48 : index
          %swap3A_1160 = tpu.vector_load %arg11[%swap3A_1158, %swap3A_1159] {strides = array<i32>} : memref<80x128xf32, #tpu.memory_space<vmem>>, vector<16xf32>,
          tpu.vector_store %arg11[%swap3A_1158, %swap3A_1159], %mul3A_1157 {strides = array<i32>} : memref<80x128xf32, #tpu.memory_space<vmem>>, vector<16xf32>,
          %get3A_1161 = arith.index_cast %add3A_1126 : i32 to index
          %get3A_1162 = arith.constant 64 : index
          %get3A_1163 = tpu.vector_load %arg11[%get3A_1161, %get3A_1162] {strides = array<i32>} : memref<80x128xf32, #tpu.memory_space<vmem>>, vector<16xf32>,
          %mul3A_1164 = vector.broadcast %squeeze3A_1128 : f32 to vector<16xf32>
          %mul3A_1165 = arith.mulf %get3A_1163, %mul3A_1164 : vector<16xf32>
          %swap3A_1166 = arith.index_cast %add3A_1126 : i32 to index
          %swap3A_1167 = arith.constant 64 : index
          %swap3A_1168 = tpu.vector_load %arg11[%swap3A_1166, %swap3A_1167] {strides = array<i32>} : memref<80x128xf32, #tpu.memory_space<vmem>>, vector<16xf32>,
          tpu.vector_store %arg11[%swap3A_1166, %swap3A_1167], %mul3A_1165 {strides = array<i32>} : memref<80x128xf32, #tpu.memory_space<vmem>>, vector<16xf32>,
          %get3A_1169 = arith.index_cast %add3A_1126 : i32 to index
          %get3A_1170 = arith.constant 80 : index
          %get3A_1171 = tpu.vector_load %arg11[%get3A_1169, %get3A_1170] {strides = array<i32>} : memref<80x128xf32, #tpu.memory_space<vmem>>, vector<16xf32>,
          %mul3A_1172 = vector.broadcast %squeeze3A_1128 : f32 to vector<16xf32>
          %mul3A_1173 = arith.mulf %get3A_1171, %mul3A_1172 : vector<16xf32>
          %swap3A_1174 = arith.index_cast %add3A_1126 : i32 to index
          %swap3A_1175 = arith.constant 80 : index
          %swap3A_1176 = tpu.vector_load %arg11[%swap3A_1174, %swap3A_1175] {strides = array<i32>} : memref<80x128xf32, #tpu.memory_space<vmem>>, vector<16xf32>,
          tpu.vector_store %arg11[%swap3A_1174, %swap3A_1175], %mul3A_1173 {strides = array<i32>} : memref<80x128xf32, #tpu.memory_space<vmem>>, vector<16xf32>,
          %get3A_1177 = arith.index_cast %add3A_1126 : i32 to index
          %get3A_1178 = arith.constant 96 : index
          %get3A_1179 = tpu.vector_load %arg11[%get3A_1177, %get3A_1178] {strides = array<i32>} : memref<80x128xf32, #tpu.memory_space<vmem>>, vector<16xf32>,
          %mul3A_1180 = vector.broadcast %squeeze3A_1128 : f32 to vector<16xf32>
          %mul3A_1181 = arith.mulf %get3A_1179, %mul3A_1180 : vector<16xf32>
          %swap3A_1182 = arith.index_cast %add3A_1126 : i32 to index
          %swap3A_1183 = arith.constant 96 : index
          %swap3A_1184 = tpu.vector_load %arg11[%swap3A_1182, %swap3A_1183] {strides = array<i32>} : memref<80x128xf32, #tpu.memory_space<vmem>>, vector<16xf32>,
          tpu.vector_store %arg11[%swap3A_1182, %swap3A_1183], %mul3A_1181 {strides = array<i32>} : memref<80x128xf32, #tpu.memory_space<vmem>>, vector<16xf32>,
          %get3A_1185 = arith.index_cast %add3A_1126 : i32 to index
          %get3A_1186 = arith.constant 112 : index
          %get3A_1187 = tpu.vector_load %arg11[%get3A_1185, %get3A_1186] {strides = array<i32>} : memref<80x128xf32, #tpu.memory_space<vmem>>, vector<16xf32>,
          %mul3A_1188 = vector.broadcast %squeeze3A_1128 : f32 to vector<16xf32>
          %mul3A_1189 = arith.mulf %get3A_1187, %mul3A_1188 : vector<16xf32>
          %swap3A_1190 = arith.index_cast %add3A_1126 : i32 to index
          %swap3A_1191 = arith.constant 112 : index
          %swap3A_1192 = tpu.vector_load %arg11[%swap3A_1190, %swap3A_1191] {strides = array<i32>} : memref<80x128xf32, #tpu.memory_space<vmem>>, vector<16xf32>,
          tpu.vector_store %arg11[%swap3A_1190, %swap3A_1191], %mul3A_1189 {strides = array<i32>} : memref<80x128xf32, #tpu.memory_space<vmem>>, vector<16xf32>,
          %mul3A_1193 = arith.constant 16 : i32
          %mul3A_1194 = arith.muli %scan3A_204, %mul3A_1193 : i32
          %add3A_1195 = arith.constant 14 : i32
          %add3A_1196 = arith.addi %mul3A_1194, %add3A_1195 : i32
          %slice3A_1197 = vector.extract_strided_slice %exp3A {offsets = [14], sizes = [1], strides = [1]} : vector<16xf32> to vector<1xf32>
          %squeeze3A_1198 = vector.extract %slice3A_1197[0] : f32 from vector<1xf32>
          %get3A_1199 = arith.index_cast %add3A_1196 : i32 to index
          %get3A_1200 = arith.constant 0 : index
          %get3A_1201 = tpu.vector_load %arg11[%get3A_1199, %get3A_1200] {strides = array<i32>} : memref<80x128xf32, #tpu.memory_space<vmem>>, vector<16xf32>,
          %mul3A_1202 = vector.broadcast %squeeze3A_1198 : f32 to vector<16xf32>
          %mul3A_1203 = arith.mulf %get3A_1201, %mul3A_1202 : vector<16xf32>
          %swap3A_1204 = arith.index_cast %add3A_1196 : i32 to index
          %swap3A_1205 = arith.constant 0 : index
          %swap3A_1206 = tpu.vector_load %arg11[%swap3A_1204, %swap3A_1205] {strides = array<i32>} : memref<80x128xf32, #tpu.memory_space<vmem>>, vector<16xf32>,
          tpu.vector_store %arg11[%swap3A_1204, %swap3A_1205], %mul3A_1203 {strides = array<i32>} : memref<80x128xf32, #tpu.memory_space<vmem>>, vector<16xf32>,
          %get3A_1207 = arith.index_cast %add3A_1196 : i32 to index
          %get3A_1208 = arith.constant 16 : index
          %get3A_1209 = tpu.vector_load %arg11[%get3A_1207, %get3A_1208] {strides = array<i32>} : memref<80x128xf32, #tpu.memory_space<vmem>>, vector<16xf32>,
          %mul3A_1210 = vector.broadcast %squeeze3A_1198 : f32 to vector<16xf32>
          %mul3A_1211 = arith.mulf %get3A_1209, %mul3A_1210 : vector<16xf32>
          %swap3A_1212 = arith.index_cast %add3A_1196 : i32 to index
          %swap3A_1213 = arith.constant 16 : index
          %swap3A_1214 = tpu.vector_load %arg11[%swap3A_1212, %swap3A_1213] {strides = array<i32>} : memref<80x128xf32, #tpu.memory_space<vmem>>, vector<16xf32>,
          tpu.vector_store %arg11[%swap3A_1212, %swap3A_1213], %mul3A_1211 {strides = array<i32>} : memref<80x128xf32, #tpu.memory_space<vmem>>, vector<16xf32>,
          %get3A_1215 = arith.index_cast %add3A_1196 : i32 to index
          %get3A_1216 = arith.constant 32 : index
          %get3A_1217 = tpu.vector_load %arg11[%get3A_1215, %get3A_1216] {strides = array<i32>} : memref<80x128xf32, #tpu.memory_space<vmem>>, vector<16xf32>,
          %mul3A_1218 = vector.broadcast %squeeze3A_1198 : f32 to vector<16xf32>
          %mul3A_1219 = arith.mulf %get3A_1217, %mul3A_1218 : vector<16xf32>
          %swap3A_1220 = arith.index_cast %add3A_1196 : i32 to index
          %swap3A_1221 = arith.constant 32 : index
          %swap3A_1222 = tpu.vector_load %arg11[%swap3A_1220, %swap3A_1221] {strides = array<i32>} : memref<80x128xf32, #tpu.memory_space<vmem>>, vector<16xf32>,
          tpu.vector_store %arg11[%swap3A_1220, %swap3A_1221], %mul3A_1219 {strides = array<i32>} : memref<80x128xf32, #tpu.memory_space<vmem>>, vector<16xf32>,
          %get3A_1223 = arith.index_cast %add3A_1196 : i32 to index
          %get3A_1224 = arith.constant 48 : index
          %get3A_1225 = tpu.vector_load %arg11[%get3A_1223, %get3A_1224] {strides = array<i32>} : memref<80x128xf32, #tpu.memory_space<vmem>>, vector<16xf32>,
          %mul3A_1226 = vector.broadcast %squeeze3A_1198 : f32 to vector<16xf32>
          %mul3A_1227 = arith.mulf %get3A_1225, %mul3A_1226 : vector<16xf32>
          %swap3A_1228 = arith.index_cast %add3A_1196 : i32 to index
          %swap3A_1229 = arith.constant 48 : index
          %swap3A_1230 = tpu.vector_load %arg11[%swap3A_1228, %swap3A_1229] {strides = array<i32>} : memref<80x128xf32, #tpu.memory_space<vmem>>, vector<16xf32>,
          tpu.vector_store %arg11[%swap3A_1228, %swap3A_1229], %mul3A_1227 {strides = array<i32>} : memref<80x128xf32, #tpu.memory_space<vmem>>, vector<16xf32>,
          %get3A_1231 = arith.index_cast %add3A_1196 : i32 to index
          %get3A_1232 = arith.constant 64 : index
          %get3A_1233 = tpu.vector_load %arg11[%get3A_1231, %get3A_1232] {strides = array<i32>} : memref<80x128xf32, #tpu.memory_space<vmem>>, vector<16xf32>,
          %mul3A_1234 = vector.broadcast %squeeze3A_1198 : f32 to vector<16xf32>
          %mul3A_1235 = arith.mulf %get3A_1233, %mul3A_1234 : vector<16xf32>
          %swap3A_1236 = arith.index_cast %add3A_1196 : i32 to index
          %swap3A_1237 = arith.constant 64 : index
          %swap3A_1238 = tpu.vector_load %arg11[%swap3A_1236, %swap3A_1237] {strides = array<i32>} : memref<80x128xf32, #tpu.memory_space<vmem>>, vector<16xf32>,
          tpu.vector_store %arg11[%swap3A_1236, %swap3A_1237], %mul3A_1235 {strides = array<i32>} : memref<80x128xf32, #tpu.memory_space<vmem>>, vector<16xf32>,
          %get3A_1239 = arith.index_cast %add3A_1196 : i32 to index
          %get3A_1240 = arith.constant 80 : index
          %get3A_1241 = tpu.vector_load %arg11[%get3A_1239, %get3A_1240] {strides = array<i32>} : memref<80x128xf32, #tpu.memory_space<vmem>>, vector<16xf32>,
          %mul3A_1242 = vector.broadcast %squeeze3A_1198 : f32 to vector<16xf32>
          %mul3A_1243 = arith.mulf %get3A_1241, %mul3A_1242 : vector<16xf32>
          %swap3A_1244 = arith.index_cast %add3A_1196 : i32 to index
          %swap3A_1245 = arith.constant 80 : index
          %swap3A_1246 = tpu.vector_load %arg11[%swap3A_1244, %swap3A_1245] {strides = array<i32>} : memref<80x128xf32, #tpu.memory_space<vmem>>, vector<16xf32>,
          tpu.vector_store %arg11[%swap3A_1244, %swap3A_1245], %mul3A_1243 {strides = array<i32>} : memref<80x128xf32, #tpu.memory_space<vmem>>, vector<16xf32>,
          %get3A_1247 = arith.index_cast %add3A_1196 : i32 to index
          %get3A_1248 = arith.constant 96 : index
          %get3A_1249 = tpu.vector_load %arg11[%get3A_1247, %get3A_1248] {strides = array<i32>} : memref<80x128xf32, #tpu.memory_space<vmem>>, vector<16xf32>,
          %mul3A_1250 = vector.broadcast %squeeze3A_1198 : f32 to vector<16xf32>
          %mul3A_1251 = arith.mulf %get3A_1249, %mul3A_1250 : vector<16xf32>
          %swap3A_1252 = arith.index_cast %add3A_1196 : i32 to index
          %swap3A_1253 = arith.constant 96 : index
          %swap3A_1254 = tpu.vector_load %arg11[%swap3A_1252, %swap3A_1253] {strides = array<i32>} : memref<80x128xf32, #tpu.memory_space<vmem>>, vector<16xf32>,
          tpu.vector_store %arg11[%swap3A_1252, %swap3A_1253], %mul3A_1251 {strides = array<i32>} : memref<80x128xf32, #tpu.memory_space<vmem>>, vector<16xf32>,
          %get3A_1255 = arith.index_cast %add3A_1196 : i32 to index
          %get3A_1256 = arith.constant 112 : index
          %get3A_1257 = tpu.vector_load %arg11[%get3A_1255, %get3A_1256] {strides = array<i32>} : memref<80x128xf32, #tpu.memory_space<vmem>>, vector<16xf32>,
          %mul3A_1258 = vector.broadcast %squeeze3A_1198 : f32 to vector<16xf32>
          %mul3A_1259 = arith.mulf %get3A_1257, %mul3A_1258 : vector<16xf32>
          %swap3A_1260 = arith.index_cast %add3A_1196 : i32 to index
          %swap3A_1261 = arith.constant 112 : index
          %swap3A_1262 = tpu.vector_load %arg11[%swap3A_1260, %swap3A_1261] {strides = array<i32>} : memref<80x128xf32, #tpu.memory_space<vmem>>, vector<16xf32>,
          tpu.vector_store %arg11[%swap3A_1260, %swap3A_1261], %mul3A_1259 {strides = array<i32>} : memref<80x128xf32, #tpu.memory_space<vmem>>, vector<16xf32>,
          %mul3A_1263 = arith.constant 16 : i32
          %mul3A_1264 = arith.muli %scan3A_204, %mul3A_1263 : i32
          %add3A_1265 = arith.constant 15 : i32
          %add3A_1266 = arith.addi %mul3A_1264, %add3A_1265 : i32
          %slice3A_1267 = vector.extract_strided_slice %exp3A {offsets = [15], sizes = [1], strides = [1]} : vector<16xf32> to vector<1xf32>
          %squeeze3A_1268 = vector.extract %slice3A_1267[0] : f32 from vector<1xf32>
          %get3A_1269 = arith.index_cast %add3A_1266 : i32 to index
          %get3A_1270 = arith.constant 0 : index
          %get3A_1271 = tpu.vector_load %arg11[%get3A_1269, %get3A_1270] {strides = array<i32>} : memref<80x128xf32, #tpu.memory_space<vmem>>, vector<16xf32>,
          %mul3A_1272 = vector.broadcast %squeeze3A_1268 : f32 to vector<16xf32>
          %mul3A_1273 = arith.mulf %get3A_1271, %mul3A_1272 : vector<16xf32>
          %swap3A_1274 = arith.index_cast %add3A_1266 : i32 to index
          %swap3A_1275 = arith.constant 0 : index
          %swap3A_1276 = tpu.vector_load %arg11[%swap3A_1274, %swap3A_1275] {strides = array<i32>} : memref<80x128xf32, #tpu.memory_space<vmem>>, vector<16xf32>,
          tpu.vector_store %arg11[%swap3A_1274, %swap3A_1275], %mul3A_1273 {strides = array<i32>} : memref<80x128xf32, #tpu.memory_space<vmem>>, vector<16xf32>,
          %get3A_1277 = arith.index_cast %add3A_1266 : i32 to index
          %get3A_1278 = arith.constant 16 : index
          %get3A_1279 = tpu.vector_load %arg11[%get3A_1277, %get3A_1278] {strides = array<i32>} : memref<80x128xf32, #tpu.memory_space<vmem>>, vector<16xf32>,
          %mul3A_1280 = vector.broadcast %squeeze3A_1268 : f32 to vector<16xf32>
          %mul3A_1281 = arith.mulf %get3A_1279, %mul3A_1280 : vector<16xf32>
          %swap3A_1282 = arith.index_cast %add3A_1266 : i32 to index
          %swap3A_1283 = arith.constant 16 : index
          %swap3A_1284 = tpu.vector_load %arg11[%swap3A_1282, %swap3A_1283] {strides = array<i32>} : memref<80x128xf32, #tpu.memory_space<vmem>>, vector<16xf32>,
          tpu.vector_store %arg11[%swap3A_1282, %swap3A_1283], %mul3A_1281 {strides = array<i32>} : memref<80x128xf32, #tpu.memory_space<vmem>>, vector<16xf32>,
          %get3A_1285 = arith.index_cast %add3A_1266 : i32 to index
          %get3A_1286 = arith.constant 32 : index
          %get3A_1287 = tpu.vector_load %arg11[%get3A_1285, %get3A_1286] {strides = array<i32>} : memref<80x128xf32, #tpu.memory_space<vmem>>, vector<16xf32>,
          %mul3A_1288 = vector.broadcast %squeeze3A_1268 : f32 to vector<16xf32>
          %mul3A_1289 = arith.mulf %get3A_1287, %mul3A_1288 : vector<16xf32>
          %swap3A_1290 = arith.index_cast %add3A_1266 : i32 to index
          %swap3A_1291 = arith.constant 32 : index
          %swap3A_1292 = tpu.vector_load %arg11[%swap3A_1290, %swap3A_1291] {strides = array<i32>} : memref<80x128xf32, #tpu.memory_space<vmem>>, vector<16xf32>,
          tpu.vector_store %arg11[%swap3A_1290, %swap3A_1291], %mul3A_1289 {strides = array<i32>} : memref<80x128xf32, #tpu.memory_space<vmem>>, vector<16xf32>,
          %get3A_1293 = arith.index_cast %add3A_1266 : i32 to index
          %get3A_1294 = arith.constant 48 : index
          %get3A_1295 = tpu.vector_load %arg11[%get3A_1293, %get3A_1294] {strides = array<i32>} : memref<80x128xf32, #tpu.memory_space<vmem>>, vector<16xf32>,
          %mul3A_1296 = vector.broadcast %squeeze3A_1268 : f32 to vector<16xf32>
          %mul3A_1297 = arith.mulf %get3A_1295, %mul3A_1296 : vector<16xf32>
          %swap3A_1298 = arith.index_cast %add3A_1266 : i32 to index
          %swap3A_1299 = arith.constant 48 : index
          %swap3A_1300 = tpu.vector_load %arg11[%swap3A_1298, %swap3A_1299] {strides = array<i32>} : memref<80x128xf32, #tpu.memory_space<vmem>>, vector<16xf32>,
          tpu.vector_store %arg11[%swap3A_1298, %swap3A_1299], %mul3A_1297 {strides = array<i32>} : memref<80x128xf32, #tpu.memory_space<vmem>>, vector<16xf32>,
          %get3A_1301 = arith.index_cast %add3A_1266 : i32 to index
          %get3A_1302 = arith.constant 64 : index
          %get3A_1303 = tpu.vector_load %arg11[%get3A_1301, %get3A_1302] {strides = array<i32>} : memref<80x128xf32, #tpu.memory_space<vmem>>, vector<16xf32>,
          %mul3A_1304 = vector.broadcast %squeeze3A_1268 : f32 to vector<16xf32>
          %mul3A_1305 = arith.mulf %get3A_1303, %mul3A_1304 : vector<16xf32>
          %swap3A_1306 = arith.index_cast %add3A_1266 : i32 to index
          %swap3A_1307 = arith.constant 64 : index
          %swap3A_1308 = tpu.vector_load %arg11[%swap3A_1306, %swap3A_1307] {strides = array<i32>} : memref<80x128xf32, #tpu.memory_space<vmem>>, vector<16xf32>,
          tpu.vector_store %arg11[%swap3A_1306, %swap3A_1307], %mul3A_1305 {strides = array<i32>} : memref<80x128xf32, #tpu.memory_space<vmem>>, vector<16xf32>,
          %get3A_1309 = arith.index_cast %add3A_1266 : i32 to index
          %get3A_1310 = arith.constant 80 : index
          %get3A_1311 = tpu.vector_load %arg11[%get3A_1309, %get3A_1310] {strides = array<i32>} : memref<80x128xf32, #tpu.memory_space<vmem>>, vector<16xf32>,
          %mul3A_1312 = vector.broadcast %squeeze3A_1268 : f32 to vector<16xf32>
          %mul3A_1313 = arith.mulf %get3A_1311, %mul3A_1312 : vector<16xf32>
          %swap3A_1314 = arith.index_cast %add3A_1266 : i32 to index
          %swap3A_1315 = arith.constant 80 : index
          %swap3A_1316 = tpu.vector_load %arg11[%swap3A_1314, %swap3A_1315] {strides = array<i32>} : memref<80x128xf32, #tpu.memory_space<vmem>>, vector<16xf32>,
          tpu.vector_store %arg11[%swap3A_1314, %swap3A_1315], %mul3A_1313 {strides = array<i32>} : memref<80x128xf32, #tpu.memory_space<vmem>>, vector<16xf32>,
          %get3A_1317 = arith.index_cast %add3A_1266 : i32 to index
          %get3A_1318 = arith.constant 96 : index
          %get3A_1319 = tpu.vector_load %arg11[%get3A_1317, %get3A_1318] {strides = array<i32>} : memref<80x128xf32, #tpu.memory_space<vmem>>, vector<16xf32>,
          %mul3A_1320 = vector.broadcast %squeeze3A_1268 : f32 to vector<16xf32>
          %mul3A_1321 = arith.mulf %get3A_1319, %mul3A_1320 : vector<16xf32>
          %swap3A_1322 = arith.index_cast %add3A_1266 : i32 to index
          %swap3A_1323 = arith.constant 96 : index
          %swap3A_1324 = tpu.vector_load %arg11[%swap3A_1322, %swap3A_1323] {strides = array<i32>} : memref<80x128xf32, #tpu.memory_space<vmem>>, vector<16xf32>,
          tpu.vector_store %arg11[%swap3A_1322, %swap3A_1323], %mul3A_1321 {strides = array<i32>} : memref<80x128xf32, #tpu.memory_space<vmem>>, vector<16xf32>,
          %get3A_1325 = arith.index_cast %add3A_1266 : i32 to index
          %get3A_1326 = arith.constant 112 : index
          %get3A_1327 = tpu.vector_load %arg11[%get3A_1325, %get3A_1326] {strides = array<i32>} : memref<80x128xf32, #tpu.memory_space<vmem>>, vector<16xf32>,
          %mul3A_1328 = vector.broadcast %squeeze3A_1268 : f32 to vector<16xf32>
          %mul3A_1329 = arith.mulf %get3A_1327, %mul3A_1328 : vector<16xf32>
          %swap3A_1330 = arith.index_cast %add3A_1266 : i32 to index
          %swap3A_1331 = arith.constant 112 : index
          %swap3A_1332 = tpu.vector_load %arg11[%swap3A_1330, %swap3A_1331] {strides = array<i32>} : memref<80x128xf32, #tpu.memory_space<vmem>>, vector<16xf32>,
          tpu.vector_store %arg11[%swap3A_1330, %swap3A_1331], %mul3A_1329 {strides = array<i32>} : memref<80x128xf32, #tpu.memory_space<vmem>>, vector<16xf32>,
        }
        %scan3A_200 = arith.constant 5 : i32
        %dma_start3A_201 = arith.constant 0 : i32
        %dma_start3A_202 = arith.constant 0 : i32
        %dma_start3A_203 = tpu.memref_slice %arg8[%dma_start3A_201, %dma_start3A_202] : memref<10240x128xf32, #tpu.memory_space<vmem_shared>> -> memref<10240x128xf32, #tpu.memory_space<vmem_shared>>
        tpu.enqueue_indirect_dma source(%arg11 : memref<80x128xf32, #tpu.memory_space<vmem>>) target(%dma_start3A_203 : memref<10240x128xf32, #tpu.memory_space<vmem_shared>>) offsets(%arg14 : memref<80xi32, #tpu.memory_space<vmem>>) semaphore(%arg26 : memref<!tpu.dma_semaphore, #tpu.memory_space<semaphore_mem>>) {add = true}
      } else {
      }
      %mul3A_161 = arith.constant 3 : i32
      %mul3A_162 = arith.muli %mul3A_161, %scan3A_115 : i32
      %add3A_163 = arith.constant 2 : i32
      %add3A_164 = arith.addi %mul3A_162, %add3A_163 : i32
      %ge3A_165 = arith.constant 2 : i32
      %ge3A_166 = arith.cmpi sge, %add3A_164, %ge3A_165 : i32
      %lt3A_167 = arith.constant 127 : i32
      %lt3A_168 = arith.cmpi slt, %add3A_164, %lt3A_167 : i32
      %and3A_169 = arith.andi %ge3A_166, %lt3A_168 : i1
      %convert_element_type3A_170 = arith.extui %and3A_169 : i1 to i32
      %cond3A_171 = arith.constant 0 : i32
      %cond3A_172 = arith.cmpi ne, %convert_element_type3A_170, %cond3A_171 : i32
      scf.if %cond3A_172 {
        %dma_wait3A = arith.constant 0 : i32
        %dma_wait3A_185 = arith.constant 0 : i32
        %dma_wait3A_186 = tpu.memref_slice %arg8[%dma_wait3A, %dma_wait3A_185] : memref<10240x128xf32, #tpu.memory_space<vmem_shared>> -> memref<10240x128xf32, #tpu.memory_space<vmem_shared>>
        tpu.wait_indirect_dma semaphore(%arg25 : memref<!tpu.dma_semaphore, #tpu.memory_space<semaphore_mem>>) src(%arg10 : memref<80x128xf32, #tpu.memory_space<vmem>>) dst(%dma_wait3A_186 : memref<10240x128xf32, #tpu.memory_space<vmem_shared>>)
      } else {
      }
      %add3A_173 = arith.constant 1 : i32
      %add3A_174 = arith.addi %add3A_164, %add3A_173 : i32
      %lt3A_175 = arith.constant 125 : i32
      %lt3A_176 = arith.cmpi slt, %add3A_174, %lt3A_175 : i32
      %convert_element_type3A_177 = arith.extui %lt3A_176 : i1 to i32
      %cond3A_178 = arith.constant 0 : i32
      %cond3A_179 = arith.cmpi ne, %convert_element_type3A_177, %cond3A_178 : i32
      scf.if %cond3A_179 {
        %add3A_185 = arith.constant 1 : i32
        %add3A_186 = arith.addi %add3A_164, %add3A_185 : i32
        %mul3A_187 = arith.constant 80 : i32
        %mul3A_188 = arith.muli %add3A_186, %mul3A_187 : i32
        %add3A_189 = arith.addi %mul3A_2, %mul3A_188 : i32
        %dma_start3A_190 = arith.constant 0 : i32
        %dma_start3A_191 = tpu.memref_slice %arg2[%add3A_189, %dma_start3A_190] : memref<320000x128xf32, #tpu.memory_space<hbm>> -> memref<80x128xf32, #tpu.memory_space<hbm>>
        %dma_start3A_192 = arith.constant 0 : i32
        %dma_start3A_193 = tpu.memref_slice %arg2[%add3A_189, %dma_start3A_192] : memref<320000x128xf32, #tpu.memory_space<hbm>> -> memref<80x128xf32, #tpu.memory_space<hbm>>
        tpu.enqueue_dma source(%dma_start3A_193 : memref<80x128xf32, #tpu.memory_space<hbm>>) target(%arg10 : memref<80x128xf32, #tpu.memory_space<vmem>>) target_semaphore(%arg22 : memref<!tpu.dma_semaphore, #tpu.memory_space<semaphore_mem>>)
        %dma_start3A_194 = tpu.memref_slice %arg3[%add3A_189] : memref<320000xi32, #tpu.memory_space<hbm>> -> memref<80xi32, #tpu.memory_space<hbm>>
        %dma_start3A_195 = tpu.memref_slice %arg3[%add3A_189] : memref<320000xi32, #tpu.memory_space<hbm>> -> memref<80xi32, #tpu.memory_space<hbm>>
        tpu.enqueue_dma source(%dma_start3A_195 : memref<80xi32, #tpu.memory_space<hbm>>) target(%arg13 : memref<80xi32, #tpu.memory_space<vmem>>) target_semaphore(%arg22 : memref<!tpu.dma_semaphore, #tpu.memory_space<semaphore_mem>>)
        %dma_start3A_196 = tpu.memref_slice %arg4[%add3A_189] : memref<320000xf32, #tpu.memory_space<hbm>> -> memref<80xf32, #tpu.memory_space<hbm>>
        %dma_start3A_197 = tpu.memref_slice %arg4[%add3A_189] : memref<320000xf32, #tpu.memory_space<hbm>> -> memref<80xf32, #tpu.memory_space<hbm>>
        tpu.enqueue_dma source(%dma_start3A_197 : memref<80xf32, #tpu.memory_space<hbm>>) target(%arg16 : memref<80xf32, #tpu.memory_space<vmem>>) target_semaphore(%arg22 : memref<!tpu.dma_semaphore, #tpu.memory_space<semaphore_mem>>)
      } else {
      }
      %lt3A_180 = arith.constant 125 : i32
      %lt3A_181 = arith.cmpi slt, %add3A_164, %lt3A_180 : i32
      %convert_element_type3A_182 = arith.extui %lt3A_181 : i1 to i32
      %cond3A_183 = arith.constant 0 : i32
      %cond3A_184 = arith.cmpi ne, %convert_element_type3A_182, %cond3A_183 : i32
      scf.if %cond3A_184 {
        %mul3A_185 = arith.constant 80 : i32
        %mul3A_186 = arith.muli %add3A_164, %mul3A_185 : i32
        %add3A_187 = arith.addi %mul3A_2, %mul3A_186 : i32
        %dma_wait3A = arith.constant 0 : i32
        %dma_wait3A_188 = tpu.memref_slice %arg2[%add3A_187, %dma_wait3A] : memref<320000x128xf32, #tpu.memory_space<hbm>> -> memref<80x128xf32, #tpu.memory_space<hbm>>
        %dma_wait3A_189 = arith.constant 0 : i32
        %dma_wait3A_190 = tpu.memref_slice %arg2[%add3A_187, %dma_wait3A_189] : memref<320000x128xf32, #tpu.memory_space<hbm>> -> memref<80x128xf32, #tpu.memory_space<hbm>>
        tpu.wait_dma2 semaphore(%arg24 : memref<!tpu.dma_semaphore, #tpu.memory_space<semaphore_mem>>) src(%dma_wait3A_190 : memref<80x128xf32, #tpu.memory_space<hbm>>) dst(%arg12 : memref<80x128xf32, #tpu.memory_space<vmem>>)
        %dma_wait3A_191 = tpu.memref_slice %arg3[%add3A_187] : memref<320000xi32, #tpu.memory_space<hbm>> -> memref<80xi32, #tpu.memory_space<hbm>>
        %dma_wait3A_192 = tpu.memref_slice %arg3[%add3A_187] : memref<320000xi32, #tpu.memory_space<hbm>> -> memref<80xi32, #tpu.memory_space<hbm>>
        tpu.wait_dma2 semaphore(%arg24 : memref<!tpu.dma_semaphore, #tpu.memory_space<semaphore_mem>>) src(%dma_wait3A_192 : memref<80xi32, #tpu.memory_space<hbm>>) dst(%arg15 : memref<80xi32, #tpu.memory_space<vmem>>)
        %dma_wait3A_193 = tpu.memref_slice %arg4[%add3A_187] : memref<320000xf32, #tpu.memory_space<hbm>> -> memref<80xf32, #tpu.memory_space<hbm>>
        %dma_wait3A_194 = tpu.memref_slice %arg4[%add3A_187] : memref<320000xf32, #tpu.memory_space<hbm>> -> memref<80xf32, #tpu.memory_space<hbm>>
        tpu.wait_dma2 semaphore(%arg24 : memref<!tpu.dma_semaphore, #tpu.memory_space<semaphore_mem>>) src(%dma_wait3A_194 : memref<80xf32, #tpu.memory_space<hbm>>) dst(%arg18 : memref<80xf32, #tpu.memory_space<vmem>>)
        %scan3A_195 = arith.constant 0 : i32
        %scan3A_196 = arith.constant 0 : i32
        %scan3A_197 = arith.constant 5 : i32
        %scan3A_198 = arith.addi %scan3A_196, %scan3A_197 : i32
        %scan3A_199 = arith.constant 1 : i32
        scf.for %scan3A_204 = %scan3A_196 to %scan3A_198 step %scan3A_199  : i32 {
          %mul3A_205 = arith.constant 16 : i32
          %mul3A_206 = arith.muli %scan3A_204, %mul3A_205 : i32
          %get3A_207 = arith.index_cast %mul3A_206 : i32 to index
          %get3A_208 = tpu.vector_load %arg18[%get3A_207] {strides = array<i32>} : memref<80xf32, #tpu.memory_space<vmem>>, vector<16xf32>,
          %sub3A = vector.broadcast %squeeze3A : f32 to vector<16xf32>
          %sub3A_209 = arith.subf %get3A_208, %sub3A : vector<16xf32>
          %exp3A = math.exp %sub3A_209 : vector<16xf32>
          %mul3A_210 = arith.constant 16 : i32
          %mul3A_211 = arith.muli %scan3A_204, %mul3A_210 : i32
          %get3A_212 = arith.index_cast %mul3A_211 : i32 to index
          %get3A_213 = tpu.vector_load %arg15[%get3A_212] {strides = array<i32>} : memref<80xi32, #tpu.memory_space<vmem>>, vector<16xi32>,
          tpu.vector_store_idx %arg20[%get3A_213], %exp3A {add = true} : memref<10240xf32, #tpu.memory_space<vmem>>[vector<16xi32>], vector<16xf32>,
          %mul3A_214 = arith.constant 16 : i32
          %mul3A_215 = arith.muli %scan3A_204, %mul3A_214 : i32
          %add3A_216 = arith.constant 0 : i32
          %add3A_217 = arith.addi %mul3A_215, %add3A_216 : i32
          %slice3A_218 = vector.extract_strided_slice %exp3A {offsets = [0], sizes = [1], strides = [1]} : vector<16xf32> to vector<1xf32>
          %squeeze3A_219 = vector.extract %slice3A_218[0] : f32 from vector<1xf32>
          %get3A_220 = arith.index_cast %add3A_217 : i32 to index
          %get3A_221 = arith.constant 0 : index
          %get3A_222 = tpu.vector_load %arg12[%get3A_220, %get3A_221] {strides = array<i32>} : memref<80x128xf32, #tpu.memory_space<vmem>>, vector<16xf32>,
          %mul3A_223 = vector.broadcast %squeeze3A_219 : f32 to vector<16xf32>
          %mul3A_224 = arith.mulf %get3A_222, %mul3A_223 : vector<16xf32>
          %swap3A = arith.index_cast %add3A_217 : i32 to index
          %swap3A_225 = arith.constant 0 : index
          %swap3A_226 = tpu.vector_load %arg12[%swap3A, %swap3A_225] {strides = array<i32>} : memref<80x128xf32, #tpu.memory_space<vmem>>, vector<16xf32>,
          tpu.vector_store %arg12[%swap3A, %swap3A_225], %mul3A_224 {strides = array<i32>} : memref<80x128xf32, #tpu.memory_space<vmem>>, vector<16xf32>,
          %get3A_227 = arith.index_cast %add3A_217 : i32 to index
          %get3A_228 = arith.constant 16 : index
          %get3A_229 = tpu.vector_load %arg12[%get3A_227, %get3A_228] {strides = array<i32>} : memref<80x128xf32, #tpu.memory_space<vmem>>, vector<16xf32>,
          %mul3A_230 = vector.broadcast %squeeze3A_219 : f32 to vector<16xf32>
          %mul3A_231 = arith.mulf %get3A_229, %mul3A_230 : vector<16xf32>
          %swap3A_232 = arith.index_cast %add3A_217 : i32 to index
          %swap3A_233 = arith.constant 16 : index
          %swap3A_234 = tpu.vector_load %arg12[%swap3A_232, %swap3A_233] {strides = array<i32>} : memref<80x128xf32, #tpu.memory_space<vmem>>, vector<16xf32>,
          tpu.vector_store %arg12[%swap3A_232, %swap3A_233], %mul3A_231 {strides = array<i32>} : memref<80x128xf32, #tpu.memory_space<vmem>>, vector<16xf32>,
          %get3A_235 = arith.index_cast %add3A_217 : i32 to index
          %get3A_236 = arith.constant 32 : index
          %get3A_237 = tpu.vector_load %arg12[%get3A_235, %get3A_236] {strides = array<i32>} : memref<80x128xf32, #tpu.memory_space<vmem>>, vector<16xf32>,
          %mul3A_238 = vector.broadcast %squeeze3A_219 : f32 to vector<16xf32>
          %mul3A_239 = arith.mulf %get3A_237, %mul3A_238 : vector<16xf32>
          %swap3A_240 = arith.index_cast %add3A_217 : i32 to index
          %swap3A_241 = arith.constant 32 : index
          %swap3A_242 = tpu.vector_load %arg12[%swap3A_240, %swap3A_241] {strides = array<i32>} : memref<80x128xf32, #tpu.memory_space<vmem>>, vector<16xf32>,
          tpu.vector_store %arg12[%swap3A_240, %swap3A_241], %mul3A_239 {strides = array<i32>} : memref<80x128xf32, #tpu.memory_space<vmem>>, vector<16xf32>,
          %get3A_243 = arith.index_cast %add3A_217 : i32 to index
          %get3A_244 = arith.constant 48 : index
          %get3A_245 = tpu.vector_load %arg12[%get3A_243, %get3A_244] {strides = array<i32>} : memref<80x128xf32, #tpu.memory_space<vmem>>, vector<16xf32>,
          %mul3A_246 = vector.broadcast %squeeze3A_219 : f32 to vector<16xf32>
          %mul3A_247 = arith.mulf %get3A_245, %mul3A_246 : vector<16xf32>
          %swap3A_248 = arith.index_cast %add3A_217 : i32 to index
          %swap3A_249 = arith.constant 48 : index
          %swap3A_250 = tpu.vector_load %arg12[%swap3A_248, %swap3A_249] {strides = array<i32>} : memref<80x128xf32, #tpu.memory_space<vmem>>, vector<16xf32>,
          tpu.vector_store %arg12[%swap3A_248, %swap3A_249], %mul3A_247 {strides = array<i32>} : memref<80x128xf32, #tpu.memory_space<vmem>>, vector<16xf32>,
          %get3A_251 = arith.index_cast %add3A_217 : i32 to index
          %get3A_252 = arith.constant 64 : index
          %get3A_253 = tpu.vector_load %arg12[%get3A_251, %get3A_252] {strides = array<i32>} : memref<80x128xf32, #tpu.memory_space<vmem>>, vector<16xf32>,
          %mul3A_254 = vector.broadcast %squeeze3A_219 : f32 to vector<16xf32>
          %mul3A_255 = arith.mulf %get3A_253, %mul3A_254 : vector<16xf32>
          %swap3A_256 = arith.index_cast %add3A_217 : i32 to index
          %swap3A_257 = arith.constant 64 : index
          %swap3A_258 = tpu.vector_load %arg12[%swap3A_256, %swap3A_257] {strides = array<i32>} : memref<80x128xf32, #tpu.memory_space<vmem>>, vector<16xf32>,
          tpu.vector_store %arg12[%swap3A_256, %swap3A_257], %mul3A_255 {strides = array<i32>} : memref<80x128xf32, #tpu.memory_space<vmem>>, vector<16xf32>,
          %get3A_259 = arith.index_cast %add3A_217 : i32 to index
          %get3A_260 = arith.constant 80 : index
          %get3A_261 = tpu.vector_load %arg12[%get3A_259, %get3A_260] {strides = array<i32>} : memref<80x128xf32, #tpu.memory_space<vmem>>, vector<16xf32>,
          %mul3A_262 = vector.broadcast %squeeze3A_219 : f32 to vector<16xf32>
          %mul3A_263 = arith.mulf %get3A_261, %mul3A_262 : vector<16xf32>
          %swap3A_264 = arith.index_cast %add3A_217 : i32 to index
          %swap3A_265 = arith.constant 80 : index
          %swap3A_266 = tpu.vector_load %arg12[%swap3A_264, %swap3A_265] {strides = array<i32>} : memref<80x128xf32, #tpu.memory_space<vmem>>, vector<16xf32>,
          tpu.vector_store %arg12[%swap3A_264, %swap3A_265], %mul3A_263 {strides = array<i32>} : memref<80x128xf32, #tpu.memory_space<vmem>>, vector<16xf32>,
          %get3A_267 = arith.index_cast %add3A_217 : i32 to index
          %get3A_268 = arith.constant 96 : index
          %get3A_269 = tpu.vector_load %arg12[%get3A_267, %get3A_268] {strides = array<i32>} : memref<80x128xf32, #tpu.memory_space<vmem>>, vector<16xf32>,
          %mul3A_270 = vector.broadcast %squeeze3A_219 : f32 to vector<16xf32>
          %mul3A_271 = arith.mulf %get3A_269, %mul3A_270 : vector<16xf32>
          %swap3A_272 = arith.index_cast %add3A_217 : i32 to index
          %swap3A_273 = arith.constant 96 : index
          %swap3A_274 = tpu.vector_load %arg12[%swap3A_272, %swap3A_273] {strides = array<i32>} : memref<80x128xf32, #tpu.memory_space<vmem>>, vector<16xf32>,
          tpu.vector_store %arg12[%swap3A_272, %swap3A_273], %mul3A_271 {strides = array<i32>} : memref<80x128xf32, #tpu.memory_space<vmem>>, vector<16xf32>,
          %get3A_275 = arith.index_cast %add3A_217 : i32 to index
          %get3A_276 = arith.constant 112 : index
          %get3A_277 = tpu.vector_load %arg12[%get3A_275, %get3A_276] {strides = array<i32>} : memref<80x128xf32, #tpu.memory_space<vmem>>, vector<16xf32>,
          %mul3A_278 = vector.broadcast %squeeze3A_219 : f32 to vector<16xf32>
          %mul3A_279 = arith.mulf %get3A_277, %mul3A_278 : vector<16xf32>
          %swap3A_280 = arith.index_cast %add3A_217 : i32 to index
          %swap3A_281 = arith.constant 112 : index
          %swap3A_282 = tpu.vector_load %arg12[%swap3A_280, %swap3A_281] {strides = array<i32>} : memref<80x128xf32, #tpu.memory_space<vmem>>, vector<16xf32>,
          tpu.vector_store %arg12[%swap3A_280, %swap3A_281], %mul3A_279 {strides = array<i32>} : memref<80x128xf32, #tpu.memory_space<vmem>>, vector<16xf32>,
          %mul3A_283 = arith.constant 16 : i32
          %mul3A_284 = arith.muli %scan3A_204, %mul3A_283 : i32
          %add3A_285 = arith.constant 1 : i32
          %add3A_286 = arith.addi %mul3A_284, %add3A_285 : i32
          %slice3A_287 = vector.extract_strided_slice %exp3A {offsets = [1], sizes = [1], strides = [1]} : vector<16xf32> to vector<1xf32>
          %squeeze3A_288 = vector.extract %slice3A_287[0] : f32 from vector<1xf32>
          %get3A_289 = arith.index_cast %add3A_286 : i32 to index
          %get3A_290 = arith.constant 0 : index
          %get3A_291 = tpu.vector_load %arg12[%get3A_289, %get3A_290] {strides = array<i32>} : memref<80x128xf32, #tpu.memory_space<vmem>>, vector<16xf32>,
          %mul3A_292 = vector.broadcast %squeeze3A_288 : f32 to vector<16xf32>
          %mul3A_293 = arith.mulf %get3A_291, %mul3A_292 : vector<16xf32>
          %swap3A_294 = arith.index_cast %add3A_286 : i32 to index
          %swap3A_295 = arith.constant 0 : index
          %swap3A_296 = tpu.vector_load %arg12[%swap3A_294, %swap3A_295] {strides = array<i32>} : memref<80x128xf32, #tpu.memory_space<vmem>>, vector<16xf32>,
          tpu.vector_store %arg12[%swap3A_294, %swap3A_295], %mul3A_293 {strides = array<i32>} : memref<80x128xf32, #tpu.memory_space<vmem>>, vector<16xf32>,
          %get3A_297 = arith.index_cast %add3A_286 : i32 to index
          %get3A_298 = arith.constant 16 : index
          %get3A_299 = tpu.vector_load %arg12[%get3A_297, %get3A_298] {strides = array<i32>} : memref<80x128xf32, #tpu.memory_space<vmem>>, vector<16xf32>,
          %mul3A_300 = vector.broadcast %squeeze3A_288 : f32 to vector<16xf32>
          %mul3A_301 = arith.mulf %get3A_299, %mul3A_300 : vector<16xf32>
          %swap3A_302 = arith.index_cast %add3A_286 : i32 to index
          %swap3A_303 = arith.constant 16 : index
          %swap3A_304 = tpu.vector_load %arg12[%swap3A_302, %swap3A_303] {strides = array<i32>} : memref<80x128xf32, #tpu.memory_space<vmem>>, vector<16xf32>,
          tpu.vector_store %arg12[%swap3A_302, %swap3A_303], %mul3A_301 {strides = array<i32>} : memref<80x128xf32, #tpu.memory_space<vmem>>, vector<16xf32>,
          %get3A_305 = arith.index_cast %add3A_286 : i32 to index
          %get3A_306 = arith.constant 32 : index
          %get3A_307 = tpu.vector_load %arg12[%get3A_305, %get3A_306] {strides = array<i32>} : memref<80x128xf32, #tpu.memory_space<vmem>>, vector<16xf32>,
          %mul3A_308 = vector.broadcast %squeeze3A_288 : f32 to vector<16xf32>
          %mul3A_309 = arith.mulf %get3A_307, %mul3A_308 : vector<16xf32>
          %swap3A_310 = arith.index_cast %add3A_286 : i32 to index
          %swap3A_311 = arith.constant 32 : index
          %swap3A_312 = tpu.vector_load %arg12[%swap3A_310, %swap3A_311] {strides = array<i32>} : memref<80x128xf32, #tpu.memory_space<vmem>>, vector<16xf32>,
          tpu.vector_store %arg12[%swap3A_310, %swap3A_311], %mul3A_309 {strides = array<i32>} : memref<80x128xf32, #tpu.memory_space<vmem>>, vector<16xf32>,
          %get3A_313 = arith.index_cast %add3A_286 : i32 to index
          %get3A_314 = arith.constant 48 : index
          %get3A_315 = tpu.vector_load %arg12[%get3A_313, %get3A_314] {strides = array<i32>} : memref<80x128xf32, #tpu.memory_space<vmem>>, vector<16xf32>,
          %mul3A_316 = vector.broadcast %squeeze3A_288 : f32 to vector<16xf32>
          %mul3A_317 = arith.mulf %get3A_315, %mul3A_316 : vector<16xf32>
          %swap3A_318 = arith.index_cast %add3A_286 : i32 to index
          %swap3A_319 = arith.constant 48 : index
          %swap3A_320 = tpu.vector_load %arg12[%swap3A_318, %swap3A_319] {strides = array<i32>} : memref<80x128xf32, #tpu.memory_space<vmem>>, vector<16xf32>,
          tpu.vector_store %arg12[%swap3A_318, %swap3A_319], %mul3A_317 {strides = array<i32>} : memref<80x128xf32, #tpu.memory_space<vmem>>, vector<16xf32>,
          %get3A_321 = arith.index_cast %add3A_286 : i32 to index
          %get3A_322 = arith.constant 64 : index
          %get3A_323 = tpu.vector_load %arg12[%get3A_321, %get3A_322] {strides = array<i32>} : memref<80x128xf32, #tpu.memory_space<vmem>>, vector<16xf32>,
          %mul3A_324 = vector.broadcast %squeeze3A_288 : f32 to vector<16xf32>
          %mul3A_325 = arith.mulf %get3A_323, %mul3A_324 : vector<16xf32>
          %swap3A_326 = arith.index_cast %add3A_286 : i32 to index
          %swap3A_327 = arith.constant 64 : index
          %swap3A_328 = tpu.vector_load %arg12[%swap3A_326, %swap3A_327] {strides = array<i32>} : memref<80x128xf32, #tpu.memory_space<vmem>>, vector<16xf32>,
          tpu.vector_store %arg12[%swap3A_326, %swap3A_327], %mul3A_325 {strides = array<i32>} : memref<80x128xf32, #tpu.memory_space<vmem>>, vector<16xf32>,
          %get3A_329 = arith.index_cast %add3A_286 : i32 to index
          %get3A_330 = arith.constant 80 : index
          %get3A_331 = tpu.vector_load %arg12[%get3A_329, %get3A_330] {strides = array<i32>} : memref<80x128xf32, #tpu.memory_space<vmem>>, vector<16xf32>,
          %mul3A_332 = vector.broadcast %squeeze3A_288 : f32 to vector<16xf32>
          %mul3A_333 = arith.mulf %get3A_331, %mul3A_332 : vector<16xf32>
          %swap3A_334 = arith.index_cast %add3A_286 : i32 to index
          %swap3A_335 = arith.constant 80 : index
          %swap3A_336 = tpu.vector_load %arg12[%swap3A_334, %swap3A_335] {strides = array<i32>} : memref<80x128xf32, #tpu.memory_space<vmem>>, vector<16xf32>,
          tpu.vector_store %arg12[%swap3A_334, %swap3A_335], %mul3A_333 {strides = array<i32>} : memref<80x128xf32, #tpu.memory_space<vmem>>, vector<16xf32>,
          %get3A_337 = arith.index_cast %add3A_286 : i32 to index
          %get3A_338 = arith.constant 96 : index
          %get3A_339 = tpu.vector_load %arg12[%get3A_337, %get3A_338] {strides = array<i32>} : memref<80x128xf32, #tpu.memory_space<vmem>>, vector<16xf32>,
          %mul3A_340 = vector.broadcast %squeeze3A_288 : f32 to vector<16xf32>
          %mul3A_341 = arith.mulf %get3A_339, %mul3A_340 : vector<16xf32>
          %swap3A_342 = arith.index_cast %add3A_286 : i32 to index
          %swap3A_343 = arith.constant 96 : index
          %swap3A_344 = tpu.vector_load %arg12[%swap3A_342, %swap3A_343] {strides = array<i32>} : memref<80x128xf32, #tpu.memory_space<vmem>>, vector<16xf32>,
          tpu.vector_store %arg12[%swap3A_342, %swap3A_343], %mul3A_341 {strides = array<i32>} : memref<80x128xf32, #tpu.memory_space<vmem>>, vector<16xf32>,
          %get3A_345 = arith.index_cast %add3A_286 : i32 to index
          %get3A_346 = arith.constant 112 : index
          %get3A_347 = tpu.vector_load %arg12[%get3A_345, %get3A_346] {strides = array<i32>} : memref<80x128xf32, #tpu.memory_space<vmem>>, vector<16xf32>,
          %mul3A_348 = vector.broadcast %squeeze3A_288 : f32 to vector<16xf32>
          %mul3A_349 = arith.mulf %get3A_347, %mul3A_348 : vector<16xf32>
          %swap3A_350 = arith.index_cast %add3A_286 : i32 to index
          %swap3A_351 = arith.constant 112 : index
          %swap3A_352 = tpu.vector_load %arg12[%swap3A_350, %swap3A_351] {strides = array<i32>} : memref<80x128xf32, #tpu.memory_space<vmem>>, vector<16xf32>,
          tpu.vector_store %arg12[%swap3A_350, %swap3A_351], %mul3A_349 {strides = array<i32>} : memref<80x128xf32, #tpu.memory_space<vmem>>, vector<16xf32>,
          %mul3A_353 = arith.constant 16 : i32
          %mul3A_354 = arith.muli %scan3A_204, %mul3A_353 : i32
          %add3A_355 = arith.constant 2 : i32
          %add3A_356 = arith.addi %mul3A_354, %add3A_355 : i32
          %slice3A_357 = vector.extract_strided_slice %exp3A {offsets = [2], sizes = [1], strides = [1]} : vector<16xf32> to vector<1xf32>
          %squeeze3A_358 = vector.extract %slice3A_357[0] : f32 from vector<1xf32>
          %get3A_359 = arith.index_cast %add3A_356 : i32 to index
          %get3A_360 = arith.constant 0 : index
          %get3A_361 = tpu.vector_load %arg12[%get3A_359, %get3A_360] {strides = array<i32>} : memref<80x128xf32, #tpu.memory_space<vmem>>, vector<16xf32>,
          %mul3A_362 = vector.broadcast %squeeze3A_358 : f32 to vector<16xf32>
          %mul3A_363 = arith.mulf %get3A_361, %mul3A_362 : vector<16xf32>
          %swap3A_364 = arith.index_cast %add3A_356 : i32 to index
          %swap3A_365 = arith.constant 0 : index
          %swap3A_366 = tpu.vector_load %arg12[%swap3A_364, %swap3A_365] {strides = array<i32>} : memref<80x128xf32, #tpu.memory_space<vmem>>, vector<16xf32>,
          tpu.vector_store %arg12[%swap3A_364, %swap3A_365], %mul3A_363 {strides = array<i32>} : memref<80x128xf32, #tpu.memory_space<vmem>>, vector<16xf32>,
          %get3A_367 = arith.index_cast %add3A_356 : i32 to index
          %get3A_368 = arith.constant 16 : index
          %get3A_369 = tpu.vector_load %arg12[%get3A_367, %get3A_368] {strides = array<i32>} : memref<80x128xf32, #tpu.memory_space<vmem>>, vector<16xf32>,
          %mul3A_370 = vector.broadcast %squeeze3A_358 : f32 to vector<16xf32>
          %mul3A_371 = arith.mulf %get3A_369, %mul3A_370 : vector<16xf32>
          %swap3A_372 = arith.index_cast %add3A_356 : i32 to index
          %swap3A_373 = arith.constant 16 : index
          %swap3A_374 = tpu.vector_load %arg12[%swap3A_372, %swap3A_373] {strides = array<i32>} : memref<80x128xf32, #tpu.memory_space<vmem>>, vector<16xf32>,
          tpu.vector_store %arg12[%swap3A_372, %swap3A_373], %mul3A_371 {strides = array<i32>} : memref<80x128xf32, #tpu.memory_space<vmem>>, vector<16xf32>,
          %get3A_375 = arith.index_cast %add3A_356 : i32 to index
          %get3A_376 = arith.constant 32 : index
          %get3A_377 = tpu.vector_load %arg12[%get3A_375, %get3A_376] {strides = array<i32>} : memref<80x128xf32, #tpu.memory_space<vmem>>, vector<16xf32>,
          %mul3A_378 = vector.broadcast %squeeze3A_358 : f32 to vector<16xf32>
          %mul3A_379 = arith.mulf %get3A_377, %mul3A_378 : vector<16xf32>
          %swap3A_380 = arith.index_cast %add3A_356 : i32 to index
          %swap3A_381 = arith.constant 32 : index
          %swap3A_382 = tpu.vector_load %arg12[%swap3A_380, %swap3A_381] {strides = array<i32>} : memref<80x128xf32, #tpu.memory_space<vmem>>, vector<16xf32>,
          tpu.vector_store %arg12[%swap3A_380, %swap3A_381], %mul3A_379 {strides = array<i32>} : memref<80x128xf32, #tpu.memory_space<vmem>>, vector<16xf32>,
          %get3A_383 = arith.index_cast %add3A_356 : i32 to index
          %get3A_384 = arith.constant 48 : index
          %get3A_385 = tpu.vector_load %arg12[%get3A_383, %get3A_384] {strides = array<i32>} : memref<80x128xf32, #tpu.memory_space<vmem>>, vector<16xf32>,
          %mul3A_386 = vector.broadcast %squeeze3A_358 : f32 to vector<16xf32>
          %mul3A_387 = arith.mulf %get3A_385, %mul3A_386 : vector<16xf32>
          %swap3A_388 = arith.index_cast %add3A_356 : i32 to index
          %swap3A_389 = arith.constant 48 : index
          %swap3A_390 = tpu.vector_load %arg12[%swap3A_388, %swap3A_389] {strides = array<i32>} : memref<80x128xf32, #tpu.memory_space<vmem>>, vector<16xf32>,
          tpu.vector_store %arg12[%swap3A_388, %swap3A_389], %mul3A_387 {strides = array<i32>} : memref<80x128xf32, #tpu.memory_space<vmem>>, vector<16xf32>,
          %get3A_391 = arith.index_cast %add3A_356 : i32 to index
          %get3A_392 = arith.constant 64 : index
          %get3A_393 = tpu.vector_load %arg12[%get3A_391, %get3A_392] {strides = array<i32>} : memref<80x128xf32, #tpu.memory_space<vmem>>, vector<16xf32>,
          %mul3A_394 = vector.broadcast %squeeze3A_358 : f32 to vector<16xf32>
          %mul3A_395 = arith.mulf %get3A_393, %mul3A_394 : vector<16xf32>
          %swap3A_396 = arith.index_cast %add3A_356 : i32 to index
          %swap3A_397 = arith.constant 64 : index
          %swap3A_398 = tpu.vector_load %arg12[%swap3A_396, %swap3A_397] {strides = array<i32>} : memref<80x128xf32, #tpu.memory_space<vmem>>, vector<16xf32>,
          tpu.vector_store %arg12[%swap3A_396, %swap3A_397], %mul3A_395 {strides = array<i32>} : memref<80x128xf32, #tpu.memory_space<vmem>>, vector<16xf32>,
          %get3A_399 = arith.index_cast %add3A_356 : i32 to index
          %get3A_400 = arith.constant 80 : index
          %get3A_401 = tpu.vector_load %arg12[%get3A_399, %get3A_400] {strides = array<i32>} : memref<80x128xf32, #tpu.memory_space<vmem>>, vector<16xf32>,
          %mul3A_402 = vector.broadcast %squeeze3A_358 : f32 to vector<16xf32>
          %mul3A_403 = arith.mulf %get3A_401, %mul3A_402 : vector<16xf32>
          %swap3A_404 = arith.index_cast %add3A_356 : i32 to index
          %swap3A_405 = arith.constant 80 : index
          %swap3A_406 = tpu.vector_load %arg12[%swap3A_404, %swap3A_405] {strides = array<i32>} : memref<80x128xf32, #tpu.memory_space<vmem>>, vector<16xf32>,
          tpu.vector_store %arg12[%swap3A_404, %swap3A_405], %mul3A_403 {strides = array<i32>} : memref<80x128xf32, #tpu.memory_space<vmem>>, vector<16xf32>,
          %get3A_407 = arith.index_cast %add3A_356 : i32 to index
          %get3A_408 = arith.constant 96 : index
          %get3A_409 = tpu.vector_load %arg12[%get3A_407, %get3A_408] {strides = array<i32>} : memref<80x128xf32, #tpu.memory_space<vmem>>, vector<16xf32>,
          %mul3A_410 = vector.broadcast %squeeze3A_358 : f32 to vector<16xf32>
          %mul3A_411 = arith.mulf %get3A_409, %mul3A_410 : vector<16xf32>
          %swap3A_412 = arith.index_cast %add3A_356 : i32 to index
          %swap3A_413 = arith.constant 96 : index
          %swap3A_414 = tpu.vector_load %arg12[%swap3A_412, %swap3A_413] {strides = array<i32>} : memref<80x128xf32, #tpu.memory_space<vmem>>, vector<16xf32>,
          tpu.vector_store %arg12[%swap3A_412, %swap3A_413], %mul3A_411 {strides = array<i32>} : memref<80x128xf32, #tpu.memory_space<vmem>>, vector<16xf32>,
          %get3A_415 = arith.index_cast %add3A_356 : i32 to index
          %get3A_416 = arith.constant 112 : index
          %get3A_417 = tpu.vector_load %arg12[%get3A_415, %get3A_416] {strides = array<i32>} : memref<80x128xf32, #tpu.memory_space<vmem>>, vector<16xf32>,
          %mul3A_418 = vector.broadcast %squeeze3A_358 : f32 to vector<16xf32>
          %mul3A_419 = arith.mulf %get3A_417, %mul3A_418 : vector<16xf32>
          %swap3A_420 = arith.index_cast %add3A_356 : i32 to index
          %swap3A_421 = arith.constant 112 : index
          %swap3A_422 = tpu.vector_load %arg12[%swap3A_420, %swap3A_421] {strides = array<i32>} : memref<80x128xf32, #tpu.memory_space<vmem>>, vector<16xf32>,
          tpu.vector_store %arg12[%swap3A_420, %swap3A_421], %mul3A_419 {strides = array<i32>} : memref<80x128xf32, #tpu.memory_space<vmem>>, vector<16xf32>,
          %mul3A_423 = arith.constant 16 : i32
          %mul3A_424 = arith.muli %scan3A_204, %mul3A_423 : i32
          %add3A_425 = arith.constant 3 : i32
          %add3A_426 = arith.addi %mul3A_424, %add3A_425 : i32
          %slice3A_427 = vector.extract_strided_slice %exp3A {offsets = [3], sizes = [1], strides = [1]} : vector<16xf32> to vector<1xf32>
          %squeeze3A_428 = vector.extract %slice3A_427[0] : f32 from vector<1xf32>
          %get3A_429 = arith.index_cast %add3A_426 : i32 to index
          %get3A_430 = arith.constant 0 : index
          %get3A_431 = tpu.vector_load %arg12[%get3A_429, %get3A_430] {strides = array<i32>} : memref<80x128xf32, #tpu.memory_space<vmem>>, vector<16xf32>,
          %mul3A_432 = vector.broadcast %squeeze3A_428 : f32 to vector<16xf32>
          %mul3A_433 = arith.mulf %get3A_431, %mul3A_432 : vector<16xf32>
          %swap3A_434 = arith.index_cast %add3A_426 : i32 to index
          %swap3A_435 = arith.constant 0 : index
          %swap3A_436 = tpu.vector_load %arg12[%swap3A_434, %swap3A_435] {strides = array<i32>} : memref<80x128xf32, #tpu.memory_space<vmem>>, vector<16xf32>,
          tpu.vector_store %arg12[%swap3A_434, %swap3A_435], %mul3A_433 {strides = array<i32>} : memref<80x128xf32, #tpu.memory_space<vmem>>, vector<16xf32>,
          %get3A_437 = arith.index_cast %add3A_426 : i32 to index
          %get3A_438 = arith.constant 16 : index
          %get3A_439 = tpu.vector_load %arg12[%get3A_437, %get3A_438] {strides = array<i32>} : memref<80x128xf32, #tpu.memory_space<vmem>>, vector<16xf32>,
          %mul3A_440 = vector.broadcast %squeeze3A_428 : f32 to vector<16xf32>
          %mul3A_441 = arith.mulf %get3A_439, %mul3A_440 : vector<16xf32>
          %swap3A_442 = arith.index_cast %add3A_426 : i32 to index
          %swap3A_443 = arith.constant 16 : index
          %swap3A_444 = tpu.vector_load %arg12[%swap3A_442, %swap3A_443] {strides = array<i32>} : memref<80x128xf32, #tpu.memory_space<vmem>>, vector<16xf32>,
          tpu.vector_store %arg12[%swap3A_442, %swap3A_443], %mul3A_441 {strides = array<i32>} : memref<80x128xf32, #tpu.memory_space<vmem>>, vector<16xf32>,
          %get3A_445 = arith.index_cast %add3A_426 : i32 to index
          %get3A_446 = arith.constant 32 : index
          %get3A_447 = tpu.vector_load %arg12[%get3A_445, %get3A_446] {strides = array<i32>} : memref<80x128xf32, #tpu.memory_space<vmem>>, vector<16xf32>,
          %mul3A_448 = vector.broadcast %squeeze3A_428 : f32 to vector<16xf32>
          %mul3A_449 = arith.mulf %get3A_447, %mul3A_448 : vector<16xf32>
          %swap3A_450 = arith.index_cast %add3A_426 : i32 to index
          %swap3A_451 = arith.constant 32 : index
          %swap3A_452 = tpu.vector_load %arg12[%swap3A_450, %swap3A_451] {strides = array<i32>} : memref<80x128xf32, #tpu.memory_space<vmem>>, vector<16xf32>,
          tpu.vector_store %arg12[%swap3A_450, %swap3A_451], %mul3A_449 {strides = array<i32>} : memref<80x128xf32, #tpu.memory_space<vmem>>, vector<16xf32>,
          %get3A_453 = arith.index_cast %add3A_426 : i32 to index
          %get3A_454 = arith.constant 48 : index
          %get3A_455 = tpu.vector_load %arg12[%get3A_453, %get3A_454] {strides = array<i32>} : memref<80x128xf32, #tpu.memory_space<vmem>>, vector<16xf32>,
          %mul3A_456 = vector.broadcast %squeeze3A_428 : f32 to vector<16xf32>
          %mul3A_457 = arith.mulf %get3A_455, %mul3A_456 : vector<16xf32>
          %swap3A_458 = arith.index_cast %add3A_426 : i32 to index
          %swap3A_459 = arith.constant 48 : index
          %swap3A_460 = tpu.vector_load %arg12[%swap3A_458, %swap3A_459] {strides = array<i32>} : memref<80x128xf32, #tpu.memory_space<vmem>>, vector<16xf32>,
          tpu.vector_store %arg12[%swap3A_458, %swap3A_459], %mul3A_457 {strides = array<i32>} : memref<80x128xf32, #tpu.memory_space<vmem>>, vector<16xf32>,
          %get3A_461 = arith.index_cast %add3A_426 : i32 to index
          %get3A_462 = arith.constant 64 : index
          %get3A_463 = tpu.vector_load %arg12[%get3A_461, %get3A_462] {strides = array<i32>} : memref<80x128xf32, #tpu.memory_space<vmem>>, vector<16xf32>,
          %mul3A_464 = vector.broadcast %squeeze3A_428 : f32 to vector<16xf32>
          %mul3A_465 = arith.mulf %get3A_463, %mul3A_464 : vector<16xf32>
          %swap3A_466 = arith.index_cast %add3A_426 : i32 to index
          %swap3A_467 = arith.constant 64 : index
          %swap3A_468 = tpu.vector_load %arg12[%swap3A_466, %swap3A_467] {strides = array<i32>} : memref<80x128xf32, #tpu.memory_space<vmem>>, vector<16xf32>,
          tpu.vector_store %arg12[%swap3A_466, %swap3A_467], %mul3A_465 {strides = array<i32>} : memref<80x128xf32, #tpu.memory_space<vmem>>, vector<16xf32>,
          %get3A_469 = arith.index_cast %add3A_426 : i32 to index
          %get3A_470 = arith.constant 80 : index
          %get3A_471 = tpu.vector_load %arg12[%get3A_469, %get3A_470] {strides = array<i32>} : memref<80x128xf32, #tpu.memory_space<vmem>>, vector<16xf32>,
          %mul3A_472 = vector.broadcast %squeeze3A_428 : f32 to vector<16xf32>
          %mul3A_473 = arith.mulf %get3A_471, %mul3A_472 : vector<16xf32>
          %swap3A_474 = arith.index_cast %add3A_426 : i32 to index
          %swap3A_475 = arith.constant 80 : index
          %swap3A_476 = tpu.vector_load %arg12[%swap3A_474, %swap3A_475] {strides = array<i32>} : memref<80x128xf32, #tpu.memory_space<vmem>>, vector<16xf32>,
          tpu.vector_store %arg12[%swap3A_474, %swap3A_475], %mul3A_473 {strides = array<i32>} : memref<80x128xf32, #tpu.memory_space<vmem>>, vector<16xf32>,
          %get3A_477 = arith.index_cast %add3A_426 : i32 to index
          %get3A_478 = arith.constant 96 : index
          %get3A_479 = tpu.vector_load %arg12[%get3A_477, %get3A_478] {strides = array<i32>} : memref<80x128xf32, #tpu.memory_space<vmem>>, vector<16xf32>,
          %mul3A_480 = vector.broadcast %squeeze3A_428 : f32 to vector<16xf32>
          %mul3A_481 = arith.mulf %get3A_479, %mul3A_480 : vector<16xf32>
          %swap3A_482 = arith.index_cast %add3A_426 : i32 to index
          %swap3A_483 = arith.constant 96 : index
          %swap3A_484 = tpu.vector_load %arg12[%swap3A_482, %swap3A_483] {strides = array<i32>} : memref<80x128xf32, #tpu.memory_space<vmem>>, vector<16xf32>,
          tpu.vector_store %arg12[%swap3A_482, %swap3A_483], %mul3A_481 {strides = array<i32>} : memref<80x128xf32, #tpu.memory_space<vmem>>, vector<16xf32>,
          %get3A_485 = arith.index_cast %add3A_426 : i32 to index
          %get3A_486 = arith.constant 112 : index
          %get3A_487 = tpu.vector_load %arg12[%get3A_485, %get3A_486] {strides = array<i32>} : memref<80x128xf32, #tpu.memory_space<vmem>>, vector<16xf32>,
          %mul3A_488 = vector.broadcast %squeeze3A_428 : f32 to vector<16xf32>
          %mul3A_489 = arith.mulf %get3A_487, %mul3A_488 : vector<16xf32>
          %swap3A_490 = arith.index_cast %add3A_426 : i32 to index
          %swap3A_491 = arith.constant 112 : index
          %swap3A_492 = tpu.vector_load %arg12[%swap3A_490, %swap3A_491] {strides = array<i32>} : memref<80x128xf32, #tpu.memory_space<vmem>>, vector<16xf32>,
          tpu.vector_store %arg12[%swap3A_490, %swap3A_491], %mul3A_489 {strides = array<i32>} : memref<80x128xf32, #tpu.memory_space<vmem>>, vector<16xf32>,
          %mul3A_493 = arith.constant 16 : i32
          %mul3A_494 = arith.muli %scan3A_204, %mul3A_493 : i32
          %add3A_495 = arith.constant 4 : i32
          %add3A_496 = arith.addi %mul3A_494, %add3A_495 : i32
          %slice3A_497 = vector.extract_strided_slice %exp3A {offsets = [4], sizes = [1], strides = [1]} : vector<16xf32> to vector<1xf32>
          %squeeze3A_498 = vector.extract %slice3A_497[0] : f32 from vector<1xf32>
          %get3A_499 = arith.index_cast %add3A_496 : i32 to index
          %get3A_500 = arith.constant 0 : index
          %get3A_501 = tpu.vector_load %arg12[%get3A_499, %get3A_500] {strides = array<i32>} : memref<80x128xf32, #tpu.memory_space<vmem>>, vector<16xf32>,
          %mul3A_502 = vector.broadcast %squeeze3A_498 : f32 to vector<16xf32>
          %mul3A_503 = arith.mulf %get3A_501, %mul3A_502 : vector<16xf32>
          %swap3A_504 = arith.index_cast %add3A_496 : i32 to index
          %swap3A_505 = arith.constant 0 : index
          %swap3A_506 = tpu.vector_load %arg12[%swap3A_504, %swap3A_505] {strides = array<i32>} : memref<80x128xf32, #tpu.memory_space<vmem>>, vector<16xf32>,
          tpu.vector_store %arg12[%swap3A_504, %swap3A_505], %mul3A_503 {strides = array<i32>} : memref<80x128xf32, #tpu.memory_space<vmem>>, vector<16xf32>,
          %get3A_507 = arith.index_cast %add3A_496 : i32 to index
          %get3A_508 = arith.constant 16 : index
          %get3A_509 = tpu.vector_load %arg12[%get3A_507, %get3A_508] {strides = array<i32>} : memref<80x128xf32, #tpu.memory_space<vmem>>, vector<16xf32>,
          %mul3A_510 = vector.broadcast %squeeze3A_498 : f32 to vector<16xf32>
          %mul3A_511 = arith.mulf %get3A_509, %mul3A_510 : vector<16xf32>
          %swap3A_512 = arith.index_cast %add3A_496 : i32 to index
          %swap3A_513 = arith.constant 16 : index
          %swap3A_514 = tpu.vector_load %arg12[%swap3A_512, %swap3A_513] {strides = array<i32>} : memref<80x128xf32, #tpu.memory_space<vmem>>, vector<16xf32>,
          tpu.vector_store %arg12[%swap3A_512, %swap3A_513], %mul3A_511 {strides = array<i32>} : memref<80x128xf32, #tpu.memory_space<vmem>>, vector<16xf32>,
          %get3A_515 = arith.index_cast %add3A_496 : i32 to index
          %get3A_516 = arith.constant 32 : index
          %get3A_517 = tpu.vector_load %arg12[%get3A_515, %get3A_516] {strides = array<i32>} : memref<80x128xf32, #tpu.memory_space<vmem>>, vector<16xf32>,
          %mul3A_518 = vector.broadcast %squeeze3A_498 : f32 to vector<16xf32>
          %mul3A_519 = arith.mulf %get3A_517, %mul3A_518 : vector<16xf32>
          %swap3A_520 = arith.index_cast %add3A_496 : i32 to index
          %swap3A_521 = arith.constant 32 : index
          %swap3A_522 = tpu.vector_load %arg12[%swap3A_520, %swap3A_521] {strides = array<i32>} : memref<80x128xf32, #tpu.memory_space<vmem>>, vector<16xf32>,
          tpu.vector_store %arg12[%swap3A_520, %swap3A_521], %mul3A_519 {strides = array<i32>} : memref<80x128xf32, #tpu.memory_space<vmem>>, vector<16xf32>,
          %get3A_523 = arith.index_cast %add3A_496 : i32 to index
          %get3A_524 = arith.constant 48 : index
          %get3A_525 = tpu.vector_load %arg12[%get3A_523, %get3A_524] {strides = array<i32>} : memref<80x128xf32, #tpu.memory_space<vmem>>, vector<16xf32>,
          %mul3A_526 = vector.broadcast %squeeze3A_498 : f32 to vector<16xf32>
          %mul3A_527 = arith.mulf %get3A_525, %mul3A_526 : vector<16xf32>
          %swap3A_528 = arith.index_cast %add3A_496 : i32 to index
          %swap3A_529 = arith.constant 48 : index
          %swap3A_530 = tpu.vector_load %arg12[%swap3A_528, %swap3A_529] {strides = array<i32>} : memref<80x128xf32, #tpu.memory_space<vmem>>, vector<16xf32>,
          tpu.vector_store %arg12[%swap3A_528, %swap3A_529], %mul3A_527 {strides = array<i32>} : memref<80x128xf32, #tpu.memory_space<vmem>>, vector<16xf32>,
          %get3A_531 = arith.index_cast %add3A_496 : i32 to index
          %get3A_532 = arith.constant 64 : index
          %get3A_533 = tpu.vector_load %arg12[%get3A_531, %get3A_532] {strides = array<i32>} : memref<80x128xf32, #tpu.memory_space<vmem>>, vector<16xf32>,
          %mul3A_534 = vector.broadcast %squeeze3A_498 : f32 to vector<16xf32>
          %mul3A_535 = arith.mulf %get3A_533, %mul3A_534 : vector<16xf32>
          %swap3A_536 = arith.index_cast %add3A_496 : i32 to index
          %swap3A_537 = arith.constant 64 : index
          %swap3A_538 = tpu.vector_load %arg12[%swap3A_536, %swap3A_537] {strides = array<i32>} : memref<80x128xf32, #tpu.memory_space<vmem>>, vector<16xf32>,
          tpu.vector_store %arg12[%swap3A_536, %swap3A_537], %mul3A_535 {strides = array<i32>} : memref<80x128xf32, #tpu.memory_space<vmem>>, vector<16xf32>,
          %get3A_539 = arith.index_cast %add3A_496 : i32 to index
          %get3A_540 = arith.constant 80 : index
          %get3A_541 = tpu.vector_load %arg12[%get3A_539, %get3A_540] {strides = array<i32>} : memref<80x128xf32, #tpu.memory_space<vmem>>, vector<16xf32>,
          %mul3A_542 = vector.broadcast %squeeze3A_498 : f32 to vector<16xf32>
          %mul3A_543 = arith.mulf %get3A_541, %mul3A_542 : vector<16xf32>
          %swap3A_544 = arith.index_cast %add3A_496 : i32 to index
          %swap3A_545 = arith.constant 80 : index
          %swap3A_546 = tpu.vector_load %arg12[%swap3A_544, %swap3A_545] {strides = array<i32>} : memref<80x128xf32, #tpu.memory_space<vmem>>, vector<16xf32>,
          tpu.vector_store %arg12[%swap3A_544, %swap3A_545], %mul3A_543 {strides = array<i32>} : memref<80x128xf32, #tpu.memory_space<vmem>>, vector<16xf32>,
          %get3A_547 = arith.index_cast %add3A_496 : i32 to index
          %get3A_548 = arith.constant 96 : index
          %get3A_549 = tpu.vector_load %arg12[%get3A_547, %get3A_548] {strides = array<i32>} : memref<80x128xf32, #tpu.memory_space<vmem>>, vector<16xf32>,
          %mul3A_550 = vector.broadcast %squeeze3A_498 : f32 to vector<16xf32>
          %mul3A_551 = arith.mulf %get3A_549, %mul3A_550 : vector<16xf32>
          %swap3A_552 = arith.index_cast %add3A_496 : i32 to index
          %swap3A_553 = arith.constant 96 : index
          %swap3A_554 = tpu.vector_load %arg12[%swap3A_552, %swap3A_553] {strides = array<i32>} : memref<80x128xf32, #tpu.memory_space<vmem>>, vector<16xf32>,
          tpu.vector_store %arg12[%swap3A_552, %swap3A_553], %mul3A_551 {strides = array<i32>} : memref<80x128xf32, #tpu.memory_space<vmem>>, vector<16xf32>,
          %get3A_555 = arith.index_cast %add3A_496 : i32 to index
          %get3A_556 = arith.constant 112 : index
          %get3A_557 = tpu.vector_load %arg12[%get3A_555, %get3A_556] {strides = array<i32>} : memref<80x128xf32, #tpu.memory_space<vmem>>, vector<16xf32>,
          %mul3A_558 = vector.broadcast %squeeze3A_498 : f32 to vector<16xf32>
          %mul3A_559 = arith.mulf %get3A_557, %mul3A_558 : vector<16xf32>
          %swap3A_560 = arith.index_cast %add3A_496 : i32 to index
          %swap3A_561 = arith.constant 112 : index
          %swap3A_562 = tpu.vector_load %arg12[%swap3A_560, %swap3A_561] {strides = array<i32>} : memref<80x128xf32, #tpu.memory_space<vmem>>, vector<16xf32>,
          tpu.vector_store %arg12[%swap3A_560, %swap3A_561], %mul3A_559 {strides = array<i32>} : memref<80x128xf32, #tpu.memory_space<vmem>>, vector<16xf32>,
          %mul3A_563 = arith.constant 16 : i32
          %mul3A_564 = arith.muli %scan3A_204, %mul3A_563 : i32
          %add3A_565 = arith.constant 5 : i32
          %add3A_566 = arith.addi %mul3A_564, %add3A_565 : i32
          %slice3A_567 = vector.extract_strided_slice %exp3A {offsets = [5], sizes = [1], strides = [1]} : vector<16xf32> to vector<1xf32>
          %squeeze3A_568 = vector.extract %slice3A_567[0] : f32 from vector<1xf32>
          %get3A_569 = arith.index_cast %add3A_566 : i32 to index
          %get3A_570 = arith.constant 0 : index
          %get3A_571 = tpu.vector_load %arg12[%get3A_569, %get3A_570] {strides = array<i32>} : memref<80x128xf32, #tpu.memory_space<vmem>>, vector<16xf32>,
          %mul3A_572 = vector.broadcast %squeeze3A_568 : f32 to vector<16xf32>
          %mul3A_573 = arith.mulf %get3A_571, %mul3A_572 : vector<16xf32>
          %swap3A_574 = arith.index_cast %add3A_566 : i32 to index
          %swap3A_575 = arith.constant 0 : index
          %swap3A_576 = tpu.vector_load %arg12[%swap3A_574, %swap3A_575] {strides = array<i32>} : memref<80x128xf32, #tpu.memory_space<vmem>>, vector<16xf32>,
          tpu.vector_store %arg12[%swap3A_574, %swap3A_575], %mul3A_573 {strides = array<i32>} : memref<80x128xf32, #tpu.memory_space<vmem>>, vector<16xf32>,
          %get3A_577 = arith.index_cast %add3A_566 : i32 to index
          %get3A_578 = arith.constant 16 : index
          %get3A_579 = tpu.vector_load %arg12[%get3A_577, %get3A_578] {strides = array<i32>} : memref<80x128xf32, #tpu.memory_space<vmem>>, vector<16xf32>,
          %mul3A_580 = vector.broadcast %squeeze3A_568 : f32 to vector<16xf32>
          %mul3A_581 = arith.mulf %get3A_579, %mul3A_580 : vector<16xf32>
          %swap3A_582 = arith.index_cast %add3A_566 : i32 to index
          %swap3A_583 = arith.constant 16 : index
          %swap3A_584 = tpu.vector_load %arg12[%swap3A_582, %swap3A_583] {strides = array<i32>} : memref<80x128xf32, #tpu.memory_space<vmem>>, vector<16xf32>,
          tpu.vector_store %arg12[%swap3A_582, %swap3A_583], %mul3A_581 {strides = array<i32>} : memref<80x128xf32, #tpu.memory_space<vmem>>, vector<16xf32>,
          %get3A_585 = arith.index_cast %add3A_566 : i32 to index
          %get3A_586 = arith.constant 32 : index
          %get3A_587 = tpu.vector_load %arg12[%get3A_585, %get3A_586] {strides = array<i32>} : memref<80x128xf32, #tpu.memory_space<vmem>>, vector<16xf32>,
          %mul3A_588 = vector.broadcast %squeeze3A_568 : f32 to vector<16xf32>
          %mul3A_589 = arith.mulf %get3A_587, %mul3A_588 : vector<16xf32>
          %swap3A_590 = arith.index_cast %add3A_566 : i32 to index
          %swap3A_591 = arith.constant 32 : index
          %swap3A_592 = tpu.vector_load %arg12[%swap3A_590, %swap3A_591] {strides = array<i32>} : memref<80x128xf32, #tpu.memory_space<vmem>>, vector<16xf32>,
          tpu.vector_store %arg12[%swap3A_590, %swap3A_591], %mul3A_589 {strides = array<i32>} : memref<80x128xf32, #tpu.memory_space<vmem>>, vector<16xf32>,
          %get3A_593 = arith.index_cast %add3A_566 : i32 to index
          %get3A_594 = arith.constant 48 : index
          %get3A_595 = tpu.vector_load %arg12[%get3A_593, %get3A_594] {strides = array<i32>} : memref<80x128xf32, #tpu.memory_space<vmem>>, vector<16xf32>,
          %mul3A_596 = vector.broadcast %squeeze3A_568 : f32 to vector<16xf32>
          %mul3A_597 = arith.mulf %get3A_595, %mul3A_596 : vector<16xf32>
          %swap3A_598 = arith.index_cast %add3A_566 : i32 to index
          %swap3A_599 = arith.constant 48 : index
          %swap3A_600 = tpu.vector_load %arg12[%swap3A_598, %swap3A_599] {strides = array<i32>} : memref<80x128xf32, #tpu.memory_space<vmem>>, vector<16xf32>,
          tpu.vector_store %arg12[%swap3A_598, %swap3A_599], %mul3A_597 {strides = array<i32>} : memref<80x128xf32, #tpu.memory_space<vmem>>, vector<16xf32>,
          %get3A_601 = arith.index_cast %add3A_566 : i32 to index
          %get3A_602 = arith.constant 64 : index
          %get3A_603 = tpu.vector_load %arg12[%get3A_601, %get3A_602] {strides = array<i32>} : memref<80x128xf32, #tpu.memory_space<vmem>>, vector<16xf32>,
          %mul3A_604 = vector.broadcast %squeeze3A_568 : f32 to vector<16xf32>
          %mul3A_605 = arith.mulf %get3A_603, %mul3A_604 : vector<16xf32>
          %swap3A_606 = arith.index_cast %add3A_566 : i32 to index
          %swap3A_607 = arith.constant 64 : index
          %swap3A_608 = tpu.vector_load %arg12[%swap3A_606, %swap3A_607] {strides = array<i32>} : memref<80x128xf32, #tpu.memory_space<vmem>>, vector<16xf32>,
          tpu.vector_store %arg12[%swap3A_606, %swap3A_607], %mul3A_605 {strides = array<i32>} : memref<80x128xf32, #tpu.memory_space<vmem>>, vector<16xf32>,
          %get3A_609 = arith.index_cast %add3A_566 : i32 to index
          %get3A_610 = arith.constant 80 : index
          %get3A_611 = tpu.vector_load %arg12[%get3A_609, %get3A_610] {strides = array<i32>} : memref<80x128xf32, #tpu.memory_space<vmem>>, vector<16xf32>,
          %mul3A_612 = vector.broadcast %squeeze3A_568 : f32 to vector<16xf32>
          %mul3A_613 = arith.mulf %get3A_611, %mul3A_612 : vector<16xf32>
          %swap3A_614 = arith.index_cast %add3A_566 : i32 to index
          %swap3A_615 = arith.constant 80 : index
          %swap3A_616 = tpu.vector_load %arg12[%swap3A_614, %swap3A_615] {strides = array<i32>} : memref<80x128xf32, #tpu.memory_space<vmem>>, vector<16xf32>,
          tpu.vector_store %arg12[%swap3A_614, %swap3A_615], %mul3A_613 {strides = array<i32>} : memref<80x128xf32, #tpu.memory_space<vmem>>, vector<16xf32>,
          %get3A_617 = arith.index_cast %add3A_566 : i32 to index
          %get3A_618 = arith.constant 96 : index
          %get3A_619 = tpu.vector_load %arg12[%get3A_617, %get3A_618] {strides = array<i32>} : memref<80x128xf32, #tpu.memory_space<vmem>>, vector<16xf32>,
          %mul3A_620 = vector.broadcast %squeeze3A_568 : f32 to vector<16xf32>
          %mul3A_621 = arith.mulf %get3A_619, %mul3A_620 : vector<16xf32>
          %swap3A_622 = arith.index_cast %add3A_566 : i32 to index
          %swap3A_623 = arith.constant 96 : index
          %swap3A_624 = tpu.vector_load %arg12[%swap3A_622, %swap3A_623] {strides = array<i32>} : memref<80x128xf32, #tpu.memory_space<vmem>>, vector<16xf32>,
          tpu.vector_store %arg12[%swap3A_622, %swap3A_623], %mul3A_621 {strides = array<i32>} : memref<80x128xf32, #tpu.memory_space<vmem>>, vector<16xf32>,
          %get3A_625 = arith.index_cast %add3A_566 : i32 to index
          %get3A_626 = arith.constant 112 : index
          %get3A_627 = tpu.vector_load %arg12[%get3A_625, %get3A_626] {strides = array<i32>} : memref<80x128xf32, #tpu.memory_space<vmem>>, vector<16xf32>,
          %mul3A_628 = vector.broadcast %squeeze3A_568 : f32 to vector<16xf32>
          %mul3A_629 = arith.mulf %get3A_627, %mul3A_628 : vector<16xf32>
          %swap3A_630 = arith.index_cast %add3A_566 : i32 to index
          %swap3A_631 = arith.constant 112 : index
          %swap3A_632 = tpu.vector_load %arg12[%swap3A_630, %swap3A_631] {strides = array<i32>} : memref<80x128xf32, #tpu.memory_space<vmem>>, vector<16xf32>,
          tpu.vector_store %arg12[%swap3A_630, %swap3A_631], %mul3A_629 {strides = array<i32>} : memref<80x128xf32, #tpu.memory_space<vmem>>, vector<16xf32>,
          %mul3A_633 = arith.constant 16 : i32
          %mul3A_634 = arith.muli %scan3A_204, %mul3A_633 : i32
          %add3A_635 = arith.constant 6 : i32
          %add3A_636 = arith.addi %mul3A_634, %add3A_635 : i32
          %slice3A_637 = vector.extract_strided_slice %exp3A {offsets = [6], sizes = [1], strides = [1]} : vector<16xf32> to vector<1xf32>
          %squeeze3A_638 = vector.extract %slice3A_637[0] : f32 from vector<1xf32>
          %get3A_639 = arith.index_cast %add3A_636 : i32 to index
          %get3A_640 = arith.constant 0 : index
          %get3A_641 = tpu.vector_load %arg12[%get3A_639, %get3A_640] {strides = array<i32>} : memref<80x128xf32, #tpu.memory_space<vmem>>, vector<16xf32>,
          %mul3A_642 = vector.broadcast %squeeze3A_638 : f32 to vector<16xf32>
          %mul3A_643 = arith.mulf %get3A_641, %mul3A_642 : vector<16xf32>
          %swap3A_644 = arith.index_cast %add3A_636 : i32 to index
          %swap3A_645 = arith.constant 0 : index
          %swap3A_646 = tpu.vector_load %arg12[%swap3A_644, %swap3A_645] {strides = array<i32>} : memref<80x128xf32, #tpu.memory_space<vmem>>, vector<16xf32>,
          tpu.vector_store %arg12[%swap3A_644, %swap3A_645], %mul3A_643 {strides = array<i32>} : memref<80x128xf32, #tpu.memory_space<vmem>>, vector<16xf32>,
          %get3A_647 = arith.index_cast %add3A_636 : i32 to index
          %get3A_648 = arith.constant 16 : index
          %get3A_649 = tpu.vector_load %arg12[%get3A_647, %get3A_648] {strides = array<i32>} : memref<80x128xf32, #tpu.memory_space<vmem>>, vector<16xf32>,
          %mul3A_650 = vector.broadcast %squeeze3A_638 : f32 to vector<16xf32>
          %mul3A_651 = arith.mulf %get3A_649, %mul3A_650 : vector<16xf32>
          %swap3A_652 = arith.index_cast %add3A_636 : i32 to index
          %swap3A_653 = arith.constant 16 : index
          %swap3A_654 = tpu.vector_load %arg12[%swap3A_652, %swap3A_653] {strides = array<i32>} : memref<80x128xf32, #tpu.memory_space<vmem>>, vector<16xf32>,
          tpu.vector_store %arg12[%swap3A_652, %swap3A_653], %mul3A_651 {strides = array<i32>} : memref<80x128xf32, #tpu.memory_space<vmem>>, vector<16xf32>,
          %get3A_655 = arith.index_cast %add3A_636 : i32 to index
          %get3A_656 = arith.constant 32 : index
          %get3A_657 = tpu.vector_load %arg12[%get3A_655, %get3A_656] {strides = array<i32>} : memref<80x128xf32, #tpu.memory_space<vmem>>, vector<16xf32>,
          %mul3A_658 = vector.broadcast %squeeze3A_638 : f32 to vector<16xf32>
          %mul3A_659 = arith.mulf %get3A_657, %mul3A_658 : vector<16xf32>
          %swap3A_660 = arith.index_cast %add3A_636 : i32 to index
          %swap3A_661 = arith.constant 32 : index
          %swap3A_662 = tpu.vector_load %arg12[%swap3A_660, %swap3A_661] {strides = array<i32>} : memref<80x128xf32, #tpu.memory_space<vmem>>, vector<16xf32>,
          tpu.vector_store %arg12[%swap3A_660, %swap3A_661], %mul3A_659 {strides = array<i32>} : memref<80x128xf32, #tpu.memory_space<vmem>>, vector<16xf32>,
          %get3A_663 = arith.index_cast %add3A_636 : i32 to index
          %get3A_664 = arith.constant 48 : index
          %get3A_665 = tpu.vector_load %arg12[%get3A_663, %get3A_664] {strides = array<i32>} : memref<80x128xf32, #tpu.memory_space<vmem>>, vector<16xf32>,
          %mul3A_666 = vector.broadcast %squeeze3A_638 : f32 to vector<16xf32>
          %mul3A_667 = arith.mulf %get3A_665, %mul3A_666 : vector<16xf32>
          %swap3A_668 = arith.index_cast %add3A_636 : i32 to index
          %swap3A_669 = arith.constant 48 : index
          %swap3A_670 = tpu.vector_load %arg12[%swap3A_668, %swap3A_669] {strides = array<i32>} : memref<80x128xf32, #tpu.memory_space<vmem>>, vector<16xf32>,
          tpu.vector_store %arg12[%swap3A_668, %swap3A_669], %mul3A_667 {strides = array<i32>} : memref<80x128xf32, #tpu.memory_space<vmem>>, vector<16xf32>,
          %get3A_671 = arith.index_cast %add3A_636 : i32 to index
          %get3A_672 = arith.constant 64 : index
          %get3A_673 = tpu.vector_load %arg12[%get3A_671, %get3A_672] {strides = array<i32>} : memref<80x128xf32, #tpu.memory_space<vmem>>, vector<16xf32>,
          %mul3A_674 = vector.broadcast %squeeze3A_638 : f32 to vector<16xf32>
          %mul3A_675 = arith.mulf %get3A_673, %mul3A_674 : vector<16xf32>
          %swap3A_676 = arith.index_cast %add3A_636 : i32 to index
          %swap3A_677 = arith.constant 64 : index
          %swap3A_678 = tpu.vector_load %arg12[%swap3A_676, %swap3A_677] {strides = array<i32>} : memref<80x128xf32, #tpu.memory_space<vmem>>, vector<16xf32>,
          tpu.vector_store %arg12[%swap3A_676, %swap3A_677], %mul3A_675 {strides = array<i32>} : memref<80x128xf32, #tpu.memory_space<vmem>>, vector<16xf32>,
          %get3A_679 = arith.index_cast %add3A_636 : i32 to index
          %get3A_680 = arith.constant 80 : index
          %get3A_681 = tpu.vector_load %arg12[%get3A_679, %get3A_680] {strides = array<i32>} : memref<80x128xf32, #tpu.memory_space<vmem>>, vector<16xf32>,
          %mul3A_682 = vector.broadcast %squeeze3A_638 : f32 to vector<16xf32>
          %mul3A_683 = arith.mulf %get3A_681, %mul3A_682 : vector<16xf32>
          %swap3A_684 = arith.index_cast %add3A_636 : i32 to index
          %swap3A_685 = arith.constant 80 : index
          %swap3A_686 = tpu.vector_load %arg12[%swap3A_684, %swap3A_685] {strides = array<i32>} : memref<80x128xf32, #tpu.memory_space<vmem>>, vector<16xf32>,
          tpu.vector_store %arg12[%swap3A_684, %swap3A_685], %mul3A_683 {strides = array<i32>} : memref<80x128xf32, #tpu.memory_space<vmem>>, vector<16xf32>,
          %get3A_687 = arith.index_cast %add3A_636 : i32 to index
          %get3A_688 = arith.constant 96 : index
          %get3A_689 = tpu.vector_load %arg12[%get3A_687, %get3A_688] {strides = array<i32>} : memref<80x128xf32, #tpu.memory_space<vmem>>, vector<16xf32>,
          %mul3A_690 = vector.broadcast %squeeze3A_638 : f32 to vector<16xf32>
          %mul3A_691 = arith.mulf %get3A_689, %mul3A_690 : vector<16xf32>
          %swap3A_692 = arith.index_cast %add3A_636 : i32 to index
          %swap3A_693 = arith.constant 96 : index
          %swap3A_694 = tpu.vector_load %arg12[%swap3A_692, %swap3A_693] {strides = array<i32>} : memref<80x128xf32, #tpu.memory_space<vmem>>, vector<16xf32>,
          tpu.vector_store %arg12[%swap3A_692, %swap3A_693], %mul3A_691 {strides = array<i32>} : memref<80x128xf32, #tpu.memory_space<vmem>>, vector<16xf32>,
          %get3A_695 = arith.index_cast %add3A_636 : i32 to index
          %get3A_696 = arith.constant 112 : index
          %get3A_697 = tpu.vector_load %arg12[%get3A_695, %get3A_696] {strides = array<i32>} : memref<80x128xf32, #tpu.memory_space<vmem>>, vector<16xf32>,
          %mul3A_698 = vector.broadcast %squeeze3A_638 : f32 to vector<16xf32>
          %mul3A_699 = arith.mulf %get3A_697, %mul3A_698 : vector<16xf32>
          %swap3A_700 = arith.index_cast %add3A_636 : i32 to index
          %swap3A_701 = arith.constant 112 : index
          %swap3A_702 = tpu.vector_load %arg12[%swap3A_700, %swap3A_701] {strides = array<i32>} : memref<80x128xf32, #tpu.memory_space<vmem>>, vector<16xf32>,
          tpu.vector_store %arg12[%swap3A_700, %swap3A_701], %mul3A_699 {strides = array<i32>} : memref<80x128xf32, #tpu.memory_space<vmem>>, vector<16xf32>,
          %mul3A_703 = arith.constant 16 : i32
          %mul3A_704 = arith.muli %scan3A_204, %mul3A_703 : i32
          %add3A_705 = arith.constant 7 : i32
          %add3A_706 = arith.addi %mul3A_704, %add3A_705 : i32
          %slice3A_707 = vector.extract_strided_slice %exp3A {offsets = [7], sizes = [1], strides = [1]} : vector<16xf32> to vector<1xf32>
          %squeeze3A_708 = vector.extract %slice3A_707[0] : f32 from vector<1xf32>
          %get3A_709 = arith.index_cast %add3A_706 : i32 to index
          %get3A_710 = arith.constant 0 : index
          %get3A_711 = tpu.vector_load %arg12[%get3A_709, %get3A_710] {strides = array<i32>} : memref<80x128xf32, #tpu.memory_space<vmem>>, vector<16xf32>,
          %mul3A_712 = vector.broadcast %squeeze3A_708 : f32 to vector<16xf32>
          %mul3A_713 = arith.mulf %get3A_711, %mul3A_712 : vector<16xf32>
          %swap3A_714 = arith.index_cast %add3A_706 : i32 to index
          %swap3A_715 = arith.constant 0 : index
          %swap3A_716 = tpu.vector_load %arg12[%swap3A_714, %swap3A_715] {strides = array<i32>} : memref<80x128xf32, #tpu.memory_space<vmem>>, vector<16xf32>,
          tpu.vector_store %arg12[%swap3A_714, %swap3A_715], %mul3A_713 {strides = array<i32>} : memref<80x128xf32, #tpu.memory_space<vmem>>, vector<16xf32>,
          %get3A_717 = arith.index_cast %add3A_706 : i32 to index
          %get3A_718 = arith.constant 16 : index
          %get3A_719 = tpu.vector_load %arg12[%get3A_717, %get3A_718] {strides = array<i32>} : memref<80x128xf32, #tpu.memory_space<vmem>>, vector<16xf32>,
          %mul3A_720 = vector.broadcast %squeeze3A_708 : f32 to vector<16xf32>
          %mul3A_721 = arith.mulf %get3A_719, %mul3A_720 : vector<16xf32>
          %swap3A_722 = arith.index_cast %add3A_706 : i32 to index
          %swap3A_723 = arith.constant 16 : index
          %swap3A_724 = tpu.vector_load %arg12[%swap3A_722, %swap3A_723] {strides = array<i32>} : memref<80x128xf32, #tpu.memory_space<vmem>>, vector<16xf32>,
          tpu.vector_store %arg12[%swap3A_722, %swap3A_723], %mul3A_721 {strides = array<i32>} : memref<80x128xf32, #tpu.memory_space<vmem>>, vector<16xf32>,
          %get3A_725 = arith.index_cast %add3A_706 : i32 to index
          %get3A_726 = arith.constant 32 : index
          %get3A_727 = tpu.vector_load %arg12[%get3A_725, %get3A_726] {strides = array<i32>} : memref<80x128xf32, #tpu.memory_space<vmem>>, vector<16xf32>,
          %mul3A_728 = vector.broadcast %squeeze3A_708 : f32 to vector<16xf32>
          %mul3A_729 = arith.mulf %get3A_727, %mul3A_728 : vector<16xf32>
          %swap3A_730 = arith.index_cast %add3A_706 : i32 to index
          %swap3A_731 = arith.constant 32 : index
          %swap3A_732 = tpu.vector_load %arg12[%swap3A_730, %swap3A_731] {strides = array<i32>} : memref<80x128xf32, #tpu.memory_space<vmem>>, vector<16xf32>,
          tpu.vector_store %arg12[%swap3A_730, %swap3A_731], %mul3A_729 {strides = array<i32>} : memref<80x128xf32, #tpu.memory_space<vmem>>, vector<16xf32>,
          %get3A_733 = arith.index_cast %add3A_706 : i32 to index
          %get3A_734 = arith.constant 48 : index
          %get3A_735 = tpu.vector_load %arg12[%get3A_733, %get3A_734] {strides = array<i32>} : memref<80x128xf32, #tpu.memory_space<vmem>>, vector<16xf32>,
          %mul3A_736 = vector.broadcast %squeeze3A_708 : f32 to vector<16xf32>
          %mul3A_737 = arith.mulf %get3A_735, %mul3A_736 : vector<16xf32>
          %swap3A_738 = arith.index_cast %add3A_706 : i32 to index
          %swap3A_739 = arith.constant 48 : index
          %swap3A_740 = tpu.vector_load %arg12[%swap3A_738, %swap3A_739] {strides = array<i32>} : memref<80x128xf32, #tpu.memory_space<vmem>>, vector<16xf32>,
          tpu.vector_store %arg12[%swap3A_738, %swap3A_739], %mul3A_737 {strides = array<i32>} : memref<80x128xf32, #tpu.memory_space<vmem>>, vector<16xf32>,
          %get3A_741 = arith.index_cast %add3A_706 : i32 to index
          %get3A_742 = arith.constant 64 : index
          %get3A_743 = tpu.vector_load %arg12[%get3A_741, %get3A_742] {strides = array<i32>} : memref<80x128xf32, #tpu.memory_space<vmem>>, vector<16xf32>,
          %mul3A_744 = vector.broadcast %squeeze3A_708 : f32 to vector<16xf32>
          %mul3A_745 = arith.mulf %get3A_743, %mul3A_744 : vector<16xf32>
          %swap3A_746 = arith.index_cast %add3A_706 : i32 to index
          %swap3A_747 = arith.constant 64 : index
          %swap3A_748 = tpu.vector_load %arg12[%swap3A_746, %swap3A_747] {strides = array<i32>} : memref<80x128xf32, #tpu.memory_space<vmem>>, vector<16xf32>,
          tpu.vector_store %arg12[%swap3A_746, %swap3A_747], %mul3A_745 {strides = array<i32>} : memref<80x128xf32, #tpu.memory_space<vmem>>, vector<16xf32>,
          %get3A_749 = arith.index_cast %add3A_706 : i32 to index
          %get3A_750 = arith.constant 80 : index
          %get3A_751 = tpu.vector_load %arg12[%get3A_749, %get3A_750] {strides = array<i32>} : memref<80x128xf32, #tpu.memory_space<vmem>>, vector<16xf32>,
          %mul3A_752 = vector.broadcast %squeeze3A_708 : f32 to vector<16xf32>
          %mul3A_753 = arith.mulf %get3A_751, %mul3A_752 : vector<16xf32>
          %swap3A_754 = arith.index_cast %add3A_706 : i32 to index
          %swap3A_755 = arith.constant 80 : index
          %swap3A_756 = tpu.vector_load %arg12[%swap3A_754, %swap3A_755] {strides = array<i32>} : memref<80x128xf32, #tpu.memory_space<vmem>>, vector<16xf32>,
          tpu.vector_store %arg12[%swap3A_754, %swap3A_755], %mul3A_753 {strides = array<i32>} : memref<80x128xf32, #tpu.memory_space<vmem>>, vector<16xf32>,
          %get3A_757 = arith.index_cast %add3A_706 : i32 to index
          %get3A_758 = arith.constant 96 : index
          %get3A_759 = tpu.vector_load %arg12[%get3A_757, %get3A_758] {strides = array<i32>} : memref<80x128xf32, #tpu.memory_space<vmem>>, vector<16xf32>,
          %mul3A_760 = vector.broadcast %squeeze3A_708 : f32 to vector<16xf32>
          %mul3A_761 = arith.mulf %get3A_759, %mul3A_760 : vector<16xf32>
          %swap3A_762 = arith.index_cast %add3A_706 : i32 to index
          %swap3A_763 = arith.constant 96 : index
          %swap3A_764 = tpu.vector_load %arg12[%swap3A_762, %swap3A_763] {strides = array<i32>} : memref<80x128xf32, #tpu.memory_space<vmem>>, vector<16xf32>,
          tpu.vector_store %arg12[%swap3A_762, %swap3A_763], %mul3A_761 {strides = array<i32>} : memref<80x128xf32, #tpu.memory_space<vmem>>, vector<16xf32>,
          %get3A_765 = arith.index_cast %add3A_706 : i32 to index
          %get3A_766 = arith.constant 112 : index
          %get3A_767 = tpu.vector_load %arg12[%get3A_765, %get3A_766] {strides = array<i32>} : memref<80x128xf32, #tpu.memory_space<vmem>>, vector<16xf32>,
          %mul3A_768 = vector.broadcast %squeeze3A_708 : f32 to vector<16xf32>
          %mul3A_769 = arith.mulf %get3A_767, %mul3A_768 : vector<16xf32>
          %swap3A_770 = arith.index_cast %add3A_706 : i32 to index
          %swap3A_771 = arith.constant 112 : index
          %swap3A_772 = tpu.vector_load %arg12[%swap3A_770, %swap3A_771] {strides = array<i32>} : memref<80x128xf32, #tpu.memory_space<vmem>>, vector<16xf32>,
          tpu.vector_store %arg12[%swap3A_770, %swap3A_771], %mul3A_769 {strides = array<i32>} : memref<80x128xf32, #tpu.memory_space<vmem>>, vector<16xf32>,
          %mul3A_773 = arith.constant 16 : i32
          %mul3A_774 = arith.muli %scan3A_204, %mul3A_773 : i32
          %add3A_775 = arith.constant 8 : i32
          %add3A_776 = arith.addi %mul3A_774, %add3A_775 : i32
          %slice3A_777 = vector.extract_strided_slice %exp3A {offsets = [8], sizes = [1], strides = [1]} : vector<16xf32> to vector<1xf32>
          %squeeze3A_778 = vector.extract %slice3A_777[0] : f32 from vector<1xf32>
          %get3A_779 = arith.index_cast %add3A_776 : i32 to index
          %get3A_780 = arith.constant 0 : index
          %get3A_781 = tpu.vector_load %arg12[%get3A_779, %get3A_780] {strides = array<i32>} : memref<80x128xf32, #tpu.memory_space<vmem>>, vector<16xf32>,
          %mul3A_782 = vector.broadcast %squeeze3A_778 : f32 to vector<16xf32>
          %mul3A_783 = arith.mulf %get3A_781, %mul3A_782 : vector<16xf32>
          %swap3A_784 = arith.index_cast %add3A_776 : i32 to index
          %swap3A_785 = arith.constant 0 : index
          %swap3A_786 = tpu.vector_load %arg12[%swap3A_784, %swap3A_785] {strides = array<i32>} : memref<80x128xf32, #tpu.memory_space<vmem>>, vector<16xf32>,
          tpu.vector_store %arg12[%swap3A_784, %swap3A_785], %mul3A_783 {strides = array<i32>} : memref<80x128xf32, #tpu.memory_space<vmem>>, vector<16xf32>,
          %get3A_787 = arith.index_cast %add3A_776 : i32 to index
          %get3A_788 = arith.constant 16 : index
          %get3A_789 = tpu.vector_load %arg12[%get3A_787, %get3A_788] {strides = array<i32>} : memref<80x128xf32, #tpu.memory_space<vmem>>, vector<16xf32>,
          %mul3A_790 = vector.broadcast %squeeze3A_778 : f32 to vector<16xf32>
          %mul3A_791 = arith.mulf %get3A_789, %mul3A_790 : vector<16xf32>
          %swap3A_792 = arith.index_cast %add3A_776 : i32 to index
          %swap3A_793 = arith.constant 16 : index
          %swap3A_794 = tpu.vector_load %arg12[%swap3A_792, %swap3A_793] {strides = array<i32>} : memref<80x128xf32, #tpu.memory_space<vmem>>, vector<16xf32>,
          tpu.vector_store %arg12[%swap3A_792, %swap3A_793], %mul3A_791 {strides = array<i32>} : memref<80x128xf32, #tpu.memory_space<vmem>>, vector<16xf32>,
          %get3A_795 = arith.index_cast %add3A_776 : i32 to index
          %get3A_796 = arith.constant 32 : index
          %get3A_797 = tpu.vector_load %arg12[%get3A_795, %get3A_796] {strides = array<i32>} : memref<80x128xf32, #tpu.memory_space<vmem>>, vector<16xf32>,
          %mul3A_798 = vector.broadcast %squeeze3A_778 : f32 to vector<16xf32>
          %mul3A_799 = arith.mulf %get3A_797, %mul3A_798 : vector<16xf32>
          %swap3A_800 = arith.index_cast %add3A_776 : i32 to index
          %swap3A_801 = arith.constant 32 : index
          %swap3A_802 = tpu.vector_load %arg12[%swap3A_800, %swap3A_801] {strides = array<i32>} : memref<80x128xf32, #tpu.memory_space<vmem>>, vector<16xf32>,
          tpu.vector_store %arg12[%swap3A_800, %swap3A_801], %mul3A_799 {strides = array<i32>} : memref<80x128xf32, #tpu.memory_space<vmem>>, vector<16xf32>,
          %get3A_803 = arith.index_cast %add3A_776 : i32 to index
          %get3A_804 = arith.constant 48 : index
          %get3A_805 = tpu.vector_load %arg12[%get3A_803, %get3A_804] {strides = array<i32>} : memref<80x128xf32, #tpu.memory_space<vmem>>, vector<16xf32>,
          %mul3A_806 = vector.broadcast %squeeze3A_778 : f32 to vector<16xf32>
          %mul3A_807 = arith.mulf %get3A_805, %mul3A_806 : vector<16xf32>
          %swap3A_808 = arith.index_cast %add3A_776 : i32 to index
          %swap3A_809 = arith.constant 48 : index
          %swap3A_810 = tpu.vector_load %arg12[%swap3A_808, %swap3A_809] {strides = array<i32>} : memref<80x128xf32, #tpu.memory_space<vmem>>, vector<16xf32>,
          tpu.vector_store %arg12[%swap3A_808, %swap3A_809], %mul3A_807 {strides = array<i32>} : memref<80x128xf32, #tpu.memory_space<vmem>>, vector<16xf32>,
          %get3A_811 = arith.index_cast %add3A_776 : i32 to index
          %get3A_812 = arith.constant 64 : index
          %get3A_813 = tpu.vector_load %arg12[%get3A_811, %get3A_812] {strides = array<i32>} : memref<80x128xf32, #tpu.memory_space<vmem>>, vector<16xf32>,
          %mul3A_814 = vector.broadcast %squeeze3A_778 : f32 to vector<16xf32>
          %mul3A_815 = arith.mulf %get3A_813, %mul3A_814 : vector<16xf32>
          %swap3A_816 = arith.index_cast %add3A_776 : i32 to index
          %swap3A_817 = arith.constant 64 : index
          %swap3A_818 = tpu.vector_load %arg12[%swap3A_816, %swap3A_817] {strides = array<i32>} : memref<80x128xf32, #tpu.memory_space<vmem>>, vector<16xf32>,
          tpu.vector_store %arg12[%swap3A_816, %swap3A_817], %mul3A_815 {strides = array<i32>} : memref<80x128xf32, #tpu.memory_space<vmem>>, vector<16xf32>,
          %get3A_819 = arith.index_cast %add3A_776 : i32 to index
          %get3A_820 = arith.constant 80 : index
          %get3A_821 = tpu.vector_load %arg12[%get3A_819, %get3A_820] {strides = array<i32>} : memref<80x128xf32, #tpu.memory_space<vmem>>, vector<16xf32>,
          %mul3A_822 = vector.broadcast %squeeze3A_778 : f32 to vector<16xf32>
          %mul3A_823 = arith.mulf %get3A_821, %mul3A_822 : vector<16xf32>
          %swap3A_824 = arith.index_cast %add3A_776 : i32 to index
          %swap3A_825 = arith.constant 80 : index
          %swap3A_826 = tpu.vector_load %arg12[%swap3A_824, %swap3A_825] {strides = array<i32>} : memref<80x128xf32, #tpu.memory_space<vmem>>, vector<16xf32>,
          tpu.vector_store %arg12[%swap3A_824, %swap3A_825], %mul3A_823 {strides = array<i32>} : memref<80x128xf32, #tpu.memory_space<vmem>>, vector<16xf32>,
          %get3A_827 = arith.index_cast %add3A_776 : i32 to index
          %get3A_828 = arith.constant 96 : index
          %get3A_829 = tpu.vector_load %arg12[%get3A_827, %get3A_828] {strides = array<i32>} : memref<80x128xf32, #tpu.memory_space<vmem>>, vector<16xf32>,
          %mul3A_830 = vector.broadcast %squeeze3A_778 : f32 to vector<16xf32>
          %mul3A_831 = arith.mulf %get3A_829, %mul3A_830 : vector<16xf32>
          %swap3A_832 = arith.index_cast %add3A_776 : i32 to index
          %swap3A_833 = arith.constant 96 : index
          %swap3A_834 = tpu.vector_load %arg12[%swap3A_832, %swap3A_833] {strides = array<i32>} : memref<80x128xf32, #tpu.memory_space<vmem>>, vector<16xf32>,
          tpu.vector_store %arg12[%swap3A_832, %swap3A_833], %mul3A_831 {strides = array<i32>} : memref<80x128xf32, #tpu.memory_space<vmem>>, vector<16xf32>,
          %get3A_835 = arith.index_cast %add3A_776 : i32 to index
          %get3A_836 = arith.constant 112 : index
          %get3A_837 = tpu.vector_load %arg12[%get3A_835, %get3A_836] {strides = array<i32>} : memref<80x128xf32, #tpu.memory_space<vmem>>, vector<16xf32>,
          %mul3A_838 = vector.broadcast %squeeze3A_778 : f32 to vector<16xf32>
          %mul3A_839 = arith.mulf %get3A_837, %mul3A_838 : vector<16xf32>
          %swap3A_840 = arith.index_cast %add3A_776 : i32 to index
          %swap3A_841 = arith.constant 112 : index
          %swap3A_842 = tpu.vector_load %arg12[%swap3A_840, %swap3A_841] {strides = array<i32>} : memref<80x128xf32, #tpu.memory_space<vmem>>, vector<16xf32>,
          tpu.vector_store %arg12[%swap3A_840, %swap3A_841], %mul3A_839 {strides = array<i32>} : memref<80x128xf32, #tpu.memory_space<vmem>>, vector<16xf32>,
          %mul3A_843 = arith.constant 16 : i32
          %mul3A_844 = arith.muli %scan3A_204, %mul3A_843 : i32
          %add3A_845 = arith.constant 9 : i32
          %add3A_846 = arith.addi %mul3A_844, %add3A_845 : i32
          %slice3A_847 = vector.extract_strided_slice %exp3A {offsets = [9], sizes = [1], strides = [1]} : vector<16xf32> to vector<1xf32>
          %squeeze3A_848 = vector.extract %slice3A_847[0] : f32 from vector<1xf32>
          %get3A_849 = arith.index_cast %add3A_846 : i32 to index
          %get3A_850 = arith.constant 0 : index
          %get3A_851 = tpu.vector_load %arg12[%get3A_849, %get3A_850] {strides = array<i32>} : memref<80x128xf32, #tpu.memory_space<vmem>>, vector<16xf32>,
          %mul3A_852 = vector.broadcast %squeeze3A_848 : f32 to vector<16xf32>
          %mul3A_853 = arith.mulf %get3A_851, %mul3A_852 : vector<16xf32>
          %swap3A_854 = arith.index_cast %add3A_846 : i32 to index
          %swap3A_855 = arith.constant 0 : index
          %swap3A_856 = tpu.vector_load %arg12[%swap3A_854, %swap3A_855] {strides = array<i32>} : memref<80x128xf32, #tpu.memory_space<vmem>>, vector<16xf32>,
          tpu.vector_store %arg12[%swap3A_854, %swap3A_855], %mul3A_853 {strides = array<i32>} : memref<80x128xf32, #tpu.memory_space<vmem>>, vector<16xf32>,
          %get3A_857 = arith.index_cast %add3A_846 : i32 to index
          %get3A_858 = arith.constant 16 : index
          %get3A_859 = tpu.vector_load %arg12[%get3A_857, %get3A_858] {strides = array<i32>} : memref<80x128xf32, #tpu.memory_space<vmem>>, vector<16xf32>,
          %mul3A_860 = vector.broadcast %squeeze3A_848 : f32 to vector<16xf32>
          %mul3A_861 = arith.mulf %get3A_859, %mul3A_860 : vector<16xf32>
          %swap3A_862 = arith.index_cast %add3A_846 : i32 to index
          %swap3A_863 = arith.constant 16 : index
          %swap3A_864 = tpu.vector_load %arg12[%swap3A_862, %swap3A_863] {strides = array<i32>} : memref<80x128xf32, #tpu.memory_space<vmem>>, vector<16xf32>,
          tpu.vector_store %arg12[%swap3A_862, %swap3A_863], %mul3A_861 {strides = array<i32>} : memref<80x128xf32, #tpu.memory_space<vmem>>, vector<16xf32>,
          %get3A_865 = arith.index_cast %add3A_846 : i32 to index
          %get3A_866 = arith.constant 32 : index
          %get3A_867 = tpu.vector_load %arg12[%get3A_865, %get3A_866] {strides = array<i32>} : memref<80x128xf32, #tpu.memory_space<vmem>>, vector<16xf32>,
          %mul3A_868 = vector.broadcast %squeeze3A_848 : f32 to vector<16xf32>
          %mul3A_869 = arith.mulf %get3A_867, %mul3A_868 : vector<16xf32>
          %swap3A_870 = arith.index_cast %add3A_846 : i32 to index
          %swap3A_871 = arith.constant 32 : index
          %swap3A_872 = tpu.vector_load %arg12[%swap3A_870, %swap3A_871] {strides = array<i32>} : memref<80x128xf32, #tpu.memory_space<vmem>>, vector<16xf32>,
          tpu.vector_store %arg12[%swap3A_870, %swap3A_871], %mul3A_869 {strides = array<i32>} : memref<80x128xf32, #tpu.memory_space<vmem>>, vector<16xf32>,
          %get3A_873 = arith.index_cast %add3A_846 : i32 to index
          %get3A_874 = arith.constant 48 : index
          %get3A_875 = tpu.vector_load %arg12[%get3A_873, %get3A_874] {strides = array<i32>} : memref<80x128xf32, #tpu.memory_space<vmem>>, vector<16xf32>,
          %mul3A_876 = vector.broadcast %squeeze3A_848 : f32 to vector<16xf32>
          %mul3A_877 = arith.mulf %get3A_875, %mul3A_876 : vector<16xf32>
          %swap3A_878 = arith.index_cast %add3A_846 : i32 to index
          %swap3A_879 = arith.constant 48 : index
          %swap3A_880 = tpu.vector_load %arg12[%swap3A_878, %swap3A_879] {strides = array<i32>} : memref<80x128xf32, #tpu.memory_space<vmem>>, vector<16xf32>,
          tpu.vector_store %arg12[%swap3A_878, %swap3A_879], %mul3A_877 {strides = array<i32>} : memref<80x128xf32, #tpu.memory_space<vmem>>, vector<16xf32>,
          %get3A_881 = arith.index_cast %add3A_846 : i32 to index
          %get3A_882 = arith.constant 64 : index
          %get3A_883 = tpu.vector_load %arg12[%get3A_881, %get3A_882] {strides = array<i32>} : memref<80x128xf32, #tpu.memory_space<vmem>>, vector<16xf32>,
          %mul3A_884 = vector.broadcast %squeeze3A_848 : f32 to vector<16xf32>
          %mul3A_885 = arith.mulf %get3A_883, %mul3A_884 : vector<16xf32>
          %swap3A_886 = arith.index_cast %add3A_846 : i32 to index
          %swap3A_887 = arith.constant 64 : index
          %swap3A_888 = tpu.vector_load %arg12[%swap3A_886, %swap3A_887] {strides = array<i32>} : memref<80x128xf32, #tpu.memory_space<vmem>>, vector<16xf32>,
          tpu.vector_store %arg12[%swap3A_886, %swap3A_887], %mul3A_885 {strides = array<i32>} : memref<80x128xf32, #tpu.memory_space<vmem>>, vector<16xf32>,
          %get3A_889 = arith.index_cast %add3A_846 : i32 to index
          %get3A_890 = arith.constant 80 : index
          %get3A_891 = tpu.vector_load %arg12[%get3A_889, %get3A_890] {strides = array<i32>} : memref<80x128xf32, #tpu.memory_space<vmem>>, vector<16xf32>,
          %mul3A_892 = vector.broadcast %squeeze3A_848 : f32 to vector<16xf32>
          %mul3A_893 = arith.mulf %get3A_891, %mul3A_892 : vector<16xf32>
          %swap3A_894 = arith.index_cast %add3A_846 : i32 to index
          %swap3A_895 = arith.constant 80 : index
          %swap3A_896 = tpu.vector_load %arg12[%swap3A_894, %swap3A_895] {strides = array<i32>} : memref<80x128xf32, #tpu.memory_space<vmem>>, vector<16xf32>,
          tpu.vector_store %arg12[%swap3A_894, %swap3A_895], %mul3A_893 {strides = array<i32>} : memref<80x128xf32, #tpu.memory_space<vmem>>, vector<16xf32>,
          %get3A_897 = arith.index_cast %add3A_846 : i32 to index
          %get3A_898 = arith.constant 96 : index
          %get3A_899 = tpu.vector_load %arg12[%get3A_897, %get3A_898] {strides = array<i32>} : memref<80x128xf32, #tpu.memory_space<vmem>>, vector<16xf32>,
          %mul3A_900 = vector.broadcast %squeeze3A_848 : f32 to vector<16xf32>
          %mul3A_901 = arith.mulf %get3A_899, %mul3A_900 : vector<16xf32>
          %swap3A_902 = arith.index_cast %add3A_846 : i32 to index
          %swap3A_903 = arith.constant 96 : index
          %swap3A_904 = tpu.vector_load %arg12[%swap3A_902, %swap3A_903] {strides = array<i32>} : memref<80x128xf32, #tpu.memory_space<vmem>>, vector<16xf32>,
          tpu.vector_store %arg12[%swap3A_902, %swap3A_903], %mul3A_901 {strides = array<i32>} : memref<80x128xf32, #tpu.memory_space<vmem>>, vector<16xf32>,
          %get3A_905 = arith.index_cast %add3A_846 : i32 to index
          %get3A_906 = arith.constant 112 : index
          %get3A_907 = tpu.vector_load %arg12[%get3A_905, %get3A_906] {strides = array<i32>} : memref<80x128xf32, #tpu.memory_space<vmem>>, vector<16xf32>,
          %mul3A_908 = vector.broadcast %squeeze3A_848 : f32 to vector<16xf32>
          %mul3A_909 = arith.mulf %get3A_907, %mul3A_908 : vector<16xf32>
          %swap3A_910 = arith.index_cast %add3A_846 : i32 to index
          %swap3A_911 = arith.constant 112 : index
          %swap3A_912 = tpu.vector_load %arg12[%swap3A_910, %swap3A_911] {strides = array<i32>} : memref<80x128xf32, #tpu.memory_space<vmem>>, vector<16xf32>,
          tpu.vector_store %arg12[%swap3A_910, %swap3A_911], %mul3A_909 {strides = array<i32>} : memref<80x128xf32, #tpu.memory_space<vmem>>, vector<16xf32>,
          %mul3A_913 = arith.constant 16 : i32
          %mul3A_914 = arith.muli %scan3A_204, %mul3A_913 : i32
          %add3A_915 = arith.constant 10 : i32
          %add3A_916 = arith.addi %mul3A_914, %add3A_915 : i32
          %slice3A_917 = vector.extract_strided_slice %exp3A {offsets = [10], sizes = [1], strides = [1]} : vector<16xf32> to vector<1xf32>
          %squeeze3A_918 = vector.extract %slice3A_917[0] : f32 from vector<1xf32>
          %get3A_919 = arith.index_cast %add3A_916 : i32 to index
          %get3A_920 = arith.constant 0 : index
          %get3A_921 = tpu.vector_load %arg12[%get3A_919, %get3A_920] {strides = array<i32>} : memref<80x128xf32, #tpu.memory_space<vmem>>, vector<16xf32>,
          %mul3A_922 = vector.broadcast %squeeze3A_918 : f32 to vector<16xf32>
          %mul3A_923 = arith.mulf %get3A_921, %mul3A_922 : vector<16xf32>
          %swap3A_924 = arith.index_cast %add3A_916 : i32 to index
          %swap3A_925 = arith.constant 0 : index
          %swap3A_926 = tpu.vector_load %arg12[%swap3A_924, %swap3A_925] {strides = array<i32>} : memref<80x128xf32, #tpu.memory_space<vmem>>, vector<16xf32>,
          tpu.vector_store %arg12[%swap3A_924, %swap3A_925], %mul3A_923 {strides = array<i32>} : memref<80x128xf32, #tpu.memory_space<vmem>>, vector<16xf32>,
          %get3A_927 = arith.index_cast %add3A_916 : i32 to index
          %get3A_928 = arith.constant 16 : index
          %get3A_929 = tpu.vector_load %arg12[%get3A_927, %get3A_928] {strides = array<i32>} : memref<80x128xf32, #tpu.memory_space<vmem>>, vector<16xf32>,
          %mul3A_930 = vector.broadcast %squeeze3A_918 : f32 to vector<16xf32>
          %mul3A_931 = arith.mulf %get3A_929, %mul3A_930 : vector<16xf32>
          %swap3A_932 = arith.index_cast %add3A_916 : i32 to index
          %swap3A_933 = arith.constant 16 : index
          %swap3A_934 = tpu.vector_load %arg12[%swap3A_932, %swap3A_933] {strides = array<i32>} : memref<80x128xf32, #tpu.memory_space<vmem>>, vector<16xf32>,
          tpu.vector_store %arg12[%swap3A_932, %swap3A_933], %mul3A_931 {strides = array<i32>} : memref<80x128xf32, #tpu.memory_space<vmem>>, vector<16xf32>,
          %get3A_935 = arith.index_cast %add3A_916 : i32 to index
          %get3A_936 = arith.constant 32 : index
          %get3A_937 = tpu.vector_load %arg12[%get3A_935, %get3A_936] {strides = array<i32>} : memref<80x128xf32, #tpu.memory_space<vmem>>, vector<16xf32>,
          %mul3A_938 = vector.broadcast %squeeze3A_918 : f32 to vector<16xf32>
          %mul3A_939 = arith.mulf %get3A_937, %mul3A_938 : vector<16xf32>
          %swap3A_940 = arith.index_cast %add3A_916 : i32 to index
          %swap3A_941 = arith.constant 32 : index
          %swap3A_942 = tpu.vector_load %arg12[%swap3A_940, %swap3A_941] {strides = array<i32>} : memref<80x128xf32, #tpu.memory_space<vmem>>, vector<16xf32>,
          tpu.vector_store %arg12[%swap3A_940, %swap3A_941], %mul3A_939 {strides = array<i32>} : memref<80x128xf32, #tpu.memory_space<vmem>>, vector<16xf32>,
          %get3A_943 = arith.index_cast %add3A_916 : i32 to index
          %get3A_944 = arith.constant 48 : index
          %get3A_945 = tpu.vector_load %arg12[%get3A_943, %get3A_944] {strides = array<i32>} : memref<80x128xf32, #tpu.memory_space<vmem>>, vector<16xf32>,
          %mul3A_946 = vector.broadcast %squeeze3A_918 : f32 to vector<16xf32>
          %mul3A_947 = arith.mulf %get3A_945, %mul3A_946 : vector<16xf32>
          %swap3A_948 = arith.index_cast %add3A_916 : i32 to index
          %swap3A_949 = arith.constant 48 : index
          %swap3A_950 = tpu.vector_load %arg12[%swap3A_948, %swap3A_949] {strides = array<i32>} : memref<80x128xf32, #tpu.memory_space<vmem>>, vector<16xf32>,
          tpu.vector_store %arg12[%swap3A_948, %swap3A_949], %mul3A_947 {strides = array<i32>} : memref<80x128xf32, #tpu.memory_space<vmem>>, vector<16xf32>,
          %get3A_951 = arith.index_cast %add3A_916 : i32 to index
          %get3A_952 = arith.constant 64 : index
          %get3A_953 = tpu.vector_load %arg12[%get3A_951, %get3A_952] {strides = array<i32>} : memref<80x128xf32, #tpu.memory_space<vmem>>, vector<16xf32>,
          %mul3A_954 = vector.broadcast %squeeze3A_918 : f32 to vector<16xf32>
          %mul3A_955 = arith.mulf %get3A_953, %mul3A_954 : vector<16xf32>
          %swap3A_956 = arith.index_cast %add3A_916 : i32 to index
          %swap3A_957 = arith.constant 64 : index
          %swap3A_958 = tpu.vector_load %arg12[%swap3A_956, %swap3A_957] {strides = array<i32>} : memref<80x128xf32, #tpu.memory_space<vmem>>, vector<16xf32>,
          tpu.vector_store %arg12[%swap3A_956, %swap3A_957], %mul3A_955 {strides = array<i32>} : memref<80x128xf32, #tpu.memory_space<vmem>>, vector<16xf32>,
          %get3A_959 = arith.index_cast %add3A_916 : i32 to index
          %get3A_960 = arith.constant 80 : index
          %get3A_961 = tpu.vector_load %arg12[%get3A_959, %get3A_960] {strides = array<i32>} : memref<80x128xf32, #tpu.memory_space<vmem>>, vector<16xf32>,
          %mul3A_962 = vector.broadcast %squeeze3A_918 : f32 to vector<16xf32>
          %mul3A_963 = arith.mulf %get3A_961, %mul3A_962 : vector<16xf32>
          %swap3A_964 = arith.index_cast %add3A_916 : i32 to index
          %swap3A_965 = arith.constant 80 : index
          %swap3A_966 = tpu.vector_load %arg12[%swap3A_964, %swap3A_965] {strides = array<i32>} : memref<80x128xf32, #tpu.memory_space<vmem>>, vector<16xf32>,
          tpu.vector_store %arg12[%swap3A_964, %swap3A_965], %mul3A_963 {strides = array<i32>} : memref<80x128xf32, #tpu.memory_space<vmem>>, vector<16xf32>,
          %get3A_967 = arith.index_cast %add3A_916 : i32 to index
          %get3A_968 = arith.constant 96 : index
          %get3A_969 = tpu.vector_load %arg12[%get3A_967, %get3A_968] {strides = array<i32>} : memref<80x128xf32, #tpu.memory_space<vmem>>, vector<16xf32>,
          %mul3A_970 = vector.broadcast %squeeze3A_918 : f32 to vector<16xf32>
          %mul3A_971 = arith.mulf %get3A_969, %mul3A_970 : vector<16xf32>
          %swap3A_972 = arith.index_cast %add3A_916 : i32 to index
          %swap3A_973 = arith.constant 96 : index
          %swap3A_974 = tpu.vector_load %arg12[%swap3A_972, %swap3A_973] {strides = array<i32>} : memref<80x128xf32, #tpu.memory_space<vmem>>, vector<16xf32>,
          tpu.vector_store %arg12[%swap3A_972, %swap3A_973], %mul3A_971 {strides = array<i32>} : memref<80x128xf32, #tpu.memory_space<vmem>>, vector<16xf32>,
          %get3A_975 = arith.index_cast %add3A_916 : i32 to index
          %get3A_976 = arith.constant 112 : index
          %get3A_977 = tpu.vector_load %arg12[%get3A_975, %get3A_976] {strides = array<i32>} : memref<80x128xf32, #tpu.memory_space<vmem>>, vector<16xf32>,
          %mul3A_978 = vector.broadcast %squeeze3A_918 : f32 to vector<16xf32>
          %mul3A_979 = arith.mulf %get3A_977, %mul3A_978 : vector<16xf32>
          %swap3A_980 = arith.index_cast %add3A_916 : i32 to index
          %swap3A_981 = arith.constant 112 : index
          %swap3A_982 = tpu.vector_load %arg12[%swap3A_980, %swap3A_981] {strides = array<i32>} : memref<80x128xf32, #tpu.memory_space<vmem>>, vector<16xf32>,
          tpu.vector_store %arg12[%swap3A_980, %swap3A_981], %mul3A_979 {strides = array<i32>} : memref<80x128xf32, #tpu.memory_space<vmem>>, vector<16xf32>,
          %mul3A_983 = arith.constant 16 : i32
          %mul3A_984 = arith.muli %scan3A_204, %mul3A_983 : i32
          %add3A_985 = arith.constant 11 : i32
          %add3A_986 = arith.addi %mul3A_984, %add3A_985 : i32
          %slice3A_987 = vector.extract_strided_slice %exp3A {offsets = [11], sizes = [1], strides = [1]} : vector<16xf32> to vector<1xf32>
          %squeeze3A_988 = vector.extract %slice3A_987[0] : f32 from vector<1xf32>
          %get3A_989 = arith.index_cast %add3A_986 : i32 to index
          %get3A_990 = arith.constant 0 : index
          %get3A_991 = tpu.vector_load %arg12[%get3A_989, %get3A_990] {strides = array<i32>} : memref<80x128xf32, #tpu.memory_space<vmem>>, vector<16xf32>,
          %mul3A_992 = vector.broadcast %squeeze3A_988 : f32 to vector<16xf32>
          %mul3A_993 = arith.mulf %get3A_991, %mul3A_992 : vector<16xf32>
          %swap3A_994 = arith.index_cast %add3A_986 : i32 to index
          %swap3A_995 = arith.constant 0 : index
          %swap3A_996 = tpu.vector_load %arg12[%swap3A_994, %swap3A_995] {strides = array<i32>} : memref<80x128xf32, #tpu.memory_space<vmem>>, vector<16xf32>,
          tpu.vector_store %arg12[%swap3A_994, %swap3A_995], %mul3A_993 {strides = array<i32>} : memref<80x128xf32, #tpu.memory_space<vmem>>, vector<16xf32>,
          %get3A_997 = arith.index_cast %add3A_986 : i32 to index
          %get3A_998 = arith.constant 16 : index
          %get3A_999 = tpu.vector_load %arg12[%get3A_997, %get3A_998] {strides = array<i32>} : memref<80x128xf32, #tpu.memory_space<vmem>>, vector<16xf32>,
          %mul3A_1000 = vector.broadcast %squeeze3A_988 : f32 to vector<16xf32>
          %mul3A_1001 = arith.mulf %get3A_999, %mul3A_1000 : vector<16xf32>
          %swap3A_1002 = arith.index_cast %add3A_986 : i32 to index
          %swap3A_1003 = arith.constant 16 : index
          %swap3A_1004 = tpu.vector_load %arg12[%swap3A_1002, %swap3A_1003] {strides = array<i32>} : memref<80x128xf32, #tpu.memory_space<vmem>>, vector<16xf32>,
          tpu.vector_store %arg12[%swap3A_1002, %swap3A_1003], %mul3A_1001 {strides = array<i32>} : memref<80x128xf32, #tpu.memory_space<vmem>>, vector<16xf32>,
          %get3A_1005 = arith.index_cast %add3A_986 : i32 to index
          %get3A_1006 = arith.constant 32 : index
          %get3A_1007 = tpu.vector_load %arg12[%get3A_1005, %get3A_1006] {strides = array<i32>} : memref<80x128xf32, #tpu.memory_space<vmem>>, vector<16xf32>,
          %mul3A_1008 = vector.broadcast %squeeze3A_988 : f32 to vector<16xf32>
          %mul3A_1009 = arith.mulf %get3A_1007, %mul3A_1008 : vector<16xf32>
          %swap3A_1010 = arith.index_cast %add3A_986 : i32 to index
          %swap3A_1011 = arith.constant 32 : index
          %swap3A_1012 = tpu.vector_load %arg12[%swap3A_1010, %swap3A_1011] {strides = array<i32>} : memref<80x128xf32, #tpu.memory_space<vmem>>, vector<16xf32>,
          tpu.vector_store %arg12[%swap3A_1010, %swap3A_1011], %mul3A_1009 {strides = array<i32>} : memref<80x128xf32, #tpu.memory_space<vmem>>, vector<16xf32>,
          %get3A_1013 = arith.index_cast %add3A_986 : i32 to index
          %get3A_1014 = arith.constant 48 : index
          %get3A_1015 = tpu.vector_load %arg12[%get3A_1013, %get3A_1014] {strides = array<i32>} : memref<80x128xf32, #tpu.memory_space<vmem>>, vector<16xf32>,
          %mul3A_1016 = vector.broadcast %squeeze3A_988 : f32 to vector<16xf32>
          %mul3A_1017 = arith.mulf %get3A_1015, %mul3A_1016 : vector<16xf32>
          %swap3A_1018 = arith.index_cast %add3A_986 : i32 to index
          %swap3A_1019 = arith.constant 48 : index
          %swap3A_1020 = tpu.vector_load %arg12[%swap3A_1018, %swap3A_1019] {strides = array<i32>} : memref<80x128xf32, #tpu.memory_space<vmem>>, vector<16xf32>,
          tpu.vector_store %arg12[%swap3A_1018, %swap3A_1019], %mul3A_1017 {strides = array<i32>} : memref<80x128xf32, #tpu.memory_space<vmem>>, vector<16xf32>,
          %get3A_1021 = arith.index_cast %add3A_986 : i32 to index
          %get3A_1022 = arith.constant 64 : index
          %get3A_1023 = tpu.vector_load %arg12[%get3A_1021, %get3A_1022] {strides = array<i32>} : memref<80x128xf32, #tpu.memory_space<vmem>>, vector<16xf32>,
          %mul3A_1024 = vector.broadcast %squeeze3A_988 : f32 to vector<16xf32>
          %mul3A_1025 = arith.mulf %get3A_1023, %mul3A_1024 : vector<16xf32>
          %swap3A_1026 = arith.index_cast %add3A_986 : i32 to index
          %swap3A_1027 = arith.constant 64 : index
          %swap3A_1028 = tpu.vector_load %arg12[%swap3A_1026, %swap3A_1027] {strides = array<i32>} : memref<80x128xf32, #tpu.memory_space<vmem>>, vector<16xf32>,
          tpu.vector_store %arg12[%swap3A_1026, %swap3A_1027], %mul3A_1025 {strides = array<i32>} : memref<80x128xf32, #tpu.memory_space<vmem>>, vector<16xf32>,
          %get3A_1029 = arith.index_cast %add3A_986 : i32 to index
          %get3A_1030 = arith.constant 80 : index
          %get3A_1031 = tpu.vector_load %arg12[%get3A_1029, %get3A_1030] {strides = array<i32>} : memref<80x128xf32, #tpu.memory_space<vmem>>, vector<16xf32>,
          %mul3A_1032 = vector.broadcast %squeeze3A_988 : f32 to vector<16xf32>
          %mul3A_1033 = arith.mulf %get3A_1031, %mul3A_1032 : vector<16xf32>
          %swap3A_1034 = arith.index_cast %add3A_986 : i32 to index
          %swap3A_1035 = arith.constant 80 : index
          %swap3A_1036 = tpu.vector_load %arg12[%swap3A_1034, %swap3A_1035] {strides = array<i32>} : memref<80x128xf32, #tpu.memory_space<vmem>>, vector<16xf32>,
          tpu.vector_store %arg12[%swap3A_1034, %swap3A_1035], %mul3A_1033 {strides = array<i32>} : memref<80x128xf32, #tpu.memory_space<vmem>>, vector<16xf32>,
          %get3A_1037 = arith.index_cast %add3A_986 : i32 to index
          %get3A_1038 = arith.constant 96 : index
          %get3A_1039 = tpu.vector_load %arg12[%get3A_1037, %get3A_1038] {strides = array<i32>} : memref<80x128xf32, #tpu.memory_space<vmem>>, vector<16xf32>,
          %mul3A_1040 = vector.broadcast %squeeze3A_988 : f32 to vector<16xf32>
          %mul3A_1041 = arith.mulf %get3A_1039, %mul3A_1040 : vector<16xf32>
          %swap3A_1042 = arith.index_cast %add3A_986 : i32 to index
          %swap3A_1043 = arith.constant 96 : index
          %swap3A_1044 = tpu.vector_load %arg12[%swap3A_1042, %swap3A_1043] {strides = array<i32>} : memref<80x128xf32, #tpu.memory_space<vmem>>, vector<16xf32>,
          tpu.vector_store %arg12[%swap3A_1042, %swap3A_1043], %mul3A_1041 {strides = array<i32>} : memref<80x128xf32, #tpu.memory_space<vmem>>, vector<16xf32>,
          %get3A_1045 = arith.index_cast %add3A_986 : i32 to index
          %get3A_1046 = arith.constant 112 : index
          %get3A_1047 = tpu.vector_load %arg12[%get3A_1045, %get3A_1046] {strides = array<i32>} : memref<80x128xf32, #tpu.memory_space<vmem>>, vector<16xf32>,
          %mul3A_1048 = vector.broadcast %squeeze3A_988 : f32 to vector<16xf32>
          %mul3A_1049 = arith.mulf %get3A_1047, %mul3A_1048 : vector<16xf32>
          %swap3A_1050 = arith.index_cast %add3A_986 : i32 to index
          %swap3A_1051 = arith.constant 112 : index
          %swap3A_1052 = tpu.vector_load %arg12[%swap3A_1050, %swap3A_1051] {strides = array<i32>} : memref<80x128xf32, #tpu.memory_space<vmem>>, vector<16xf32>,
          tpu.vector_store %arg12[%swap3A_1050, %swap3A_1051], %mul3A_1049 {strides = array<i32>} : memref<80x128xf32, #tpu.memory_space<vmem>>, vector<16xf32>,
          %mul3A_1053 = arith.constant 16 : i32
          %mul3A_1054 = arith.muli %scan3A_204, %mul3A_1053 : i32
          %add3A_1055 = arith.constant 12 : i32
          %add3A_1056 = arith.addi %mul3A_1054, %add3A_1055 : i32
          %slice3A_1057 = vector.extract_strided_slice %exp3A {offsets = [12], sizes = [1], strides = [1]} : vector<16xf32> to vector<1xf32>
          %squeeze3A_1058 = vector.extract %slice3A_1057[0] : f32 from vector<1xf32>
          %get3A_1059 = arith.index_cast %add3A_1056 : i32 to index
          %get3A_1060 = arith.constant 0 : index
          %get3A_1061 = tpu.vector_load %arg12[%get3A_1059, %get3A_1060] {strides = array<i32>} : memref<80x128xf32, #tpu.memory_space<vmem>>, vector<16xf32>,
          %mul3A_1062 = vector.broadcast %squeeze3A_1058 : f32 to vector<16xf32>
          %mul3A_1063 = arith.mulf %get3A_1061, %mul3A_1062 : vector<16xf32>
          %swap3A_1064 = arith.index_cast %add3A_1056 : i32 to index
          %swap3A_1065 = arith.constant 0 : index
          %swap3A_1066 = tpu.vector_load %arg12[%swap3A_1064, %swap3A_1065] {strides = array<i32>} : memref<80x128xf32, #tpu.memory_space<vmem>>, vector<16xf32>,
          tpu.vector_store %arg12[%swap3A_1064, %swap3A_1065], %mul3A_1063 {strides = array<i32>} : memref<80x128xf32, #tpu.memory_space<vmem>>, vector<16xf32>,
          %get3A_1067 = arith.index_cast %add3A_1056 : i32 to index
          %get3A_1068 = arith.constant 16 : index
          %get3A_1069 = tpu.vector_load %arg12[%get3A_1067, %get3A_1068] {strides = array<i32>} : memref<80x128xf32, #tpu.memory_space<vmem>>, vector<16xf32>,
          %mul3A_1070 = vector.broadcast %squeeze3A_1058 : f32 to vector<16xf32>
          %mul3A_1071 = arith.mulf %get3A_1069, %mul3A_1070 : vector<16xf32>
          %swap3A_1072 = arith.index_cast %add3A_1056 : i32 to index
          %swap3A_1073 = arith.constant 16 : index
          %swap3A_1074 = tpu.vector_load %arg12[%swap3A_1072, %swap3A_1073] {strides = array<i32>} : memref<80x128xf32, #tpu.memory_space<vmem>>, vector<16xf32>,
          tpu.vector_store %arg12[%swap3A_1072, %swap3A_1073], %mul3A_1071 {strides = array<i32>} : memref<80x128xf32, #tpu.memory_space<vmem>>, vector<16xf32>,
          %get3A_1075 = arith.index_cast %add3A_1056 : i32 to index
          %get3A_1076 = arith.constant 32 : index
          %get3A_1077 = tpu.vector_load %arg12[%get3A_1075, %get3A_1076] {strides = array<i32>} : memref<80x128xf32, #tpu.memory_space<vmem>>, vector<16xf32>,
          %mul3A_1078 = vector.broadcast %squeeze3A_1058 : f32 to vector<16xf32>
          %mul3A_1079 = arith.mulf %get3A_1077, %mul3A_1078 : vector<16xf32>
          %swap3A_1080 = arith.index_cast %add3A_1056 : i32 to index
          %swap3A_1081 = arith.constant 32 : index
          %swap3A_1082 = tpu.vector_load %arg12[%swap3A_1080, %swap3A_1081] {strides = array<i32>} : memref<80x128xf32, #tpu.memory_space<vmem>>, vector<16xf32>,
          tpu.vector_store %arg12[%swap3A_1080, %swap3A_1081], %mul3A_1079 {strides = array<i32>} : memref<80x128xf32, #tpu.memory_space<vmem>>, vector<16xf32>,
          %get3A_1083 = arith.index_cast %add3A_1056 : i32 to index
          %get3A_1084 = arith.constant 48 : index
          %get3A_1085 = tpu.vector_load %arg12[%get3A_1083, %get3A_1084] {strides = array<i32>} : memref<80x128xf32, #tpu.memory_space<vmem>>, vector<16xf32>,
          %mul3A_1086 = vector.broadcast %squeeze3A_1058 : f32 to vector<16xf32>
          %mul3A_1087 = arith.mulf %get3A_1085, %mul3A_1086 : vector<16xf32>
          %swap3A_1088 = arith.index_cast %add3A_1056 : i32 to index
          %swap3A_1089 = arith.constant 48 : index
          %swap3A_1090 = tpu.vector_load %arg12[%swap3A_1088, %swap3A_1089] {strides = array<i32>} : memref<80x128xf32, #tpu.memory_space<vmem>>, vector<16xf32>,
          tpu.vector_store %arg12[%swap3A_1088, %swap3A_1089], %mul3A_1087 {strides = array<i32>} : memref<80x128xf32, #tpu.memory_space<vmem>>, vector<16xf32>,
          %get3A_1091 = arith.index_cast %add3A_1056 : i32 to index
          %get3A_1092 = arith.constant 64 : index
          %get3A_1093 = tpu.vector_load %arg12[%get3A_1091, %get3A_1092] {strides = array<i32>} : memref<80x128xf32, #tpu.memory_space<vmem>>, vector<16xf32>,
          %mul3A_1094 = vector.broadcast %squeeze3A_1058 : f32 to vector<16xf32>
          %mul3A_1095 = arith.mulf %get3A_1093, %mul3A_1094 : vector<16xf32>
          %swap3A_1096 = arith.index_cast %add3A_1056 : i32 to index
          %swap3A_1097 = arith.constant 64 : index
          %swap3A_1098 = tpu.vector_load %arg12[%swap3A_1096, %swap3A_1097] {strides = array<i32>} : memref<80x128xf32, #tpu.memory_space<vmem>>, vector<16xf32>,
          tpu.vector_store %arg12[%swap3A_1096, %swap3A_1097], %mul3A_1095 {strides = array<i32>} : memref<80x128xf32, #tpu.memory_space<vmem>>, vector<16xf32>,
          %get3A_1099 = arith.index_cast %add3A_1056 : i32 to index
          %get3A_1100 = arith.constant 80 : index
          %get3A_1101 = tpu.vector_load %arg12[%get3A_1099, %get3A_1100] {strides = array<i32>} : memref<80x128xf32, #tpu.memory_space<vmem>>, vector<16xf32>,
          %mul3A_1102 = vector.broadcast %squeeze3A_1058 : f32 to vector<16xf32>
          %mul3A_1103 = arith.mulf %get3A_1101, %mul3A_1102 : vector<16xf32>
          %swap3A_1104 = arith.index_cast %add3A_1056 : i32 to index
          %swap3A_1105 = arith.constant 80 : index
          %swap3A_1106 = tpu.vector_load %arg12[%swap3A_1104, %swap3A_1105] {strides = array<i32>} : memref<80x128xf32, #tpu.memory_space<vmem>>, vector<16xf32>,
          tpu.vector_store %arg12[%swap3A_1104, %swap3A_1105], %mul3A_1103 {strides = array<i32>} : memref<80x128xf32, #tpu.memory_space<vmem>>, vector<16xf32>,
          %get3A_1107 = arith.index_cast %add3A_1056 : i32 to index
          %get3A_1108 = arith.constant 96 : index
          %get3A_1109 = tpu.vector_load %arg12[%get3A_1107, %get3A_1108] {strides = array<i32>} : memref<80x128xf32, #tpu.memory_space<vmem>>, vector<16xf32>,
          %mul3A_1110 = vector.broadcast %squeeze3A_1058 : f32 to vector<16xf32>
          %mul3A_1111 = arith.mulf %get3A_1109, %mul3A_1110 : vector<16xf32>
          %swap3A_1112 = arith.index_cast %add3A_1056 : i32 to index
          %swap3A_1113 = arith.constant 96 : index
          %swap3A_1114 = tpu.vector_load %arg12[%swap3A_1112, %swap3A_1113] {strides = array<i32>} : memref<80x128xf32, #tpu.memory_space<vmem>>, vector<16xf32>,
          tpu.vector_store %arg12[%swap3A_1112, %swap3A_1113], %mul3A_1111 {strides = array<i32>} : memref<80x128xf32, #tpu.memory_space<vmem>>, vector<16xf32>,
          %get3A_1115 = arith.index_cast %add3A_1056 : i32 to index
          %get3A_1116 = arith.constant 112 : index
          %get3A_1117 = tpu.vector_load %arg12[%get3A_1115, %get3A_1116] {strides = array<i32>} : memref<80x128xf32, #tpu.memory_space<vmem>>, vector<16xf32>,
          %mul3A_1118 = vector.broadcast %squeeze3A_1058 : f32 to vector<16xf32>
          %mul3A_1119 = arith.mulf %get3A_1117, %mul3A_1118 : vector<16xf32>
          %swap3A_1120 = arith.index_cast %add3A_1056 : i32 to index
          %swap3A_1121 = arith.constant 112 : index
          %swap3A_1122 = tpu.vector_load %arg12[%swap3A_1120, %swap3A_1121] {strides = array<i32>} : memref<80x128xf32, #tpu.memory_space<vmem>>, vector<16xf32>,
          tpu.vector_store %arg12[%swap3A_1120, %swap3A_1121], %mul3A_1119 {strides = array<i32>} : memref<80x128xf32, #tpu.memory_space<vmem>>, vector<16xf32>,
          %mul3A_1123 = arith.constant 16 : i32
          %mul3A_1124 = arith.muli %scan3A_204, %mul3A_1123 : i32
          %add3A_1125 = arith.constant 13 : i32
          %add3A_1126 = arith.addi %mul3A_1124, %add3A_1125 : i32
          %slice3A_1127 = vector.extract_strided_slice %exp3A {offsets = [13], sizes = [1], strides = [1]} : vector<16xf32> to vector<1xf32>
          %squeeze3A_1128 = vector.extract %slice3A_1127[0] : f32 from vector<1xf32>
          %get3A_1129 = arith.index_cast %add3A_1126 : i32 to index
          %get3A_1130 = arith.constant 0 : index
          %get3A_1131 = tpu.vector_load %arg12[%get3A_1129, %get3A_1130] {strides = array<i32>} : memref<80x128xf32, #tpu.memory_space<vmem>>, vector<16xf32>,
          %mul3A_1132 = vector.broadcast %squeeze3A_1128 : f32 to vector<16xf32>
          %mul3A_1133 = arith.mulf %get3A_1131, %mul3A_1132 : vector<16xf32>
          %swap3A_1134 = arith.index_cast %add3A_1126 : i32 to index
          %swap3A_1135 = arith.constant 0 : index
          %swap3A_1136 = tpu.vector_load %arg12[%swap3A_1134, %swap3A_1135] {strides = array<i32>} : memref<80x128xf32, #tpu.memory_space<vmem>>, vector<16xf32>,
          tpu.vector_store %arg12[%swap3A_1134, %swap3A_1135], %mul3A_1133 {strides = array<i32>} : memref<80x128xf32, #tpu.memory_space<vmem>>, vector<16xf32>,
          %get3A_1137 = arith.index_cast %add3A_1126 : i32 to index
          %get3A_1138 = arith.constant 16 : index
          %get3A_1139 = tpu.vector_load %arg12[%get3A_1137, %get3A_1138] {strides = array<i32>} : memref<80x128xf32, #tpu.memory_space<vmem>>, vector<16xf32>,
          %mul3A_1140 = vector.broadcast %squeeze3A_1128 : f32 to vector<16xf32>
          %mul3A_1141 = arith.mulf %get3A_1139, %mul3A_1140 : vector<16xf32>
          %swap3A_1142 = arith.index_cast %add3A_1126 : i32 to index
          %swap3A_1143 = arith.constant 16 : index
          %swap3A_1144 = tpu.vector_load %arg12[%swap3A_1142, %swap3A_1143] {strides = array<i32>} : memref<80x128xf32, #tpu.memory_space<vmem>>, vector<16xf32>,
          tpu.vector_store %arg12[%swap3A_1142, %swap3A_1143], %mul3A_1141 {strides = array<i32>} : memref<80x128xf32, #tpu.memory_space<vmem>>, vector<16xf32>,
          %get3A_1145 = arith.index_cast %add3A_1126 : i32 to index
          %get3A_1146 = arith.constant 32 : index
          %get3A_1147 = tpu.vector_load %arg12[%get3A_1145, %get3A_1146] {strides = array<i32>} : memref<80x128xf32, #tpu.memory_space<vmem>>, vector<16xf32>,
          %mul3A_1148 = vector.broadcast %squeeze3A_1128 : f32 to vector<16xf32>
          %mul3A_1149 = arith.mulf %get3A_1147, %mul3A_1148 : vector<16xf32>
          %swap3A_1150 = arith.index_cast %add3A_1126 : i32 to index
          %swap3A_1151 = arith.constant 32 : index
          %swap3A_1152 = tpu.vector_load %arg12[%swap3A_1150, %swap3A_1151] {strides = array<i32>} : memref<80x128xf32, #tpu.memory_space<vmem>>, vector<16xf32>,
          tpu.vector_store %arg12[%swap3A_1150, %swap3A_1151], %mul3A_1149 {strides = array<i32>} : memref<80x128xf32, #tpu.memory_space<vmem>>, vector<16xf32>,
          %get3A_1153 = arith.index_cast %add3A_1126 : i32 to index
          %get3A_1154 = arith.constant 48 : index
          %get3A_1155 = tpu.vector_load %arg12[%get3A_1153, %get3A_1154] {strides = array<i32>} : memref<80x128xf32, #tpu.memory_space<vmem>>, vector<16xf32>,
          %mul3A_1156 = vector.broadcast %squeeze3A_1128 : f32 to vector<16xf32>
          %mul3A_1157 = arith.mulf %get3A_1155, %mul3A_1156 : vector<16xf32>
          %swap3A_1158 = arith.index_cast %add3A_1126 : i32 to index
          %swap3A_1159 = arith.constant 48 : index
          %swap3A_1160 = tpu.vector_load %arg12[%swap3A_1158, %swap3A_1159] {strides = array<i32>} : memref<80x128xf32, #tpu.memory_space<vmem>>, vector<16xf32>,
          tpu.vector_store %arg12[%swap3A_1158, %swap3A_1159], %mul3A_1157 {strides = array<i32>} : memref<80x128xf32, #tpu.memory_space<vmem>>, vector<16xf32>,
          %get3A_1161 = arith.index_cast %add3A_1126 : i32 to index
          %get3A_1162 = arith.constant 64 : index
          %get3A_1163 = tpu.vector_load %arg12[%get3A_1161, %get3A_1162] {strides = array<i32>} : memref<80x128xf32, #tpu.memory_space<vmem>>, vector<16xf32>,
          %mul3A_1164 = vector.broadcast %squeeze3A_1128 : f32 to vector<16xf32>
          %mul3A_1165 = arith.mulf %get3A_1163, %mul3A_1164 : vector<16xf32>
          %swap3A_1166 = arith.index_cast %add3A_1126 : i32 to index
          %swap3A_1167 = arith.constant 64 : index
          %swap3A_1168 = tpu.vector_load %arg12[%swap3A_1166, %swap3A_1167] {strides = array<i32>} : memref<80x128xf32, #tpu.memory_space<vmem>>, vector<16xf32>,
          tpu.vector_store %arg12[%swap3A_1166, %swap3A_1167], %mul3A_1165 {strides = array<i32>} : memref<80x128xf32, #tpu.memory_space<vmem>>, vector<16xf32>,
          %get3A_1169 = arith.index_cast %add3A_1126 : i32 to index
          %get3A_1170 = arith.constant 80 : index
          %get3A_1171 = tpu.vector_load %arg12[%get3A_1169, %get3A_1170] {strides = array<i32>} : memref<80x128xf32, #tpu.memory_space<vmem>>, vector<16xf32>,
          %mul3A_1172 = vector.broadcast %squeeze3A_1128 : f32 to vector<16xf32>
          %mul3A_1173 = arith.mulf %get3A_1171, %mul3A_1172 : vector<16xf32>
          %swap3A_1174 = arith.index_cast %add3A_1126 : i32 to index
          %swap3A_1175 = arith.constant 80 : index
          %swap3A_1176 = tpu.vector_load %arg12[%swap3A_1174, %swap3A_1175] {strides = array<i32>} : memref<80x128xf32, #tpu.memory_space<vmem>>, vector<16xf32>,
          tpu.vector_store %arg12[%swap3A_1174, %swap3A_1175], %mul3A_1173 {strides = array<i32>} : memref<80x128xf32, #tpu.memory_space<vmem>>, vector<16xf32>,
          %get3A_1177 = arith.index_cast %add3A_1126 : i32 to index
          %get3A_1178 = arith.constant 96 : index
          %get3A_1179 = tpu.vector_load %arg12[%get3A_1177, %get3A_1178] {strides = array<i32>} : memref<80x128xf32, #tpu.memory_space<vmem>>, vector<16xf32>,
          %mul3A_1180 = vector.broadcast %squeeze3A_1128 : f32 to vector<16xf32>
          %mul3A_1181 = arith.mulf %get3A_1179, %mul3A_1180 : vector<16xf32>
          %swap3A_1182 = arith.index_cast %add3A_1126 : i32 to index
          %swap3A_1183 = arith.constant 96 : index
          %swap3A_1184 = tpu.vector_load %arg12[%swap3A_1182, %swap3A_1183] {strides = array<i32>} : memref<80x128xf32, #tpu.memory_space<vmem>>, vector<16xf32>,
          tpu.vector_store %arg12[%swap3A_1182, %swap3A_1183], %mul3A_1181 {strides = array<i32>} : memref<80x128xf32, #tpu.memory_space<vmem>>, vector<16xf32>,
          %get3A_1185 = arith.index_cast %add3A_1126 : i32 to index
          %get3A_1186 = arith.constant 112 : index
          %get3A_1187 = tpu.vector_load %arg12[%get3A_1185, %get3A_1186] {strides = array<i32>} : memref<80x128xf32, #tpu.memory_space<vmem>>, vector<16xf32>,
          %mul3A_1188 = vector.broadcast %squeeze3A_1128 : f32 to vector<16xf32>
          %mul3A_1189 = arith.mulf %get3A_1187, %mul3A_1188 : vector<16xf32>
          %swap3A_1190 = arith.index_cast %add3A_1126 : i32 to index
          %swap3A_1191 = arith.constant 112 : index
          %swap3A_1192 = tpu.vector_load %arg12[%swap3A_1190, %swap3A_1191] {strides = array<i32>} : memref<80x128xf32, #tpu.memory_space<vmem>>, vector<16xf32>,
          tpu.vector_store %arg12[%swap3A_1190, %swap3A_1191], %mul3A_1189 {strides = array<i32>} : memref<80x128xf32, #tpu.memory_space<vmem>>, vector<16xf32>,
          %mul3A_1193 = arith.constant 16 : i32
          %mul3A_1194 = arith.muli %scan3A_204, %mul3A_1193 : i32
          %add3A_1195 = arith.constant 14 : i32
          %add3A_1196 = arith.addi %mul3A_1194, %add3A_1195 : i32
          %slice3A_1197 = vector.extract_strided_slice %exp3A {offsets = [14], sizes = [1], strides = [1]} : vector<16xf32> to vector<1xf32>
          %squeeze3A_1198 = vector.extract %slice3A_1197[0] : f32 from vector<1xf32>
          %get3A_1199 = arith.index_cast %add3A_1196 : i32 to index
          %get3A_1200 = arith.constant 0 : index
          %get3A_1201 = tpu.vector_load %arg12[%get3A_1199, %get3A_1200] {strides = array<i32>} : memref<80x128xf32, #tpu.memory_space<vmem>>, vector<16xf32>,
          %mul3A_1202 = vector.broadcast %squeeze3A_1198 : f32 to vector<16xf32>
          %mul3A_1203 = arith.mulf %get3A_1201, %mul3A_1202 : vector<16xf32>
          %swap3A_1204 = arith.index_cast %add3A_1196 : i32 to index
          %swap3A_1205 = arith.constant 0 : index
          %swap3A_1206 = tpu.vector_load %arg12[%swap3A_1204, %swap3A_1205] {strides = array<i32>} : memref<80x128xf32, #tpu.memory_space<vmem>>, vector<16xf32>,
          tpu.vector_store %arg12[%swap3A_1204, %swap3A_1205], %mul3A_1203 {strides = array<i32>} : memref<80x128xf32, #tpu.memory_space<vmem>>, vector<16xf32>,
          %get3A_1207 = arith.index_cast %add3A_1196 : i32 to index
          %get3A_1208 = arith.constant 16 : index
          %get3A_1209 = tpu.vector_load %arg12[%get3A_1207, %get3A_1208] {strides = array<i32>} : memref<80x128xf32, #tpu.memory_space<vmem>>, vector<16xf32>,
          %mul3A_1210 = vector.broadcast %squeeze3A_1198 : f32 to vector<16xf32>
          %mul3A_1211 = arith.mulf %get3A_1209, %mul3A_1210 : vector<16xf32>
          %swap3A_1212 = arith.index_cast %add3A_1196 : i32 to index
          %swap3A_1213 = arith.constant 16 : index
          %swap3A_1214 = tpu.vector_load %arg12[%swap3A_1212, %swap3A_1213] {strides = array<i32>} : memref<80x128xf32, #tpu.memory_space<vmem>>, vector<16xf32>,
          tpu.vector_store %arg12[%swap3A_1212, %swap3A_1213], %mul3A_1211 {strides = array<i32>} : memref<80x128xf32, #tpu.memory_space<vmem>>, vector<16xf32>,
          %get3A_1215 = arith.index_cast %add3A_1196 : i32 to index
          %get3A_1216 = arith.constant 32 : index
          %get3A_1217 = tpu.vector_load %arg12[%get3A_1215, %get3A_1216] {strides = array<i32>} : memref<80x128xf32, #tpu.memory_space<vmem>>, vector<16xf32>,
          %mul3A_1218 = vector.broadcast %squeeze3A_1198 : f32 to vector<16xf32>
          %mul3A_1219 = arith.mulf %get3A_1217, %mul3A_1218 : vector<16xf32>
          %swap3A_1220 = arith.index_cast %add3A_1196 : i32 to index
          %swap3A_1221 = arith.constant 32 : index
          %swap3A_1222 = tpu.vector_load %arg12[%swap3A_1220, %swap3A_1221] {strides = array<i32>} : memref<80x128xf32, #tpu.memory_space<vmem>>, vector<16xf32>,
          tpu.vector_store %arg12[%swap3A_1220, %swap3A_1221], %mul3A_1219 {strides = array<i32>} : memref<80x128xf32, #tpu.memory_space<vmem>>, vector<16xf32>,
          %get3A_1223 = arith.index_cast %add3A_1196 : i32 to index
          %get3A_1224 = arith.constant 48 : index
          %get3A_1225 = tpu.vector_load %arg12[%get3A_1223, %get3A_1224] {strides = array<i32>} : memref<80x128xf32, #tpu.memory_space<vmem>>, vector<16xf32>,
          %mul3A_1226 = vector.broadcast %squeeze3A_1198 : f32 to vector<16xf32>
          %mul3A_1227 = arith.mulf %get3A_1225, %mul3A_1226 : vector<16xf32>
          %swap3A_1228 = arith.index_cast %add3A_1196 : i32 to index
          %swap3A_1229 = arith.constant 48 : index
          %swap3A_1230 = tpu.vector_load %arg12[%swap3A_1228, %swap3A_1229] {strides = array<i32>} : memref<80x128xf32, #tpu.memory_space<vmem>>, vector<16xf32>,
          tpu.vector_store %arg12[%swap3A_1228, %swap3A_1229], %mul3A_1227 {strides = array<i32>} : memref<80x128xf32, #tpu.memory_space<vmem>>, vector<16xf32>,
          %get3A_1231 = arith.index_cast %add3A_1196 : i32 to index
          %get3A_1232 = arith.constant 64 : index
          %get3A_1233 = tpu.vector_load %arg12[%get3A_1231, %get3A_1232] {strides = array<i32>} : memref<80x128xf32, #tpu.memory_space<vmem>>, vector<16xf32>,
          %mul3A_1234 = vector.broadcast %squeeze3A_1198 : f32 to vector<16xf32>
          %mul3A_1235 = arith.mulf %get3A_1233, %mul3A_1234 : vector<16xf32>
          %swap3A_1236 = arith.index_cast %add3A_1196 : i32 to index
          %swap3A_1237 = arith.constant 64 : index
          %swap3A_1238 = tpu.vector_load %arg12[%swap3A_1236, %swap3A_1237] {strides = array<i32>} : memref<80x128xf32, #tpu.memory_space<vmem>>, vector<16xf32>,
          tpu.vector_store %arg12[%swap3A_1236, %swap3A_1237], %mul3A_1235 {strides = array<i32>} : memref<80x128xf32, #tpu.memory_space<vmem>>, vector<16xf32>,
          %get3A_1239 = arith.index_cast %add3A_1196 : i32 to index
          %get3A_1240 = arith.constant 80 : index
          %get3A_1241 = tpu.vector_load %arg12[%get3A_1239, %get3A_1240] {strides = array<i32>} : memref<80x128xf32, #tpu.memory_space<vmem>>, vector<16xf32>,
          %mul3A_1242 = vector.broadcast %squeeze3A_1198 : f32 to vector<16xf32>
          %mul3A_1243 = arith.mulf %get3A_1241, %mul3A_1242 : vector<16xf32>
          %swap3A_1244 = arith.index_cast %add3A_1196 : i32 to index
          %swap3A_1245 = arith.constant 80 : index
          %swap3A_1246 = tpu.vector_load %arg12[%swap3A_1244, %swap3A_1245] {strides = array<i32>} : memref<80x128xf32, #tpu.memory_space<vmem>>, vector<16xf32>,
          tpu.vector_store %arg12[%swap3A_1244, %swap3A_1245], %mul3A_1243 {strides = array<i32>} : memref<80x128xf32, #tpu.memory_space<vmem>>, vector<16xf32>,
          %get3A_1247 = arith.index_cast %add3A_1196 : i32 to index
          %get3A_1248 = arith.constant 96 : index
          %get3A_1249 = tpu.vector_load %arg12[%get3A_1247, %get3A_1248] {strides = array<i32>} : memref<80x128xf32, #tpu.memory_space<vmem>>, vector<16xf32>,
          %mul3A_1250 = vector.broadcast %squeeze3A_1198 : f32 to vector<16xf32>
          %mul3A_1251 = arith.mulf %get3A_1249, %mul3A_1250 : vector<16xf32>
          %swap3A_1252 = arith.index_cast %add3A_1196 : i32 to index
          %swap3A_1253 = arith.constant 96 : index
          %swap3A_1254 = tpu.vector_load %arg12[%swap3A_1252, %swap3A_1253] {strides = array<i32>} : memref<80x128xf32, #tpu.memory_space<vmem>>, vector<16xf32>,
          tpu.vector_store %arg12[%swap3A_1252, %swap3A_1253], %mul3A_1251 {strides = array<i32>} : memref<80x128xf32, #tpu.memory_space<vmem>>, vector<16xf32>,
          %get3A_1255 = arith.index_cast %add3A_1196 : i32 to index
          %get3A_1256 = arith.constant 112 : index
          %get3A_1257 = tpu.vector_load %arg12[%get3A_1255, %get3A_1256] {strides = array<i32>} : memref<80x128xf32, #tpu.memory_space<vmem>>, vector<16xf32>,
          %mul3A_1258 = vector.broadcast %squeeze3A_1198 : f32 to vector<16xf32>
          %mul3A_1259 = arith.mulf %get3A_1257, %mul3A_1258 : vector<16xf32>
          %swap3A_1260 = arith.index_cast %add3A_1196 : i32 to index
          %swap3A_1261 = arith.constant 112 : index
          %swap3A_1262 = tpu.vector_load %arg12[%swap3A_1260, %swap3A_1261] {strides = array<i32>} : memref<80x128xf32, #tpu.memory_space<vmem>>, vector<16xf32>,
          tpu.vector_store %arg12[%swap3A_1260, %swap3A_1261], %mul3A_1259 {strides = array<i32>} : memref<80x128xf32, #tpu.memory_space<vmem>>, vector<16xf32>,
          %mul3A_1263 = arith.constant 16 : i32
          %mul3A_1264 = arith.muli %scan3A_204, %mul3A_1263 : i32
          %add3A_1265 = arith.constant 15 : i32
          %add3A_1266 = arith.addi %mul3A_1264, %add3A_1265 : i32
          %slice3A_1267 = vector.extract_strided_slice %exp3A {offsets = [15], sizes = [1], strides = [1]} : vector<16xf32> to vector<1xf32>
          %squeeze3A_1268 = vector.extract %slice3A_1267[0] : f32 from vector<1xf32>
          %get3A_1269 = arith.index_cast %add3A_1266 : i32 to index
          %get3A_1270 = arith.constant 0 : index
          %get3A_1271 = tpu.vector_load %arg12[%get3A_1269, %get3A_1270] {strides = array<i32>} : memref<80x128xf32, #tpu.memory_space<vmem>>, vector<16xf32>,
          %mul3A_1272 = vector.broadcast %squeeze3A_1268 : f32 to vector<16xf32>
          %mul3A_1273 = arith.mulf %get3A_1271, %mul3A_1272 : vector<16xf32>
          %swap3A_1274 = arith.index_cast %add3A_1266 : i32 to index
          %swap3A_1275 = arith.constant 0 : index
          %swap3A_1276 = tpu.vector_load %arg12[%swap3A_1274, %swap3A_1275] {strides = array<i32>} : memref<80x128xf32, #tpu.memory_space<vmem>>, vector<16xf32>,
          tpu.vector_store %arg12[%swap3A_1274, %swap3A_1275], %mul3A_1273 {strides = array<i32>} : memref<80x128xf32, #tpu.memory_space<vmem>>, vector<16xf32>,
          %get3A_1277 = arith.index_cast %add3A_1266 : i32 to index
          %get3A_1278 = arith.constant 16 : index
          %get3A_1279 = tpu.vector_load %arg12[%get3A_1277, %get3A_1278] {strides = array<i32>} : memref<80x128xf32, #tpu.memory_space<vmem>>, vector<16xf32>,
          %mul3A_1280 = vector.broadcast %squeeze3A_1268 : f32 to vector<16xf32>
          %mul3A_1281 = arith.mulf %get3A_1279, %mul3A_1280 : vector<16xf32>
          %swap3A_1282 = arith.index_cast %add3A_1266 : i32 to index
          %swap3A_1283 = arith.constant 16 : index
          %swap3A_1284 = tpu.vector_load %arg12[%swap3A_1282, %swap3A_1283] {strides = array<i32>} : memref<80x128xf32, #tpu.memory_space<vmem>>, vector<16xf32>,
          tpu.vector_store %arg12[%swap3A_1282, %swap3A_1283], %mul3A_1281 {strides = array<i32>} : memref<80x128xf32, #tpu.memory_space<vmem>>, vector<16xf32>,
          %get3A_1285 = arith.index_cast %add3A_1266 : i32 to index
          %get3A_1286 = arith.constant 32 : index
          %get3A_1287 = tpu.vector_load %arg12[%get3A_1285, %get3A_1286] {strides = array<i32>} : memref<80x128xf32, #tpu.memory_space<vmem>>, vector<16xf32>,
          %mul3A_1288 = vector.broadcast %squeeze3A_1268 : f32 to vector<16xf32>
          %mul3A_1289 = arith.mulf %get3A_1287, %mul3A_1288 : vector<16xf32>
          %swap3A_1290 = arith.index_cast %add3A_1266 : i32 to index
          %swap3A_1291 = arith.constant 32 : index
          %swap3A_1292 = tpu.vector_load %arg12[%swap3A_1290, %swap3A_1291] {strides = array<i32>} : memref<80x128xf32, #tpu.memory_space<vmem>>, vector<16xf32>,
          tpu.vector_store %arg12[%swap3A_1290, %swap3A_1291], %mul3A_1289 {strides = array<i32>} : memref<80x128xf32, #tpu.memory_space<vmem>>, vector<16xf32>,
          %get3A_1293 = arith.index_cast %add3A_1266 : i32 to index
          %get3A_1294 = arith.constant 48 : index
          %get3A_1295 = tpu.vector_load %arg12[%get3A_1293, %get3A_1294] {strides = array<i32>} : memref<80x128xf32, #tpu.memory_space<vmem>>, vector<16xf32>,
          %mul3A_1296 = vector.broadcast %squeeze3A_1268 : f32 to vector<16xf32>
          %mul3A_1297 = arith.mulf %get3A_1295, %mul3A_1296 : vector<16xf32>
          %swap3A_1298 = arith.index_cast %add3A_1266 : i32 to index
          %swap3A_1299 = arith.constant 48 : index
          %swap3A_1300 = tpu.vector_load %arg12[%swap3A_1298, %swap3A_1299] {strides = array<i32>} : memref<80x128xf32, #tpu.memory_space<vmem>>, vector<16xf32>,
          tpu.vector_store %arg12[%swap3A_1298, %swap3A_1299], %mul3A_1297 {strides = array<i32>} : memref<80x128xf32, #tpu.memory_space<vmem>>, vector<16xf32>,
          %get3A_1301 = arith.index_cast %add3A_1266 : i32 to index
          %get3A_1302 = arith.constant 64 : index
          %get3A_1303 = tpu.vector_load %arg12[%get3A_1301, %get3A_1302] {strides = array<i32>} : memref<80x128xf32, #tpu.memory_space<vmem>>, vector<16xf32>,
          %mul3A_1304 = vector.broadcast %squeeze3A_1268 : f32 to vector<16xf32>
          %mul3A_1305 = arith.mulf %get3A_1303, %mul3A_1304 : vector<16xf32>
          %swap3A_1306 = arith.index_cast %add3A_1266 : i32 to index
          %swap3A_1307 = arith.constant 64 : index
          %swap3A_1308 = tpu.vector_load %arg12[%swap3A_1306, %swap3A_1307] {strides = array<i32>} : memref<80x128xf32, #tpu.memory_space<vmem>>, vector<16xf32>,
          tpu.vector_store %arg12[%swap3A_1306, %swap3A_1307], %mul3A_1305 {strides = array<i32>} : memref<80x128xf32, #tpu.memory_space<vmem>>, vector<16xf32>,
          %get3A_1309 = arith.index_cast %add3A_1266 : i32 to index
          %get3A_1310 = arith.constant 80 : index
          %get3A_1311 = tpu.vector_load %arg12[%get3A_1309, %get3A_1310] {strides = array<i32>} : memref<80x128xf32, #tpu.memory_space<vmem>>, vector<16xf32>,
          %mul3A_1312 = vector.broadcast %squeeze3A_1268 : f32 to vector<16xf32>
          %mul3A_1313 = arith.mulf %get3A_1311, %mul3A_1312 : vector<16xf32>
          %swap3A_1314 = arith.index_cast %add3A_1266 : i32 to index
          %swap3A_1315 = arith.constant 80 : index
          %swap3A_1316 = tpu.vector_load %arg12[%swap3A_1314, %swap3A_1315] {strides = array<i32>} : memref<80x128xf32, #tpu.memory_space<vmem>>, vector<16xf32>,
          tpu.vector_store %arg12[%swap3A_1314, %swap3A_1315], %mul3A_1313 {strides = array<i32>} : memref<80x128xf32, #tpu.memory_space<vmem>>, vector<16xf32>,
          %get3A_1317 = arith.index_cast %add3A_1266 : i32 to index
          %get3A_1318 = arith.constant 96 : index
          %get3A_1319 = tpu.vector_load %arg12[%get3A_1317, %get3A_1318] {strides = array<i32>} : memref<80x128xf32, #tpu.memory_space<vmem>>, vector<16xf32>,
          %mul3A_1320 = vector.broadcast %squeeze3A_1268 : f32 to vector<16xf32>
          %mul3A_1321 = arith.mulf %get3A_1319, %mul3A_1320 : vector<16xf32>
          %swap3A_1322 = arith.index_cast %add3A_1266 : i32 to index
          %swap3A_1323 = arith.constant 96 : index
          %swap3A_1324 = tpu.vector_load %arg12[%swap3A_1322, %swap3A_1323] {strides = array<i32>} : memref<80x128xf32, #tpu.memory_space<vmem>>, vector<16xf32>,
          tpu.vector_store %arg12[%swap3A_1322, %swap3A_1323], %mul3A_1321 {strides = array<i32>} : memref<80x128xf32, #tpu.memory_space<vmem>>, vector<16xf32>,
          %get3A_1325 = arith.index_cast %add3A_1266 : i32 to index
          %get3A_1326 = arith.constant 112 : index
          %get3A_1327 = tpu.vector_load %arg12[%get3A_1325, %get3A_1326] {strides = array<i32>} : memref<80x128xf32, #tpu.memory_space<vmem>>, vector<16xf32>,
          %mul3A_1328 = vector.broadcast %squeeze3A_1268 : f32 to vector<16xf32>
          %mul3A_1329 = arith.mulf %get3A_1327, %mul3A_1328 : vector<16xf32>
          %swap3A_1330 = arith.index_cast %add3A_1266 : i32 to index
          %swap3A_1331 = arith.constant 112 : index
          %swap3A_1332 = tpu.vector_load %arg12[%swap3A_1330, %swap3A_1331] {strides = array<i32>} : memref<80x128xf32, #tpu.memory_space<vmem>>, vector<16xf32>,
          tpu.vector_store %arg12[%swap3A_1330, %swap3A_1331], %mul3A_1329 {strides = array<i32>} : memref<80x128xf32, #tpu.memory_space<vmem>>, vector<16xf32>,
        }
        %scan3A_200 = arith.constant 5 : i32
        %dma_start3A_201 = arith.constant 0 : i32
        %dma_start3A_202 = arith.constant 0 : i32
        %dma_start3A_203 = tpu.memref_slice %arg8[%dma_start3A_201, %dma_start3A_202] : memref<10240x128xf32, #tpu.memory_space<vmem_shared>> -> memref<10240x128xf32, #tpu.memory_space<vmem_shared>>
        tpu.enqueue_indirect_dma source(%arg12 : memref<80x128xf32, #tpu.memory_space<vmem>>) target(%dma_start3A_203 : memref<10240x128xf32, #tpu.memory_space<vmem_shared>>) offsets(%arg15 : memref<80xi32, #tpu.memory_space<vmem>>) semaphore(%arg27 : memref<!tpu.dma_semaphore, #tpu.memory_space<semaphore_mem>>) {add = true}
      } else {
      }
    }
    %scan3A_70 = arith.constant 43 : i32
    %scan3A_71 = arith.constant 0 : i32
    %scan3A_72 = arith.constant 0 : i32
    %scan3A_73 = arith.constant 80 : i32
    %scan3A_74 = arith.addi %scan3A_72, %scan3A_73 : i32
    %scan3A_75 = arith.constant 1 : i32
    scf.for %scan3A_115 = %scan3A_72 to %scan3A_74 step %scan3A_75  : i32 {
      %mul3A_116 = arith.constant 128 : i32
      %mul3A_117 = arith.muli %scan3A_115, %mul3A_116 : i32
      %add3A_118 = arith.constant 0 : i32
      %add3A_119 = arith.addi %mul3A_117, %add3A_118 : i32
      %get3A_120 = arith.index_cast %add3A_119 : i32 to index
      %get3A_121 = tpu.vector_load %arg20[%get3A_120] {strides = array<i32>} : memref<10240xf32, #tpu.memory_space<vmem>>, vector<16xf32>,
      %swap3A = arith.index_cast %scan3A_115 : i32 to index
      %swap3A_122 = arith.constant 0 : index
      %swap3A_123 = tpu.vector_load %arg10[%swap3A, %swap3A_122] {strides = array<i32>} : memref<80x128xf32, #tpu.memory_space<vmem>>, vector<16xf32>,
      tpu.vector_store %arg10[%swap3A, %swap3A_122], %get3A_121 {strides = array<i32>} : memref<80x128xf32, #tpu.memory_space<vmem>>, vector<16xf32>,
      %mul3A_124 = arith.constant 128 : i32
      %mul3A_125 = arith.muli %scan3A_115, %mul3A_124 : i32
      %add3A_126 = arith.constant 16 : i32
      %add3A_127 = arith.addi %mul3A_125, %add3A_126 : i32
      %get3A_128 = arith.index_cast %add3A_127 : i32 to index
      %get3A_129 = tpu.vector_load %arg20[%get3A_128] {strides = array<i32>} : memref<10240xf32, #tpu.memory_space<vmem>>, vector<16xf32>,
      %swap3A_130 = arith.index_cast %scan3A_115 : i32 to index
      %swap3A_131 = arith.constant 16 : index
      %swap3A_132 = tpu.vector_load %arg10[%swap3A_130, %swap3A_131] {strides = array<i32>} : memref<80x128xf32, #tpu.memory_space<vmem>>, vector<16xf32>,
      tpu.vector_store %arg10[%swap3A_130, %swap3A_131], %get3A_129 {strides = array<i32>} : memref<80x128xf32, #tpu.memory_space<vmem>>, vector<16xf32>,
      %mul3A_133 = arith.constant 128 : i32
      %mul3A_134 = arith.muli %scan3A_115, %mul3A_133 : i32
      %add3A_135 = arith.constant 32 : i32
      %add3A_136 = arith.addi %mul3A_134, %add3A_135 : i32
      %get3A_137 = arith.index_cast %add3A_136 : i32 to index
      %get3A_138 = tpu.vector_load %arg20[%get3A_137] {strides = array<i32>} : memref<10240xf32, #tpu.memory_space<vmem>>, vector<16xf32>,
      %swap3A_139 = arith.index_cast %scan3A_115 : i32 to index
      %swap3A_140 = arith.constant 32 : index
      %swap3A_141 = tpu.vector_load %arg10[%swap3A_139, %swap3A_140] {strides = array<i32>} : memref<80x128xf32, #tpu.memory_space<vmem>>, vector<16xf32>,
      tpu.vector_store %arg10[%swap3A_139, %swap3A_140], %get3A_138 {strides = array<i32>} : memref<80x128xf32, #tpu.memory_space<vmem>>, vector<16xf32>,
      %mul3A_142 = arith.constant 128 : i32
      %mul3A_143 = arith.muli %scan3A_115, %mul3A_142 : i32
      %add3A_144 = arith.constant 48 : i32
      %add3A_145 = arith.addi %mul3A_143, %add3A_144 : i32
      %get3A_146 = arith.index_cast %add3A_145 : i32 to index
      %get3A_147 = tpu.vector_load %arg20[%get3A_146] {strides = array<i32>} : memref<10240xf32, #tpu.memory_space<vmem>>, vector<16xf32>,
      %swap3A_148 = arith.index_cast %scan3A_115 : i32 to index
      %swap3A_149 = arith.constant 48 : index
      %swap3A_150 = tpu.vector_load %arg10[%swap3A_148, %swap3A_149] {strides = array<i32>} : memref<80x128xf32, #tpu.memory_space<vmem>>, vector<16xf32>,
      tpu.vector_store %arg10[%swap3A_148, %swap3A_149], %get3A_147 {strides = array<i32>} : memref<80x128xf32, #tpu.memory_space<vmem>>, vector<16xf32>,
      %mul3A_151 = arith.constant 128 : i32
      %mul3A_152 = arith.muli %scan3A_115, %mul3A_151 : i32
      %add3A_153 = arith.constant 64 : i32
      %add3A_154 = arith.addi %mul3A_152, %add3A_153 : i32
      %get3A_155 = arith.index_cast %add3A_154 : i32 to index
      %get3A_156 = tpu.vector_load %arg20[%get3A_155] {strides = array<i32>} : memref<10240xf32, #tpu.memory_space<vmem>>, vector<16xf32>,
      %swap3A_157 = arith.index_cast %scan3A_115 : i32 to index
      %swap3A_158 = arith.constant 64 : index
      %swap3A_159 = tpu.vector_load %arg10[%swap3A_157, %swap3A_158] {strides = array<i32>} : memref<80x128xf32, #tpu.memory_space<vmem>>, vector<16xf32>,
      tpu.vector_store %arg10[%swap3A_157, %swap3A_158], %get3A_156 {strides = array<i32>} : memref<80x128xf32, #tpu.memory_space<vmem>>, vector<16xf32>,
      %mul3A_160 = arith.constant 128 : i32
      %mul3A_161 = arith.muli %scan3A_115, %mul3A_160 : i32
      %add3A_162 = arith.constant 80 : i32
      %add3A_163 = arith.addi %mul3A_161, %add3A_162 : i32
      %get3A_164 = arith.index_cast %add3A_163 : i32 to index
      %get3A_165 = tpu.vector_load %arg20[%get3A_164] {strides = array<i32>} : memref<10240xf32, #tpu.memory_space<vmem>>, vector<16xf32>,
      %swap3A_166 = arith.index_cast %scan3A_115 : i32 to index
      %swap3A_167 = arith.constant 80 : index
      %swap3A_168 = tpu.vector_load %arg10[%swap3A_166, %swap3A_167] {strides = array<i32>} : memref<80x128xf32, #tpu.memory_space<vmem>>, vector<16xf32>,
      tpu.vector_store %arg10[%swap3A_166, %swap3A_167], %get3A_165 {strides = array<i32>} : memref<80x128xf32, #tpu.memory_space<vmem>>, vector<16xf32>,
      %mul3A_169 = arith.constant 128 : i32
      %mul3A_170 = arith.muli %scan3A_115, %mul3A_169 : i32
      %add3A_171 = arith.constant 96 : i32
      %add3A_172 = arith.addi %mul3A_170, %add3A_171 : i32
      %get3A_173 = arith.index_cast %add3A_172 : i32 to index
      %get3A_174 = tpu.vector_load %arg20[%get3A_173] {strides = array<i32>} : memref<10240xf32, #tpu.memory_space<vmem>>, vector<16xf32>,
      %swap3A_175 = arith.index_cast %scan3A_115 : i32 to index
      %swap3A_176 = arith.constant 96 : index
      %swap3A_177 = tpu.vector_load %arg10[%swap3A_175, %swap3A_176] {strides = array<i32>} : memref<80x128xf32, #tpu.memory_space<vmem>>, vector<16xf32>,
      tpu.vector_store %arg10[%swap3A_175, %swap3A_176], %get3A_174 {strides = array<i32>} : memref<80x128xf32, #tpu.memory_space<vmem>>, vector<16xf32>,
      %mul3A_178 = arith.constant 128 : i32
      %mul3A_179 = arith.muli %scan3A_115, %mul3A_178 : i32
      %add3A_180 = arith.constant 112 : i32
      %add3A_181 = arith.addi %mul3A_179, %add3A_180 : i32
      %get3A_182 = arith.index_cast %add3A_181 : i32 to index
      %get3A_183 = tpu.vector_load %arg20[%get3A_182] {strides = array<i32>} : memref<10240xf32, #tpu.memory_space<vmem>>, vector<16xf32>,
      %swap3A_184 = arith.index_cast %scan3A_115 : i32 to index
      %swap3A_185 = arith.constant 112 : index
      %swap3A_186 = tpu.vector_load %arg10[%swap3A_184, %swap3A_185] {strides = array<i32>} : memref<80x128xf32, #tpu.memory_space<vmem>>, vector<16xf32>,
      tpu.vector_store %arg10[%swap3A_184, %swap3A_185], %get3A_183 {strides = array<i32>} : memref<80x128xf32, #tpu.memory_space<vmem>>, vector<16xf32>,
    }
    %scan3A_76 = arith.constant 80 : i32
    "tpu.region"() ({
      %run_scoped3A_115 = tpu.sem_alloc : memref<!tpu.dma_semaphore, #tpu.memory_space<semaphore_mem>>
      %dma_start3A_116 = arith.constant 0 : i32
      %dma_start3A_117 = arith.constant 0 : i32
      %dma_start3A_118 = tpu.memref_slice %arg9[%dma_start3A_116, %dma_start3A_117] : memref<80x128xf32, #tpu.memory_space<vmem_shared>> -> memref<80x128xf32, #tpu.memory_space<vmem_shared>>
      tpu.enqueue_indirect_dma source(%arg10 : memref<80x128xf32, #tpu.memory_space<vmem>>) target(%dma_start3A_118 : memref<80x128xf32, #tpu.memory_space<vmem_shared>>) offsets(%arg21 : memref<80xi32, #tpu.memory_space<vmem>>) semaphore(%run_scoped3A_115 : memref<!tpu.dma_semaphore, #tpu.memory_space<semaphore_mem>>) {add = true}
      %dma_wait3A = arith.constant 0 : i32
      %dma_wait3A_119 = arith.constant 0 : i32
      %dma_wait3A_120 = tpu.memref_slice %arg9[%dma_wait3A, %dma_wait3A_119] : memref<80x128xf32, #tpu.memory_space<vmem_shared>> -> memref<80x128xf32, #tpu.memory_space<vmem_shared>>
      tpu.wait_indirect_dma semaphore(%run_scoped3A_115 : memref<!tpu.dma_semaphore, #tpu.memory_space<semaphore_mem>>) src(%arg10 : memref<80x128xf32, #tpu.memory_space<vmem>>) dst(%dma_wait3A_120 : memref<80x128xf32, #tpu.memory_space<vmem_shared>>)
      tpu.yield
    }) : () -> ()
    %barrier3A_77 = arith.constant 0 : index
    tpu.barrier barrier_id(%barrier3A_77)
    %mul3A_78 = arith.constant 640 : i32
    %mul3A_79 = arith.muli %arg1, %mul3A_78 : i32
    %add3A_80 = arith.constant 0 : i32
    %add3A_81 = arith.addi %mul3A_79, %add3A_80 : i32
    "tpu.region"() ({
      %run_scoped3A_115 = tpu.sem_alloc : memref<!tpu.dma_semaphore, #tpu.memory_space<semaphore_mem>>
      %dma_start3A_116 = arith.constant 0 : i32
      %dma_start3A_117 = tpu.memref_slice %arg6[%arg0, %add3A_81, %dma_start3A_116] : memref<2x10240x128xf32, #tpu.memory_space<hbm>> -> memref<1x80x128xf32, #tpu.memory_space<hbm>>
      %dma_start3A_118 = tpu.memref_squeeze %dma_start3A_117 : memref<1x80x128xf32, #tpu.memory_space<hbm>> -> memref<80x128xf32, #tpu.memory_space<hbm>>
      %dma_start3A_119 = arith.constant 0 : i32
      %dma_start3A_120 = tpu.memref_slice %arg8[%add3A_81, %dma_start3A_119] : memref<10240x128xf32, #tpu.memory_space<vmem_shared>> -> memref<80x128xf32, #tpu.memory_space<vmem_shared>>
      tpu.enqueue_dma source(%dma_start3A_120 : memref<80x128xf32, #tpu.memory_space<vmem_shared>>) target(%dma_start3A_118 : memref<80x128xf32, #tpu.memory_space<hbm>>) target_semaphore(%run_scoped3A_115 : memref<!tpu.dma_semaphore, #tpu.memory_space<semaphore_mem>>)
      %dma_wait3A = arith.constant 0 : i32
      %dma_wait3A_121 = tpu.memref_slice %arg6[%arg0, %add3A_81, %dma_wait3A] : memref<2x10240x128xf32, #tpu.memory_space<hbm>> -> memref<1x80x128xf32, #tpu.memory_space<hbm>>
      %dma_wait3A_122 = tpu.memref_squeeze %dma_wait3A_121 : memref<1x80x128xf32, #tpu.memory_space<hbm>> -> memref<80x128xf32, #tpu.memory_space<hbm>>
      %dma_wait3A_123 = arith.constant 0 : i32
      %dma_wait3A_124 = tpu.memref_slice %arg8[%add3A_81, %dma_wait3A_123] : memref<10240x128xf32, #tpu.memory_space<vmem_shared>> -> memref<80x128xf32, #tpu.memory_space<vmem_shared>>
      tpu.wait_dma2 semaphore(%run_scoped3A_115 : memref<!tpu.dma_semaphore, #tpu.memory_space<semaphore_mem>>) src(%dma_wait3A_124 : memref<80x128xf32, #tpu.memory_space<vmem_shared>>) dst(%dma_wait3A_122 : memref<80x128xf32, #tpu.memory_space<hbm>>)
      tpu.yield
    }) : () -> ()
    %mul3A_82 = arith.constant 640 : i32
    %mul3A_83 = arith.muli %arg1, %mul3A_82 : i32
    %add3A_84 = arith.constant 80 : i32
    %add3A_85 = arith.addi %mul3A_83, %add3A_84 : i32
    "tpu.region"() ({
      %run_scoped3A_115 = tpu.sem_alloc : memref<!tpu.dma_semaphore, #tpu.memory_space<semaphore_mem>>
      %dma_start3A_116 = arith.constant 0 : i32
      %dma_start3A_117 = tpu.memref_slice %arg6[%arg0, %add3A_85, %dma_start3A_116] : memref<2x10240x128xf32, #tpu.memory_space<hbm>> -> memref<1x80x128xf32, #tpu.memory_space<hbm>>
      %dma_start3A_118 = tpu.memref_squeeze %dma_start3A_117 : memref<1x80x128xf32, #tpu.memory_space<hbm>> -> memref<80x128xf32, #tpu.memory_space<hbm>>
      %dma_start3A_119 = arith.constant 0 : i32
      %dma_start3A_120 = tpu.memref_slice %arg8[%add3A_85, %dma_start3A_119] : memref<10240x128xf32, #tpu.memory_space<vmem_shared>> -> memref<80x128xf32, #tpu.memory_space<vmem_shared>>
      tpu.enqueue_dma source(%dma_start3A_120 : memref<80x128xf32, #tpu.memory_space<vmem_shared>>) target(%dma_start3A_118 : memref<80x128xf32, #tpu.memory_space<hbm>>) target_semaphore(%run_scoped3A_115 : memref<!tpu.dma_semaphore, #tpu.memory_space<semaphore_mem>>)
      %dma_wait3A = arith.constant 0 : i32
      %dma_wait3A_121 = tpu.memref_slice %arg6[%arg0, %add3A_85, %dma_wait3A] : memref<2x10240x128xf32, #tpu.memory_space<hbm>> -> memref<1x80x128xf32, #tpu.memory_space<hbm>>
      %dma_wait3A_122 = tpu.memref_squeeze %dma_wait3A_121 : memref<1x80x128xf32, #tpu.memory_space<hbm>> -> memref<80x128xf32, #tpu.memory_space<hbm>>
      %dma_wait3A_123 = arith.constant 0 : i32
      %dma_wait3A_124 = tpu.memref_slice %arg8[%add3A_85, %dma_wait3A_123] : memref<10240x128xf32, #tpu.memory_space<vmem_shared>> -> memref<80x128xf32, #tpu.memory_space<vmem_shared>>
      tpu.wait_dma2 semaphore(%run_scoped3A_115 : memref<!tpu.dma_semaphore, #tpu.memory_space<semaphore_mem>>) src(%dma_wait3A_124 : memref<80x128xf32, #tpu.memory_space<vmem_shared>>) dst(%dma_wait3A_122 : memref<80x128xf32, #tpu.memory_space<hbm>>)
      tpu.yield
    }) : () -> ()
    %mul3A_86 = arith.constant 640 : i32
    %mul3A_87 = arith.muli %arg1, %mul3A_86 : i32
    %add3A_88 = arith.constant 160 : i32
    %add3A_89 = arith.addi %mul3A_87, %add3A_88 : i32
    "tpu.region"() ({
      %run_scoped3A_115 = tpu.sem_alloc : memref<!tpu.dma_semaphore, #tpu.memory_space<semaphore_mem>>
      %dma_start3A_116 = arith.constant 0 : i32
      %dma_start3A_117 = tpu.memref_slice %arg6[%arg0, %add3A_89, %dma_start3A_116] : memref<2x10240x128xf32, #tpu.memory_space<hbm>> -> memref<1x80x128xf32, #tpu.memory_space<hbm>>
      %dma_start3A_118 = tpu.memref_squeeze %dma_start3A_117 : memref<1x80x128xf32, #tpu.memory_space<hbm>> -> memref<80x128xf32, #tpu.memory_space<hbm>>
      %dma_start3A_119 = arith.constant 0 : i32
      %dma_start3A_120 = tpu.memref_slice %arg8[%add3A_89, %dma_start3A_119] : memref<10240x128xf32, #tpu.memory_space<vmem_shared>> -> memref<80x128xf32, #tpu.memory_space<vmem_shared>>
      tpu.enqueue_dma source(%dma_start3A_120 : memref<80x128xf32, #tpu.memory_space<vmem_shared>>) target(%dma_start3A_118 : memref<80x128xf32, #tpu.memory_space<hbm>>) target_semaphore(%run_scoped3A_115 : memref<!tpu.dma_semaphore, #tpu.memory_space<semaphore_mem>>)
      %dma_wait3A = arith.constant 0 : i32
      %dma_wait3A_121 = tpu.memref_slice %arg6[%arg0, %add3A_89, %dma_wait3A] : memref<2x10240x128xf32, #tpu.memory_space<hbm>> -> memref<1x80x128xf32, #tpu.memory_space<hbm>>
      %dma_wait3A_122 = tpu.memref_squeeze %dma_wait3A_121 : memref<1x80x128xf32, #tpu.memory_space<hbm>> -> memref<80x128xf32, #tpu.memory_space<hbm>>
      %dma_wait3A_123 = arith.constant 0 : i32
      %dma_wait3A_124 = tpu.memref_slice %arg8[%add3A_89, %dma_wait3A_123] : memref<10240x128xf32, #tpu.memory_space<vmem_shared>> -> memref<80x128xf32, #tpu.memory_space<vmem_shared>>
      tpu.wait_dma2 semaphore(%run_scoped3A_115 : memref<!tpu.dma_semaphore, #tpu.memory_space<semaphore_mem>>) src(%dma_wait3A_124 : memref<80x128xf32, #tpu.memory_space<vmem_shared>>) dst(%dma_wait3A_122 : memref<80x128xf32, #tpu.memory_space<hbm>>)
      tpu.yield
    }) : () -> ()
    %mul3A_90 = arith.constant 640 : i32
    %mul3A_91 = arith.muli %arg1, %mul3A_90 : i32
    %add3A_92 = arith.constant 240 : i32
    %add3A_93 = arith.addi %mul3A_91, %add3A_92 : i32
    "tpu.region"() ({
      %run_scoped3A_115 = tpu.sem_alloc : memref<!tpu.dma_semaphore, #tpu.memory_space<semaphore_mem>>
      %dma_start3A_116 = arith.constant 0 : i32
      %dma_start3A_117 = tpu.memref_slice %arg6[%arg0, %add3A_93, %dma_start3A_116] : memref<2x10240x128xf32, #tpu.memory_space<hbm>> -> memref<1x80x128xf32, #tpu.memory_space<hbm>>
      %dma_start3A_118 = tpu.memref_squeeze %dma_start3A_117 : memref<1x80x128xf32, #tpu.memory_space<hbm>> -> memref<80x128xf32, #tpu.memory_space<hbm>>
      %dma_start3A_119 = arith.constant 0 : i32
      %dma_start3A_120 = tpu.memref_slice %arg8[%add3A_93, %dma_start3A_119] : memref<10240x128xf32, #tpu.memory_space<vmem_shared>> -> memref<80x128xf32, #tpu.memory_space<vmem_shared>>
      tpu.enqueue_dma source(%dma_start3A_120 : memref<80x128xf32, #tpu.memory_space<vmem_shared>>) target(%dma_start3A_118 : memref<80x128xf32, #tpu.memory_space<hbm>>) target_semaphore(%run_scoped3A_115 : memref<!tpu.dma_semaphore, #tpu.memory_space<semaphore_mem>>)
      %dma_wait3A = arith.constant 0 : i32
      %dma_wait3A_121 = tpu.memref_slice %arg6[%arg0, %add3A_93, %dma_wait3A] : memref<2x10240x128xf32, #tpu.memory_space<hbm>> -> memref<1x80x128xf32, #tpu.memory_space<hbm>>
      %dma_wait3A_122 = tpu.memref_squeeze %dma_wait3A_121 : memref<1x80x128xf32, #tpu.memory_space<hbm>> -> memref<80x128xf32, #tpu.memory_space<hbm>>
      %dma_wait3A_123 = arith.constant 0 : i32
      %dma_wait3A_124 = tpu.memref_slice %arg8[%add3A_93, %dma_wait3A_123] : memref<10240x128xf32, #tpu.memory_space<vmem_shared>> -> memref<80x128xf32, #tpu.memory_space<vmem_shared>>
      tpu.wait_dma2 semaphore(%run_scoped3A_115 : memref<!tpu.dma_semaphore, #tpu.memory_space<semaphore_mem>>) src(%dma_wait3A_124 : memref<80x128xf32, #tpu.memory_space<vmem_shared>>) dst(%dma_wait3A_122 : memref<80x128xf32, #tpu.memory_space<hbm>>)
      tpu.yield
    }) : () -> ()
    %mul3A_94 = arith.constant 640 : i32
    %mul3A_95 = arith.muli %arg1, %mul3A_94 : i32
    %add3A_96 = arith.constant 320 : i32
    %add3A_97 = arith.addi %mul3A_95, %add3A_96 : i32
    "tpu.region"() ({
      %run_scoped3A_115 = tpu.sem_alloc : memref<!tpu.dma_semaphore, #tpu.memory_space<semaphore_mem>>
      %dma_start3A_116 = arith.constant 0 : i32
      %dma_start3A_117 = tpu.memref_slice %arg6[%arg0, %add3A_97, %dma_start3A_116] : memref<2x10240x128xf32, #tpu.memory_space<hbm>> -> memref<1x80x128xf32, #tpu.memory_space<hbm>>
      %dma_start3A_118 = tpu.memref_squeeze %dma_start3A_117 : memref<1x80x128xf32, #tpu.memory_space<hbm>> -> memref<80x128xf32, #tpu.memory_space<hbm>>
      %dma_start3A_119 = arith.constant 0 : i32
      %dma_start3A_120 = tpu.memref_slice %arg8[%add3A_97, %dma_start3A_119] : memref<10240x128xf32, #tpu.memory_space<vmem_shared>> -> memref<80x128xf32, #tpu.memory_space<vmem_shared>>
      tpu.enqueue_dma source(%dma_start3A_120 : memref<80x128xf32, #tpu.memory_space<vmem_shared>>) target(%dma_start3A_118 : memref<80x128xf32, #tpu.memory_space<hbm>>) target_semaphore(%run_scoped3A_115 : memref<!tpu.dma_semaphore, #tpu.memory_space<semaphore_mem>>)
      %dma_wait3A = arith.constant 0 : i32
      %dma_wait3A_121 = tpu.memref_slice %arg6[%arg0, %add3A_97, %dma_wait3A] : memref<2x10240x128xf32, #tpu.memory_space<hbm>> -> memref<1x80x128xf32, #tpu.memory_space<hbm>>
      %dma_wait3A_122 = tpu.memref_squeeze %dma_wait3A_121 : memref<1x80x128xf32, #tpu.memory_space<hbm>> -> memref<80x128xf32, #tpu.memory_space<hbm>>
      %dma_wait3A_123 = arith.constant 0 : i32
      %dma_wait3A_124 = tpu.memref_slice %arg8[%add3A_97, %dma_wait3A_123] : memref<10240x128xf32, #tpu.memory_space<vmem_shared>> -> memref<80x128xf32, #tpu.memory_space<vmem_shared>>
      tpu.wait_dma2 semaphore(%run_scoped3A_115 : memref<!tpu.dma_semaphore, #tpu.memory_space<semaphore_mem>>) src(%dma_wait3A_124 : memref<80x128xf32, #tpu.memory_space<vmem_shared>>) dst(%dma_wait3A_122 : memref<80x128xf32, #tpu.memory_space<hbm>>)
      tpu.yield
    }) : () -> ()
    %mul3A_98 = arith.constant 640 : i32
    %mul3A_99 = arith.muli %arg1, %mul3A_98 : i32
    %add3A_100 = arith.constant 400 : i32
    %add3A_101 = arith.addi %mul3A_99, %add3A_100 : i32
    "tpu.region"() ({
      %run_scoped3A_115 = tpu.sem_alloc : memref<!tpu.dma_semaphore, #tpu.memory_space<semaphore_mem>>
      %dma_start3A_116 = arith.constant 0 : i32
      %dma_start3A_117 = tpu.memref_slice %arg6[%arg0, %add3A_101, %dma_start3A_116] : memref<2x10240x128xf32, #tpu.memory_space<hbm>> -> memref<1x80x128xf32, #tpu.memory_space<hbm>>
      %dma_start3A_118 = tpu.memref_squeeze %dma_start3A_117 : memref<1x80x128xf32, #tpu.memory_space<hbm>> -> memref<80x128xf32, #tpu.memory_space<hbm>>
      %dma_start3A_119 = arith.constant 0 : i32
      %dma_start3A_120 = tpu.memref_slice %arg8[%add3A_101, %dma_start3A_119] : memref<10240x128xf32, #tpu.memory_space<vmem_shared>> -> memref<80x128xf32, #tpu.memory_space<vmem_shared>>
      tpu.enqueue_dma source(%dma_start3A_120 : memref<80x128xf32, #tpu.memory_space<vmem_shared>>) target(%dma_start3A_118 : memref<80x128xf32, #tpu.memory_space<hbm>>) target_semaphore(%run_scoped3A_115 : memref<!tpu.dma_semaphore, #tpu.memory_space<semaphore_mem>>)
      %dma_wait3A = arith.constant 0 : i32
      %dma_wait3A_121 = tpu.memref_slice %arg6[%arg0, %add3A_101, %dma_wait3A] : memref<2x10240x128xf32, #tpu.memory_space<hbm>> -> memref<1x80x128xf32, #tpu.memory_space<hbm>>
      %dma_wait3A_122 = tpu.memref_squeeze %dma_wait3A_121 : memref<1x80x128xf32, #tpu.memory_space<hbm>> -> memref<80x128xf32, #tpu.memory_space<hbm>>
      %dma_wait3A_123 = arith.constant 0 : i32
      %dma_wait3A_124 = tpu.memref_slice %arg8[%add3A_101, %dma_wait3A_123] : memref<10240x128xf32, #tpu.memory_space<vmem_shared>> -> memref<80x128xf32, #tpu.memory_space<vmem_shared>>
      tpu.wait_dma2 semaphore(%run_scoped3A_115 : memref<!tpu.dma_semaphore, #tpu.memory_space<semaphore_mem>>) src(%dma_wait3A_124 : memref<80x128xf32, #tpu.memory_space<vmem_shared>>) dst(%dma_wait3A_122 : memref<80x128xf32, #tpu.memory_space<hbm>>)
      tpu.yield
    }) : () -> ()
    %mul3A_102 = arith.constant 640 : i32
    %mul3A_103 = arith.muli %arg1, %mul3A_102 : i32
    %add3A_104 = arith.constant 480 : i32
    %add3A_105 = arith.addi %mul3A_103, %add3A_104 : i32
    "tpu.region"() ({
      %run_scoped3A_115 = tpu.sem_alloc : memref<!tpu.dma_semaphore, #tpu.memory_space<semaphore_mem>>
      %dma_start3A_116 = arith.constant 0 : i32
      %dma_start3A_117 = tpu.memref_slice %arg6[%arg0, %add3A_105, %dma_start3A_116] : memref<2x10240x128xf32, #tpu.memory_space<hbm>> -> memref<1x80x128xf32, #tpu.memory_space<hbm>>
      %dma_start3A_118 = tpu.memref_squeeze %dma_start3A_117 : memref<1x80x128xf32, #tpu.memory_space<hbm>> -> memref<80x128xf32, #tpu.memory_space<hbm>>
      %dma_start3A_119 = arith.constant 0 : i32
      %dma_start3A_120 = tpu.memref_slice %arg8[%add3A_105, %dma_start3A_119] : memref<10240x128xf32, #tpu.memory_space<vmem_shared>> -> memref<80x128xf32, #tpu.memory_space<vmem_shared>>
      tpu.enqueue_dma source(%dma_start3A_120 : memref<80x128xf32, #tpu.memory_space<vmem_shared>>) target(%dma_start3A_118 : memref<80x128xf32, #tpu.memory_space<hbm>>) target_semaphore(%run_scoped3A_115 : memref<!tpu.dma_semaphore, #tpu.memory_space<semaphore_mem>>)
      %dma_wait3A = arith.constant 0 : i32
      %dma_wait3A_121 = tpu.memref_slice %arg6[%arg0, %add3A_105, %dma_wait3A] : memref<2x10240x128xf32, #tpu.memory_space<hbm>> -> memref<1x80x128xf32, #tpu.memory_space<hbm>>
      %dma_wait3A_122 = tpu.memref_squeeze %dma_wait3A_121 : memref<1x80x128xf32, #tpu.memory_space<hbm>> -> memref<80x128xf32, #tpu.memory_space<hbm>>
      %dma_wait3A_123 = arith.constant 0 : i32
      %dma_wait3A_124 = tpu.memref_slice %arg8[%add3A_105, %dma_wait3A_123] : memref<10240x128xf32, #tpu.memory_space<vmem_shared>> -> memref<80x128xf32, #tpu.memory_space<vmem_shared>>
      tpu.wait_dma2 semaphore(%run_scoped3A_115 : memref<!tpu.dma_semaphore, #tpu.memory_space<semaphore_mem>>) src(%dma_wait3A_124 : memref<80x128xf32, #tpu.memory_space<vmem_shared>>) dst(%dma_wait3A_122 : memref<80x128xf32, #tpu.memory_space<hbm>>)
      tpu.yield
    }) : () -> ()
    %mul3A_106 = arith.constant 640 : i32
    %mul3A_107 = arith.muli %arg1, %mul3A_106 : i32
    %add3A_108 = arith.constant 560 : i32
    %add3A_109 = arith.addi %mul3A_107, %add3A_108 : i32
    "tpu.region"() ({
      %run_scoped3A_115 = tpu.sem_alloc : memref<!tpu.dma_semaphore, #tpu.memory_space<semaphore_mem>>
      %dma_start3A_116 = arith.constant 0 : i32
      %dma_start3A_117 = tpu.memref_slice %arg6[%arg0, %add3A_109, %dma_start3A_116] : memref<2x10240x128xf32, #tpu.memory_space<hbm>> -> memref<1x80x128xf32, #tpu.memory_space<hbm>>
      %dma_start3A_118 = tpu.memref_squeeze %dma_start3A_117 : memref<1x80x128xf32, #tpu.memory_space<hbm>> -> memref<80x128xf32, #tpu.memory_space<hbm>>
      %dma_start3A_119 = arith.constant 0 : i32
      %dma_start3A_120 = tpu.memref_slice %arg8[%add3A_109, %dma_start3A_119] : memref<10240x128xf32, #tpu.memory_space<vmem_shared>> -> memref<80x128xf32, #tpu.memory_space<vmem_shared>>
      tpu.enqueue_dma source(%dma_start3A_120 : memref<80x128xf32, #tpu.memory_space<vmem_shared>>) target(%dma_start3A_118 : memref<80x128xf32, #tpu.memory_space<hbm>>) target_semaphore(%run_scoped3A_115 : memref<!tpu.dma_semaphore, #tpu.memory_space<semaphore_mem>>)
      %dma_wait3A = arith.constant 0 : i32
      %dma_wait3A_121 = tpu.memref_slice %arg6[%arg0, %add3A_109, %dma_wait3A] : memref<2x10240x128xf32, #tpu.memory_space<hbm>> -> memref<1x80x128xf32, #tpu.memory_space<hbm>>
      %dma_wait3A_122 = tpu.memref_squeeze %dma_wait3A_121 : memref<1x80x128xf32, #tpu.memory_space<hbm>> -> memref<80x128xf32, #tpu.memory_space<hbm>>
      %dma_wait3A_123 = arith.constant 0 : i32
      %dma_wait3A_124 = tpu.memref_slice %arg8[%add3A_109, %dma_wait3A_123] : memref<10240x128xf32, #tpu.memory_space<vmem_shared>> -> memref<80x128xf32, #tpu.memory_space<vmem_shared>>
      tpu.wait_dma2 semaphore(%run_scoped3A_115 : memref<!tpu.dma_semaphore, #tpu.memory_space<semaphore_mem>>) src(%dma_wait3A_124 : memref<80x128xf32, #tpu.memory_space<vmem_shared>>) dst(%dma_wait3A_122 : memref<80x128xf32, #tpu.memory_space<hbm>>)
      tpu.yield
    }) : () -> ()
    %eq3A_110 = arith.constant 0 : i32
    %eq3A_111 = arith.cmpi eq, %arg1, %eq3A_110 : i32
    %convert_element_type3A_112 = arith.extui %eq3A_111 : i1 to i32
    %cond3A_113 = arith.constant 0 : i32
    %cond3A_114 = arith.cmpi ne, %convert_element_type3A_112, %cond3A_113 : i32
    scf.if %cond3A_114 {
      "tpu.region"() ({
        %run_scoped3A_115 = tpu.sem_alloc : memref<!tpu.dma_semaphore, #tpu.memory_space<semaphore_mem>>
        %dma_start3A_116 = arith.constant 0 : i32
        %dma_start3A_117 = arith.constant 0 : i32
        %dma_start3A_118 = tpu.memref_slice %arg7[%arg0, %dma_start3A_116, %dma_start3A_117] : memref<2x80x128xf32, #tpu.memory_space<hbm>> -> memref<1x80x128xf32, #tpu.memory_space<hbm>>
        %dma_start3A_119 = tpu.memref_squeeze %dma_start3A_118 : memref<1x80x128xf32, #tpu.memory_space<hbm>> -> memref<80x128xf32, #tpu.memory_space<hbm>>
        tpu.enqueue_dma source(%arg9 : memref<80x128xf32, #tpu.memory_space<vmem_shared>>) target(%dma_start3A_119 : memref<80x128xf32, #tpu.memory_space<hbm>>) target_semaphore(%run_scoped3A_115 : memref<!tpu.dma_semaphore, #tpu.memory_space<semaphore_mem>>)
        %dma_wait3A = arith.constant 0 : i32
        %dma_wait3A_120 = arith.constant 0 : i32
        %dma_wait3A_121 = tpu.memref_slice %arg7[%arg0, %dma_wait3A, %dma_wait3A_120] : memref<2x80x128xf32, #tpu.memory_space<hbm>> -> memref<1x80x128xf32, #tpu.memory_space<hbm>>
        %dma_wait3A_122 = tpu.memref_squeeze %dma_wait3A_121 : memref<1x80x128xf32, #tpu.memory_space<hbm>> -> memref<80x128xf32, #tpu.memory_space<hbm>>
        tpu.wait_dma2 semaphore(%run_scoped3A_115 : memref<!tpu.dma_semaphore, #tpu.memory_space<semaphore_mem>>) src(%arg9 : memref<80x128xf32, #tpu.memory_space<vmem_shared>>) dst(%dma_wait3A_122 : memref<80x128xf32, #tpu.memory_space<hbm>>)
        tpu.yield
      }) : () -> ()
    } else {
    }
    return
  }
}

module attributes {stable_mosaic.version = 14 : i64} {
  func.func @_k1_body(%arg0: i32, %arg1: memref<20000x128xf32, #tpu.memory_space<vmem>>, %arg2: memref<1x128xf32, #tpu.memory_space<vmem>>, %arg3: memref<1x1x20000xf32, #tpu.memory_space<vmem>>, %arg4: memref<1x128xf32, #tpu.memory_space<vmem>>) attributes {dimension_semantics = [#tpu.dimension_semantics<arbitrary>], iteration_bounds = array<i64: 16>, scalar_prefetch = 0 : i64, scratch_operands = 0 : i64, tpu.core_type = #tpu.core_type<tc>, window_params = [{transform_indices = @transform_0, window_bounds = array<i64: 20000, 128>}, {pipeline_mode = #tpu.pipeline_mode<synchronous>, transform_indices = @transform_1, window_bounds = array<i64: 1, 128>}, {transform_indices = @transform_2, window_bounds = array<i64: 1, 1, 20000>}, {pipeline_mode = #tpu.pipeline_mode<synchronous>, transform_indices = @transform_3, window_bounds = array<i64: 1, 128>}]} {
    %get3A = arith.constant 0 : index
    %get3A_0 = arith.constant 0 : index
    %get3A_1 = vector.load %arg2[%get3A, %get3A_0] : memref<1x128xf32, #tpu.memory_space<vmem>>, vector<1x128xf32>
    %get3A_2 = arith.constant 0 : index
    %get3A_3 = arith.constant 0 : index
    %get3A_4 = vector.load %arg1[%get3A_2, %get3A_3] : memref<20000x128xf32, #tpu.memory_space<vmem>>, vector<20000x128xf32>
    %dot_general3A = arith.constant dense<0.000000e+00> : vector<1x20000xf32>
    %dot_general3A_5 = tpu.matmul %get3A_1, %get3A_4, %dot_general3A {dimension_numbers = #tpu.dot_dimension_numbers<[1], [1], [0], [0], [0, 0, 1, 0], [], []>, transpose_lhs_hint = false} : vector<1x128xf32>, vector<20000x128xf32>, vector<1x20000xf32> -> vector<1x20000xf32>
    %broadcast_in_dim3A = vector.shape_cast %dot_general3A_5 : vector<1x20000xf32> to vector<1x1x20000xf32>
    %swap3A = arith.constant 0 : index
    %swap3A_6 = arith.constant 0 : index
    %swap3A_7 = arith.constant 0 : index
    %swap3A_8 = vector.load %arg3[%swap3A, %swap3A_6, %swap3A_7] : memref<1x1x20000xf32, #tpu.memory_space<vmem>>, vector<1x1x20000xf32>
    tpu.vector_store %arg3[%swap3A, %swap3A_6, %swap3A_7], %broadcast_in_dim3A {strides = array<i32>} : memref<1x1x20000xf32, #tpu.memory_space<vmem>>, vector<1x1x20000xf32>,
    %reduce_max3A = vector.shape_cast %dot_general3A_5 : vector<1x20000xf32> to vector<1x1x20000xf32>
    %reduce_max3A_9 = arith.constant dense<0xFF800000> : vector<1xf32>
    %reduce_max3A_10 = vector.multi_reduction <maximumf>, %reduce_max3A, %reduce_max3A_9 [1, 2] : vector<1x1x20000xf32> to vector<1xf32>
    %reduce_max3A_11 = vector.shape_cast %reduce_max3A_10 : vector<1xf32> to vector<1x1x1xf32>
    %reduce_max3A_12 = vector.extract %reduce_max3A_11[0, 0, 0] : f32 from vector<1x1x1xf32>
    %eq3A = arith.constant 0 : i32
    %eq3A_13 = arith.cmpi eq, %arg0, %eq3A : i32
    %convert_element_type3A = arith.extui %eq3A_13 : i1 to i32
    %cond3A = arith.constant 0 : i32
    %cond3A_14 = arith.cmpi ne, %convert_element_type3A, %cond3A : i32
    scf.if %cond3A_14 {
      %broadcast_in_dim3A_19 = vector.broadcast %reduce_max3A_12 : f32 to vector<1x128xf32>
      %swap3A_20 = arith.constant 0 : index
      %swap3A_21 = arith.constant 0 : index
      %swap3A_22 = vector.load %arg4[%swap3A_20, %swap3A_21] : memref<1x128xf32, #tpu.memory_space<vmem>>, vector<1x128xf32>
      tpu.vector_store %arg4[%swap3A_20, %swap3A_21], %broadcast_in_dim3A_19 {strides = array<i32>} : memref<1x128xf32, #tpu.memory_space<vmem>>, vector<1x128xf32>,
    } else {
    }
    %gt3A = arith.constant 0 : i32
    %gt3A_15 = arith.cmpi sgt, %arg0, %gt3A : i32
    %convert_element_type3A_16 = arith.extui %gt3A_15 : i1 to i32
    %cond3A_17 = arith.constant 0 : i32
    %cond3A_18 = arith.cmpi ne, %convert_element_type3A_16, %cond3A_17 : i32
    scf.if %cond3A_18 {
      %get3A_19 = arith.constant 0 : index
      %get3A_20 = arith.constant 0 : index
      %get3A_21 = vector.load %arg4[%get3A_19, %get3A_20] : memref<1x128xf32, #tpu.memory_space<vmem>>, vector<1x128xf32>
      %max3A = vector.broadcast %reduce_max3A_12 : f32 to vector<1x128xf32>
      %max3A_22 = arith.maximumf %get3A_21, %max3A : vector<1x128xf32>
      %swap3A_23 = arith.constant 0 : index
      %swap3A_24 = arith.constant 0 : index
      %swap3A_25 = vector.load %arg4[%swap3A_23, %swap3A_24] : memref<1x128xf32, #tpu.memory_space<vmem>>, vector<1x128xf32>
      tpu.vector_store %arg4[%swap3A_23, %swap3A_24], %max3A_22 {strides = array<i32>} : memref<1x128xf32, #tpu.memory_space<vmem>>, vector<1x128xf32>,
    } else {
    }
    return
  }
  func.func @transform_0(%arg0: i32) -> (i32, i32) {
    %c0_i32 = arith.constant 0 : i32
    %c0_i32_0 = arith.constant 0 : i32
    return %arg0, %c0_i32 : i32, i32
  }
  func.func @transform_1(%arg0: i32) -> (i32, i32) {
    %c0_i32 = arith.constant 0 : i32
    %c0_i32_0 = arith.constant 0 : i32
    %c0_i32_1 = arith.constant 0 : i32
    return %c0_i32, %c0_i32_0 : i32, i32
  }
  func.func @transform_2(%arg0: i32) -> (i32, i32, i32) {
    %c0_i32 = arith.constant 0 : i32
    %c0_i32_0 = arith.constant 0 : i32
    %c0_i32_1 = arith.constant 0 : i32
    return %arg0, %c0_i32, %c0_i32_0 : i32, i32, i32
  }
  func.func @transform_3(%arg0: i32) -> (i32, i32) {
    %c0_i32 = arith.constant 0 : i32
    %c0_i32_0 = arith.constant 0 : i32
    %c0_i32_1 = arith.constant 0 : i32
    return %c0_i32, %c0_i32_0 : i32, i32
  }
}

module attributes {stable_mosaic.version = 14 : i64} {
  func.func @_k3_body(%arg0: i32, %arg1: memref<2x1000x128xf32, #tpu.memory_space<vmem>>, %arg2: memref<2x1000x1xf32, #tpu.memory_space<vmem>>, %arg3: memref<128x128xf32, #tpu.memory_space<vmem>>, %arg4: memref<1000x128xf32, #tpu.memory_space<vmem>>) attributes {dimension_semantics = [#tpu.dimension_semantics<arbitrary>], iteration_bounds = array<i64: 10>, scalar_prefetch = 0 : i64, scratch_operands = 0 : i64, tpu.core_type = #tpu.core_type<tc>, window_params = [{transform_indices = @transform_0, window_bounds = array<i64: 2, 1000, 128>}, {transform_indices = @transform_1, window_bounds = array<i64: 2, 1000, 1>}, {pipeline_mode = #tpu.pipeline_mode<synchronous>, transform_indices = @transform_2, window_bounds = array<i64: 128, 128>}, {transform_indices = @transform_3, window_bounds = array<i64: 1000, 128>}]} {
    %get3A = arith.constant 0 : index
    %get3A_0 = arith.constant 0 : index
    %get3A_1 = arith.constant 0 : index
    %get3A_2 = vector.load %arg1[%get3A, %get3A_0, %get3A_1] : memref<2x1000x128xf32, #tpu.memory_space<vmem>>, vector<1x1000x128xf32>
    %get3A_3 = vector.shape_cast %get3A_2 : vector<1x1000x128xf32> to vector<1000x128xf32>
    %get3A_4 = arith.constant 1 : index
    %get3A_5 = arith.constant 0 : index
    %get3A_6 = arith.constant 0 : index
    %get3A_7 = vector.load %arg1[%get3A_4, %get3A_5, %get3A_6] : memref<2x1000x128xf32, #tpu.memory_space<vmem>>, vector<1x1000x128xf32>
    %get3A_8 = vector.shape_cast %get3A_7 : vector<1x1000x128xf32> to vector<1000x128xf32>
    %add3A = arith.addf %get3A_3, %get3A_8 : vector<1000x128xf32>
    %get3A_9 = arith.constant 0 : index
    %get3A_10 = arith.constant 0 : index
    %get3A_11 = arith.constant 0 : index
    %get3A_12 = vector.load %arg2[%get3A_9, %get3A_10, %get3A_11] : memref<2x1000x1xf32, #tpu.memory_space<vmem>>, vector<1x1000x1xf32>
    %get3A_13 = vector.shape_cast %get3A_12 : vector<1x1000x1xf32> to vector<1000x1xf32>
    %get3A_14 = arith.constant 1 : index
    %get3A_15 = arith.constant 0 : index
    %get3A_16 = arith.constant 0 : index
    %get3A_17 = vector.load %arg2[%get3A_14, %get3A_15, %get3A_16] : memref<2x1000x1xf32, #tpu.memory_space<vmem>>, vector<1x1000x1xf32>
    %get3A_18 = vector.shape_cast %get3A_17 : vector<1x1000x1xf32> to vector<1000x1xf32>
    %add3A_19 = arith.addf %get3A_13, %get3A_18 : vector<1000x1xf32>
    %gt3A = arith.constant 0.000000e+00 : f32
    %gt3A_20 = vector.broadcast %gt3A : f32 to vector<1000x1xf32>
    %gt3A_21 = arith.cmpf ogt, %add3A_19, %gt3A_20 : vector<1000x1xf32>
    %div3A = vector.broadcast %add3A_19 : vector<1000x1xf32> to vector<1000x128xf32>
    %div3A_22 = arith.divf %add3A, %div3A : vector<1000x128xf32>
    %jit3A = arith.constant 0.000000e+00 : f32
    %broadcast_in_dim3A = vector.shape_cast %gt3A_21 : vector<1000x1xi1> to vector<1000x1xi1>
    %broadcast_in_dim3A_23 = vector.broadcast %broadcast_in_dim3A : vector<1000x1xi1> to vector<1000x128xi1>
    %broadcast_in_dim3A_24 = vector.broadcast %jit3A : f32 to vector<1000x128xf32>
    %select_n3A = arith.select %broadcast_in_dim3A_23, %div3A_22, %broadcast_in_dim3A_24 : vector<1000x128xi1>, vector<1000x128xf32>
    %get3A_25 = arith.constant 0 : index
    %get3A_26 = arith.constant 0 : index
    %get3A_27 = vector.load %arg3[%get3A_25, %get3A_26] : memref<128x128xf32, #tpu.memory_space<vmem>>, vector<128x128xf32>
    %dot_general3A = arith.constant dense<0.000000e+00> : vector<1000x128xf32>
    %dot_general3A_28 = tpu.matmul %select_n3A, %get3A_27, %dot_general3A {dimension_numbers = #tpu.dot_dimension_numbers<[1], [1], [0], [0], [0, 0, 1, 0], [], []>, transpose_lhs_hint = false} : vector<1000x128xf32>, vector<128x128xf32>, vector<1000x128xf32> -> vector<1000x128xf32>
    %swap3A = arith.constant 0 : index
    %swap3A_29 = arith.constant 0 : index
    %swap3A_30 = vector.load %arg4[%swap3A, %swap3A_29] : memref<1000x128xf32, #tpu.memory_space<vmem>>, vector<1000x128xf32>
    tpu.vector_store %arg4[%swap3A, %swap3A_29], %dot_general3A_28 {strides = array<i32>} : memref<1000x128xf32, #tpu.memory_space<vmem>>, vector<1000x128xf32>,
    return
  }
  func.func @transform_0(%arg0: i32) -> (i32, i32, i32) {
    %c0_i32 = arith.constant 0 : i32
    %c0_i32_0 = arith.constant 0 : i32
    %c0_i32_1 = arith.constant 0 : i32
    return %c0_i32, %arg0, %c0_i32_0 : i32, i32, i32
  }
  func.func @transform_1(%arg0: i32) -> (i32, i32, i32) {
    %c0_i32 = arith.constant 0 : i32
    %c0_i32_0 = arith.constant 0 : i32
    %c0_i32_1 = arith.constant 0 : i32
    return %c0_i32, %arg0, %c0_i32_0 : i32, i32, i32
  }
  func.func @transform_2(%arg0: i32) -> (i32, i32) {
    %c0_i32 = arith.constant 0 : i32
    %c0_i32_0 = arith.constant 0 : i32
    %c0_i32_1 = arith.constant 0 : i32
    return %c0_i32, %c0_i32_0 : i32, i32
  }
  func.func @transform_3(%arg0: i32) -> (i32, i32) {
    %c0_i32 = arith.constant 0 : i32
    %c0_i32_0 = arith.constant 0 : i32
    return %arg0, %c0_i32 : i32, i32
  }
}

</mosaic_0001>

<sc_bundles>
// kernel: kernel.5.cloned.1.call-start
scs
__scs_entry_jumppad:
0x0: {  	(pc) =	sbr.rel $0x88, $3  }
0x1: {  	(tag) =	ssettag $0x0;
	lr =	simm.s32 $0x1  }
0x2: {  	[smem:$0x3F9D] =	sst lr;
	_ =	strace $0xD0000000  }
0x3: {  	_ = 	snop  }
0x4: {  	_ = 	snop  }
0x5: {  	_ = 	snop  }
0x6: {  	_ = 	snop  }
0x7: {  	_ = 	snop  }
__scs_overlays_trampoline_lowered:
0x8: {  	[smem:$0x3FAC] =	sst s0  }
0x9: {  	[smem:$0x3FAD] =	sst s1  }
0xa: {  	[smem:$0x3FAE] =	sst s2  }
0xb: {  	[smem:$0x3FAF] =	sst s3  }
0xc: {  	[smem:$0x3FB0] =	sst s4  }
0xd: {  	[smem:$0x3FB1] =	sst s5  }
0xe: {  	[smem:$0x3FB2] =	sst s6  }
0xf: {  	[smem:$0x3FB3] =	sst s7  }
0x10: {  	[smem:$0x3FB4] =	sst s8  }
0x11: {  	[smem:$0x3FB5] =	sst s9;
	s0 =	simm.s32 @!p0 $0x0  }
0x12: {  	s1 =	sld [smem:$0x3F9B];
	s0 =	simm.s32 @p0 $0x1  }
0x13: {  	[smem:$0x3FB6] =	sst s0;
	s0 =	simm.s32 @!p1 $0x0  }
0x14: {  	s2 =	sld [smem:$0x3F9A];
	s0 =	simm.s32 @p1 $0x1  }
0x15: {  	[smem:$0x3FB7] =	sst s0;
	s0 =	simm.s32 @!p2 $0x0  }
0x16: {  	s3 =	sld [smem:$0x3FDB];
	s0 =	simm.s32 @p2 $0x1  }
0x17: {  	s4 =	simm.s32 $0x1BF5;
	[smem:$0x3FB9] =	sst s0  }
0x18: {  	s0 =	sld [smem:$0x3F9C];
	_ =	swait.ge [sflag:s4], $0x0  }
0x19: {  	s7 =	sld [smem:$0x3F9D]  }
0x1a: {  	s8 =	sadd.s32 $0xFFFFE003, lr  }
0x1b: {  	s9 =	sadd.s32 $0xFFFFFEF7, lr;
	s5 =	simm.s32 $0xFFFFFFFF;
	p2 =	slt.u32 s8, $0xFFFFF086  }
0x1c: {  	p1 =	slt.u32 s9, $0xF7A;
	s5 =	simm.s32 @!p2 $0x0  }
0x1d: {  	s5 =	simm.s32 @p1 $0x1;
	p0 =	seq.s32 s7, s2  }
0x1e: {  	s7 =	smul.u32 @!p0 $0xF7A, s2;
	p2 =	seq.s32 @!p0 s5, $0x0  }
0x1f: {  	s9 =	smul.u32 $0xF7A, s1;
	s8 =	simm.s32 @!p0 $0x1BF5;
	p2 =	por !p2, p0  }
0x20: {  	[sflag:s8] =	ssyncset.s32 @!p0 $0xFFFFF086;
	s6 =	sadd.s32 @!p0 s3, s7;
	s7 =	simm.s32 @!p0 $0x108  }
0x21: {  	s3 =	sadd.s32 s3, s9;
	s6 =	sadd.s32 @!p0 $0x88, s6;
	s7 =	simm.s32 @p2 $0x1082  }
0x22: {  	[simem:s7], [sflag:s8] =	dma.local @!p0 [hbm:s6], $0xF7A  }
0x23: {  	s9 =	sor.u32 $0xD0000000, s2;
	s6 =	simm.s32 $0x108;
	_ =	swait.ge @!p0 [sflag:s8], $0x0  }
0x24: {  	s3 =	sadd.s32 $0x88, s3;
	s6 =	simm.s32 @!p1 $0x1082;
	[sflag:s4] =	ssyncset.s32 $0xFFFFF086  }
0x25: {  	[simem:s6], [sflag:s4] =	dma.local [hbm:s3], $0xF7A  }
0x26: {  	[smem:$0x3F9D] =	sst s1;
	(tag) =	ssettag s2;
	_ =	strace s9  }
0x27: {  	s1 =	sld [smem:$0x3FAD]  }
0x28: {  	s2 =	sld [smem:$0x3FAE]  }
0x29: {  	s4 =	sld [smem:$0x3FB0]  }
0x2a: {  	p0 =	seq.s32 s5, $0x0;
	s5 =	sld [smem:$0x3FB1]  }
0x2b: {  	s6 =	sld [smem:$0x3FB2]  }
0x2c: {  	s7 =	sld [smem:$0x3FB3]  }
0x2d: {  	s3 =	simm.s32 $0x108;
	s8 =	sld [smem:$0x3FB4]  }
0x2e: {  	s3 =	simm.s32 @!p0 $0x1082;
	s9 =	sld [smem:$0x3FB5]  }
0x2f: {  	lr =	sadd.s32 s0, s3;
	s0 =	sld [smem:$0x3FAC]  }
0x30: {  	s3 =	sld [smem:$0x3FAF]  }
0x31: {  	[smem:$0x3FB8] =	sst s10  }
0x32: {  	s10 =	sld [smem:$0x3FB6];
	_ =	sdelay $0x3  }
0x33: {  	p0 =	seq.s32 s10, $0x1;
	s10 =	sld [smem:$0x3FB8];
	_ =	sdelay $0x3  }
0x34: {  	[smem:$0x3FB8] =	sst s10  }
0x35: {  	s10 =	sld [smem:$0x3FB7];
	_ =	sdelay $0x3  }
0x36: {  	p1 =	seq.s32 s10, $0x1;
	s10 =	sld [smem:$0x3FB8];
	_ =	sdelay $0x3  }
0x37: {  	[smem:$0x3FB8] =	sst s10  }
0x38: {  	s10 =	sld [smem:$0x3FB9]  }
0x39: {  	_ = 	snop;
	(pc) =	sbr.ind lr, $3  }
0x3a: {  	_ = 	snop  }
0x3b: {  	_ = 	snop  }
0x3c: {  	p2 =	seq.s32 s10, $0x1;
	s10 =	sld [smem:$0x3FB8]  }
0x3d: {  	_ =	shalt  }
0x3e: {  	_ =	shalt  }
0x3f: {  	_ =	shalt  }
0x40: {  	_ =	shalt  }
0x41: {  	_ =	shalt  }
0x42: {  	_ =	shalt  }
0x43: {  	_ =	shalt  }
0x44: {  	_ =	shalt  }
0x45: {  	_ =	shalt  }
0x46: {  	_ =	shalt  }
0x47: {  	_ =	shalt  }
0x48: {  	_ =	shalt  }
0x49: {  	_ =	shalt  }
0x4a: {  	_ =	shalt  }
0x4b: {  	_ =	shalt  }
0x4c: {  	_ =	shalt  }
0x4d: {  	_ =	shalt  }
0x4e: {  	_ =	shalt  }
0x4f: {  	_ =	shalt  }
0x50: {  	_ =	shalt  }
0x51: {  	_ =	shalt  }
0x52: {  	_ =	shalt  }
0x53: {  	_ =	shalt  }
0x54: {  	_ =	shalt  }
0x55: {  	_ =	shalt  }
0x56: {  	_ =	shalt  }
0x57: {  	_ =	shalt  }
0x58: {  	_ =	shalt  }
0x59: {  	_ =	shalt  }
0x5a: {  	_ =	shalt  }
0x5b: {  	_ =	shalt  }
0x5c: {  	_ =	shalt  }
0x5d: {  	_ =	shalt  }
0x5e: {  	_ =	shalt  }
0x5f: {  	_ =	shalt  }
0x60: {  	_ =	shalt  }
0x61: {  	_ =	shalt  }
0x62: {  	_ =	shalt  }
0x63: {  	_ =	shalt  }
0x64: {  	_ =	shalt  }
0x65: {  	_ =	shalt  }
0x66: {  	_ =	shalt  }
0x67: {  	_ =	shalt  }
0x68: {  	_ =	shalt  }
0x69: {  	_ =	shalt  }
0x6a: {  	_ =	shalt  }
0x6b: {  	_ =	shalt  }
0x6c: {  	_ =	shalt  }
0x6d: {  	_ =	shalt  }
0x6e: {  	_ =	shalt  }
0x6f: {  	_ =	shalt  }
0x70: {  	_ =	shalt  }
0x71: {  	_ =	shalt  }
0x72: {  	_ =	shalt  }
0x73: {  	_ =	shalt  }
0x74: {  	_ =	shalt  }
0x75: {  	_ =	shalt  }
0x76: {  	_ =	shalt  }
0x77: {  	_ =	shalt  }
0x78: {  	_ =	shalt  }
0x79: {  	_ =	shalt  }
0x7a: {  	_ =	shalt  }
0x7b: {  	_ =	shalt  }
0x7c: {  	_ =	shalt  }
0x7d: {  	_ =	shalt  }
0x7e: {  	_ =	shalt  }
0x7f: {  	_ =	shalt  }
0x80: {  	_ =	shalt  }
0x81: {  	_ =	shalt  }
0x82: {  	_ =	shalt  }
0x83: {  	_ =	shalt  }
0x84: {  	_ =	shalt  }
0x85: {  	_ =	shalt  }
0x86: {  	_ =	shalt  }
0x87: {  	_ =	shalt  }
.Lfunc_end0:
.L_simem_size_0:
called_computation_lowered:
.L_overlay_start_0:
0x88: {  	s2 =	sld [smem:$0x3FD9]  }
0x89: {  	s3 =	sld [smem:$0x3FFE];
	_ =	sdelay $0x1  }
0x8a: {  	s1 =	srdreg.scid  }
0x8b: {  	s0 =	sand.u32 $0x1, s1  }
0x8c: {  	s17 =	sshll.u32 s0, $0xA;
	s2 =	sadd.s32 s3, s2  }
0x8d: {  	s2 =	sadd.s32 s2, s17  }
0x8e: {  	[smem:$0x3FC4] =	sst s2  }
0x8f: {  	_ = 	snop  }
0x90: {  	s2 =	sld [smem:$0x3FC9]  }
0x91: {  	s18 =	sld [smem:$0x3FC8]  }
0x92: {  	s4 =	sld [smem:$0x3FD0];
	(tm) =	ssettm $0x1  }
0x93: {  	s5 =	sld [smem:$0x3FFB];
	_ =	sdelay $0x3  }
0x94: {  	_ =	strace s5  }
0x95: {  	s5 =	sld [smem:$0x3FFC];
	_ =	sdelay $0x3  }
0x96: {  	_ =	strace s5  }
0x97: {  	s5 =	sld [smem:$0x3FFD];
	_ =	sdelay $0x3  }
0x98: {  	_ =	strace s5  }
0x99: {  	_ =	strace $0x8FFFFFFF  }
0x9a: {  	s19 =	sld [smem:$0x3FDB];
	_ =	sdelay $0x1  }
0x9b: {  	s6 =	simm.s32 $_scs_section_size  }
0x9c: {  	s7 =	simm.s32 $_size__tile_overlayer_lowered;
	s8 =	simm.s32 $_tile_overlayer_lowered  }
0x9d: {  	s22 =	simm.s32 $0x1BFF;
	s21 =	sshll.u32 s8, $0x1;
	s5 =	sadd.s32 s6, s19  }
0x9e: {  	s9 =	simm.s32 $0x0;
	s20 =	sshll.u32 s7, $0x1;
	s7 =	sadd.s32 s21, s5  }
0x9f: {  	[timem:s9], [sflag:s22] =	dma.local [hbm:s7], s20  }
0xa0: {  	_ =	swait.ge [sflag:s22], s20  }
0xa1: {  	s6 =	ssub.s32 $0x0, s20;
	[sflag:s22] =	ssyncset.done $0x0  }
0xa2: {  	[sflag:s22] =	ssyncadd.s32 s6;
	_ =	sdelay $0x1  }
0xa3: {  	s23 =	simm.s32 $0x1B8B  }
0xa4: {  	_ =	swait.ge [sflag:s23], $0x1  }
0xa5: {  	[sflag:s23] =	ssyncset.done $0x0  }
0xa6: {  	s25 =	simm.s32 $0x1B8E;
	s24 =	sld [smem:$0x3FFE];
	[sflag:s23] =	ssyncadd.s32 $0xFFFFFFFF  }
0xa7: {  	s26 =	simm.s32 $execute0_lowered;
	[smem:$0x3FD2] =	sst s25  }
0xa8: {  	s7 =	sshll.u32 s26, $0x1;
	_ =	strace $0x80000046;
	[dreg:$0x1] =	wrdreg $0xFFFFFFFF  }
0xa9: {  	s28 =	simm.s32 $_size_execute0_lowered;
	s5 =	sadd.s32 s5, s7;
	[dreg:$0x0] =	wrdreg $0x0  }
0xaa: {  	s7 =	sshll.u32 s28, $0x1;
	[dreg:$0x2] =	wrdreg s5  }
0xab: {  	[dreg:$0x3] =	wrdreg s7  }
0xac: {  	[dreg:$0x4] =	wrdreg $0xC0  }
0xad: {  	_ =	task [dreg:s9], $0x5FFFF  }
0xae: {  	[dreg:$0x1] =	wrdreg $0xFFFFFFFF  }
0xaf: {  	[dreg:$0x0] =	wrdreg $0x60  }
0xb0: {  	[dreg:$0x2] =	wrdreg s2  }
0xb1: {  	[dreg:$0x3] =	wrdreg s18  }
0xb2: {  	[dreg:$0x4] =	wrdreg s4  }
0xb3: {  	[dreg:$0x5] =	wrdreg s24  }
0xb4: {  	[dreg:$0x6] =	wrdreg $0x0  }
0xb5: {  	[dreg:$0x7] =	wrdreg $0x140000  }
0xb6: {  	[dreg:$0x8] =	wrdreg $0x9  }
0xb7: {  	_ =	task.clear_ibuf [dreg:s9], $0x9FFFF;
	_ =	strace $0x90000046  }
0xb8: {  	s29 =	simm.s32 $0x9;
	_ =	strace $0x80000048  }
0xb9: {  	_ =	swait.ge [sflag:s29], $0x1  }
0xba: {  	[sflag:s29] =	ssyncadd.s32 $0xFFFFFFFF  }
0xbb: {  	_ =	strace $0x90000048  }
0xbc: {  	_ =	sfence  }
0xbd: {  	s30 =	sld [smem:$0x0];
	_ =	sdelay $0x2  }
0xbe: {  	s31 =	sshll.u32 s1, $0xD;
	s1 =	sshrl.u32 s1, $0x2  }
0xbf: {  	s3 =	sand.u32 $0x4000, s31;
	s1 =	sadd.s32 s1, s30  }
0xc0: {  	s0 =	sor.u32 s3, s0;
	s1 =	sshll.u32 s1, $0x11  }
0xc1: {  	s0 =	sor.u32 s1, s0  }
0xc2: {  	s0 =	sadd.s32 $0x8F2B, s0  }
0xc3: {  	[sflag:s0] =	ssyncadd.remote.s32 $0x1  }
0xc4: {  	_ =	sfence.sel $0xFFFF  }
0xc5: {  	[dreg:$0x0] =	wrdreg $0xFFFFFFFF;
	(pc) =	sbr.abs _section_cstart, $3  }
0xc6: {  	[dreg:$0x1] =	wrdreg $0xFFFFFFFF  }
0xc7: {  	_ =	task.clear_ibuf [dreg:s9], $0x2FFFF;
	_ =	strace $0x9FFFFFFF  }
0xc8: {  	(tm) =	ssettm $0x7FFFFFFF  }
0xc9: {  	_ =	shalt  }
tec
execute0_lowered:
.L_overlay_start_1:
0x0: {  	(tag) =	ssettag $0x1  }
0x1: {  	s0 =	rddreg [dreg:$0x0]  }
0x2: {  	s1 =	rddreg [dreg:$0x1]  }
0x3: {  	s2 =	rddreg [dreg:$0x2]  }
0x4: {  	s4 =	rddreg [dreg:$0x3]  }
0x5: {  	s3 =	rddreg [dreg:$0x4]  }
0x6: {  	s5 =	srdreg.scid;
	s23 =	rddreg [dreg:$0x5];
	s7 =	simm.s32 $0x0  }
0x7: {  	s19 =	stileid.u32;
	s28 =	simm.s32 $0x3;
	s5 =	sand.u32 $0x1, s5  }
0x8: {  	[smem:$0x7FF] =	sst s7;
	s8 =	smul.u32 $0x14000, s19;
	s9 =	sadd.s32 $0x1A00, s4  }
0x9: {  	p0 =	sne.s32 s19, $0x0;
	s6 =	ssub.s32 $0x2, s5;
	s7 =	smul.u32 $0x140000, s5  }
0xa: {  	s18 =	sshrl.u32 s6, $0x1;
	s10 =	sor.u32 $0x2800, s8;
	s11 =	sadd.s32 $0x5000, s8  }
0xb: {  	s12 =	sadd.s32 $0x7800, s8;
	s13 =	sadd.s32 $0xA000, s8;
	s14 =	sadd.s32 $0xC800, s8  }
0xc: {  	s16 =	sadd.s32 $0xF000, s8;
	s6 =	ssub.s32 s6, s18;
	s15 =	sadd.s32 s8, s7  }
0xd: {  	s8 =	sadd.s32 $0x11800, s8;
	s20 =	sadd.s32 s7, s10;
	s17 =	sadd.s32 s7, s11  }
0xe: {  	s18 =	sadd.s32 s7, s12;
	s24 =	sadd.s32 s7, s13;
	s25 =	sadd.s32 s7, s14  }
0xf: {  	s26 =	sadd.s32 s7, s16;
	s15 =	sshrl.u32 s15, $0x3;
	s17 =	sshrl.u32 s17, $0x3  }
0x10: {  	s22 =	sshrl.u32 s18, $0x3;
	s7 =	sadd.s32 s7, s8;
	s18 =	sadd.s32 s16, s3  }
0x11: {  	s8 =	sadd.s32 s8, s3;
	s16 =	simm.s32 $0x1BE00;
	s15 =	sadd.s32 s9, s15  }
0x12: {  	s21 =	sadd.s32 s9, s17;
	s17 =	sshrl.u32 s25, $0x3;
	[dreg:$0x7] =	wrdreg s15  }
0x13: {  	s15 =	sshrl.u32 s20, $0x3;
	[dreg:$0x9] =	wrdreg s21;
	s20 =	sadd.s32 s9, s17  }
0x14: {  	s7 =	sshrl.u32 s7, $0x3;
	s15 =	sadd.s32 s9, s15;
	[dreg:$0xc] =	wrdreg s20  }
0x15: {  	s21 =	sshrl.u32 s26, $0x3;
	[dreg:$0x8] =	wrdreg s15;
	s15 =	sadd.s32 s9, s22  }
0x16: {  	s7 =	sadd.s32 s9, s7;
	[dreg:$0xa] =	wrdreg s15;
	s15 =	sshrl.u32 s24, $0x3  }
0x17: {  	[dreg:$0xe] =	wrdreg s7;
	s22 =	smul.u32 $0x500, s5;
	s15 =	sadd.s32 s9, s15  }
0x18: {  	s25 =	sshll.u32 s5, $0x4;
	[dreg:$0xb] =	wrdreg s15;
	s15 =	sadd.s32 s9, s21  }
0x19: {  	s7 =	sadd.s32 s22, s4;
	s4 =	sadd.s32 $0xE00, s4;
	[dreg:$0xd] =	wrdreg s15  }
0x1a: {  	s9 =	sadd.s32 s10, s3;
	_ =	strace $0x80000047;
	[dreg:$0xf] =	wrdreg s4  }
0x1b: {  	s17 =	sadd.s32 s14, s3;
	s10 =	sadd.s32 s11, s3;
	[dreg:$0x10] =	wrdreg s9  }
0x1c: {  	s24 =	smul.u32 $0x50000, s19;
	s11 =	sadd.s32 s12, s3;
	[dreg:$0x11] =	wrdreg s10  }
0x1d: {  	s14 =	simm.s32 $0x1BC80;
	s15 =	sadd.s32 s13, s3;
	[dreg:$0x12] =	wrdreg s11  }
0x1e: {  	s5 =	simm.s32 $0x19280;
	s26 =	sshrl.u32 s24, $0x2;
	[dreg:$0x13] =	wrdreg s15  }
0x1f: {  	s20 =	sadd.s32 s26, s3;
	s26 =	smax.u32 s6, $0x1;
	[dreg:$0x14] =	wrdreg s17  }
0x20: {  	s6 =	simm.s32 $0x7;
	s13 =	simm.s32 $0x1BB80;
	[dreg:$0x15] =	wrdreg s18  }
0x21: {  	s4 =	sor.u32 s19, s25;
	[dreg:$0x16] =	wrdreg s8;
	s25 =	sadd.s32 $0x1000, s7  }
0x22: {  	[dreg:$0x1b] =	wrdreg s26;
	s7 =	simm.s32 $0x14280;
	s8 =	simm.s32 $0x1BA80  }
0x23: {  	s9 =	simm.s32 $0x1BC00;
	s10 =	simm.s32 $0x50;
	s12 =	smul.u32 $0x2710, s4  }
0x24: {  	s11 =	simm.s32 $0x16A80;
	s15 =	simm.s32 $0x1;
	s4 =	smul.u32 $0x27100, s4  }
0x25: {  	s26 =	simm.s32 $0x4;
	[dreg:$0x1a] =	wrdreg s25;
	s25 =	simm.s32 $0x2  }
0x26: {  	s21 =	sshrl.u32 s12, $0x3;
	s4 =	sadd.s32 s0, s4;
	s29 =	sadd.s32 $0x50, s12  }
0x27: {  	v0 =	vlaneseq.u32;
	s30 =	sadd.s32 $0xA0, s12;
	[dreg:$0x17] =	wrdreg s4;
	s22 =	sadd.s32 s1, s21  }
0x28: {  	v1 =	vimm.f32 $0.0e+00;
	v2 =	vor.u32 $0x10, v0;
	s31 =	sadd.s32 $0xF0, s12;
	s24 =	sadd.s32 s2, s21;
	[dreg:$0x18] =	wrdreg s22  }
0x29: {  	v3 =	vor.u32 $0x20, v0;
	v4 =	vor.u32 $0x30, v0;
	v5 =	vor.u32 $0x40, v0;
	s12 =	simm.s32 $0x1BB00;
	s4 =	simm.s32 $0x0;
	[dreg:$0x19] =	wrdreg s24  }
.LBB2_1:
0x2a: {  	s17 =	simm.s32 $0x0;
	s18 =	rddreg [dreg:$0xf];
	s19 =	simm.s32 $0x1BD80  }
0x2b: {  	[tilespmem:s19], [sflag:$0x7] =	stream.linear.gather [hbm4b:s18+s17], $0x80, $0x38;
	[tilespmem:$0x1E680] =	vst v63  }
0x2c: {  	_ =	swait.ge [sflag:s6], $0x80  }
0x2d: {  	[sflag:s6] =	ssyncset.done $0x0  }
0x2e: {  	[sflag:s6] =	ssyncadd.s32 $0xFFFFFF80  }
0x2f: {  	s17 =	simm.s32 $0x0;
	s18 =	simm.s32 $0x200;
	v6 =	vld [tilespmem:$0x1BD80]  }
.LBB2_2:
0x30: {  	p1 =	sne.s32 s18, $0x9E00;
	[tilespmem:s17+$0x142F0] =	vst v1  }
0x31: {  	[tilespmem:s17+$0x14280] =	vst v1  }
0x32: {  	[tilespmem:s17+$0x14290] =	vst v1  }
.Ltmp0:
0x33: {  	[tilespmem:s17+$0x142A0] =	vst v1;
	(pc) =	sbr.rel @p1 .LBB2_2-.Ltmp0, $4  }
0x34: {  	[tilespmem:s17+$0x142B0] =	vst v1  }
0x35: {  	[tilespmem:s17+$0x142C0] =	vst v1  }
0x36: {  	[tilespmem:s17+$0x142D0] =	vst v1  }
0x37: {  	[tilespmem:s17+$0x142E0] =	vst v1;
	s17 =	sshra.s32 s18, $0x2;
	s18 =	sadd.s32 $0x200, s18  }
0x38: {  	[tilespmem:s17+$0x142F0] =	vst v1  }
0x39: {  	[tilespmem:s17+$0x14280] =	vst v1  }
0x3a: {  	[tilespmem:s17+$0x14290] =	vst v1  }
0x3b: {  	[tilespmem:s17+$0x142A0] =	vst v1  }
0x3c: {  	[tilespmem:s17+$0x142B0] =	vst v1  }
0x3d: {  	[tilespmem:s17+$0x142C0] =	vst v1  }
0x3e: {  	[tilespmem:s17+$0x142D0] =	vst v1  }
0x3f: {  	[tilespmem:s17+$0x142E0] =	vst v1  }
0x40: {  	[spmem:s20] =	stream.linear.scatter [tilespmem:s7], [sflag:$0x7], $0x2800, $0x38;
	[tilespmem:$0x1E680] =	vst v63  }
0x41: {  	_ =	swait.ge [sflag:s6], $0x2800  }
0x42: {  	[sflag:s6] =	ssyncset.done $0x0  }
0x43: {  	s21 =	rddreg [dreg:$0x10];
	[sflag:s6] =	ssyncadd.s32 $0xFFFFD800  }
0x44: {  	[spmem:s21] =	stream.linear.scatter [tilespmem:s7], [sflag:$0x7], $0x2800, $0x38;
	[tilespmem:$0x1E680] =	vst v63  }
0x45: {  	_ =	swait.ge [sflag:s6], $0x2800  }
0x46: {  	[sflag:s6] =	ssyncset.done $0x0  }
0x47: {  	s22 =	rddreg [dreg:$0x11];
	[sflag:s6] =	ssyncadd.s32 $0xFFFFD800  }
0x48: {  	[spmem:s22] =	stream.linear.scatter [tilespmem:s7], [sflag:$0x7], $0x2800, $0x38;
	[tilespmem:$0x1E680] =	vst v63  }
0x49: {  	_ =	swait.ge [sflag:s6], $0x2800  }
0x4a: {  	[sflag:s6] =	ssyncset.done $0x0  }
0x4b: {  	s18 =	rddreg [dreg:$0x12];
	[sflag:s6] =	ssyncadd.s32 $0xFFFFD800  }
0x4c: {  	[spmem:s18] =	stream.linear.scatter [tilespmem:s7], [sflag:$0x7], $0x2800, $0x38;
	[tilespmem:$0x1E680] =	vst v63  }
0x4d: {  	_ =	swait.ge [sflag:s6], $0x2800  }
0x4e: {  	[sflag:s6] =	ssyncset.done $0x0  }
0x4f: {  	s19 =	rddreg [dreg:$0x13];
	[sflag:s6] =	ssyncadd.s32 $0xFFFFD800  }
0x50: {  	[spmem:s19] =	stream.linear.scatter [tilespmem:s7], [sflag:$0x7], $0x2800, $0x38;
	[tilespmem:$0x1E680] =	vst v63  }
0x51: {  	_ =	swait.ge [sflag:s6], $0x2800  }
0x52: {  	[sflag:s6] =	ssyncset.done $0x0  }
0x53: {  	s24 =	smov.u32 s20;
	s20 =	rddreg [dreg:$0x14];
	[sflag:s6] =	ssyncadd.s32 $0xFFFFD800  }
0x54: {  	[spmem:s20] =	stream.linear.scatter [tilespmem:s7], [sflag:$0x7], $0x2800, $0x38;
	[tilespmem:$0x1E680] =	vst v63  }
0x55: {  	_ =	swait.ge [sflag:s6], $0x2800  }
0x56: {  	[sflag:s6] =	ssyncset.done $0x0  }
0x57: {  	s21 =	rddreg [dreg:$0x15];
	[sflag:s6] =	ssyncadd.s32 $0xFFFFD800  }
0x58: {  	[spmem:s21] =	stream.linear.scatter [tilespmem:s7], [sflag:$0x7], $0x2800, $0x38;
	[tilespmem:$0x1E680] =	vst v63  }
0x59: {  	_ =	swait.ge [sflag:s6], $0x2800  }
0x5a: {  	[sflag:s6] =	ssyncset.done $0x0  }
0x5b: {  	s22 =	rddreg [dreg:$0x16];
	[sflag:s6] =	ssyncadd.s32 $0xFFFFD800  }
0x5c: {  	[spmem:s22] =	stream.linear.scatter [tilespmem:s7], [sflag:$0x7], $0x2800, $0x38;
	[tilespmem:$0x1E680] =	vst v63  }
0x5d: {  	_ =	swait.ge [sflag:s6], $0x2800  }
0x5e: {  	[sflag:s6] =	ssyncset.done $0x0  }
0x5f: {  	s17 =	simm.s32 @!p0 $0x14280;
	[sflag:s6] =	ssyncadd.s32 $0xFFFFD800  }
0x60: {  	[spmem:s23] =	stream.linear.scatter @!p0 [tilespmem:s17], [sflag:$0x7], $0x2800, $0x38;
	[tilespmem:$0x1E680] =	vst v63  }
0x61: {  	s17 =	simm.s32 @!p0 $0x7  }
0x62: {  	_ =	swait.ge @!p0 [sflag:s17], $0x2800  }
0x63: {  	[sflag:s17] =	ssyncset.done @!p0 $0x0  }
0x64: {  	s18 =	simm.s32 $0x0;
	[sflag:s17] =	ssyncadd.s32 @!p0 $0xFFFFD800;
	s17 =	simm.s32 $0x40  }
.LBB2_4:
0x65: {  	p1 =	sne.s32 s17, $0x9FC0;
	[tilespmem:s18+$0x1BE00] =	vst v1;
	s18 =	smov.u32 s17;
	s17 =	sadd.s32 $0x40, s17  }
.Ltmp1:
0x66: {  	(pc) =	sbr.rel @p1 .LBB2_4-.Ltmp1, $2  }
0x67: {  	_ =	sdelay $0x2  }
0x68: {  	s18 =	sshra.s32 s18, $0x2  }
0x69: {  	[tilespmem:s18+$0x1BE00] =	vst v1  }
0x6a: {  	[tilespmem:$0x1E600] =	vst v0  }
0x6b: {  	[tilespmem:$0x1E610] =	vst v2  }
0x6c: {  	[tilespmem:$0x1E620] =	vst v3  }
0x6d: {  	[tilespmem:$0x1E630] =	vst v4  }
0x6e: {  	[tilespmem:$0x1E640] =	vst v5  }
0x6f: {  	[bflag:$0x0] =	sbarrier.arrive $0xFFFF  }
0x70: {  	s17 =	simm.s32 $0x0;
	s20 =	rddreg [dreg:$0x17]  }
0x71: {  	[tilespmem:s7], [sflag:$0x1] =	stream.linear.gather [hbm4b:s20+s17], $0x2800, $0x38;
	[tilespmem:$0x1E680] =	vst v63  }
.Ltmp2:
0x72: {  	_ = 	snop;
	(pc) =	sbr.rel .LBB2_6-.Ltmp2, $4  }
0x73: {  	s21 =	rddreg [dreg:$0x18]  }
0x74: {  	[tilespmem:s8], [sflag:$0x1] =	stream.linear.gather [hbm4b:s21+s17], $0x50, $0x38;
	[tilespmem:$0x1E680] =	vst v63  }
0x75: {  	s22 =	rddreg [dreg:$0x19]  }
0x76: {  	v6 =	vbroadcast v6, $0x0;
	[tilespmem:s9], [sflag:$0x1] =	stream.linear.gather [hbm4b:s22+s17], $0x50, $0x38;
	[tilespmem:$0x1E680] =	vst v63  }
.LBB2_15:
0x77: {  	s17 =	sadd.s32 $0x1, s17  }
0x78: {  	p1 =	sne.s32 s17, $0x2B  }
.Ltmp3:
0x79: {  	_ = 	snop;
	(pc) =	sbr.rel @!p1 .LBB2_16-.Ltmp3, $1  }
0x7a: {  	_ =	sdelay $0x3  }
.LBB2_6:
0x7b: {  	s19 =	smul.u32 $0x3, s17;
	_ =	sdelay $0x1  }
0x7c: {  	p2 =	seq.s32 s17, $0x2A;
	s18 =	sadd.s32 $0xFFFFFFFE, s19  }
.Ltmp4:
0x7d: {  	p1 =	sgt.u32 s18, $0x7C;
	(pc) =	sbr.rel @p2 .LBB2_16-.Ltmp4, $4  }
0x7e: {  	s18 =	simm.s32 @!p1 $0x5  }
0x7f: {  	_ =	swait.ge @!p1 [sflag:s18], $0x2800  }
0x80: {  	[sflag:s18] =	ssyncset.done @!p1 $0x0  }
0x81: {  	[sflag:s18] =	ssyncadd.s32 @!p1 $0xFFFFD800  }
0x82: {  	s18 =	smul.u32 $0xF0, s17;
	_ =	sdelay $0x1  }
0x83: {  	s21 =	sadd.s32 s18, s29  }
0x84: {  	s20 =	sshll.u32 s21, $0x4  }
0x85: {  	s21 =	sshrl.u32 s21, $0x3;
	s22 =	sadd.s32 s0, s20;
	s20 =	simm.s32 $0x0  }
0x86: {  	[tilespmem:s11], [sflag:$0x2] =	stream.linear.gather [hbm4b:s22+s20], $0x2800, $0x38;
	[tilespmem:$0x1E680] =	vst v63  }
0x87: {  	s22 =	sadd.s32 s1, s21  }
0x88: {  	[tilespmem:s12], [sflag:$0x2] =	stream.linear.gather [hbm4b:s22+s20], $0x50, $0x38;
	[tilespmem:$0x1E680] =	vst v63  }
0x89: {  	s21 =	sadd.s32 s2, s21  }
0x8a: {  	[tilespmem:s14], [sflag:$0x2] =	stream.linear.gather [hbm4b:s21+s20], $0x50, $0x38;
	[tilespmem:$0x1E680] =	vst v63  }
0x8b: {  	_ =	swait.ge [sflag:s15], $0x2800  }
0x8c: {  	[sflag:s15] =	ssyncset.done $0x0  }
0x8d: {  	[sflag:s15] =	ssyncadd.s32 $0xFFFFD800  }
0x8e: {  	_ =	swait.ge [sflag:s15], $0x50  }
0x8f: {  	[sflag:s15] =	ssyncset.done $0x0  }
0x90: {  	[sflag:s15] =	ssyncadd.s32 $0xFFFFFFB0  }
0x91: {  	_ =	swait.ge [sflag:s15], $0x50  }
0x92: {  	[sflag:s15] =	ssyncset.done $0x0  }
0x93: {  	[sflag:s15] =	ssyncadd.s32 $0xFFFFFFB0  }
.LBB2_8:
0x94: {  	s21 =	sshll.u32 s20, $0x4  }
0x95: {  	v7 =	vld [tilespmem:s21+$0x1BC00];
	_ =	sdelay $0x4  }
0x96: {  	v7 =	vsub.f32 v7, v6;
	_ =	sdelay $0x1  }
0x97: {  	v7 =	vmul.f32 $1.442695020e+00, v7;
	_ =	sdelay $0x1  }
0x98: {  	(erf) = vpow2.f32 v7;
	_ =	sdelay $0x1  }
0x99: {  	v8 =	vld [tilespmem:s21+$0x1BA80];
	_ =	sdelay $0x6  }
0x9a: {  	s22 =	sshll.u32 s20, $0xB;
	v7 =	vpop (erf)  }
0x9b: {  	s21 =	sand.u32 $0x3FFFF800, s22;
	[tilespmem:v8+s16+$0x0] =	vst.idx.add.f32.msk $0xffff, v7  }
0x9c: {  	v8 =	vld [tilespmem:s21+$0x14280]  }
0x9d: {  	v9 =	vld [tilespmem:s21+$0x14290]  }
0x9e: {  	v10 =	vld [tilespmem:s21+$0x142A0]  }
0x9f: {  	v12 =	vld [tilespmem:s21+$0x142B0]  }
0xa0: {  	v11 =	vbroadcast v7, $0x0;
	v13 =	vld [tilespmem:s21+$0x142C0]  }
0xa1: {  	v14 =	vld [tilespmem:s21+$0x142D0]  }
0xa2: {  	v15 =	vld [tilespmem:s21+$0x142E0];
	v8 =	vmul.f32 v11, v8  }
0xa3: {  	v49 =	vld [tilespmem:s21+$0x142F0];
	v9 =	vmul.f32 v9, v11  }
0xa4: {  	v51 =	vld [tilespmem:s21+$0x14300];
	[tilespmem:s21+$0x14280] =	vst v8;
	v8 =	vmul.f32 v10, v11  }
0xa5: {  	v52 =	vld [tilespmem:s21+$0x14310];
	v50 =	vmul.f32 v12, v11;
	[tilespmem:s21+$0x14290] =	vst v9  }
0xa6: {  	v54 =	vld [tilespmem:s21+$0x14320];
	[tilespmem:s21+$0x142A0] =	vst v8;
	v8 =	vmul.f32 v13, v11  }
0xa7: {  	v16 =	vld [tilespmem:s21+$0x14330];
	v53 =	vmul.f32 v14, v11;
	[tilespmem:s21+$0x142B0] =	vst v50  }
0xa8: {  	v55 =	vbroadcast v7, $0x1;
	v57 =	vld [tilespmem:s21+$0x14340];
	[tilespmem:s21+$0x142C0] =	vst v8;
	v8 =	vmul.f32 v15, v11  }
0xa9: {  	v58 =	vld [tilespmem:s21+$0x14350];
	v56 =	vmul.f32 v49, v11;
	[tilespmem:s21+$0x142D0] =	vst v53  }
0xaa: {  	v60 =	vld [tilespmem:s21+$0x14360];
	[tilespmem:s21+$0x142E0] =	vst v8;
	v8 =	vmul.f32 v51, v55  }
0xab: {  	v61 =	vld [tilespmem:s21+$0x14370];
	v59 =	vmul.f32 v52, v55;
	[tilespmem:s21+$0x142F0] =	vst v56  }
0xac: {  	v63 =	vld [tilespmem:s21+$0x14380];
	[tilespmem:s21+$0x14300] =	vst v8;
	v8 =	vmul.f32 v54, v55  }
0xad: {  	v20 =	vld [tilespmem:s21+$0x14390];
	v62 =	vmul.f32 v16, v55;
	[tilespmem:s21+$0x14310] =	vst v59  }
0xae: {  	v22 =	vld [tilespmem:s21+$0x143A0];
	[tilespmem:s21+$0x14320] =	vst v8;
	v8 =	vmul.f32 v57, v55  }
0xaf: {  	v24 =	vld [tilespmem:s21+$0x143B0];
	v21 =	vmul.f32 v58, v55;
	[tilespmem:s21+$0x14330] =	vst v62  }
0xb0: {  	v23 =	vbroadcast v7, $0x2;
	v26 =	vld [tilespmem:s21+$0x143C0];
	[tilespmem:s21+$0x14340] =	vst v8;
	v8 =	vmul.f32 v60, v55  }
0xb1: {  	v27 =	vld [tilespmem:s21+$0x143D0];
	v25 =	vmul.f32 v61, v55;
	[tilespmem:s21+$0x14350] =	vst v21  }
0xb2: {  	v29 =	vld [tilespmem:s21+$0x143E0];
	[tilespmem:s21+$0x14360] =	vst v8;
	v8 =	vmul.f32 v63, v23  }
0xb3: {  	v30 =	vld [tilespmem:s21+$0x143F0];
	v28 =	vmul.f32 v20, v23;
	[tilespmem:s21+$0x14370] =	vst v25  }
0xb4: {  	v32 =	vld [tilespmem:s21+$0x14400];
	[tilespmem:s21+$0x14380] =	vst v8;
	v8 =	vmul.f32 v22, v23  }
0xb5: {  	v33 =	vld [tilespmem:s21+$0x14410];
	v31 =	vmul.f32 v24, v23;
	[tilespmem:s21+$0x14390] =	vst v28  }
0xb6: {  	v35 =	vld [tilespmem:s21+$0x14420];
	[tilespmem:s21+$0x143A0] =	vst v8;
	v8 =	vmul.f32 v26, v23  }
0xb7: {  	v37 =	vld [tilespmem:s21+$0x14430];
	v34 =	vmul.f32 v27, v23;
	[tilespmem:s21+$0x143B0] =	vst v31  }
0xb8: {  	v36 =	vbroadcast v7, $0x3;
	v39 =	vld [tilespmem:s21+$0x14440];
	[tilespmem:s21+$0x143C0] =	vst v8;
	v8 =	vmul.f32 v29, v23  }
0xb9: {  	v40 =	vld [tilespmem:s21+$0x14450];
	v38 =	vmul.f32 v30, v23;
	[tilespmem:s21+$0x143D0] =	vst v34  }
0xba: {  	v42 =	vld [tilespmem:s21+$0x14460];
	[tilespmem:s21+$0x143E0] =	vst v8;
	v8 =	vmul.f32 v32, v36  }
0xbb: {  	v43 =	vld [tilespmem:s21+$0x14470];
	v41 =	vmul.f32 v33, v36;
	[tilespmem:s21+$0x143F0] =	vst v38  }
0xbc: {  	v56 =	vld [tilespmem:s21+$0x144F0];
	[tilespmem:s21+$0x14400] =	vst v8;
	v8 =	vmul.f32 v35, v36  }
0xbd: {  	v45 =	vld [tilespmem:s21+$0x14480];
	v44 =	vmul.f32 v37, v36;
	[tilespmem:s21+$0x14410] =	vst v41  }
0xbe: {  	v59 =	vld [tilespmem:s21+$0x14510];
	[tilespmem:s21+$0x14420] =	vst v8;
	v8 =	vmul.f32 v39, v36  }
0xbf: {  	v48 =	vld [tilespmem:s21+$0x144A0];
	v47 =	vmul.f32 v40, v36;
	v49 =	vbroadcast v7, $0x4;
	[tilespmem:s21+$0x14430] =	vst v44  }
0xc0: {  	v25 =	vld [tilespmem:s21+$0x14590];
	[tilespmem:s21+$0x14440] =	vst v8;
	v8 =	vmul.f32 v42, v36  }
0xc1: {  	v52 =	vld [tilespmem:s21+$0x144C0];
	[tilespmem:s21+$0x14450] =	vst v47;
	v62 =	vbroadcast v7, $0x5;
	v17 =	vmul.f32 v56, v49  }
0xc2: {  	v46 =	vld [tilespmem:s21+$0x14490];
	[tilespmem:s21+$0x14460] =	vst v8;
	v8 =	vmul.f32 v45, v49  }
0xc3: {  	v28 =	vbroadcast v7, $0x6;
	v20 =	vmul.f32 v59, v62;
	[tilespmem:s21+$0x144F0] =	vst v17;
	v55 =	vld [tilespmem:s21+$0x144E0]  }
0xc4: {  	v18 =	vld [tilespmem:s21+$0x14540];
	[tilespmem:s21+$0x14480] =	vst v8;
	v8 =	vmul.f32 v48, v49  }
0xc5: {  	v58 =	vld [tilespmem:s21+$0x14500];
	v33 =	vmul.f32 v25, v28;
	[tilespmem:s21+$0x14510] =	vst v20  }
0xc6: {  	v38 =	vld [tilespmem:s21+$0x14610];
	[tilespmem:s21+$0x144A0] =	vst v8;
	v8 =	vmul.f32 v52, v49  }
0xc7: {  	v61 =	vld [tilespmem:s21+$0x14520];
	v51 =	vmul.f32 v43, v36;
	[tilespmem:s21+$0x14590] =	vst v33  }
0xc8: {  	v50 =	vld [tilespmem:s21+$0x144B0];
	[tilespmem:s21+$0x144C0] =	vst v8;
	v8 =	vmul.f32 v55, v49  }
0xc9: {  	v19 =	vld [tilespmem:s21+$0x14550];
	v41 =	vbroadcast v7, $0x7;
	[tilespmem:s21+$0x14470] =	vst v51;
	v54 =	vmul.f32 v46, v49  }
0xca: {  	v53 =	vld [tilespmem:s21+$0x144D0];
	[tilespmem:s21+$0x144E0] =	vst v8;
	v8 =	vmul.f32 v58, v62  }
0xcb: {  	v21 =	vld [tilespmem:s21+$0x14560];
	v46 =	vmul.f32 v38, v41;
	[tilespmem:s21+$0x14490] =	vst v54  }
0xcc: {  	v51 =	vld [tilespmem:s21+$0x14690];
	[tilespmem:s21+$0x14500] =	vst v8;
	v8 =	vmul.f32 v61, v62  }
0xcd: {  	v24 =	vld [tilespmem:s21+$0x14580];
	v57 =	vmul.f32 v50, v49;
	[tilespmem:s21+$0x14610] =	vst v46  }
0xce: {  	v27 =	vld [tilespmem:s21+$0x145A0];
	[tilespmem:s21+$0x14520] =	vst v8;
	v8 =	vmul.f32 v18, v62  }
0xcf: {  	v37 =	vld [tilespmem:s21+$0x14600];
	v54 =	vbroadcast v7, $0x8;
	[tilespmem:s21+$0x144B0] =	vst v57;
	v60 =	vmul.f32 v53, v49  }
0xd0: {  	v22 =	vld [tilespmem:s21+$0x14570];
	[tilespmem:s21+$0x14540] =	vst v8;
	v8 =	vmul.f32 v21, v62  }
0xd1: {  	v31 =	vld [tilespmem:s21+$0x145C0];
	v59 =	vmul.f32 v51, v54;
	[tilespmem:s21+$0x144D0] =	vst v60  }
0xd2: {  	v63 =	vld [tilespmem:s21+$0x14530];
	[tilespmem:s21+$0x14560] =	vst v8;
	v8 =	vmul.f32 v24, v28  }
0xd3: {  	v34 =	vld [tilespmem:s21+$0x145E0];
	[tilespmem:s21+$0x14690] =	vst v59;
	v26 =	vmul.f32 v19, v62  }
0xd4: {  	v32 =	vld [tilespmem:s21+$0x145D0];
	[tilespmem:s21+$0x14580] =	vst v8;
	v8 =	vmul.f32 v27, v28  }
0xd5: {  	v40 =	vld [tilespmem:s21+$0x14620];
	[tilespmem:s21+$0x14550] =	vst v26;
	v30 =	vmul.f32 v22, v62  }
0xd6: {  	v29 =	vld [tilespmem:s21+$0x145B0];
	[tilespmem:s21+$0x145A0] =	vst v8;
	v8 =	vmul.f32 v31, v28  }
0xd7: {  	v44 =	vld [tilespmem:s21+$0x14640];
	v23 =	vmul.f32 v63, v62;
	[tilespmem:s21+$0x14570] =	vst v30  }
0xd8: {  	v30 =	vld [tilespmem:s21+$0x14770];
	[tilespmem:s21+$0x145C0] =	vst v8;
	v8 =	vmul.f32 v34, v28  }
0xd9: {  	v47 =	vld [tilespmem:s21+$0x14660];
	[tilespmem:s21+$0x14530] =	vst v23;
	v39 =	vmul.f32 v32, v28  }
0xda: {  	v35 =	vld [tilespmem:s21+$0x145F0];
	[tilespmem:s21+$0x145E0] =	vst v8;
	v8 =	vmul.f32 v37, v41  }
0xdb: {  	v20 =	vld [tilespmem:s21+$0x14710];
	v23 =	vbroadcast v7, $0x9;
	v36 =	vmul.f32 v29, v28;
	[tilespmem:s21+$0x145D0] =	vst v39  }
0xdc: {  	v45 =	vld [tilespmem:s21+$0x14650];
	[tilespmem:s21+$0x14600] =	vst v8;
	v8 =	vmul.f32 v40, v41  }
0xdd: {  	v50 =	vld [tilespmem:s21+$0x14680];
	v38 =	vmul.f32 v30, v23;
	[tilespmem:s21+$0x145B0] =	vst v36  }
0xde: {  	v42 =	vld [tilespmem:s21+$0x14630];
	[tilespmem:s21+$0x14620] =	vst v8;
	v8 =	vmul.f32 v44, v41  }
0xdf: {  	v53 =	vld [tilespmem:s21+$0x146A0];
	v43 =	vmul.f32 v35, v28;
	[tilespmem:s21+$0x14770] =	vst v38  }
0xe0: {  	v48 =	vld [tilespmem:s21+$0x14670];
	[tilespmem:s21+$0x14640] =	vst v8;
	v8 =	vmul.f32 v47, v41  }
0xe1: {  	v57 =	vld [tilespmem:s21+$0x146C0];
	[tilespmem:s21+$0x145F0] =	vst v43;
	v52 =	vmul.f32 v45, v41  }
0xe2: {  	v43 =	vld [tilespmem:s21+$0x147F0];
	[tilespmem:s21+$0x14660] =	vst v8;
	v8 =	vmul.f32 v50, v54  }
0xe3: {  	v60 =	vld [tilespmem:s21+$0x146E0];
	v49 =	vmul.f32 v42, v41;
	[tilespmem:s21+$0x14650] =	vst v52  }
0xe4: {  	v55 =	vld [tilespmem:s21+$0x146B0];
	[tilespmem:s21+$0x14680] =	vst v8;
	v8 =	vmul.f32 v53, v54  }
0xe5: {  	v63 =	vld [tilespmem:s21+$0x14700];
	v36 =	vbroadcast v7, $0xA;
	v56 =	vmul.f32 v48, v41;
	[tilespmem:s21+$0x14630] =	vst v49  }
0xe6: {  	v58 =	vld [tilespmem:s21+$0x146D0];
	[tilespmem:s21+$0x146A0] =	vst v8;
	v8 =	vmul.f32 v57, v54  }
0xe7: {  	v22 =	vld [tilespmem:s21+$0x14720];
	v51 =	vmul.f32 v43, v36;
	[tilespmem:s21+$0x14670] =	vst v56  }
0xe8: {  	v56 =	vld [tilespmem:s21+$0x14870];
	[tilespmem:s21+$0x146C0] =	vst v8;
	v8 =	vmul.f32 v60, v54  }
0xe9: {  	v26 =	vld [tilespmem:s21+$0x14740];
	[tilespmem:s21+$0x147F0] =	vst v51;
	v62 =	vmul.f32 v55, v54  }
0xea: {  	v61 =	vld [tilespmem:s21+$0x146F0];
	[tilespmem:s21+$0x146E0] =	vst v8;
	v8 =	vmul.f32 v63, v23  }
0xeb: {  	v29 =	vld [tilespmem:s21+$0x14760];
	v49 =	vbroadcast v7, $0xB;
	v21 =	vmul.f32 v58, v54;
	[tilespmem:s21+$0x146B0] =	vst v62  }
0xec: {  	v59 =	vld [tilespmem:s21+$0x14890];
	[tilespmem:s21+$0x14700] =	vst v8;
	v8 =	vmul.f32 v22, v23  }
0xed: {  	v32 =	vld [tilespmem:s21+$0x14780];
	v18 =	vmul.f32 v56, v49;
	[tilespmem:s21+$0x146D0] =	vst v21  }
0xee: {  	v24 =	vld [tilespmem:s21+$0x14730];
	[tilespmem:s21+$0x14720] =	vst v8;
	v8 =	vmul.f32 v26, v23  }
0xef: {  	v35 =	vld [tilespmem:s21+$0x147A0];
	v25 =	vmul.f32 v61, v54;
	v62 =	vbroadcast v7, $0xC;
	[tilespmem:s21+$0x14870] =	vst v18  }
0xf0: {  	[tilespmem:s21+$0x14740] =	vst v8;
	v8 =	vmul.f32 v29, v23  }
0xf1: {  	v39 =	vld [tilespmem:s21+$0x147C0];
	[tilespmem:s21+$0x146F0] =	vst v25;
	v21 =	vmul.f32 v59, v62  }
0xf2: {  	v27 =	vld [tilespmem:s21+$0x14750];
	[tilespmem:s21+$0x14760] =	vst v8;
	v8 =	vmul.f32 v32, v36  }
0xf3: {  	v42 =	vld [tilespmem:s21+$0x147E0];
	[tilespmem:s21+$0x14890] =	vst v21;
	v31 =	vmul.f32 v24, v23  }
0xf4: {  	v28 =	vmul.f32 v20, v23;
	v20 =	vld [tilespmem:s21+$0x148D0];
	[tilespmem:s21+$0x14780] =	vst v8;
	v8 =	vmul.f32 v35, v36  }
0xf5: {  	v45 =	vld [tilespmem:s21+$0x14800];
	[tilespmem:s21+$0x14730] =	vst v31  }
0xf6: {  	v37 =	vld [tilespmem:s21+$0x147B0];
	[tilespmem:s21+$0x147A0] =	vst v8;
	v8 =	vmul.f32 v39, v36  }
0xf7: {  	v48 =	vld [tilespmem:s21+$0x14820];
	v34 =	vmul.f32 v27, v23;
	[tilespmem:s21+$0x14710] =	vst v28  }
0xf8: {  	v33 =	vld [tilespmem:s21+$0x14790];
	[tilespmem:s21+$0x147C0] =	vst v8;
	v8 =	vmul.f32 v42, v36  }
0xf9: {  	v52 =	vld [tilespmem:s21+$0x14840];
	[tilespmem:s21+$0x14750] =	vst v34;
	v27 =	vmul.f32 v20, v62  }
0xfa: {  	v40 =	vld [tilespmem:s21+$0x147D0];
	[tilespmem:s21+$0x147E0] =	vst v8;
	v8 =	vmul.f32 v45, v49  }
0xfb: {  	v55 =	vld [tilespmem:s21+$0x14860];
	v44 =	vmul.f32 v37, v36;
	[tilespmem:s21+$0x148D0] =	vst v27  }
0xfc: {  	v50 =	vld [tilespmem:s21+$0x14830];
	[tilespmem:s21+$0x14800] =	vst v8;
	v8 =	vmul.f32 v48, v49  }
0xfd: {  	v58 =	vld [tilespmem:s21+$0x14880];
	v41 =	vmul.f32 v33, v36;
	[tilespmem:s21+$0x147B0] =	vst v44  }
0xfe: {  	v46 =	vld [tilespmem:s21+$0x14810];
	[tilespmem:s21+$0x14820] =	vst v8;
	v8 =	vmul.f32 v52, v49  }
0xff: {  	v61 =	vld [tilespmem:s21+$0x148A0];
	v47 =	vmul.f32 v40, v36;
	[tilespmem:s21+$0x14790] =	vst v41  }
0x100: {  	v53 =	vld [tilespmem:s21+$0x14850];
	[tilespmem:s21+$0x14840] =	vst v8;
	v8 =	vmul.f32 v55, v49  }
0x101: {  	v19 =	vld [tilespmem:s21+$0x148C0];
	[tilespmem:s21+$0x147D0] =	vst v47;
	v57 =	vmul.f32 v50, v49  }
0x102: {  	v63 =	vld [tilespmem:s21+$0x148B0];
	[tilespmem:s21+$0x14860] =	vst v8;
	v8 =	vmul.f32 v58, v62  }
0x103: {  	v54 =	vmul.f32 v46, v49;
	[tilespmem:s21+$0x14830] =	vst v57;
	v22 =	vld [tilespmem:s21+$0x148E0]  }
0x104: {  	v30 =	vld [tilespmem:s21+$0x14930];
	[tilespmem:s21+$0x14880] =	vst v8;
	v8 =	vmul.f32 v61, v62  }
0x105: {  	v25 =	vld [tilespmem:s21+$0x14900];
	v60 =	vmul.f32 v53, v49;
	[tilespmem:s21+$0x14810] =	vst v54  }
0x106: {  	v33 =	vld [tilespmem:s21+$0x14950];
	[tilespmem:s21+$0x148A0] =	vst v8;
	v8 =	vmul.f32 v19, v62  }
0x107: {  	v28 =	vld [tilespmem:s21+$0x14920];
	[tilespmem:s21+$0x14850] =	vst v60;
	v24 =	vmul.f32 v63, v62;
	v29 =	vbroadcast v7, $0xD  }
0x108: {  	v26 =	vld [tilespmem:s21+$0x14910];
	[tilespmem:s21+$0x148C0] =	vst v8;
	v8 =	vmul.f32 v22, v62  }
0x109: {  	[tilespmem:s21+$0x148B0] =	vst v24;
	v32 =	vld [tilespmem:s21+$0x14940];
	v37 =	vmul.f32 v30, v29  }
0x10a: {  	v23 =	vld [tilespmem:s21+$0x148F0];
	[tilespmem:s21+$0x148E0] =	vst v8;
	v8 =	vmul.f32 v25, v29  }
0x10b: {  	v40 =	vmul.f32 v33, v29;
	v35 =	vld [tilespmem:s21+$0x14960];
	[tilespmem:s21+$0x14930] =	vst v37  }
0x10c: {  	v43 =	vld [tilespmem:s21+$0x149B0];
	[tilespmem:s21+$0x14900] =	vst v8;
	v8 =	vmul.f32 v28, v29  }
0x10d: {  	v38 =	vld [tilespmem:s21+$0x14980];
	v34 =	vmul.f32 v26, v29;
	[tilespmem:s21+$0x14950] =	vst v40  }
0x10e: {  	v46 =	vld [tilespmem:s21+$0x149D0];
	[tilespmem:s21+$0x14920] =	vst v8;
	v8 =	vmul.f32 v32, v29  }
0x10f: {  	v41 =	vld [tilespmem:s21+$0x149A0];
	v31 =	vmul.f32 v23, v62;
	[tilespmem:s21+$0x14910] =	vst v34;
	v42 =	vbroadcast v7, $0xE  }
0x110: {  	v39 =	vld [tilespmem:s21+$0x14990];
	[tilespmem:s21+$0x14940] =	vst v8;
	v8 =	vmul.f32 v35, v29  }
0x111: {  	[tilespmem:s21+$0x148F0] =	vst v31;
	v45 =	vld [tilespmem:s21+$0x149C0];
	v50 =	vmul.f32 v43, v42  }
0x112: {  	v36 =	vld [tilespmem:s21+$0x14970];
	[tilespmem:s21+$0x14960] =	vst v8;
	v8 =	vmul.f32 v38, v42  }
0x113: {  	v53 =	vmul.f32 v46, v42;
	v48 =	vld [tilespmem:s21+$0x149E0];
	[tilespmem:s21+$0x149B0] =	vst v50  }
0x114: {  	v52 =	vld [tilespmem:s21+$0x14A10];
	[tilespmem:s21+$0x14980] =	vst v8;
	v8 =	vmul.f32 v41, v42  }
0x115: {  	v51 =	vld [tilespmem:s21+$0x14A00];
	v47 =	vmul.f32 v39, v42;
	[tilespmem:s21+$0x149D0] =	vst v53  }
0x116: {  	v49 =	vld [tilespmem:s21+$0x149F0];
	[tilespmem:s21+$0x149A0] =	vst v8;
	v8 =	vmul.f32 v45, v42  }
0x117: {  	v54 =	vld [tilespmem:s21+$0x14A20];
	v7 =	vbroadcast v7, $0xF;
	v44 =	vmul.f32 v36, v29;
	[tilespmem:s21+$0x14990] =	vst v47  }
0x118: {  	v58 =	vld [tilespmem:s21+$0x14A50];
	[tilespmem:s21+$0x149C0] =	vst v8;
	v8 =	vmul.f32 v48, v42  }
0x119: {  	v57 =	vld [tilespmem:s21+$0x14A40];
	[tilespmem:s21+$0x14970] =	vst v44;
	v59 =	vmul.f32 v52, v7  }
0x11a: {  	v55 =	vld [tilespmem:s21+$0x14A30];
	[tilespmem:s21+$0x149E0] =	vst v8;
	v8 =	vmul.f32 v51, v7  }
0x11b: {  	v60 =	vld [tilespmem:s21+$0x14A60];
	v56 =	vmul.f32 v49, v42;
	[tilespmem:s21+$0x14A10] =	vst v59  }
0x11c: {  	v61 =	vld [tilespmem:s21+$0x14A70];
	[tilespmem:s21+$0x14A00] =	vst v8;
	v8 =	vmul.f32 v54, v7  }
0x11d: {  	[tilespmem:s21+$0x149F0] =	vst v56;
	v63 =	vmul.f32 v58, v7  }
0x11e: {  	p1 =	sne.s32 s20, $0x4;
	[tilespmem:s21+$0x14A20] =	vst v8;
	v8 =	vmul.f32 v57, v7  }
.Ltmp5:
0x11f: {  	v62 =	vmul.f32 v55, v7;
	[tilespmem:s21+$0x14A50] =	vst v63;
	(pc) =	sbr.rel @p1 .LBB2_8-.Ltmp5, $4  }
0x120: {  	[tilespmem:s21+$0x14A40] =	vst v8;
	v8 =	vmul.f32 v60, v7  }
0x121: {  	[tilespmem:s21+$0x14A30] =	vst v62;
	v7 =	vmul.f32 v61, v7  }
0x122: {  	[tilespmem:s21+$0x14A60] =	vst v8  }
0x123: {  	s20 =	sadd.s32 $0x1, s20;
	[tilespmem:s21+$0x14A70] =	vst v7  }
0x124: {  	[spmem:s3] =	stream.indirect.scatter.add.f32 [tilespmem:s7], [sflag:$0x4], $0x80, s8, s10, $0xb8;
	[tilespmem:$0x1E680] =	vst v63  }
0x125: {  	s19 =	sadd.s32 $0xFFFFFFFF, s19  }
0x126: {  	p2 =	sgt.u32 s19, $0x7C  }
0x127: {  	s19 =	simm.s32 @!p2 $0x6  }
0x128: {  	p1 =	sgt.u32 s17, $0x28;
	_ =	swait.ge @!p2 [sflag:s19], $0x2800  }
0x129: {  	s20 =	sadd.s32 @!p1 s18, s30;
	[sflag:s19] =	ssyncset.done @!p2 $0x0  }
0x12a: {  	[sflag:s19] =	ssyncadd.s32 @!p2 $0xFFFFD800;
	s19 =	sshll.u32 @!p1 s20, $0x4  }
0x12b: {  	s21 =	simm.s32 @!p1 $0x0;
	s22 =	simm.s32 @!p1 $0x19280;
	s19 =	sadd.s32 @!p1 s0, s19  }
0x12c: {  	[tilespmem:s22], [sflag:$0x3] =	stream.linear.gather @!p1 [hbm4b:s19+s21], $0x2800, $0x38;
	[tilespmem:$0x1E680] =	vst v63  }
0x12d: {  	s19 =	sshrl.u32 @!p1 s20, $0x3  }
0x12e: {  	s22 =	simm.s32 @!p1 $0x1BB80;
	s20 =	sadd.s32 @!p1 s1, s19  }
0x12f: {  	[tilespmem:s22], [sflag:$0x3] =	stream.linear.gather @!p1 [hbm4b:s20+s21], $0x50, $0x38;
	[tilespmem:$0x1E680] =	vst v63  }
0x130: {  	s19 =	sadd.s32 @!p1 s2, s19;
	s20 =	simm.s32 @!p1 $0x1BD00  }
0x131: {  	[tilespmem:s20], [sflag:$0x3] =	stream.linear.gather @!p1 [hbm4b:s19+s21], $0x50, $0x38;
	[tilespmem:$0x1E680] =	vst v63  }
0x132: {  	_ =	swait.ge [sflag:s25], $0x2800  }
0x133: {  	[sflag:s25] =	ssyncset.done $0x0  }
0x134: {  	[sflag:s25] =	ssyncadd.s32 $0xFFFFD800  }
0x135: {  	_ =	swait.ge [sflag:s25], $0x50  }
0x136: {  	[sflag:s25] =	ssyncset.done $0x0  }
0x137: {  	[sflag:s25] =	ssyncadd.s32 $0xFFFFFFB0  }
0x138: {  	_ =	swait.ge [sflag:s25], $0x50  }
0x139: {  	[sflag:s25] =	ssyncset.done $0x0  }
0x13a: {  	s19 =	simm.s32 $0x0;
	[sflag:s25] =	ssyncadd.s32 $0xFFFFFFB0  }
.LBB2_10:
0x13b: {  	s20 =	sshll.u32 s19, $0x4  }
0x13c: {  	v7 =	vld [tilespmem:s20+$0x1BC80];
	_ =	sdelay $0x4  }
0x13d: {  	v7 =	vsub.f32 v7, v6;
	_ =	sdelay $0x1  }
0x13e: {  	v7 =	vmul.f32 $1.442695020e+00, v7;
	_ =	sdelay $0x1  }
0x13f: {  	(erf) = vpow2.f32 v7;
	_ =	sdelay $0x1  }
0x140: {  	v8 =	vld [tilespmem:s20+$0x1BB00];
	_ =	sdelay $0x6  }
0x141: {  	s22 =	sshll.u32 s19, $0xB;
	v7 =	vpop (erf)  }
0x142: {  	s20 =	sand.u32 $0x3FFFF800, s22;
	[tilespmem:v8+s16+$0x0] =	vst.idx.add.f32.msk $0xffff, v7  }
0x143: {  	v8 =	vld [tilespmem:s20+$0x16A80]  }
0x144: {  	v9 =	vld [tilespmem:s20+$0x16A90]  }
0x145: {  	v10 =	vld [tilespmem:s20+$0x16AA0]  }
0x146: {  	v12 =	vld [tilespmem:s20+$0x16AB0]  }
0x147: {  	v11 =	vbroadcast v7, $0x0;
	v13 =	vld [tilespmem:s20+$0x16AC0]  }
0x148: {  	v14 =	vld [tilespmem:s20+$0x16AD0]  }
0x149: {  	v15 =	vld [tilespmem:s20+$0x16AE0];
	v8 =	vmul.f32 v11, v8  }
0x14a: {  	v49 =	vld [tilespmem:s20+$0x16AF0];
	v9 =	vmul.f32 v9, v11  }
0x14b: {  	v51 =	vld [tilespmem:s20+$0x16B00];
	[tilespmem:s20+$0x16A80] =	vst v8;
	v8 =	vmul.f32 v10, v11  }
0x14c: {  	v52 =	vld [tilespmem:s20+$0x16B10];
	v50 =	vmul.f32 v12, v11;
	[tilespmem:s20+$0x16A90] =	vst v9  }
0x14d: {  	v54 =	vld [tilespmem:s20+$0x16B20];
	[tilespmem:s20+$0x16AA0] =	vst v8;
	v8 =	vmul.f32 v13, v11  }
0x14e: {  	v16 =	vld [tilespmem:s20+$0x16B30];
	v53 =	vmul.f32 v14, v11;
	[tilespmem:s20+$0x16AB0] =	vst v50  }
0x14f: {  	v55 =	vbroadcast v7, $0x1;
	v57 =	vld [tilespmem:s20+$0x16B40];
	[tilespmem:s20+$0x16AC0] =	vst v8;
	v8 =	vmul.f32 v15, v11  }
0x150: {  	v58 =	vld [tilespmem:s20+$0x16B50];
	v56 =	vmul.f32 v49, v11;
	[tilespmem:s20+$0x16AD0] =	vst v53  }
0x151: {  	v60 =	vld [tilespmem:s20+$0x16B60];
	[tilespmem:s20+$0x16AE0] =	vst v8;
	v8 =	vmul.f32 v51, v55  }
0x152: {  	v61 =	vld [tilespmem:s20+$0x16B70];
	v59 =	vmul.f32 v52, v55;
	[tilespmem:s20+$0x16AF0] =	vst v56  }
0x153: {  	v63 =	vld [tilespmem:s20+$0x16B80];
	[tilespmem:s20+$0x16B00] =	vst v8;
	v8 =	vmul.f32 v54, v55  }
0x154: {  	v20 =	vld [tilespmem:s20+$0x16B90];
	v62 =	vmul.f32 v16, v55;
	[tilespmem:s20+$0x16B10] =	vst v59  }
0x155: {  	v22 =	vld [tilespmem:s20+$0x16BA0];
	[tilespmem:s20+$0x16B20] =	vst v8;
	v8 =	vmul.f32 v57, v55  }
0x156: {  	v24 =	vld [tilespmem:s20+$0x16BB0];
	v21 =	vmul.f32 v58, v55;
	[tilespmem:s20+$0x16B30] =	vst v62  }
0x157: {  	v23 =	vbroadcast v7, $0x2;
	v26 =	vld [tilespmem:s20+$0x16BC0];
	[tilespmem:s20+$0x16B40] =	vst v8;
	v8 =	vmul.f32 v60, v55  }
0x158: {  	v27 =	vld [tilespmem:s20+$0x16BD0];
	v25 =	vmul.f32 v61, v55;
	[tilespmem:s20+$0x16B50] =	vst v21  }
0x159: {  	v29 =	vld [tilespmem:s20+$0x16BE0];
	[tilespmem:s20+$0x16B60] =	vst v8;
	v8 =	vmul.f32 v63, v23  }
0x15a: {  	v30 =	vld [tilespmem:s20+$0x16BF0];
	v28 =	vmul.f32 v20, v23;
	[tilespmem:s20+$0x16B70] =	vst v25  }
0x15b: {  	v32 =	vld [tilespmem:s20+$0x16C00];
	[tilespmem:s20+$0x16B80] =	vst v8;
	v8 =	vmul.f32 v22, v23  }
0x15c: {  	v33 =	vld [tilespmem:s20+$0x16C10];
	v31 =	vmul.f32 v24, v23;
	[tilespmem:s20+$0x16B90] =	vst v28  }
0x15d: {  	v35 =	vld [tilespmem:s20+$0x16C20];
	[tilespmem:s20+$0x16BA0] =	vst v8;
	v8 =	vmul.f32 v26, v23  }
0x15e: {  	v37 =	vld [tilespmem:s20+$0x16C30];
	v34 =	vmul.f32 v27, v23;
	[tilespmem:s20+$0x16BB0] =	vst v31  }
0x15f: {  	v36 =	vbroadcast v7, $0x3;
	v39 =	vld [tilespmem:s20+$0x16C40];
	[tilespmem:s20+$0x16BC0] =	vst v8;
	v8 =	vmul.f32 v29, v23  }
0x160: {  	v40 =	vld [tilespmem:s20+$0x16C50];
	v38 =	vmul.f32 v30, v23;
	[tilespmem:s20+$0x16BD0] =	vst v34  }
0x161: {  	v42 =	vld [tilespmem:s20+$0x16C60];
	[tilespmem:s20+$0x16BE0] =	vst v8;
	v8 =	vmul.f32 v32, v36  }
0x162: {  	v43 =	vld [tilespmem:s20+$0x16C70];
	v41 =	vmul.f32 v33, v36;
	[tilespmem:s20+$0x16BF0] =	vst v38  }
0x163: {  	v56 =	vld [tilespmem:s20+$0x16CF0];
	[tilespmem:s20+$0x16C00] =	vst v8;
	v8 =	vmul.f32 v35, v36  }
0x164: {  	v45 =	vld [tilespmem:s20+$0x16C80];
	v44 =	vmul.f32 v37, v36;
	[tilespmem:s20+$0x16C10] =	vst v41  }
0x165: {  	v59 =	vld [tilespmem:s20+$0x16D10];
	[tilespmem:s20+$0x16C20] =	vst v8;
	v8 =	vmul.f32 v39, v36  }
0x166: {  	v48 =	vld [tilespmem:s20+$0x16CA0];
	v47 =	vmul.f32 v40, v36;
	v49 =	vbroadcast v7, $0x4;
	[tilespmem:s20+$0x16C30] =	vst v44  }
0x167: {  	v25 =	vld [tilespmem:s20+$0x16D90];
	[tilespmem:s20+$0x16C40] =	vst v8;
	v8 =	vmul.f32 v42, v36  }
0x168: {  	v52 =	vld [tilespmem:s20+$0x16CC0];
	[tilespmem:s20+$0x16C50] =	vst v47;
	v62 =	vbroadcast v7, $0x5;
	v17 =	vmul.f32 v56, v49  }
0x169: {  	v46 =	vld [tilespmem:s20+$0x16C90];
	[tilespmem:s20+$0x16C60] =	vst v8;
	v8 =	vmul.f32 v45, v49  }
0x16a: {  	v28 =	vbroadcast v7, $0x6;
	v20 =	vmul.f32 v59, v62;
	[tilespmem:s20+$0x16CF0] =	vst v17;
	v55 =	vld [tilespmem:s20+$0x16CE0]  }
0x16b: {  	v18 =	vld [tilespmem:s20+$0x16D40];
	[tilespmem:s20+$0x16C80] =	vst v8;
	v8 =	vmul.f32 v48, v49  }
0x16c: {  	v58 =	vld [tilespmem:s20+$0x16D00];
	v33 =	vmul.f32 v25, v28;
	[tilespmem:s20+$0x16D10] =	vst v20  }
0x16d: {  	v38 =	vld [tilespmem:s20+$0x16E10];
	[tilespmem:s20+$0x16CA0] =	vst v8;
	v8 =	vmul.f32 v52, v49  }
0x16e: {  	v61 =	vld [tilespmem:s20+$0x16D20];
	v51 =	vmul.f32 v43, v36;
	[tilespmem:s20+$0x16D90] =	vst v33  }
0x16f: {  	v50 =	vld [tilespmem:s20+$0x16CB0];
	[tilespmem:s20+$0x16CC0] =	vst v8;
	v8 =	vmul.f32 v55, v49  }
0x170: {  	v19 =	vld [tilespmem:s20+$0x16D50];
	v41 =	vbroadcast v7, $0x7;
	[tilespmem:s20+$0x16C70] =	vst v51;
	v54 =	vmul.f32 v46, v49  }
0x171: {  	v53 =	vld [tilespmem:s20+$0x16CD0];
	[tilespmem:s20+$0x16CE0] =	vst v8;
	v8 =	vmul.f32 v58, v62  }
0x172: {  	v21 =	vld [tilespmem:s20+$0x16D60];
	v46 =	vmul.f32 v38, v41;
	[tilespmem:s20+$0x16C90] =	vst v54  }
0x173: {  	v51 =	vld [tilespmem:s20+$0x16E90];
	[tilespmem:s20+$0x16D00] =	vst v8;
	v8 =	vmul.f32 v61, v62  }
0x174: {  	v24 =	vld [tilespmem:s20+$0x16D80];
	v57 =	vmul.f32 v50, v49;
	[tilespmem:s20+$0x16E10] =	vst v46  }
0x175: {  	v27 =	vld [tilespmem:s20+$0x16DA0];
	[tilespmem:s20+$0x16D20] =	vst v8;
	v8 =	vmul.f32 v18, v62  }
0x176: {  	v37 =	vld [tilespmem:s20+$0x16E00];
	v54 =	vbroadcast v7, $0x8;
	[tilespmem:s20+$0x16CB0] =	vst v57;
	v60 =	vmul.f32 v53, v49  }
0x177: {  	v22 =	vld [tilespmem:s20+$0x16D70];
	[tilespmem:s20+$0x16D40] =	vst v8;
	v8 =	vmul.f32 v21, v62  }
0x178: {  	v31 =	vld [tilespmem:s20+$0x16DC0];
	v59 =	vmul.f32 v51, v54;
	[tilespmem:s20+$0x16CD0] =	vst v60  }
0x179: {  	v63 =	vld [tilespmem:s20+$0x16D30];
	[tilespmem:s20+$0x16D60] =	vst v8;
	v8 =	vmul.f32 v24, v28  }
0x17a: {  	v34 =	vld [tilespmem:s20+$0x16DE0];
	[tilespmem:s20+$0x16E90] =	vst v59;
	v26 =	vmul.f32 v19, v62  }
0x17b: {  	v32 =	vld [tilespmem:s20+$0x16DD0];
	[tilespmem:s20+$0x16D80] =	vst v8;
	v8 =	vmul.f32 v27, v28  }
0x17c: {  	v40 =	vld [tilespmem:s20+$0x16E20];
	[tilespmem:s20+$0x16D50] =	vst v26;
	v30 =	vmul.f32 v22, v62  }
0x17d: {  	v29 =	vld [tilespmem:s20+$0x16DB0];
	[tilespmem:s20+$0x16DA0] =	vst v8;
	v8 =	vmul.f32 v31, v28  }
0x17e: {  	v44 =	vld [tilespmem:s20+$0x16E40];
	v23 =	vmul.f32 v63, v62;
	[tilespmem:s20+$0x16D70] =	vst v30  }
0x17f: {  	v30 =	vld [tilespmem:s20+$0x16F70];
	[tilespmem:s20+$0x16DC0] =	vst v8;
	v8 =	vmul.f32 v34, v28  }
0x180: {  	v47 =	vld [tilespmem:s20+$0x16E60];
	[tilespmem:s20+$0x16D30] =	vst v23;
	v39 =	vmul.f32 v32, v28  }
0x181: {  	v35 =	vld [tilespmem:s20+$0x16DF0];
	[tilespmem:s20+$0x16DE0] =	vst v8;
	v8 =	vmul.f32 v37, v41  }
0x182: {  	v20 =	vld [tilespmem:s20+$0x16F10];
	v23 =	vbroadcast v7, $0x9;
	v36 =	vmul.f32 v29, v28;
	[tilespmem:s20+$0x16DD0] =	vst v39  }
0x183: {  	v45 =	vld [tilespmem:s20+$0x16E50];
	[tilespmem:s20+$0x16E00] =	vst v8;
	v8 =	vmul.f32 v40, v41  }
0x184: {  	v50 =	vld [tilespmem:s20+$0x16E80];
	v38 =	vmul.f32 v30, v23;
	[tilespmem:s20+$0x16DB0] =	vst v36  }
0x185: {  	v42 =	vld [tilespmem:s20+$0x16E30];
	[tilespmem:s20+$0x16E20] =	vst v8;
	v8 =	vmul.f32 v44, v41  }
0x186: {  	v53 =	vld [tilespmem:s20+$0x16EA0];
	v43 =	vmul.f32 v35, v28;
	[tilespmem:s20+$0x16F70] =	vst v38  }
0x187: {  	v48 =	vld [tilespmem:s20+$0x16E70];
	[tilespmem:s20+$0x16E40] =	vst v8;
	v8 =	vmul.f32 v47, v41  }
0x188: {  	v57 =	vld [tilespmem:s20+$0x16EC0];
	[tilespmem:s20+$0x16DF0] =	vst v43;
	v52 =	vmul.f32 v45, v41  }
0x189: {  	v43 =	vld [tilespmem:s20+$0x16FF0];
	[tilespmem:s20+$0x16E60] =	vst v8;
	v8 =	vmul.f32 v50, v54  }
0x18a: {  	v60 =	vld [tilespmem:s20+$0x16EE0];
	v49 =	vmul.f32 v42, v41;
	[tilespmem:s20+$0x16E50] =	vst v52  }
0x18b: {  	v55 =	vld [tilespmem:s20+$0x16EB0];
	[tilespmem:s20+$0x16E80] =	vst v8;
	v8 =	vmul.f32 v53, v54  }
0x18c: {  	v63 =	vld [tilespmem:s20+$0x16F00];
	v36 =	vbroadcast v7, $0xA;
	v56 =	vmul.f32 v48, v41;
	[tilespmem:s20+$0x16E30] =	vst v49  }
0x18d: {  	v58 =	vld [tilespmem:s20+$0x16ED0];
	[tilespmem:s20+$0x16EA0] =	vst v8;
	v8 =	vmul.f32 v57, v54  }
0x18e: {  	v22 =	vld [tilespmem:s20+$0x16F20];
	v51 =	vmul.f32 v43, v36;
	[tilespmem:s20+$0x16E70] =	vst v56  }
0x18f: {  	v56 =	vld [tilespmem:s20+$0x17070];
	[tilespmem:s20+$0x16EC0] =	vst v8;
	v8 =	vmul.f32 v60, v54  }
0x190: {  	v26 =	vld [tilespmem:s20+$0x16F40];
	[tilespmem:s20+$0x16FF0] =	vst v51;
	v62 =	vmul.f32 v55, v54  }
0x191: {  	v61 =	vld [tilespmem:s20+$0x16EF0];
	[tilespmem:s20+$0x16EE0] =	vst v8;
	v8 =	vmul.f32 v63, v23  }
0x192: {  	v29 =	vld [tilespmem:s20+$0x16F60];
	v49 =	vbroadcast v7, $0xB;
	v21 =	vmul.f32 v58, v54;
	[tilespmem:s20+$0x16EB0] =	vst v62  }
0x193: {  	v59 =	vld [tilespmem:s20+$0x17090];
	[tilespmem:s20+$0x16F00] =	vst v8;
	v8 =	vmul.f32 v22, v23  }
0x194: {  	v32 =	vld [tilespmem:s20+$0x16F80];
	v18 =	vmul.f32 v56, v49;
	[tilespmem:s20+$0x16ED0] =	vst v21  }
0x195: {  	v24 =	vld [tilespmem:s20+$0x16F30];
	[tilespmem:s20+$0x16F20] =	vst v8;
	v8 =	vmul.f32 v26, v23  }
0x196: {  	v35 =	vld [tilespmem:s20+$0x16FA0];
	v25 =	vmul.f32 v61, v54;
	v62 =	vbroadcast v7, $0xC;
	[tilespmem:s20+$0x17070] =	vst v18  }
0x197: {  	[tilespmem:s20+$0x16F40] =	vst v8;
	v8 =	vmul.f32 v29, v23  }
0x198: {  	v39 =	vld [tilespmem:s20+$0x16FC0];
	[tilespmem:s20+$0x16EF0] =	vst v25;
	v21 =	vmul.f32 v59, v62  }
0x199: {  	v27 =	vld [tilespmem:s20+$0x16F50];
	[tilespmem:s20+$0x16F60] =	vst v8;
	v8 =	vmul.f32 v32, v36  }
0x19a: {  	v42 =	vld [tilespmem:s20+$0x16FE0];
	[tilespmem:s20+$0x17090] =	vst v21;
	v31 =	vmul.f32 v24, v23  }
0x19b: {  	v28 =	vmul.f32 v20, v23;
	v20 =	vld [tilespmem:s20+$0x170D0];
	[tilespmem:s20+$0x16F80] =	vst v8;
	v8 =	vmul.f32 v35, v36  }
0x19c: {  	v45 =	vld [tilespmem:s20+$0x17000];
	[tilespmem:s20+$0x16F30] =	vst v31  }
0x19d: {  	v37 =	vld [tilespmem:s20+$0x16FB0];
	[tilespmem:s20+$0x16FA0] =	vst v8;
	v8 =	vmul.f32 v39, v36  }
0x19e: {  	v48 =	vld [tilespmem:s20+$0x17020];
	v34 =	vmul.f32 v27, v23;
	[tilespmem:s20+$0x16F10] =	vst v28  }
0x19f: {  	v33 =	vld [tilespmem:s20+$0x16F90];
	[tilespmem:s20+$0x16FC0] =	vst v8;
	v8 =	vmul.f32 v42, v36  }
0x1a0: {  	v52 =	vld [tilespmem:s20+$0x17040];
	[tilespmem:s20+$0x16F50] =	vst v34;
	v27 =	vmul.f32 v20, v62  }
0x1a1: {  	v40 =	vld [tilespmem:s20+$0x16FD0];
	[tilespmem:s20+$0x16FE0] =	vst v8;
	v8 =	vmul.f32 v45, v49  }
0x1a2: {  	v55 =	vld [tilespmem:s20+$0x17060];
	v44 =	vmul.f32 v37, v36;
	[tilespmem:s20+$0x170D0] =	vst v27  }
0x1a3: {  	v50 =	vld [tilespmem:s20+$0x17030];
	[tilespmem:s20+$0x17000] =	vst v8;
	v8 =	vmul.f32 v48, v49  }
0x1a4: {  	v58 =	vld [tilespmem:s20+$0x17080];
	v41 =	vmul.f32 v33, v36;
	[tilespmem:s20+$0x16FB0] =	vst v44  }
0x1a5: {  	v46 =	vld [tilespmem:s20+$0x17010];
	[tilespmem:s20+$0x17020] =	vst v8;
	v8 =	vmul.f32 v52, v49  }
0x1a6: {  	v61 =	vld [tilespmem:s20+$0x170A0];
	v47 =	vmul.f32 v40, v36;
	[tilespmem:s20+$0x16F90] =	vst v41  }
0x1a7: {  	v53 =	vld [tilespmem:s20+$0x17050];
	[tilespmem:s20+$0x17040] =	vst v8;
	v8 =	vmul.f32 v55, v49  }
0x1a8: {  	v19 =	vld [tilespmem:s20+$0x170C0];
	[tilespmem:s20+$0x16FD0] =	vst v47;
	v57 =	vmul.f32 v50, v49  }
0x1a9: {  	v63 =	vld [tilespmem:s20+$0x170B0];
	[tilespmem:s20+$0x17060] =	vst v8;
	v8 =	vmul.f32 v58, v62  }
0x1aa: {  	v54 =	vmul.f32 v46, v49;
	[tilespmem:s20+$0x17030] =	vst v57;
	v22 =	vld [tilespmem:s20+$0x170E0]  }
0x1ab: {  	v30 =	vld [tilespmem:s20+$0x17130];
	[tilespmem:s20+$0x17080] =	vst v8;
	v8 =	vmul.f32 v61, v62  }
0x1ac: {  	v25 =	vld [tilespmem:s20+$0x17100];
	v60 =	vmul.f32 v53, v49;
	[tilespmem:s20+$0x17010] =	vst v54  }
0x1ad: {  	v33 =	vld [tilespmem:s20+$0x17150];
	[tilespmem:s20+$0x170A0] =	vst v8;
	v8 =	vmul.f32 v19, v62  }
0x1ae: {  	v28 =	vld [tilespmem:s20+$0x17120];
	[tilespmem:s20+$0x17050] =	vst v60;
	v24 =	vmul.f32 v63, v62;
	v29 =	vbroadcast v7, $0xD  }
0x1af: {  	v26 =	vld [tilespmem:s20+$0x17110];
	[tilespmem:s20+$0x170C0] =	vst v8;
	v8 =	vmul.f32 v22, v62  }
0x1b0: {  	[tilespmem:s20+$0x170B0] =	vst v24;
	v32 =	vld [tilespmem:s20+$0x17140];
	v37 =	vmul.f32 v30, v29  }
0x1b1: {  	v23 =	vld [tilespmem:s20+$0x170F0];
	[tilespmem:s20+$0x170E0] =	vst v8;
	v8 =	vmul.f32 v25, v29  }
0x1b2: {  	v40 =	vmul.f32 v33, v29;
	v35 =	vld [tilespmem:s20+$0x17160];
	[tilespmem:s20+$0x17130] =	vst v37  }
0x1b3: {  	v43 =	vld [tilespmem:s20+$0x171B0];
	[tilespmem:s20+$0x17100] =	vst v8;
	v8 =	vmul.f32 v28, v29  }
0x1b4: {  	v38 =	vld [tilespmem:s20+$0x17180];
	v34 =	vmul.f32 v26, v29;
	[tilespmem:s20+$0x17150] =	vst v40  }
0x1b5: {  	v46 =	vld [tilespmem:s20+$0x171D0];
	[tilespmem:s20+$0x17120] =	vst v8;
	v8 =	vmul.f32 v32, v29  }
0x1b6: {  	v41 =	vld [tilespmem:s20+$0x171A0];
	v31 =	vmul.f32 v23, v62;
	[tilespmem:s20+$0x17110] =	vst v34;
	v42 =	vbroadcast v7, $0xE  }
0x1b7: {  	v39 =	vld [tilespmem:s20+$0x17190];
	[tilespmem:s20+$0x17140] =	vst v8;
	v8 =	vmul.f32 v35, v29  }
0x1b8: {  	[tilespmem:s20+$0x170F0] =	vst v31;
	v45 =	vld [tilespmem:s20+$0x171C0];
	v50 =	vmul.f32 v43, v42  }
0x1b9: {  	v36 =	vld [tilespmem:s20+$0x17170];
	[tilespmem:s20+$0x17160] =	vst v8;
	v8 =	vmul.f32 v38, v42  }
0x1ba: {  	v53 =	vmul.f32 v46, v42;
	v48 =	vld [tilespmem:s20+$0x171E0];
	[tilespmem:s20+$0x171B0] =	vst v50  }
0x1bb: {  	v52 =	vld [tilespmem:s20+$0x17210];
	[tilespmem:s20+$0x17180] =	vst v8;
	v8 =	vmul.f32 v41, v42  }
0x1bc: {  	v51 =	vld [tilespmem:s20+$0x17200];
	v47 =	vmul.f32 v39, v42;
	[tilespmem:s20+$0x171D0] =	vst v53  }
0x1bd: {  	v49 =	vld [tilespmem:s20+$0x171F0];
	[tilespmem:s20+$0x171A0] =	vst v8;
	v8 =	vmul.f32 v45, v42  }
0x1be: {  	v54 =	vld [tilespmem:s20+$0x17220];
	v7 =	vbroadcast v7, $0xF;
	v44 =	vmul.f32 v36, v29;
	[tilespmem:s20+$0x17190] =	vst v47  }
0x1bf: {  	v58 =	vld [tilespmem:s20+$0x17250];
	[tilespmem:s20+$0x171C0] =	vst v8;
	v8 =	vmul.f32 v48, v42  }
0x1c0: {  	v57 =	vld [tilespmem:s20+$0x17240];
	[tilespmem:s20+$0x17170] =	vst v44;
	v59 =	vmul.f32 v52, v7  }
0x1c1: {  	v55 =	vld [tilespmem:s20+$0x17230];
	[tilespmem:s20+$0x171E0] =	vst v8;
	v8 =	vmul.f32 v51, v7  }
0x1c2: {  	v60 =	vld [tilespmem:s20+$0x17260];
	v56 =	vmul.f32 v49, v42;
	[tilespmem:s20+$0x17210] =	vst v59  }
0x1c3: {  	v61 =	vld [tilespmem:s20+$0x17270];
	[tilespmem:s20+$0x17200] =	vst v8;
	v8 =	vmul.f32 v54, v7  }
0x1c4: {  	[tilespmem:s20+$0x171F0] =	vst v56;
	v63 =	vmul.f32 v58, v7  }
0x1c5: {  	p2 =	sne.s32 s19, $0x4;
	[tilespmem:s20+$0x17220] =	vst v8;
	v8 =	vmul.f32 v57, v7  }
.Ltmp6:
0x1c6: {  	v62 =	vmul.f32 v55, v7;
	[tilespmem:s20+$0x17250] =	vst v63;
	(pc) =	sbr.rel @p2 .LBB2_10-.Ltmp6, $4  }
0x1c7: {  	[tilespmem:s20+$0x17240] =	vst v8;
	v8 =	vmul.f32 v60, v7  }
0x1c8: {  	[tilespmem:s20+$0x17230] =	vst v62;
	v7 =	vmul.f32 v61, v7  }
0x1c9: {  	[tilespmem:s20+$0x17260] =	vst v8  }
0x1ca: {  	s19 =	sadd.s32 $0x1, s19;
	[tilespmem:s20+$0x17270] =	vst v7  }
.Ltmp7:
0x1cb: {  	(pc) =	sbr.rel @p1 .LBB2_15-.Ltmp7, $4  }
0x1cc: {  	[spmem:s3] =	stream.indirect.scatter.add.f32 [tilespmem:s11], [sflag:$0x5], $0x80, s12, s10, $0xb8;
	[tilespmem:$0x1E680] =	vst v63  }
0x1cd: {  	_ =	swait.ge [sflag:s26], $0x2800  }
0x1ce: {  	[sflag:s26] =	ssyncset.done $0x0  }
0x1cf: {  	[sflag:s26] =	ssyncadd.s32 $0xFFFFD800  }
0x1d0: {  	s19 =	sadd.s32 s18, s31  }
0x1d1: {  	s18 =	sshll.u32 s19, $0x4  }
0x1d2: {  	s19 =	sshrl.u32 s19, $0x3;
	s20 =	sadd.s32 s0, s18;
	s18 =	simm.s32 $0x0  }
0x1d3: {  	[tilespmem:s7], [sflag:$0x1] =	stream.linear.gather [hbm4b:s20+s18], $0x2800, $0x38;
	[tilespmem:$0x1E680] =	vst v63  }
0x1d4: {  	s22 =	sadd.s32 s1, s19  }
0x1d5: {  	[tilespmem:s8], [sflag:$0x1] =	stream.linear.gather [hbm4b:s22+s18], $0x50, $0x38;
	[tilespmem:$0x1E680] =	vst v63  }
0x1d6: {  	s19 =	sadd.s32 s2, s19  }
0x1d7: {  	[tilespmem:s9], [sflag:$0x1] =	stream.linear.gather [hbm4b:s19+s18], $0x50, $0x38;
	[tilespmem:$0x1E680] =	vst v63  }
0x1d8: {  	_ =	swait.ge [sflag:s28], $0x2800  }
0x1d9: {  	[sflag:s28] =	ssyncset.done $0x0  }
0x1da: {  	[sflag:s28] =	ssyncadd.s32 $0xFFFFD800  }
0x1db: {  	_ =	swait.ge [sflag:s28], $0x50  }
0x1dc: {  	[sflag:s28] =	ssyncset.done $0x0  }
0x1dd: {  	[sflag:s28] =	ssyncadd.s32 $0xFFFFFFB0  }
0x1de: {  	_ =	swait.ge [sflag:s28], $0x50  }
0x1df: {  	[sflag:s28] =	ssyncset.done $0x0  }
0x1e0: {  	[sflag:s28] =	ssyncadd.s32 $0xFFFFFFB0  }
.LBB2_13:
0x1e1: {  	s19 =	sshll.u32 s18, $0x4  }
0x1e2: {  	v7 =	vld [tilespmem:s19+$0x1BD00];
	_ =	sdelay $0x4  }
0x1e3: {  	v7 =	vsub.f32 v7, v6;
	_ =	sdelay $0x1  }
0x1e4: {  	v7 =	vmul.f32 $1.442695020e+00, v7;
	_ =	sdelay $0x1  }
0x1e5: {  	(erf) = vpow2.f32 v7;
	_ =	sdelay $0x1  }
0x1e6: {  	v8 =	vld [tilespmem:s19+$0x1BB80];
	_ =	sdelay $0x6  }
0x1e7: {  	s22 =	sshll.u32 s18, $0xB;
	v7 =	vpop (erf)  }
0x1e8: {  	s19 =	sand.u32 $0x3FFFF800, s22;
	[tilespmem:v8+s16+$0x0] =	vst.idx.add.f32.msk $0xffff, v7  }
0x1e9: {  	v8 =	vld [tilespmem:s19+$0x19280]  }
0x1ea: {  	v9 =	vld [tilespmem:s19+$0x19290]  }
0x1eb: {  	v10 =	vld [tilespmem:s19+$0x192A0]  }
0x1ec: {  	v12 =	vld [tilespmem:s19+$0x192B0]  }
0x1ed: {  	v11 =	vbroadcast v7, $0x0;
	v13 =	vld [tilespmem:s19+$0x192C0]  }
0x1ee: {  	v14 =	vld [tilespmem:s19+$0x192D0]  }
0x1ef: {  	v15 =	vld [tilespmem:s19+$0x192E0];
	v8 =	vmul.f32 v11, v8  }
0x1f0: {  	v49 =	vld [tilespmem:s19+$0x192F0];
	v9 =	vmul.f32 v9, v11  }
0x1f1: {  	v51 =	vld [tilespmem:s19+$0x19300];
	[tilespmem:s19+$0x19280] =	vst v8;
	v8 =	vmul.f32 v10, v11  }
0x1f2: {  	v52 =	vld [tilespmem:s19+$0x19310];
	v50 =	vmul.f32 v12, v11;
	[tilespmem:s19+$0x19290] =	vst v9  }
0x1f3: {  	v54 =	vld [tilespmem:s19+$0x19320];
	[tilespmem:s19+$0x192A0] =	vst v8;
	v8 =	vmul.f32 v13, v11  }
0x1f4: {  	v16 =	vld [tilespmem:s19+$0x19330];
	v53 =	vmul.f32 v14, v11;
	[tilespmem:s19+$0x192B0] =	vst v50  }
0x1f5: {  	v55 =	vbroadcast v7, $0x1;
	v57 =	vld [tilespmem:s19+$0x19340];
	[tilespmem:s19+$0x192C0] =	vst v8;
	v8 =	vmul.f32 v15, v11  }
0x1f6: {  	v58 =	vld [tilespmem:s19+$0x19350];
	v56 =	vmul.f32 v49, v11;
	[tilespmem:s19+$0x192D0] =	vst v53  }
0x1f7: {  	v60 =	vld [tilespmem:s19+$0x19360];
	[tilespmem:s19+$0x192E0] =	vst v8;
	v8 =	vmul.f32 v51, v55  }
0x1f8: {  	v61 =	vld [tilespmem:s19+$0x19370];
	v59 =	vmul.f32 v52, v55;
	[tilespmem:s19+$0x192F0] =	vst v56  }
0x1f9: {  	v63 =	vld [tilespmem:s19+$0x19380];
	[tilespmem:s19+$0x19300] =	vst v8;
	v8 =	vmul.f32 v54, v55  }
0x1fa: {  	v20 =	vld [tilespmem:s19+$0x19390];
	v62 =	vmul.f32 v16, v55;
	[tilespmem:s19+$0x19310] =	vst v59  }
0x1fb: {  	v22 =	vld [tilespmem:s19+$0x193A0];
	[tilespmem:s19+$0x19320] =	vst v8;
	v8 =	vmul.f32 v57, v55  }
0x1fc: {  	v24 =	vld [tilespmem:s19+$0x193B0];
	v21 =	vmul.f32 v58, v55;
	[tilespmem:s19+$0x19330] =	vst v62  }
0x1fd: {  	v23 =	vbroadcast v7, $0x2;
	v26 =	vld [tilespmem:s19+$0x193C0];
	[tilespmem:s19+$0x19340] =	vst v8;
	v8 =	vmul.f32 v60, v55  }
0x1fe: {  	v27 =	vld [tilespmem:s19+$0x193D0];
	v25 =	vmul.f32 v61, v55;
	[tilespmem:s19+$0x19350] =	vst v21  }
0x1ff: {  	v29 =	vld [tilespmem:s19+$0x193E0];
	[tilespmem:s19+$0x19360] =	vst v8;
	v8 =	vmul.f32 v63, v23  }
0x200: {  	v30 =	vld [tilespmem:s19+$0x193F0];
	v28 =	vmul.f32 v20, v23;
	[tilespmem:s19+$0x19370] =	vst v25  }
0x201: {  	v32 =	vld [tilespmem:s19+$0x19400];
	[tilespmem:s19+$0x19380] =	vst v8;
	v8 =	vmul.f32 v22, v23  }
0x202: {  	v33 =	vld [tilespmem:s19+$0x19410];
	v31 =	vmul.f32 v24, v23;
	[tilespmem:s19+$0x19390] =	vst v28  }
0x203: {  	v35 =	vld [tilespmem:s19+$0x19420];
	[tilespmem:s19+$0x193A0] =	vst v8;
	v8 =	vmul.f32 v26, v23  }
0x204: {  	v37 =	vld [tilespmem:s19+$0x19430];
	v34 =	vmul.f32 v27, v23;
	[tilespmem:s19+$0x193B0] =	vst v31  }
0x205: {  	v36 =	vbroadcast v7, $0x3;
	v39 =	vld [tilespmem:s19+$0x19440];
	[tilespmem:s19+$0x193C0] =	vst v8;
	v8 =	vmul.f32 v29, v23  }
0x206: {  	v40 =	vld [tilespmem:s19+$0x19450];
	v38 =	vmul.f32 v30, v23;
	[tilespmem:s19+$0x193D0] =	vst v34  }
0x207: {  	v42 =	vld [tilespmem:s19+$0x19460];
	[tilespmem:s19+$0x193E0] =	vst v8;
	v8 =	vmul.f32 v32, v36  }
0x208: {  	v43 =	vld [tilespmem:s19+$0x19470];
	v41 =	vmul.f32 v33, v36;
	[tilespmem:s19+$0x193F0] =	vst v38  }
0x209: {  	v56 =	vld [tilespmem:s19+$0x194F0];
	[tilespmem:s19+$0x19400] =	vst v8;
	v8 =	vmul.f32 v35, v36  }
0x20a: {  	v45 =	vld [tilespmem:s19+$0x19480];
	v44 =	vmul.f32 v37, v36;
	[tilespmem:s19+$0x19410] =	vst v41  }
0x20b: {  	v59 =	vld [tilespmem:s19+$0x19510];
	[tilespmem:s19+$0x19420] =	vst v8;
	v8 =	vmul.f32 v39, v36  }
0x20c: {  	v48 =	vld [tilespmem:s19+$0x194A0];
	v47 =	vmul.f32 v40, v36;
	v49 =	vbroadcast v7, $0x4;
	[tilespmem:s19+$0x19430] =	vst v44  }
0x20d: {  	v25 =	vld [tilespmem:s19+$0x19590];
	[tilespmem:s19+$0x19440] =	vst v8;
	v8 =	vmul.f32 v42, v36  }
0x20e: {  	v52 =	vld [tilespmem:s19+$0x194C0];
	[tilespmem:s19+$0x19450] =	vst v47;
	v62 =	vbroadcast v7, $0x5;
	v17 =	vmul.f32 v56, v49  }
0x20f: {  	v46 =	vld [tilespmem:s19+$0x19490];
	[tilespmem:s19+$0x19460] =	vst v8;
	v8 =	vmul.f32 v45, v49  }
0x210: {  	v28 =	vbroadcast v7, $0x6;
	v20 =	vmul.f32 v59, v62;
	[tilespmem:s19+$0x194F0] =	vst v17;
	v55 =	vld [tilespmem:s19+$0x194E0]  }
0x211: {  	v18 =	vld [tilespmem:s19+$0x19540];
	[tilespmem:s19+$0x19480] =	vst v8;
	v8 =	vmul.f32 v48, v49  }
0x212: {  	v58 =	vld [tilespmem:s19+$0x19500];
	v33 =	vmul.f32 v25, v28;
	[tilespmem:s19+$0x19510] =	vst v20  }
0x213: {  	v38 =	vld [tilespmem:s19+$0x19610];
	[tilespmem:s19+$0x194A0] =	vst v8;
	v8 =	vmul.f32 v52, v49  }
0x214: {  	v61 =	vld [tilespmem:s19+$0x19520];
	v51 =	vmul.f32 v43, v36;
	[tilespmem:s19+$0x19590] =	vst v33  }
0x215: {  	v50 =	vld [tilespmem:s19+$0x194B0];
	[tilespmem:s19+$0x194C0] =	vst v8;
	v8 =	vmul.f32 v55, v49  }
0x216: {  	v19 =	vld [tilespmem:s19+$0x19550];
	v41 =	vbroadcast v7, $0x7;
	[tilespmem:s19+$0x19470] =	vst v51;
	v54 =	vmul.f32 v46, v49  }
0x217: {  	v53 =	vld [tilespmem:s19+$0x194D0];
	[tilespmem:s19+$0x194E0] =	vst v8;
	v8 =	vmul.f32 v58, v62  }
0x218: {  	v21 =	vld [tilespmem:s19+$0x19560];
	v46 =	vmul.f32 v38, v41;
	[tilespmem:s19+$0x19490] =	vst v54  }
0x219: {  	v51 =	vld [tilespmem:s19+$0x19690];
	[tilespmem:s19+$0x19500] =	vst v8;
	v8 =	vmul.f32 v61, v62  }
0x21a: {  	v24 =	vld [tilespmem:s19+$0x19580];
	v57 =	vmul.f32 v50, v49;
	[tilespmem:s19+$0x19610] =	vst v46  }
0x21b: {  	v27 =	vld [tilespmem:s19+$0x195A0];
	[tilespmem:s19+$0x19520] =	vst v8;
	v8 =	vmul.f32 v18, v62  }
0x21c: {  	v37 =	vld [tilespmem:s19+$0x19600];
	v54 =	vbroadcast v7, $0x8;
	[tilespmem:s19+$0x194B0] =	vst v57;
	v60 =	vmul.f32 v53, v49  }
0x21d: {  	v22 =	vld [tilespmem:s19+$0x19570];
	[tilespmem:s19+$0x19540] =	vst v8;
	v8 =	vmul.f32 v21, v62  }
0x21e: {  	v31 =	vld [tilespmem:s19+$0x195C0];
	v59 =	vmul.f32 v51, v54;
	[tilespmem:s19+$0x194D0] =	vst v60  }
0x21f: {  	v63 =	vld [tilespmem:s19+$0x19530];
	[tilespmem:s19+$0x19560] =	vst v8;
	v8 =	vmul.f32 v24, v28  }
0x220: {  	v34 =	vld [tilespmem:s19+$0x195E0];
	[tilespmem:s19+$0x19690] =	vst v59;
	v26 =	vmul.f32 v19, v62  }
0x221: {  	v32 =	vld [tilespmem:s19+$0x195D0];
	[tilespmem:s19+$0x19580] =	vst v8;
	v8 =	vmul.f32 v27, v28  }
0x222: {  	v40 =	vld [tilespmem:s19+$0x19620];
	[tilespmem:s19+$0x19550] =	vst v26;
	v30 =	vmul.f32 v22, v62  }
0x223: {  	v29 =	vld [tilespmem:s19+$0x195B0];
	[tilespmem:s19+$0x195A0] =	vst v8;
	v8 =	vmul.f32 v31, v28  }
0x224: {  	v44 =	vld [tilespmem:s19+$0x19640];
	v23 =	vmul.f32 v63, v62;
	[tilespmem:s19+$0x19570] =	vst v30  }
0x225: {  	v30 =	vld [tilespmem:s19+$0x19770];
	[tilespmem:s19+$0x195C0] =	vst v8;
	v8 =	vmul.f32 v34, v28  }
0x226: {  	v47 =	vld [tilespmem:s19+$0x19660];
	[tilespmem:s19+$0x19530] =	vst v23;
	v39 =	vmul.f32 v32, v28  }
0x227: {  	v35 =	vld [tilespmem:s19+$0x195F0];
	[tilespmem:s19+$0x195E0] =	vst v8;
	v8 =	vmul.f32 v37, v41  }
0x228: {  	v20 =	vld [tilespmem:s19+$0x19710];
	v23 =	vbroadcast v7, $0x9;
	v36 =	vmul.f32 v29, v28;
	[tilespmem:s19+$0x195D0] =	vst v39  }
0x229: {  	v45 =	vld [tilespmem:s19+$0x19650];
	[tilespmem:s19+$0x19600] =	vst v8;
	v8 =	vmul.f32 v40, v41  }
0x22a: {  	v50 =	vld [tilespmem:s19+$0x19680];
	v38 =	vmul.f32 v30, v23;
	[tilespmem:s19+$0x195B0] =	vst v36  }
0x22b: {  	v42 =	vld [tilespmem:s19+$0x19630];
	[tilespmem:s19+$0x19620] =	vst v8;
	v8 =	vmul.f32 v44, v41  }
0x22c: {  	v53 =	vld [tilespmem:s19+$0x196A0];
	v43 =	vmul.f32 v35, v28;
	[tilespmem:s19+$0x19770] =	vst v38  }
0x22d: {  	v48 =	vld [tilespmem:s19+$0x19670];
	[tilespmem:s19+$0x19640] =	vst v8;
	v8 =	vmul.f32 v47, v41  }
0x22e: {  	v57 =	vld [tilespmem:s19+$0x196C0];
	[tilespmem:s19+$0x195F0] =	vst v43;
	v52 =	vmul.f32 v45, v41  }
0x22f: {  	v43 =	vld [tilespmem:s19+$0x197F0];
	[tilespmem:s19+$0x19660] =	vst v8;
	v8 =	vmul.f32 v50, v54  }
0x230: {  	v60 =	vld [tilespmem:s19+$0x196E0];
	v49 =	vmul.f32 v42, v41;
	[tilespmem:s19+$0x19650] =	vst v52  }
0x231: {  	v55 =	vld [tilespmem:s19+$0x196B0];
	[tilespmem:s19+$0x19680] =	vst v8;
	v8 =	vmul.f32 v53, v54  }
0x232: {  	v63 =	vld [tilespmem:s19+$0x19700];
	v36 =	vbroadcast v7, $0xA;
	v56 =	vmul.f32 v48, v41;
	[tilespmem:s19+$0x19630] =	vst v49  }
0x233: {  	v58 =	vld [tilespmem:s19+$0x196D0];
	[tilespmem:s19+$0x196A0] =	vst v8;
	v8 =	vmul.f32 v57, v54  }
0x234: {  	v22 =	vld [tilespmem:s19+$0x19720];
	v51 =	vmul.f32 v43, v36;
	[tilespmem:s19+$0x19670] =	vst v56  }
0x235: {  	v56 =	vld [tilespmem:s19+$0x19870];
	[tilespmem:s19+$0x196C0] =	vst v8;
	v8 =	vmul.f32 v60, v54  }
0x236: {  	v26 =	vld [tilespmem:s19+$0x19740];
	[tilespmem:s19+$0x197F0] =	vst v51;
	v62 =	vmul.f32 v55, v54  }
0x237: {  	v61 =	vld [tilespmem:s19+$0x196F0];
	[tilespmem:s19+$0x196E0] =	vst v8;
	v8 =	vmul.f32 v63, v23  }
0x238: {  	v29 =	vld [tilespmem:s19+$0x19760];
	v49 =	vbroadcast v7, $0xB;
	v21 =	vmul.f32 v58, v54;
	[tilespmem:s19+$0x196B0] =	vst v62  }
0x239: {  	v59 =	vld [tilespmem:s19+$0x19890];
	[tilespmem:s19+$0x19700] =	vst v8;
	v8 =	vmul.f32 v22, v23  }
0x23a: {  	v32 =	vld [tilespmem:s19+$0x19780];
	v18 =	vmul.f32 v56, v49;
	[tilespmem:s19+$0x196D0] =	vst v21  }
0x23b: {  	v24 =	vld [tilespmem:s19+$0x19730];
	[tilespmem:s19+$0x19720] =	vst v8;
	v8 =	vmul.f32 v26, v23  }
0x23c: {  	v35 =	vld [tilespmem:s19+$0x197A0];
	v25 =	vmul.f32 v61, v54;
	v62 =	vbroadcast v7, $0xC;
	[tilespmem:s19+$0x19870] =	vst v18  }
0x23d: {  	[tilespmem:s19+$0x19740] =	vst v8;
	v8 =	vmul.f32 v29, v23  }
0x23e: {  	v39 =	vld [tilespmem:s19+$0x197C0];
	[tilespmem:s19+$0x196F0] =	vst v25;
	v21 =	vmul.f32 v59, v62  }
0x23f: {  	v27 =	vld [tilespmem:s19+$0x19750];
	[tilespmem:s19+$0x19760] =	vst v8;
	v8 =	vmul.f32 v32, v36  }
0x240: {  	v42 =	vld [tilespmem:s19+$0x197E0];
	[tilespmem:s19+$0x19890] =	vst v21;
	v31 =	vmul.f32 v24, v23  }
0x241: {  	v28 =	vmul.f32 v20, v23;
	v20 =	vld [tilespmem:s19+$0x198D0];
	[tilespmem:s19+$0x19780] =	vst v8;
	v8 =	vmul.f32 v35, v36  }
0x242: {  	v45 =	vld [tilespmem:s19+$0x19800];
	[tilespmem:s19+$0x19730] =	vst v31  }
0x243: {  	v37 =	vld [tilespmem:s19+$0x197B0];
	[tilespmem:s19+$0x197A0] =	vst v8;
	v8 =	vmul.f32 v39, v36  }
0x244: {  	v48 =	vld [tilespmem:s19+$0x19820];
	v34 =	vmul.f32 v27, v23;
	[tilespmem:s19+$0x19710] =	vst v28  }
0x245: {  	v33 =	vld [tilespmem:s19+$0x19790];
	[tilespmem:s19+$0x197C0] =	vst v8;
	v8 =	vmul.f32 v42, v36  }
0x246: {  	v52 =	vld [tilespmem:s19+$0x19840];
	[tilespmem:s19+$0x19750] =	vst v34;
	v27 =	vmul.f32 v20, v62  }
0x247: {  	v40 =	vld [tilespmem:s19+$0x197D0];
	[tilespmem:s19+$0x197E0] =	vst v8;
	v8 =	vmul.f32 v45, v49  }
0x248: {  	v55 =	vld [tilespmem:s19+$0x19860];
	v44 =	vmul.f32 v37, v36;
	[tilespmem:s19+$0x198D0] =	vst v27  }
0x249: {  	v50 =	vld [tilespmem:s19+$0x19830];
	[tilespmem:s19+$0x19800] =	vst v8;
	v8 =	vmul.f32 v48, v49  }
0x24a: {  	v58 =	vld [tilespmem:s19+$0x19880];
	v41 =	vmul.f32 v33, v36;
	[tilespmem:s19+$0x197B0] =	vst v44  }
0x24b: {  	v46 =	vld [tilespmem:s19+$0x19810];
	[tilespmem:s19+$0x19820] =	vst v8;
	v8 =	vmul.f32 v52, v49  }
0x24c: {  	v61 =	vld [tilespmem:s19+$0x198A0];
	v47 =	vmul.f32 v40, v36;
	[tilespmem:s19+$0x19790] =	vst v41  }
0x24d: {  	v53 =	vld [tilespmem:s19+$0x19850];
	[tilespmem:s19+$0x19840] =	vst v8;
	v8 =	vmul.f32 v55, v49  }
0x24e: {  	v19 =	vld [tilespmem:s19+$0x198C0];
	[tilespmem:s19+$0x197D0] =	vst v47;
	v57 =	vmul.f32 v50, v49  }
0x24f: {  	v63 =	vld [tilespmem:s19+$0x198B0];
	[tilespmem:s19+$0x19860] =	vst v8;
	v8 =	vmul.f32 v58, v62  }
0x250: {  	v54 =	vmul.f32 v46, v49;
	[tilespmem:s19+$0x19830] =	vst v57;
	v22 =	vld [tilespmem:s19+$0x198E0]  }
0x251: {  	v30 =	vld [tilespmem:s19+$0x19930];
	[tilespmem:s19+$0x19880] =	vst v8;
	v8 =	vmul.f32 v61, v62  }
0x252: {  	v25 =	vld [tilespmem:s19+$0x19900];
	v60 =	vmul.f32 v53, v49;
	[tilespmem:s19+$0x19810] =	vst v54  }
0x253: {  	v33 =	vld [tilespmem:s19+$0x19950];
	[tilespmem:s19+$0x198A0] =	vst v8;
	v8 =	vmul.f32 v19, v62  }
0x254: {  	v28 =	vld [tilespmem:s19+$0x19920];
	[tilespmem:s19+$0x19850] =	vst v60;
	v24 =	vmul.f32 v63, v62;
	v29 =	vbroadcast v7, $0xD  }
0x255: {  	v26 =	vld [tilespmem:s19+$0x19910];
	[tilespmem:s19+$0x198C0] =	vst v8;
	v8 =	vmul.f32 v22, v62  }
0x256: {  	[tilespmem:s19+$0x198B0] =	vst v24;
	v32 =	vld [tilespmem:s19+$0x19940];
	v37 =	vmul.f32 v30, v29  }
0x257: {  	v23 =	vld [tilespmem:s19+$0x198F0];
	[tilespmem:s19+$0x198E0] =	vst v8;
	v8 =	vmul.f32 v25, v29  }
0x258: {  	v40 =	vmul.f32 v33, v29;
	v35 =	vld [tilespmem:s19+$0x19960];
	[tilespmem:s19+$0x19930] =	vst v37  }
0x259: {  	v43 =	vld [tilespmem:s19+$0x199B0];
	[tilespmem:s19+$0x19900] =	vst v8;
	v8 =	vmul.f32 v28, v29  }
0x25a: {  	v38 =	vld [tilespmem:s19+$0x19980];
	v34 =	vmul.f32 v26, v29;
	[tilespmem:s19+$0x19950] =	vst v40  }
0x25b: {  	v46 =	vld [tilespmem:s19+$0x199D0];
	[tilespmem:s19+$0x19920] =	vst v8;
	v8 =	vmul.f32 v32, v29  }
0x25c: {  	v41 =	vld [tilespmem:s19+$0x199A0];
	v31 =	vmul.f32 v23, v62;
	[tilespmem:s19+$0x19910] =	vst v34;
	v42 =	vbroadcast v7, $0xE  }
0x25d: {  	v39 =	vld [tilespmem:s19+$0x19990];
	[tilespmem:s19+$0x19940] =	vst v8;
	v8 =	vmul.f32 v35, v29  }
0x25e: {  	[tilespmem:s19+$0x198F0] =	vst v31;
	v45 =	vld [tilespmem:s19+$0x199C0];
	v50 =	vmul.f32 v43, v42  }
0x25f: {  	v36 =	vld [tilespmem:s19+$0x19970];
	[tilespmem:s19+$0x19960] =	vst v8;
	v8 =	vmul.f32 v38, v42  }
0x260: {  	v53 =	vmul.f32 v46, v42;
	v48 =	vld [tilespmem:s19+$0x199E0];
	[tilespmem:s19+$0x199B0] =	vst v50  }
0x261: {  	v52 =	vld [tilespmem:s19+$0x19A10];
	[tilespmem:s19+$0x19980] =	vst v8;
	v8 =	vmul.f32 v41, v42  }
0x262: {  	v51 =	vld [tilespmem:s19+$0x19A00];
	v47 =	vmul.f32 v39, v42;
	[tilespmem:s19+$0x199D0] =	vst v53  }
0x263: {  	v49 =	vld [tilespmem:s19+$0x199F0];
	[tilespmem:s19+$0x199A0] =	vst v8;
	v8 =	vmul.f32 v45, v42  }
0x264: {  	v54 =	vld [tilespmem:s19+$0x19A20];
	v7 =	vbroadcast v7, $0xF;
	v44 =	vmul.f32 v36, v29;
	[tilespmem:s19+$0x19990] =	vst v47  }
0x265: {  	v58 =	vld [tilespmem:s19+$0x19A50];
	[tilespmem:s19+$0x199C0] =	vst v8;
	v8 =	vmul.f32 v48, v42  }
0x266: {  	v57 =	vld [tilespmem:s19+$0x19A40];
	[tilespmem:s19+$0x19970] =	vst v44;
	v59 =	vmul.f32 v52, v7  }
0x267: {  	v55 =	vld [tilespmem:s19+$0x19A30];
	[tilespmem:s19+$0x199E0] =	vst v8;
	v8 =	vmul.f32 v51, v7  }
0x268: {  	v60 =	vld [tilespmem:s19+$0x19A60];
	v56 =	vmul.f32 v49, v42;
	[tilespmem:s19+$0x19A10] =	vst v59  }
0x269: {  	v61 =	vld [tilespmem:s19+$0x19A70];
	[tilespmem:s19+$0x19A00] =	vst v8;
	v8 =	vmul.f32 v54, v7  }
0x26a: {  	[tilespmem:s19+$0x199F0] =	vst v56;
	v63 =	vmul.f32 v58, v7  }
0x26b: {  	p1 =	sne.s32 s18, $0x4;
	[tilespmem:s19+$0x19A20] =	vst v8;
	v8 =	vmul.f32 v57, v7  }
.Ltmp8:
0x26c: {  	v62 =	vmul.f32 v55, v7;
	[tilespmem:s19+$0x19A50] =	vst v63;
	(pc) =	sbr.rel @p1 .LBB2_13-.Ltmp8, $4  }
0x26d: {  	[tilespmem:s19+$0x19A40] =	vst v8;
	v8 =	vmul.f32 v60, v7  }
0x26e: {  	[tilespmem:s19+$0x19A30] =	vst v62;
	v7 =	vmul.f32 v61, v7  }
0x26f: {  	[tilespmem:s19+$0x19A60] =	vst v8  }
0x270: {  	s18 =	sadd.s32 $0x1, s18;
	[tilespmem:s19+$0x19A70] =	vst v7  }
.Ltmp9:
0x271: {  	(pc) =	sbr.rel .LBB2_15-.Ltmp9, $2  }
0x272: {  	_ =	sdelay $0x2  }
0x273: {  	[spmem:s3] =	stream.indirect.scatter.add.f32 [tilespmem:s5], [sflag:$0x6], $0x80, s13, s10, $0xb8;
	[tilespmem:$0x1E680] =	vst v63  }
.LBB2_16:
0x274: {  	s17 =	simm.s32 $0x0  }
0x275: {  	v9 =	vld [tilespmem:s17+$0x1BE70]  }
0x276: {  	v10 =	vld [tilespmem:s17+$0x1BE00]  }
0x277: {  	v11 =	vld [tilespmem:s17+$0x1BE10]  }
0x278: {  	v8 =	vld [tilespmem:s17+$0x1BE20]  }
0x279: {  	v6 =	vld [tilespmem:s17+$0x1BE30]  }
0x27a: {  	v7 =	vld [tilespmem:s17+$0x1BE40];
	[tilespmem:s17+$0x142F0] =	vst v9  }
0x27b: {  	[tilespmem:s17+$0x14280] =	vst v10;
	v9 =	vld [tilespmem:s17+$0x1BE50]  }
0x27c: {  	s18 =	simm.s32 $0x80;
	s19 =	simm.s32 $0x400;
	[tilespmem:s17+$0x14290] =	vst v11;
	v10 =	vld [tilespmem:s17+$0x1BE60]  }
.LBB2_17:
0x27d: {  	p1 =	sne.s32 s19, $0x9E00;
	v11 =	vld [tilespmem:s18+$0x1BE70];
	[tilespmem:s17+$0x142A0] =	vst v8  }
0x27e: {  	v12 =	vld [tilespmem:s18+$0x1BE00];
	[tilespmem:s17+$0x142B0] =	vst v6  }
0x27f: {  	v13 =	vld [tilespmem:s18+$0x1BE10];
	[tilespmem:s17+$0x142C0] =	vst v7  }
.Ltmp10:
0x280: {  	v8 =	vld [tilespmem:s18+$0x1BE20];
	[tilespmem:s17+$0x142D0] =	vst v9;
	(pc) =	sbr.rel @p1 .LBB2_17-.Ltmp10, $4  }
0x281: {  	v6 =	vld [tilespmem:s18+$0x1BE30];
	[tilespmem:s17+$0x142E0] =	vst v10;
	s17 =	smov.u32 s18  }
0x282: {  	v7 =	vld [tilespmem:s17+$0x1BE40];
	[tilespmem:s17+$0x142F0] =	vst v11  }
0x283: {  	[tilespmem:s17+$0x14280] =	vst v12;
	v9 =	vld [tilespmem:s17+$0x1BE50]  }
0x284: {  	s18 =	sshra.s32 s19, $0x2;
	s19 =	sadd.s32 $0x200, s19;
	[tilespmem:s17+$0x14290] =	vst v13;
	v10 =	vld [tilespmem:s17+$0x1BE60]  }
0x285: {  	v11 =	vld [tilespmem:s18+$0x1BE70];
	[tilespmem:s17+$0x142A0] =	vst v8  }
0x286: {  	v8 =	vld [tilespmem:s18+$0x1BE00];
	[tilespmem:s17+$0x142B0] =	vst v6  }
0x287: {  	v6 =	vld [tilespmem:s18+$0x1BE10];
	[tilespmem:s17+$0x142C0] =	vst v7  }
0x288: {  	v7 =	vld [tilespmem:s18+$0x1BE20];
	[tilespmem:s17+$0x142D0] =	vst v9  }
0x289: {  	v9 =	vld [tilespmem:s18+$0x1BE30];
	[tilespmem:s17+$0x142E0] =	vst v10  }
0x28a: {  	v10 =	vld [tilespmem:s18+$0x1BE40];
	[tilespmem:s18+$0x142F0] =	vst v11  }
0x28b: {  	v63 =	vld [tilespmem:s18+$0x1BE50];
	[tilespmem:s18+$0x14280] =	vst v8  }
0x28c: {  	[tilespmem:s18+$0x14290] =	vst v6;
	v6 =	vld [tilespmem:s18+$0x1BE60]  }
0x28d: {  	[tilespmem:s18+$0x142A0] =	vst v7  }
0x28e: {  	[tilespmem:s18+$0x142B0] =	vst v9  }
0x28f: {  	[tilespmem:s18+$0x142C0] =	vst v10  }
0x290: {  	[tilespmem:s18+$0x142D0] =	vst v63  }
0x291: {  	s21 =	simm.s32 $0x1E600;
	[tilespmem:s18+$0x142E0] =	vst v6  }
0x292: {  	[spmem:s23] =	stream.indirect.scatter.add.f32 [tilespmem:s7], [sflag:$0x7], $0x80, s21, s10, $0xb8;
	[tilespmem:$0x1E680] =	vst v63  }
0x293: {  	_ =	swait.ge [sflag:s6], $0x2800  }
0x294: {  	[sflag:s6] =	ssyncset.done $0x0  }
0x295: {  	s22 =	stileid.u32;
	[sflag:s6] =	ssyncadd.s32 $0xFFFFD800  }
0x296: {  	s20 =	smov.u32 s24;
	s17 =	sshll.u32 s22, $0x6;
	[bflag:$0x0] =	sbarrier.arrive $0xFFFF  }
0x297: {  	s24 =	sshrl.u32 s24, $0x3;
	s17 =	sor.u32 $0x1C07, s17;
	s19 =	rddreg [dreg:$0x7]  }
0x298: {  	[hbm:s19], [sflag:s17] =	dma.local [spmem:s24], $0x500  }
0x299: {  	_ =	swait.ge [sflag:s6], $0x500  }
0x29a: {  	[sflag:s6] =	ssyncset.done $0x0;
	s19 =	rddreg [dreg:$0x10]  }
0x29b: {  	s21 =	rddreg [dreg:$0x8];
	[sflag:s6] =	ssyncadd.s32 $0xFFFFFB00;
	s18 =	sshrl.u32 s19, $0x3  }
0x29c: {  	[hbm:s21], [sflag:s17] =	dma.local [spmem:s18], $0x500  }
0x29d: {  	_ =	swait.ge [sflag:s6], $0x500  }
0x29e: {  	[sflag:s6] =	ssyncset.done $0x0;
	s22 =	rddreg [dreg:$0x11]  }
0x29f: {  	s24 =	rddreg [dreg:$0x9];
	[sflag:s6] =	ssyncadd.s32 $0xFFFFFB00;
	s18 =	sshrl.u32 s22, $0x3  }
0x2a0: {  	[hbm:s24], [sflag:s17] =	dma.local [spmem:s18], $0x500  }
0x2a1: {  	_ =	swait.ge [sflag:s6], $0x500  }
0x2a2: {  	[sflag:s6] =	ssyncset.done $0x0;
	s19 =	rddreg [dreg:$0x12]  }
0x2a3: {  	s21 =	rddreg [dreg:$0xa];
	[sflag:s6] =	ssyncadd.s32 $0xFFFFFB00;
	s18 =	sshrl.u32 s19, $0x3  }
0x2a4: {  	[hbm:s21], [sflag:s17] =	dma.local [spmem:s18], $0x500  }
0x2a5: {  	_ =	swait.ge [sflag:s6], $0x500  }
0x2a6: {  	[sflag:s6] =	ssyncset.done $0x0;
	s22 =	rddreg [dreg:$0x13]  }
0x2a7: {  	s24 =	rddreg [dreg:$0xb];
	[sflag:s6] =	ssyncadd.s32 $0xFFFFFB00;
	s18 =	sshrl.u32 s22, $0x3  }
0x2a8: {  	[hbm:s24], [sflag:s17] =	dma.local [spmem:s18], $0x500  }
0x2a9: {  	_ =	swait.ge [sflag:s6], $0x500  }
0x2aa: {  	[sflag:s6] =	ssyncset.done $0x0;
	s19 =	rddreg [dreg:$0x14]  }
0x2ab: {  	s21 =	rddreg [dreg:$0xc];
	[sflag:s6] =	ssyncadd.s32 $0xFFFFFB00;
	s18 =	sshrl.u32 s19, $0x3  }
0x2ac: {  	[hbm:s21], [sflag:s17] =	dma.local [spmem:s18], $0x500  }
0x2ad: {  	_ =	swait.ge [sflag:s6], $0x500  }
0x2ae: {  	[sflag:s6] =	ssyncset.done $0x0;
	s22 =	rddreg [dreg:$0x15]  }
0x2af: {  	s24 =	rddreg [dreg:$0xd];
	[sflag:s6] =	ssyncadd.s32 $0xFFFFFB00;
	s18 =	sshrl.u32 s22, $0x3  }
0x2b0: {  	[hbm:s24], [sflag:s17] =	dma.local [spmem:s18], $0x500  }
0x2b1: {  	_ =	swait.ge [sflag:s6], $0x500  }
0x2b2: {  	[sflag:s6] =	ssyncset.done $0x0;
	s21 =	rddreg [dreg:$0x16]  }
0x2b3: {  	s22 =	rddreg [dreg:$0xe];
	[sflag:s6] =	ssyncadd.s32 $0xFFFFFB00;
	s18 =	sshrl.u32 s21, $0x3  }
0x2b4: {  	[hbm:s22], [sflag:s17] =	dma.local [spmem:s18], $0x500  }
0x2b5: {  	_ =	swait.ge [sflag:s6], $0x500  }
0x2b6: {  	[sflag:s6] =	ssyncset.done $0x0  }
0x2b7: {  	s18 =	sshrl.u32 @!p0 s23, $0x3;
	s19 =	rddreg [dreg:$0x1a];
	[sflag:s6] =	ssyncadd.s32 $0xFFFFFB00  }
0x2b8: {  	[hbm:s19], [sflag:s17] =	dma.local @!p0 [spmem:s18], $0x500  }
0x2b9: {  	s17 =	simm.s32 @!p0 $0x7  }
0x2ba: {  	_ =	swait.ge @!p0 [sflag:s17], $0x500  }
0x2bb: {  	s4 =	sadd.s32 $0x1, s4;
	s24 =	rddreg [dreg:$0x1b]  }
0x2bc: {  	p1 =	sne.s32 s4, s24  }
.Ltmp11:
0x2bd: {  	_ = 	snop;
	(pc) =	sbr.rel @p1 .LBB2_1-.Ltmp11, $3  }
0x2be: {  	_ =	sdelay $0x1  }
0x2bf: {  	[sflag:s17] =	ssyncset.done @!p0 $0x0  }
0x2c0: {  	[sflag:s17] =	ssyncadd.s32 @!p0 $0xFFFFFB00  }
0x2c1: {  	_ =	sfence.sel $0x180000  }
0x2c2: {  	[bflag:$0x0] =	sbarrier.arrive $0xFFFF  }
0x2c3: {  	_ =	strace $0x90000047  }
0x2c4: {  	[bflag:$0x2] =	sbarrier.arrive $0xFFFF  }
0x2c5: {  	s0 =	rddreg [dreg:$0x6]  }
0x2c6: {  	s0 =	sadd.s32 @!p0 $0x100000, s0  }
0x2c7: {  	[sflag:s0] =	ssyncadd.tile.s32 @!p0 $0x1;
	_ =	shalt  }
.Lfunc_end2:
_tile_overlayer_lowered:
.L_overlay_start_2:
0x2c8: {  	(tag) =	ssettag $0x2  }
0x2c9: {  	s0 =	rddreg [dreg:$0x0];
	s2 =	stileid.u32  }
0x2ca: {  	s1 =	rddreg [dreg:$0x1];
	p0 =	sne.s32 s2, $0x0  }
0x2cb: {  	s3 =	rddreg [dreg:$0x2];
	[bflag:$0x3] =	sbarrier.arrive $0xFFFF;
	s2 =	simm.s32 @!p0 $0x1C07  }
0x2cc: {  	[timem:s3], [sflag:s2] =	dma.local @!p0 [hbm:s0], s1  }
0x2cd: {  	s0 =	simm.s32 @!p0 $0x7  }
0x2ce: {  	_ =	swait.ge @!p0 [sflag:s0], s1  }
0x2cf: {  	s1 =	ssub.s32 @!p0 $0x0, s1;
	[sflag:s0] =	ssyncset.done @!p0 $0x0  }
0x2d0: {  	[sflag:s0] =	ssyncadd.s32 @!p0 s1  }
0x2d1: {  	[bflag:$0x3] =	sbarrier.arrive $0xFFFF  }
0x2d2: {  	_ =	shalt  }

</sc_bundles>
